<compile_context>
chip_gen: v7x
topology: tpu7x:2x2x1
jax: 0.10.2.dev20260603
libtpu: 0.0.44.dev20260713+nightly
codegen_flags: <defaults>
</compile_context>

<pallas_src>
import jax
import jax.numpy as jnp
from jax import lax
from jax.experimental import pallas as pl
from jax.experimental.pallas import tpu as pltpu
from jax.experimental.pallas import tpu_sc as plsc

_NUM_USERS = 1000000
_CODE_LEN = 8
_EMB_DIM = 64
_BATCH = 4096

_LANES = 16
_NW = 32
_UPW = _BATCH // _NW
_CPW = _UPW * _CODE_LEN
_SLOT = 2 * _CPW + 32
_WUS = 8
_NWV = _UPW // _WUS
_WCD = _WUS * _CODE_LEN
_GSZ = 128
_NG = 2 * _CPW // _GSZ
_UPG = _GSZ // _CODE_LEN
_NCH = _EMB_DIM // _LANES


def _codes_body(uid_hbm, u2r_hbm, u2s_hbm, codes_hbm,
                uid_v, ucol_v, blk_r0, blk_s0, blk_r1, blk_s1, cflat,
                sem_u0, sem_u1):
    wid = lax.axis_index("s") * 2 + lax.axis_index("c")
    base = wid * _UPW

    pltpu.sync_copy(uid_hbm.at[pl.ds(base, _UPW)], uid_v.at[pl.ds(0, _UPW)])

    def fetch_wave(w, blk_r, blk_s, sem):
        uv = uid_v[pl.ds(w * _WUS, _LANES)]
        ucol_v[pl.ds(w * _WUS, _LANES)] = uv & 127
        for i in range(_WUS):
            s = pl.multiple_of(uv[i] & -128, 128)
            pltpu.async_copy(u2r_hbm.at[:, pl.ds(s, 128)], blk_r.at[i], sem)
            pltpu.async_copy(u2s_hbm.at[:, pl.ds(s, 128)], blk_s.at[i], sem)

    def drain_wave(blk_r, blk_s, sem):
        @pl.loop(0, _WUS)
        def _drain(i):
            pltpu.make_async_copy(
                u2r_hbm.at[:, pl.ds(0, 128)], blk_r.at[i], sem).wait()
            pltpu.make_async_copy(
                u2r_hbm.at[:, pl.ds(0, 128)], blk_s.at[i], sem).wait()

    def extract_wave(w, blk_r, blk_s):
        @pl.loop(0, _WCD // _LANES)
        def _ext(i):
            k = lax.iota(jnp.int32, _LANES) + w * _WCD + i * _LANES
            u = k >> 3
            uu = u - w * _WUS
            l = k & 7
            col = plsc.load_gather(ucol_v, [u])
            cflat[pl.ds(w * _WCD + i * _LANES, _LANES)] = (
                plsc.load_gather(blk_r, [uu, l, col]))
            cflat[pl.ds(_CPW + w * _WCD + i * _LANES, _LANES)] = (
                plsc.load_gather(blk_s, [uu, l, col]))

    fetch_wave(0, blk_r0, blk_s0, sem_u0)

    @pl.loop(0, _NWV, step=2)
    def _waves(w0):
        for b, (blk_r, blk_s, sem_u, nblk_r, nblk_s, nsem_u) in enumerate((
                (blk_r0, blk_s0, sem_u0, blk_r1, blk_s1, sem_u1),
                (blk_r1, blk_s1, sem_u1, blk_r0, blk_s0, sem_u0))):
            w = w0 + b

            @pl.when(w + 1 < _NWV)
            def _():
                fetch_wave(w + 1, nblk_r, nblk_s, nsem_u)

            drain_wave(blk_r, blk_s, sem_u)
            extract_wave(w, blk_r, blk_s)

    pltpu.sync_copy(cflat, codes_hbm.at[pl.ds(wid * _SLOT, _SLOT)])


def _pool_body(codes_hbm, emb_hbm, out_hbm,
               cflat, buf0, buf1, outbuf, emb0_v, sem0, sem1):
    wid = lax.axis_index("s") * 2 + lax.axis_index("c")

    pltpu.sync_copy(codes_hbm.at[pl.ds(wid * _SLOT, _SLOT)], cflat)
    pltpu.sync_copy(emb_hbm.at[0], emb0_v)
    e0 = [emb0_v[pl.ds(c * _LANES, _LANES)] for c in range(_NCH)]

    def start_gather(g, buf, sem):
        @pl.loop(0, _GSZ // _LANES)
        def _enq(j):
            cv = cflat[pl.ds(g * _GSZ + j * _LANES, _LANES)]
            for t in range(_LANES):
                pltpu.async_copy(emb_hbm.at[cv[t]], buf.at[j * _LANES + t],
                                 sem)

    def accumulate(g, buf):
        t = g >> 3
        g8 = g & 7

        @pl.loop(0, _UPG)
        def _users(u):
            row0 = u * _CODE_LEN
            acc = [buf[row0, pl.ds(c * _LANES, _LANES)]
                   for c in range(_NCH)]
            for l in range(1, _CODE_LEN):
                for c in range(_NCH):
                    acc[c] = acc[c] + buf[row0 + l, pl.ds(c * _LANES, _LANES)]
            cb = g * _GSZ + row0
            cv = cflat[pl.ds(cb, _LANES)]
            zmask = (cv == 0) & (lax.iota(jnp.int32, _LANES) < _CODE_LEN)
            zf = jnp.sum(jnp.where(zmask, 1.0, 0.0).astype(jnp.float32))
            urow = g8 * _UPG + u
            cbase = t * _EMB_DIM
            for c in range(_NCH):
                outbuf[urow, pl.ds(cbase + c * _LANES, _LANES)] = (
                    acc[c] - zf * e0[c])

    start_gather(0, buf0, sem0)

    @pl.loop(0, _NG, step=2)
    def _groups(g0):
        for b, (buf, sem, nbuf, nsem) in enumerate(
                ((buf0, sem0, buf1, sem1), (buf1, sem1, buf0, sem0))):
            g = g0 + b

            @pl.when(g + 1 < _NG)
            def _():
                start_gather(g + 1, nbuf, nsem)

            pltpu.make_async_copy(
                emb_hbm.at[pl.ds(0, _GSZ)], buf, sem).wait()
            accumulate(g, buf)

    pltpu.sync_copy(outbuf, out_hbm.at[wid])


def kernel(user_ids, user2rec_code, user2src_code, code_embedding):
    mesh = plsc.VectorSubcoreMesh(core_axis_name="c", subcore_axis_name="s")
    codes = pl.kernel(
        _codes_body,
        out_type=jax.ShapeDtypeStruct((_NW * _SLOT,), jnp.int32),
        mesh=mesh,
        compiler_params=pltpu.CompilerParams(
            needs_layout_passes=False, disable_bounds_checks=True),
        scratch_types=[
            pltpu.VMEM((_UPW + _LANES,), jnp.int32),
            pltpu.VMEM((_UPW + _LANES,), jnp.int32),
            pltpu.VMEM((_WUS, _CODE_LEN, 128), jnp.int32),
            pltpu.VMEM((_WUS, _CODE_LEN, 128), jnp.int32),
            pltpu.VMEM((_WUS, _CODE_LEN, 128), jnp.int32),
            pltpu.VMEM((_WUS, _CODE_LEN, 128), jnp.int32),
            pltpu.VMEM((_SLOT,), jnp.int32),
            pltpu.SemaphoreType.DMA,
            pltpu.SemaphoreType.DMA,
        ],
    )(user_ids, user2rec_code.T, user2src_code.T)

    out = pl.kernel(
        _pool_body,
        out_type=jax.ShapeDtypeStruct((_NW, _UPW, 2 * _EMB_DIM), jnp.float32),
        mesh=mesh,
        compiler_params=pltpu.CompilerParams(
            needs_layout_passes=False, disable_bounds_checks=True),
        scratch_types=[
            pltpu.VMEM((_SLOT,), jnp.int32),
            pltpu.VMEM((_GSZ, _EMB_DIM), jnp.float32),
            pltpu.VMEM((_GSZ, _EMB_DIM), jnp.float32),
            pltpu.VMEM((_UPW, 2 * _EMB_DIM), jnp.float32),
            pltpu.VMEM((_EMB_DIM,), jnp.float32),
            pltpu.SemaphoreType.DMA,
            pltpu.SemaphoreType.DMA,
        ],
    )(codes, code_embedding)
    return out.reshape(_BATCH, 2 * _EMB_DIM)

# --- scband reference (transcript-rebuilt; emitter-appended) ---
"""Pipeline reference for scband-user-feat-code-30150670418289 (READ-ONLY COPY).

The authoritative reference and input builder live on the scoring server;
editing this copy changes nothing except your own understanding.
"""

import jax, jax.numpy as jnp
import numpy as np

NUM_USERS = 1000000
CODE_LEN = 8
NUM_CODES = 100000
EMB_DIM = 64
BATCH = 4096


def setup_inputs(seed: int = 0) -> dict:
    key = jax.random.key(seed)
    k1, k2, k3, k4 = jax.random.split(key, 4)
    user_ids = jax.random.randint(k1, (BATCH,), 0, NUM_USERS, dtype=jnp.int32)
    # user -> code-id lookup tables (built from rec_index / src_index json in the original)
    user2rec_code = jax.random.randint(k2, (NUM_USERS, CODE_LEN), 0, NUM_CODES, dtype=jnp.int32)
    user2src_code = jax.random.randint(k3, (NUM_USERS, CODE_LEN), 0, NUM_CODES, dtype=jnp.int32)
    # code embedding table, xavier-normal init, row 0 is padding (zeroed)
    scale = float(np.sqrt(2.0 / (NUM_CODES + EMB_DIM)))
    code_embedding = jax.random.normal(k4, (NUM_CODES, EMB_DIM), dtype=jnp.float32) * scale
    return {
        "user_ids": user_ids,
        "user2rec_code": user2rec_code,
        "user2src_code": user2src_code,
        "code_embedding": code_embedding,
    }


def reference(user_ids, user2rec_code, user2src_code, code_embedding):
    # padding_idx=0 semantics: row 0 of the table is forced to zero
    emb = code_embedding.at[0].set(0.0)
    # gather per-user code ids, then embed them (two chained gathers)
    rec_codes = jnp.take(user2rec_code, user_ids, axis=0)  # [B, L]
    src_codes = jnp.take(user2src_code, user_ids, axis=0)  # [B, L]
    rec_emb = jnp.take(emb, rec_codes, axis=0)  # [B, L, D]
    src_emb = jnp.take(emb, src_codes, axis=0)  # [B, L, D]
    # pool over code positions (padding rows contribute zero)
    rec_feat = jnp.sum(rec_emb, axis=1)  # [B, D]
    src_feat = jnp.sum(src_emb, axis=1)  # [B, D]
    return jnp.concatenate([rec_feat, src_feat], axis=-1)  # [B, 2D]

if __name__ == "__main__":
    import jax
    _d = setup_inputs()
    print(jax.jit(kernel)(*tuple(_d.values())))

</pallas_src>

<mosaic_0001>
#map = affine_map<(d0, d1) -> (0)>
#map1 = affine_map<(d0, d1) -> (0, 0)>
module attributes {stable_mosaic.version = 14 : i64} {
  func.func @_codes_body(%arg0: i32, %arg1: i32, %arg2: memref<4096xi32, #tpu.memory_space<hbm>>, %arg3: memref<8x1000000xi32, #tpu.memory_space<hbm>>, %arg4: memref<8x1000000xi32, #tpu.memory_space<hbm>>, %arg5: memref<66560xi32, #tpu.memory_space<hbm>>, %arg6: memref<144xi32, #tpu.memory_space<vmem>>, %arg7: memref<144xi32, #tpu.memory_space<vmem>>, %arg8: memref<8x8x128xi32, #tpu.memory_space<vmem>>, %arg9: memref<8x8x128xi32, #tpu.memory_space<vmem>>, %arg10: memref<8x8x128xi32, #tpu.memory_space<vmem>>, %arg11: memref<8x8x128xi32, #tpu.memory_space<vmem>>, %arg12: memref<2080xi32, #tpu.memory_space<vmem>>, %arg13: memref<!tpu.dma_semaphore, #tpu.memory_space<semaphore_mem>>, %arg14: memref<!tpu.dma_semaphore, #tpu.memory_space<semaphore_mem>>) attributes {dimension_semantics = [#tpu.dimension_semantics<core_parallel>, #tpu.dimension_semantics<subcore_parallel>], iteration_bounds = array<i64: 2, 16>, scalar_prefetch = 0 : i64, scratch_operands = 9 : i64, tpu.core_type = #tpu.core_type<sc_vector_subcore>, window_params = [{transform_indices = #map}, {transform_indices = #map1}, {transform_indices = #map1}, {transform_indices = #map}]} {
    %mul3A = arith.constant 2 : i32
    %mul3A_0 = arith.muli %arg1, %mul3A : i32
    %add3A = arith.addi %mul3A_0, %arg0 : i32
    %mul3A_1 = arith.constant 128 : i32
    %mul3A_2 = arith.muli %add3A, %mul3A_1 : i32
    "tpu.region"() ({
      %run_scoped3A = tpu.sem_alloc : memref<!tpu.dma_semaphore, #tpu.memory_space<semaphore_mem>>
      %dma_start3A_257 = arith.constant 0 : i32
      %dma_start3A_258 = tpu.memref_slice %arg6[%dma_start3A_257] : memref<144xi32, #tpu.memory_space<vmem>> -> memref<128xi32, #tpu.memory_space<vmem>>
      %dma_start3A_259 = tpu.memref_slice %arg2[%mul3A_2] : memref<4096xi32, #tpu.memory_space<hbm>> -> memref<128xi32, #tpu.memory_space<hbm>>
      %dma_start3A_260 = arith.constant 0 : i32
      %dma_start3A_261 = tpu.memref_slice %arg6[%dma_start3A_260] : memref<144xi32, #tpu.memory_space<vmem>> -> memref<128xi32, #tpu.memory_space<vmem>>
      %dma_start3A_262 = tpu.memref_slice %arg2[%mul3A_2] : memref<4096xi32, #tpu.memory_space<hbm>> -> memref<128xi32, #tpu.memory_space<hbm>>
      tpu.enqueue_dma source(%dma_start3A_262 : memref<128xi32, #tpu.memory_space<hbm>>) target(%dma_start3A_261 : memref<128xi32, #tpu.memory_space<vmem>>) target_semaphore(%run_scoped3A : memref<!tpu.dma_semaphore, #tpu.memory_space<semaphore_mem>>)
      %dma_wait3A = arith.constant 0 : i32
      %dma_wait3A_263 = tpu.memref_slice %arg6[%dma_wait3A] : memref<144xi32, #tpu.memory_space<vmem>> -> memref<128xi32, #tpu.memory_space<vmem>>
      %dma_wait3A_264 = tpu.memref_slice %arg2[%mul3A_2] : memref<4096xi32, #tpu.memory_space<hbm>> -> memref<128xi32, #tpu.memory_space<hbm>>
      %dma_wait3A_265 = arith.constant 0 : i32
      %dma_wait3A_266 = tpu.memref_slice %arg6[%dma_wait3A_265] : memref<144xi32, #tpu.memory_space<vmem>> -> memref<128xi32, #tpu.memory_space<vmem>>
      %dma_wait3A_267 = tpu.memref_slice %arg2[%mul3A_2] : memref<4096xi32, #tpu.memory_space<hbm>> -> memref<128xi32, #tpu.memory_space<hbm>>
      tpu.wait_dma2 semaphore(%run_scoped3A : memref<!tpu.dma_semaphore, #tpu.memory_space<semaphore_mem>>) src(%dma_wait3A_267 : memref<128xi32, #tpu.memory_space<hbm>>) dst(%dma_wait3A_266 : memref<128xi32, #tpu.memory_space<vmem>>)
      tpu.yield
    }) : () -> ()
    %get3A = arith.constant 0 : index
    %get3A_3 = tpu.vector_load %arg6[%get3A] {strides = array<i32>} : memref<144xi32, #tpu.memory_space<vmem>>, vector<16xi32>,
    %and3A = arith.constant 127 : i32
    %and3A_4 = vector.broadcast %and3A : i32 to vector<16xi32>
    %and3A_5 = arith.andi %get3A_3, %and3A_4 : vector<16xi32>
    %swap3A = arith.constant 0 : index
    %swap3A_6 = tpu.vector_load %arg7[%swap3A] {strides = array<i32>} : memref<144xi32, #tpu.memory_space<vmem>>, vector<16xi32>,
    tpu.vector_store %arg7[%swap3A], %and3A_5 {strides = array<i32>} : memref<144xi32, #tpu.memory_space<vmem>>, vector<16xi32>,
    %slice3A = vector.extract_strided_slice %get3A_3 {offsets = [0], sizes = [1], strides = [1]} : vector<16xi32> to vector<1xi32>
    %squeeze3A = vector.extract %slice3A[0] : i32 from vector<1xi32>
    %and3A_7 = arith.constant -128 : i32
    %and3A_8 = arith.andi %squeeze3A, %and3A_7 : i32
    %multiple_of3A = tpu.assume_multiple %and3A_8, 128 : i32
    %dma_start3A = arith.constant 0 : i32
    %dma_start3A_9 = arith.constant 0 : i32
    %dma_start3A_10 = arith.constant 0 : i32
    %dma_start3A_11 = tpu.memref_slice %arg8[%dma_start3A, %dma_start3A_9, %dma_start3A_10] : memref<8x8x128xi32, #tpu.memory_space<vmem>> -> memref<1x8x128xi32, #tpu.memory_space<vmem>>
    %dma_start3A_12 = tpu.memref_squeeze %dma_start3A_11 : memref<1x8x128xi32, #tpu.memory_space<vmem>> -> memref<8x128xi32, #tpu.memory_space<vmem>>
    %dma_start3A_13 = arith.constant 0 : i32
    %dma_start3A_14 = tpu.memref_slice %arg3[%dma_start3A_13, %multiple_of3A] : memref<8x1000000xi32, #tpu.memory_space<hbm>> -> memref<8x128xi32, #tpu.memory_space<hbm>>
    %dma_start3A_15 = arith.constant 0 : i32
    %dma_start3A_16 = arith.constant 0 : i32
    %dma_start3A_17 = tpu.memref_slice %arg8[%dma_start3A, %dma_start3A_15, %dma_start3A_16] : memref<8x8x128xi32, #tpu.memory_space<vmem>> -> memref<1x8x128xi32, #tpu.memory_space<vmem>>
    %dma_start3A_18 = tpu.memref_squeeze %dma_start3A_17 : memref<1x8x128xi32, #tpu.memory_space<vmem>> -> memref<8x128xi32, #tpu.memory_space<vmem>>
    %dma_start3A_19 = arith.constant 0 : i32
    %dma_start3A_20 = tpu.memref_slice %arg3[%dma_start3A_19, %multiple_of3A] : memref<8x1000000xi32, #tpu.memory_space<hbm>> -> memref<8x128xi32, #tpu.memory_space<hbm>>
    tpu.enqueue_dma source(%dma_start3A_20 : memref<8x128xi32, #tpu.memory_space<hbm>>) target(%dma_start3A_18 : memref<8x128xi32, #tpu.memory_space<vmem>>) target_semaphore(%arg13 : memref<!tpu.dma_semaphore, #tpu.memory_space<semaphore_mem>>)
    %dma_start3A_21 = arith.constant 0 : i32
    %dma_start3A_22 = arith.constant 0 : i32
    %dma_start3A_23 = arith.constant 0 : i32
    %dma_start3A_24 = tpu.memref_slice %arg9[%dma_start3A_21, %dma_start3A_22, %dma_start3A_23] : memref<8x8x128xi32, #tpu.memory_space<vmem>> -> memref<1x8x128xi32, #tpu.memory_space<vmem>>
    %dma_start3A_25 = tpu.memref_squeeze %dma_start3A_24 : memref<1x8x128xi32, #tpu.memory_space<vmem>> -> memref<8x128xi32, #tpu.memory_space<vmem>>
    %dma_start3A_26 = arith.constant 0 : i32
    %dma_start3A_27 = tpu.memref_slice %arg4[%dma_start3A_26, %multiple_of3A] : memref<8x1000000xi32, #tpu.memory_space<hbm>> -> memref<8x128xi32, #tpu.memory_space<hbm>>
    %dma_start3A_28 = arith.constant 0 : i32
    %dma_start3A_29 = arith.constant 0 : i32
    %dma_start3A_30 = tpu.memref_slice %arg9[%dma_start3A_21, %dma_start3A_28, %dma_start3A_29] : memref<8x8x128xi32, #tpu.memory_space<vmem>> -> memref<1x8x128xi32, #tpu.memory_space<vmem>>
    %dma_start3A_31 = tpu.memref_squeeze %dma_start3A_30 : memref<1x8x128xi32, #tpu.memory_space<vmem>> -> memref<8x128xi32, #tpu.memory_space<vmem>>
    %dma_start3A_32 = arith.constant 0 : i32
    %dma_start3A_33 = tpu.memref_slice %arg4[%dma_start3A_32, %multiple_of3A] : memref<8x1000000xi32, #tpu.memory_space<hbm>> -> memref<8x128xi32, #tpu.memory_space<hbm>>
    tpu.enqueue_dma source(%dma_start3A_33 : memref<8x128xi32, #tpu.memory_space<hbm>>) target(%dma_start3A_31 : memref<8x128xi32, #tpu.memory_space<vmem>>) target_semaphore(%arg13 : memref<!tpu.dma_semaphore, #tpu.memory_space<semaphore_mem>>)
    %slice3A_34 = vector.extract_strided_slice %get3A_3 {offsets = [1], sizes = [1], strides = [1]} : vector<16xi32> to vector<1xi32>
    %squeeze3A_35 = vector.extract %slice3A_34[0] : i32 from vector<1xi32>
    %and3A_36 = arith.constant -128 : i32
    %and3A_37 = arith.andi %squeeze3A_35, %and3A_36 : i32
    %multiple_of3A_38 = tpu.assume_multiple %and3A_37, 128 : i32
    %dma_start3A_39 = arith.constant 1 : i32
    %dma_start3A_40 = arith.constant 0 : i32
    %dma_start3A_41 = arith.constant 0 : i32
    %dma_start3A_42 = tpu.memref_slice %arg8[%dma_start3A_39, %dma_start3A_40, %dma_start3A_41] : memref<8x8x128xi32, #tpu.memory_space<vmem>> -> memref<1x8x128xi32, #tpu.memory_space<vmem>>
    %dma_start3A_43 = tpu.memref_squeeze %dma_start3A_42 : memref<1x8x128xi32, #tpu.memory_space<vmem>> -> memref<8x128xi32, #tpu.memory_space<vmem>>
    %dma_start3A_44 = arith.constant 0 : i32
    %dma_start3A_45 = tpu.memref_slice %arg3[%dma_start3A_44, %multiple_of3A_38] : memref<8x1000000xi32, #tpu.memory_space<hbm>> -> memref<8x128xi32, #tpu.memory_space<hbm>>
    %dma_start3A_46 = arith.constant 0 : i32
    %dma_start3A_47 = arith.constant 0 : i32
    %dma_start3A_48 = tpu.memref_slice %arg8[%dma_start3A_39, %dma_start3A_46, %dma_start3A_47] : memref<8x8x128xi32, #tpu.memory_space<vmem>> -> memref<1x8x128xi32, #tpu.memory_space<vmem>>
    %dma_start3A_49 = tpu.memref_squeeze %dma_start3A_48 : memref<1x8x128xi32, #tpu.memory_space<vmem>> -> memref<8x128xi32, #tpu.memory_space<vmem>>
    %dma_start3A_50 = arith.constant 0 : i32
    %dma_start3A_51 = tpu.memref_slice %arg3[%dma_start3A_50, %multiple_of3A_38] : memref<8x1000000xi32, #tpu.memory_space<hbm>> -> memref<8x128xi32, #tpu.memory_space<hbm>>
    tpu.enqueue_dma source(%dma_start3A_51 : memref<8x128xi32, #tpu.memory_space<hbm>>) target(%dma_start3A_49 : memref<8x128xi32, #tpu.memory_space<vmem>>) target_semaphore(%arg13 : memref<!tpu.dma_semaphore, #tpu.memory_space<semaphore_mem>>)
    %dma_start3A_52 = arith.constant 1 : i32
    %dma_start3A_53 = arith.constant 0 : i32
    %dma_start3A_54 = arith.constant 0 : i32
    %dma_start3A_55 = tpu.memref_slice %arg9[%dma_start3A_52, %dma_start3A_53, %dma_start3A_54] : memref<8x8x128xi32, #tpu.memory_space<vmem>> -> memref<1x8x128xi32, #tpu.memory_space<vmem>>
    %dma_start3A_56 = tpu.memref_squeeze %dma_start3A_55 : memref<1x8x128xi32, #tpu.memory_space<vmem>> -> memref<8x128xi32, #tpu.memory_space<vmem>>
    %dma_start3A_57 = arith.constant 0 : i32
    %dma_start3A_58 = tpu.memref_slice %arg4[%dma_start3A_57, %multiple_of3A_38] : memref<8x1000000xi32, #tpu.memory_space<hbm>> -> memref<8x128xi32, #tpu.memory_space<hbm>>
    %dma_start3A_59 = arith.constant 0 : i32
    %dma_start3A_60 = arith.constant 0 : i32
    %dma_start3A_61 = tpu.memref_slice %arg9[%dma_start3A_52, %dma_start3A_59, %dma_start3A_60] : memref<8x8x128xi32, #tpu.memory_space<vmem>> -> memref<1x8x128xi32, #tpu.memory_space<vmem>>
    %dma_start3A_62 = tpu.memref_squeeze %dma_start3A_61 : memref<1x8x128xi32, #tpu.memory_space<vmem>> -> memref<8x128xi32, #tpu.memory_space<vmem>>
    %dma_start3A_63 = arith.constant 0 : i32
    %dma_start3A_64 = tpu.memref_slice %arg4[%dma_start3A_63, %multiple_of3A_38] : memref<8x1000000xi32, #tpu.memory_space<hbm>> -> memref<8x128xi32, #tpu.memory_space<hbm>>
    tpu.enqueue_dma source(%dma_start3A_64 : memref<8x128xi32, #tpu.memory_space<hbm>>) target(%dma_start3A_62 : memref<8x128xi32, #tpu.memory_space<vmem>>) target_semaphore(%arg13 : memref<!tpu.dma_semaphore, #tpu.memory_space<semaphore_mem>>)
    %slice3A_65 = vector.extract_strided_slice %get3A_3 {offsets = [2], sizes = [1], strides = [1]} : vector<16xi32> to vector<1xi32>
    %squeeze3A_66 = vector.extract %slice3A_65[0] : i32 from vector<1xi32>
    %and3A_67 = arith.constant -128 : i32
    %and3A_68 = arith.andi %squeeze3A_66, %and3A_67 : i32
    %multiple_of3A_69 = tpu.assume_multiple %and3A_68, 128 : i32
    %dma_start3A_70 = arith.constant 2 : i32
    %dma_start3A_71 = arith.constant 0 : i32
    %dma_start3A_72 = arith.constant 0 : i32
    %dma_start3A_73 = tpu.memref_slice %arg8[%dma_start3A_70, %dma_start3A_71, %dma_start3A_72] : memref<8x8x128xi32, #tpu.memory_space<vmem>> -> memref<1x8x128xi32, #tpu.memory_space<vmem>>
    %dma_start3A_74 = tpu.memref_squeeze %dma_start3A_73 : memref<1x8x128xi32, #tpu.memory_space<vmem>> -> memref<8x128xi32, #tpu.memory_space<vmem>>
    %dma_start3A_75 = arith.constant 0 : i32
    %dma_start3A_76 = tpu.memref_slice %arg3[%dma_start3A_75, %multiple_of3A_69] : memref<8x1000000xi32, #tpu.memory_space<hbm>> -> memref<8x128xi32, #tpu.memory_space<hbm>>
    %dma_start3A_77 = arith.constant 0 : i32
    %dma_start3A_78 = arith.constant 0 : i32
    %dma_start3A_79 = tpu.memref_slice %arg8[%dma_start3A_70, %dma_start3A_77, %dma_start3A_78] : memref<8x8x128xi32, #tpu.memory_space<vmem>> -> memref<1x8x128xi32, #tpu.memory_space<vmem>>
    %dma_start3A_80 = tpu.memref_squeeze %dma_start3A_79 : memref<1x8x128xi32, #tpu.memory_space<vmem>> -> memref<8x128xi32, #tpu.memory_space<vmem>>
    %dma_start3A_81 = arith.constant 0 : i32
    %dma_start3A_82 = tpu.memref_slice %arg3[%dma_start3A_81, %multiple_of3A_69] : memref<8x1000000xi32, #tpu.memory_space<hbm>> -> memref<8x128xi32, #tpu.memory_space<hbm>>
    tpu.enqueue_dma source(%dma_start3A_82 : memref<8x128xi32, #tpu.memory_space<hbm>>) target(%dma_start3A_80 : memref<8x128xi32, #tpu.memory_space<vmem>>) target_semaphore(%arg13 : memref<!tpu.dma_semaphore, #tpu.memory_space<semaphore_mem>>)
    %dma_start3A_83 = arith.constant 2 : i32
    %dma_start3A_84 = arith.constant 0 : i32
    %dma_start3A_85 = arith.constant 0 : i32
    %dma_start3A_86 = tpu.memref_slice %arg9[%dma_start3A_83, %dma_start3A_84, %dma_start3A_85] : memref<8x8x128xi32, #tpu.memory_space<vmem>> -> memref<1x8x128xi32, #tpu.memory_space<vmem>>
    %dma_start3A_87 = tpu.memref_squeeze %dma_start3A_86 : memref<1x8x128xi32, #tpu.memory_space<vmem>> -> memref<8x128xi32, #tpu.memory_space<vmem>>
    %dma_start3A_88 = arith.constant 0 : i32
    %dma_start3A_89 = tpu.memref_slice %arg4[%dma_start3A_88, %multiple_of3A_69] : memref<8x1000000xi32, #tpu.memory_space<hbm>> -> memref<8x128xi32, #tpu.memory_space<hbm>>
    %dma_start3A_90 = arith.constant 0 : i32
    %dma_start3A_91 = arith.constant 0 : i32
    %dma_start3A_92 = tpu.memref_slice %arg9[%dma_start3A_83, %dma_start3A_90, %dma_start3A_91] : memref<8x8x128xi32, #tpu.memory_space<vmem>> -> memref<1x8x128xi32, #tpu.memory_space<vmem>>
    %dma_start3A_93 = tpu.memref_squeeze %dma_start3A_92 : memref<1x8x128xi32, #tpu.memory_space<vmem>> -> memref<8x128xi32, #tpu.memory_space<vmem>>
    %dma_start3A_94 = arith.constant 0 : i32
    %dma_start3A_95 = tpu.memref_slice %arg4[%dma_start3A_94, %multiple_of3A_69] : memref<8x1000000xi32, #tpu.memory_space<hbm>> -> memref<8x128xi32, #tpu.memory_space<hbm>>
    tpu.enqueue_dma source(%dma_start3A_95 : memref<8x128xi32, #tpu.memory_space<hbm>>) target(%dma_start3A_93 : memref<8x128xi32, #tpu.memory_space<vmem>>) target_semaphore(%arg13 : memref<!tpu.dma_semaphore, #tpu.memory_space<semaphore_mem>>)
    %slice3A_96 = vector.extract_strided_slice %get3A_3 {offsets = [3], sizes = [1], strides = [1]} : vector<16xi32> to vector<1xi32>
    %squeeze3A_97 = vector.extract %slice3A_96[0] : i32 from vector<1xi32>
    %and3A_98 = arith.constant -128 : i32
    %and3A_99 = arith.andi %squeeze3A_97, %and3A_98 : i32
    %multiple_of3A_100 = tpu.assume_multiple %and3A_99, 128 : i32
    %dma_start3A_101 = arith.constant 3 : i32
    %dma_start3A_102 = arith.constant 0 : i32
    %dma_start3A_103 = arith.constant 0 : i32
    %dma_start3A_104 = tpu.memref_slice %arg8[%dma_start3A_101, %dma_start3A_102, %dma_start3A_103] : memref<8x8x128xi32, #tpu.memory_space<vmem>> -> memref<1x8x128xi32, #tpu.memory_space<vmem>>
    %dma_start3A_105 = tpu.memref_squeeze %dma_start3A_104 : memref<1x8x128xi32, #tpu.memory_space<vmem>> -> memref<8x128xi32, #tpu.memory_space<vmem>>
    %dma_start3A_106 = arith.constant 0 : i32
    %dma_start3A_107 = tpu.memref_slice %arg3[%dma_start3A_106, %multiple_of3A_100] : memref<8x1000000xi32, #tpu.memory_space<hbm>> -> memref<8x128xi32, #tpu.memory_space<hbm>>
    %dma_start3A_108 = arith.constant 0 : i32
    %dma_start3A_109 = arith.constant 0 : i32
    %dma_start3A_110 = tpu.memref_slice %arg8[%dma_start3A_101, %dma_start3A_108, %dma_start3A_109] : memref<8x8x128xi32, #tpu.memory_space<vmem>> -> memref<1x8x128xi32, #tpu.memory_space<vmem>>
    %dma_start3A_111 = tpu.memref_squeeze %dma_start3A_110 : memref<1x8x128xi32, #tpu.memory_space<vmem>> -> memref<8x128xi32, #tpu.memory_space<vmem>>
    %dma_start3A_112 = arith.constant 0 : i32
    %dma_start3A_113 = tpu.memref_slice %arg3[%dma_start3A_112, %multiple_of3A_100] : memref<8x1000000xi32, #tpu.memory_space<hbm>> -> memref<8x128xi32, #tpu.memory_space<hbm>>
    tpu.enqueue_dma source(%dma_start3A_113 : memref<8x128xi32, #tpu.memory_space<hbm>>) target(%dma_start3A_111 : memref<8x128xi32, #tpu.memory_space<vmem>>) target_semaphore(%arg13 : memref<!tpu.dma_semaphore, #tpu.memory_space<semaphore_mem>>)
    %dma_start3A_114 = arith.constant 3 : i32
    %dma_start3A_115 = arith.constant 0 : i32
    %dma_start3A_116 = arith.constant 0 : i32
    %dma_start3A_117 = tpu.memref_slice %arg9[%dma_start3A_114, %dma_start3A_115, %dma_start3A_116] : memref<8x8x128xi32, #tpu.memory_space<vmem>> -> memref<1x8x128xi32, #tpu.memory_space<vmem>>
    %dma_start3A_118 = tpu.memref_squeeze %dma_start3A_117 : memref<1x8x128xi32, #tpu.memory_space<vmem>> -> memref<8x128xi32, #tpu.memory_space<vmem>>
    %dma_start3A_119 = arith.constant 0 : i32
    %dma_start3A_120 = tpu.memref_slice %arg4[%dma_start3A_119, %multiple_of3A_100] : memref<8x1000000xi32, #tpu.memory_space<hbm>> -> memref<8x128xi32, #tpu.memory_space<hbm>>
    %dma_start3A_121 = arith.constant 0 : i32
    %dma_start3A_122 = arith.constant 0 : i32
    %dma_start3A_123 = tpu.memref_slice %arg9[%dma_start3A_114, %dma_start3A_121, %dma_start3A_122] : memref<8x8x128xi32, #tpu.memory_space<vmem>> -> memref<1x8x128xi32, #tpu.memory_space<vmem>>
    %dma_start3A_124 = tpu.memref_squeeze %dma_start3A_123 : memref<1x8x128xi32, #tpu.memory_space<vmem>> -> memref<8x128xi32, #tpu.memory_space<vmem>>
    %dma_start3A_125 = arith.constant 0 : i32
    %dma_start3A_126 = tpu.memref_slice %arg4[%dma_start3A_125, %multiple_of3A_100] : memref<8x1000000xi32, #tpu.memory_space<hbm>> -> memref<8x128xi32, #tpu.memory_space<hbm>>
    tpu.enqueue_dma source(%dma_start3A_126 : memref<8x128xi32, #tpu.memory_space<hbm>>) target(%dma_start3A_124 : memref<8x128xi32, #tpu.memory_space<vmem>>) target_semaphore(%arg13 : memref<!tpu.dma_semaphore, #tpu.memory_space<semaphore_mem>>)
    %slice3A_127 = vector.extract_strided_slice %get3A_3 {offsets = [4], sizes = [1], strides = [1]} : vector<16xi32> to vector<1xi32>
    %squeeze3A_128 = vector.extract %slice3A_127[0] : i32 from vector<1xi32>
    %and3A_129 = arith.constant -128 : i32
    %and3A_130 = arith.andi %squeeze3A_128, %and3A_129 : i32
    %multiple_of3A_131 = tpu.assume_multiple %and3A_130, 128 : i32
    %dma_start3A_132 = arith.constant 4 : i32
    %dma_start3A_133 = arith.constant 0 : i32
    %dma_start3A_134 = arith.constant 0 : i32
    %dma_start3A_135 = tpu.memref_slice %arg8[%dma_start3A_132, %dma_start3A_133, %dma_start3A_134] : memref<8x8x128xi32, #tpu.memory_space<vmem>> -> memref<1x8x128xi32, #tpu.memory_space<vmem>>
    %dma_start3A_136 = tpu.memref_squeeze %dma_start3A_135 : memref<1x8x128xi32, #tpu.memory_space<vmem>> -> memref<8x128xi32, #tpu.memory_space<vmem>>
    %dma_start3A_137 = arith.constant 0 : i32
    %dma_start3A_138 = tpu.memref_slice %arg3[%dma_start3A_137, %multiple_of3A_131] : memref<8x1000000xi32, #tpu.memory_space<hbm>> -> memref<8x128xi32, #tpu.memory_space<hbm>>
    %dma_start3A_139 = arith.constant 0 : i32
    %dma_start3A_140 = arith.constant 0 : i32
    %dma_start3A_141 = tpu.memref_slice %arg8[%dma_start3A_132, %dma_start3A_139, %dma_start3A_140] : memref<8x8x128xi32, #tpu.memory_space<vmem>> -> memref<1x8x128xi32, #tpu.memory_space<vmem>>
    %dma_start3A_142 = tpu.memref_squeeze %dma_start3A_141 : memref<1x8x128xi32, #tpu.memory_space<vmem>> -> memref<8x128xi32, #tpu.memory_space<vmem>>
    %dma_start3A_143 = arith.constant 0 : i32
    %dma_start3A_144 = tpu.memref_slice %arg3[%dma_start3A_143, %multiple_of3A_131] : memref<8x1000000xi32, #tpu.memory_space<hbm>> -> memref<8x128xi32, #tpu.memory_space<hbm>>
    tpu.enqueue_dma source(%dma_start3A_144 : memref<8x128xi32, #tpu.memory_space<hbm>>) target(%dma_start3A_142 : memref<8x128xi32, #tpu.memory_space<vmem>>) target_semaphore(%arg13 : memref<!tpu.dma_semaphore, #tpu.memory_space<semaphore_mem>>)
    %dma_start3A_145 = arith.constant 4 : i32
    %dma_start3A_146 = arith.constant 0 : i32
    %dma_start3A_147 = arith.constant 0 : i32
    %dma_start3A_148 = tpu.memref_slice %arg9[%dma_start3A_145, %dma_start3A_146, %dma_start3A_147] : memref<8x8x128xi32, #tpu.memory_space<vmem>> -> memref<1x8x128xi32, #tpu.memory_space<vmem>>
    %dma_start3A_149 = tpu.memref_squeeze %dma_start3A_148 : memref<1x8x128xi32, #tpu.memory_space<vmem>> -> memref<8x128xi32, #tpu.memory_space<vmem>>
    %dma_start3A_150 = arith.constant 0 : i32
    %dma_start3A_151 = tpu.memref_slice %arg4[%dma_start3A_150, %multiple_of3A_131] : memref<8x1000000xi32, #tpu.memory_space<hbm>> -> memref<8x128xi32, #tpu.memory_space<hbm>>
    %dma_start3A_152 = arith.constant 0 : i32
    %dma_start3A_153 = arith.constant 0 : i32
    %dma_start3A_154 = tpu.memref_slice %arg9[%dma_start3A_145, %dma_start3A_152, %dma_start3A_153] : memref<8x8x128xi32, #tpu.memory_space<vmem>> -> memref<1x8x128xi32, #tpu.memory_space<vmem>>
    %dma_start3A_155 = tpu.memref_squeeze %dma_start3A_154 : memref<1x8x128xi32, #tpu.memory_space<vmem>> -> memref<8x128xi32, #tpu.memory_space<vmem>>
    %dma_start3A_156 = arith.constant 0 : i32
    %dma_start3A_157 = tpu.memref_slice %arg4[%dma_start3A_156, %multiple_of3A_131] : memref<8x1000000xi32, #tpu.memory_space<hbm>> -> memref<8x128xi32, #tpu.memory_space<hbm>>
    tpu.enqueue_dma source(%dma_start3A_157 : memref<8x128xi32, #tpu.memory_space<hbm>>) target(%dma_start3A_155 : memref<8x128xi32, #tpu.memory_space<vmem>>) target_semaphore(%arg13 : memref<!tpu.dma_semaphore, #tpu.memory_space<semaphore_mem>>)
    %slice3A_158 = vector.extract_strided_slice %get3A_3 {offsets = [5], sizes = [1], strides = [1]} : vector<16xi32> to vector<1xi32>
    %squeeze3A_159 = vector.extract %slice3A_158[0] : i32 from vector<1xi32>
    %and3A_160 = arith.constant -128 : i32
    %and3A_161 = arith.andi %squeeze3A_159, %and3A_160 : i32
    %multiple_of3A_162 = tpu.assume_multiple %and3A_161, 128 : i32
    %dma_start3A_163 = arith.constant 5 : i32
    %dma_start3A_164 = arith.constant 0 : i32
    %dma_start3A_165 = arith.constant 0 : i32
    %dma_start3A_166 = tpu.memref_slice %arg8[%dma_start3A_163, %dma_start3A_164, %dma_start3A_165] : memref<8x8x128xi32, #tpu.memory_space<vmem>> -> memref<1x8x128xi32, #tpu.memory_space<vmem>>
    %dma_start3A_167 = tpu.memref_squeeze %dma_start3A_166 : memref<1x8x128xi32, #tpu.memory_space<vmem>> -> memref<8x128xi32, #tpu.memory_space<vmem>>
    %dma_start3A_168 = arith.constant 0 : i32
    %dma_start3A_169 = tpu.memref_slice %arg3[%dma_start3A_168, %multiple_of3A_162] : memref<8x1000000xi32, #tpu.memory_space<hbm>> -> memref<8x128xi32, #tpu.memory_space<hbm>>
    %dma_start3A_170 = arith.constant 0 : i32
    %dma_start3A_171 = arith.constant 0 : i32
    %dma_start3A_172 = tpu.memref_slice %arg8[%dma_start3A_163, %dma_start3A_170, %dma_start3A_171] : memref<8x8x128xi32, #tpu.memory_space<vmem>> -> memref<1x8x128xi32, #tpu.memory_space<vmem>>
    %dma_start3A_173 = tpu.memref_squeeze %dma_start3A_172 : memref<1x8x128xi32, #tpu.memory_space<vmem>> -> memref<8x128xi32, #tpu.memory_space<vmem>>
    %dma_start3A_174 = arith.constant 0 : i32
    %dma_start3A_175 = tpu.memref_slice %arg3[%dma_start3A_174, %multiple_of3A_162] : memref<8x1000000xi32, #tpu.memory_space<hbm>> -> memref<8x128xi32, #tpu.memory_space<hbm>>
    tpu.enqueue_dma source(%dma_start3A_175 : memref<8x128xi32, #tpu.memory_space<hbm>>) target(%dma_start3A_173 : memref<8x128xi32, #tpu.memory_space<vmem>>) target_semaphore(%arg13 : memref<!tpu.dma_semaphore, #tpu.memory_space<semaphore_mem>>)
    %dma_start3A_176 = arith.constant 5 : i32
    %dma_start3A_177 = arith.constant 0 : i32
    %dma_start3A_178 = arith.constant 0 : i32
    %dma_start3A_179 = tpu.memref_slice %arg9[%dma_start3A_176, %dma_start3A_177, %dma_start3A_178] : memref<8x8x128xi32, #tpu.memory_space<vmem>> -> memref<1x8x128xi32, #tpu.memory_space<vmem>>
    %dma_start3A_180 = tpu.memref_squeeze %dma_start3A_179 : memref<1x8x128xi32, #tpu.memory_space<vmem>> -> memref<8x128xi32, #tpu.memory_space<vmem>>
    %dma_start3A_181 = arith.constant 0 : i32
    %dma_start3A_182 = tpu.memref_slice %arg4[%dma_start3A_181, %multiple_of3A_162] : memref<8x1000000xi32, #tpu.memory_space<hbm>> -> memref<8x128xi32, #tpu.memory_space<hbm>>
    %dma_start3A_183 = arith.constant 0 : i32
    %dma_start3A_184 = arith.constant 0 : i32
    %dma_start3A_185 = tpu.memref_slice %arg9[%dma_start3A_176, %dma_start3A_183, %dma_start3A_184] : memref<8x8x128xi32, #tpu.memory_space<vmem>> -> memref<1x8x128xi32, #tpu.memory_space<vmem>>
    %dma_start3A_186 = tpu.memref_squeeze %dma_start3A_185 : memref<1x8x128xi32, #tpu.memory_space<vmem>> -> memref<8x128xi32, #tpu.memory_space<vmem>>
    %dma_start3A_187 = arith.constant 0 : i32
    %dma_start3A_188 = tpu.memref_slice %arg4[%dma_start3A_187, %multiple_of3A_162] : memref<8x1000000xi32, #tpu.memory_space<hbm>> -> memref<8x128xi32, #tpu.memory_space<hbm>>
    tpu.enqueue_dma source(%dma_start3A_188 : memref<8x128xi32, #tpu.memory_space<hbm>>) target(%dma_start3A_186 : memref<8x128xi32, #tpu.memory_space<vmem>>) target_semaphore(%arg13 : memref<!tpu.dma_semaphore, #tpu.memory_space<semaphore_mem>>)
    %slice3A_189 = vector.extract_strided_slice %get3A_3 {offsets = [6], sizes = [1], strides = [1]} : vector<16xi32> to vector<1xi32>
    %squeeze3A_190 = vector.extract %slice3A_189[0] : i32 from vector<1xi32>
    %and3A_191 = arith.constant -128 : i32
    %and3A_192 = arith.andi %squeeze3A_190, %and3A_191 : i32
    %multiple_of3A_193 = tpu.assume_multiple %and3A_192, 128 : i32
    %dma_start3A_194 = arith.constant 6 : i32
    %dma_start3A_195 = arith.constant 0 : i32
    %dma_start3A_196 = arith.constant 0 : i32
    %dma_start3A_197 = tpu.memref_slice %arg8[%dma_start3A_194, %dma_start3A_195, %dma_start3A_196] : memref<8x8x128xi32, #tpu.memory_space<vmem>> -> memref<1x8x128xi32, #tpu.memory_space<vmem>>
    %dma_start3A_198 = tpu.memref_squeeze %dma_start3A_197 : memref<1x8x128xi32, #tpu.memory_space<vmem>> -> memref<8x128xi32, #tpu.memory_space<vmem>>
    %dma_start3A_199 = arith.constant 0 : i32
    %dma_start3A_200 = tpu.memref_slice %arg3[%dma_start3A_199, %multiple_of3A_193] : memref<8x1000000xi32, #tpu.memory_space<hbm>> -> memref<8x128xi32, #tpu.memory_space<hbm>>
    %dma_start3A_201 = arith.constant 0 : i32
    %dma_start3A_202 = arith.constant 0 : i32
    %dma_start3A_203 = tpu.memref_slice %arg8[%dma_start3A_194, %dma_start3A_201, %dma_start3A_202] : memref<8x8x128xi32, #tpu.memory_space<vmem>> -> memref<1x8x128xi32, #tpu.memory_space<vmem>>
    %dma_start3A_204 = tpu.memref_squeeze %dma_start3A_203 : memref<1x8x128xi32, #tpu.memory_space<vmem>> -> memref<8x128xi32, #tpu.memory_space<vmem>>
    %dma_start3A_205 = arith.constant 0 : i32
    %dma_start3A_206 = tpu.memref_slice %arg3[%dma_start3A_205, %multiple_of3A_193] : memref<8x1000000xi32, #tpu.memory_space<hbm>> -> memref<8x128xi32, #tpu.memory_space<hbm>>
    tpu.enqueue_dma source(%dma_start3A_206 : memref<8x128xi32, #tpu.memory_space<hbm>>) target(%dma_start3A_204 : memref<8x128xi32, #tpu.memory_space<vmem>>) target_semaphore(%arg13 : memref<!tpu.dma_semaphore, #tpu.memory_space<semaphore_mem>>)
    %dma_start3A_207 = arith.constant 6 : i32
    %dma_start3A_208 = arith.constant 0 : i32
    %dma_start3A_209 = arith.constant 0 : i32
    %dma_start3A_210 = tpu.memref_slice %arg9[%dma_start3A_207, %dma_start3A_208, %dma_start3A_209] : memref<8x8x128xi32, #tpu.memory_space<vmem>> -> memref<1x8x128xi32, #tpu.memory_space<vmem>>
    %dma_start3A_211 = tpu.memref_squeeze %dma_start3A_210 : memref<1x8x128xi32, #tpu.memory_space<vmem>> -> memref<8x128xi32, #tpu.memory_space<vmem>>
    %dma_start3A_212 = arith.constant 0 : i32
    %dma_start3A_213 = tpu.memref_slice %arg4[%dma_start3A_212, %multiple_of3A_193] : memref<8x1000000xi32, #tpu.memory_space<hbm>> -> memref<8x128xi32, #tpu.memory_space<hbm>>
    %dma_start3A_214 = arith.constant 0 : i32
    %dma_start3A_215 = arith.constant 0 : i32
    %dma_start3A_216 = tpu.memref_slice %arg9[%dma_start3A_207, %dma_start3A_214, %dma_start3A_215] : memref<8x8x128xi32, #tpu.memory_space<vmem>> -> memref<1x8x128xi32, #tpu.memory_space<vmem>>
    %dma_start3A_217 = tpu.memref_squeeze %dma_start3A_216 : memref<1x8x128xi32, #tpu.memory_space<vmem>> -> memref<8x128xi32, #tpu.memory_space<vmem>>
    %dma_start3A_218 = arith.constant 0 : i32
    %dma_start3A_219 = tpu.memref_slice %arg4[%dma_start3A_218, %multiple_of3A_193] : memref<8x1000000xi32, #tpu.memory_space<hbm>> -> memref<8x128xi32, #tpu.memory_space<hbm>>
    tpu.enqueue_dma source(%dma_start3A_219 : memref<8x128xi32, #tpu.memory_space<hbm>>) target(%dma_start3A_217 : memref<8x128xi32, #tpu.memory_space<vmem>>) target_semaphore(%arg13 : memref<!tpu.dma_semaphore, #tpu.memory_space<semaphore_mem>>)
    %slice3A_220 = vector.extract_strided_slice %get3A_3 {offsets = [7], sizes = [1], strides = [1]} : vector<16xi32> to vector<1xi32>
    %squeeze3A_221 = vector.extract %slice3A_220[0] : i32 from vector<1xi32>
    %and3A_222 = arith.constant -128 : i32
    %and3A_223 = arith.andi %squeeze3A_221, %and3A_222 : i32
    %multiple_of3A_224 = tpu.assume_multiple %and3A_223, 128 : i32
    %dma_start3A_225 = arith.constant 7 : i32
    %dma_start3A_226 = arith.constant 0 : i32
    %dma_start3A_227 = arith.constant 0 : i32
    %dma_start3A_228 = tpu.memref_slice %arg8[%dma_start3A_225, %dma_start3A_226, %dma_start3A_227] : memref<8x8x128xi32, #tpu.memory_space<vmem>> -> memref<1x8x128xi32, #tpu.memory_space<vmem>>
    %dma_start3A_229 = tpu.memref_squeeze %dma_start3A_228 : memref<1x8x128xi32, #tpu.memory_space<vmem>> -> memref<8x128xi32, #tpu.memory_space<vmem>>
    %dma_start3A_230 = arith.constant 0 : i32
    %dma_start3A_231 = tpu.memref_slice %arg3[%dma_start3A_230, %multiple_of3A_224] : memref<8x1000000xi32, #tpu.memory_space<hbm>> -> memref<8x128xi32, #tpu.memory_space<hbm>>
    %dma_start3A_232 = arith.constant 0 : i32
    %dma_start3A_233 = arith.constant 0 : i32
    %dma_start3A_234 = tpu.memref_slice %arg8[%dma_start3A_225, %dma_start3A_232, %dma_start3A_233] : memref<8x8x128xi32, #tpu.memory_space<vmem>> -> memref<1x8x128xi32, #tpu.memory_space<vmem>>
    %dma_start3A_235 = tpu.memref_squeeze %dma_start3A_234 : memref<1x8x128xi32, #tpu.memory_space<vmem>> -> memref<8x128xi32, #tpu.memory_space<vmem>>
    %dma_start3A_236 = arith.constant 0 : i32
    %dma_start3A_237 = tpu.memref_slice %arg3[%dma_start3A_236, %multiple_of3A_224] : memref<8x1000000xi32, #tpu.memory_space<hbm>> -> memref<8x128xi32, #tpu.memory_space<hbm>>
    tpu.enqueue_dma source(%dma_start3A_237 : memref<8x128xi32, #tpu.memory_space<hbm>>) target(%dma_start3A_235 : memref<8x128xi32, #tpu.memory_space<vmem>>) target_semaphore(%arg13 : memref<!tpu.dma_semaphore, #tpu.memory_space<semaphore_mem>>)
    %dma_start3A_238 = arith.constant 7 : i32
    %dma_start3A_239 = arith.constant 0 : i32
    %dma_start3A_240 = arith.constant 0 : i32
    %dma_start3A_241 = tpu.memref_slice %arg9[%dma_start3A_238, %dma_start3A_239, %dma_start3A_240] : memref<8x8x128xi32, #tpu.memory_space<vmem>> -> memref<1x8x128xi32, #tpu.memory_space<vmem>>
    %dma_start3A_242 = tpu.memref_squeeze %dma_start3A_241 : memref<1x8x128xi32, #tpu.memory_space<vmem>> -> memref<8x128xi32, #tpu.memory_space<vmem>>
    %dma_start3A_243 = arith.constant 0 : i32
    %dma_start3A_244 = tpu.memref_slice %arg4[%dma_start3A_243, %multiple_of3A_224] : memref<8x1000000xi32, #tpu.memory_space<hbm>> -> memref<8x128xi32, #tpu.memory_space<hbm>>
    %dma_start3A_245 = arith.constant 0 : i32
    %dma_start3A_246 = arith.constant 0 : i32
    %dma_start3A_247 = tpu.memref_slice %arg9[%dma_start3A_238, %dma_start3A_245, %dma_start3A_246] : memref<8x8x128xi32, #tpu.memory_space<vmem>> -> memref<1x8x128xi32, #tpu.memory_space<vmem>>
    %dma_start3A_248 = tpu.memref_squeeze %dma_start3A_247 : memref<1x8x128xi32, #tpu.memory_space<vmem>> -> memref<8x128xi32, #tpu.memory_space<vmem>>
    %dma_start3A_249 = arith.constant 0 : i32
    %dma_start3A_250 = tpu.memref_slice %arg4[%dma_start3A_249, %multiple_of3A_224] : memref<8x1000000xi32, #tpu.memory_space<hbm>> -> memref<8x128xi32, #tpu.memory_space<hbm>>
    tpu.enqueue_dma source(%dma_start3A_250 : memref<8x128xi32, #tpu.memory_space<hbm>>) target(%dma_start3A_248 : memref<8x128xi32, #tpu.memory_space<vmem>>) target_semaphore(%arg13 : memref<!tpu.dma_semaphore, #tpu.memory_space<semaphore_mem>>)
    %scan3A = arith.constant 0 : i32
    %scan3A_251 = arith.constant 8 : i32
    %scan3A_252 = arith.addi %scan3A, %scan3A_251 : i32
    %scan3A_253 = arith.constant 1 : i32
    scf.for %scan3A_257 = %scan3A to %scan3A_252 step %scan3A_253  : i32 {
      %mul3A_258 = arith.constant 2 : i32
      %mul3A_259 = arith.muli %scan3A_257, %mul3A_258 : i32
      %add3A_260 = arith.constant 0 : i32
      %add3A_261 = arith.addi %add3A_260, %mul3A_259 : i32
      %add3A_262 = arith.constant 0 : i32
      %add3A_263 = arith.addi %add3A_261, %add3A_262 : i32
      %add3A_264 = arith.constant 1 : i32
      %add3A_265 = arith.addi %add3A_263, %add3A_264 : i32
      %lt3A = arith.constant 16 : i32
      %lt3A_266 = arith.cmpi slt, %add3A_265, %lt3A : i32
      %convert_element_type3A = arith.extui %lt3A_266 : i1 to i32
      %cond3A = arith.constant 0 : i32
      %cond3A_267 = arith.cmpi ne, %convert_element_type3A, %cond3A : i32
      scf.if %cond3A_267 {
        %add3A_297 = arith.constant 1 : i32
        %add3A_298 = arith.addi %add3A_263, %add3A_297 : i32
        %mul3A_299 = arith.constant 8 : i32
        %mul3A_300 = arith.muli %add3A_298, %mul3A_299 : i32
        %get3A_301 = arith.index_cast %mul3A_300 : i32 to index
        %get3A_302 = tpu.vector_load %arg6[%get3A_301] {strides = array<i32>} : memref<144xi32, #tpu.memory_space<vmem>>, vector<16xi32>,
        %and3A_303 = arith.constant 127 : i32
        %and3A_304 = vector.broadcast %and3A_303 : i32 to vector<16xi32>
        %and3A_305 = arith.andi %get3A_302, %and3A_304 : vector<16xi32>
        %mul3A_306 = arith.constant 8 : i32
        %mul3A_307 = arith.muli %add3A_298, %mul3A_306 : i32
        %swap3A_308 = arith.index_cast %mul3A_307 : i32 to index
        %swap3A_309 = tpu.vector_load %arg7[%swap3A_308] {strides = array<i32>} : memref<144xi32, #tpu.memory_space<vmem>>, vector<16xi32>,
        tpu.vector_store %arg7[%swap3A_308], %and3A_305 {strides = array<i32>} : memref<144xi32, #tpu.memory_space<vmem>>, vector<16xi32>,
        %slice3A_310 = vector.extract_strided_slice %get3A_302 {offsets = [0], sizes = [1], strides = [1]} : vector<16xi32> to vector<1xi32>
        %squeeze3A_311 = vector.extract %slice3A_310[0] : i32 from vector<1xi32>
        %and3A_312 = arith.constant -128 : i32
        %and3A_313 = arith.andi %squeeze3A_311, %and3A_312 : i32
        %multiple_of3A_314 = tpu.assume_multiple %and3A_313, 128 : i32
        %dma_start3A_315 = arith.constant 0 : i32
        %dma_start3A_316 = arith.constant 0 : i32
        %dma_start3A_317 = arith.constant 0 : i32
        %dma_start3A_318 = tpu.memref_slice %arg10[%dma_start3A_315, %dma_start3A_316, %dma_start3A_317] : memref<8x8x128xi32, #tpu.memory_space<vmem>> -> memref<1x8x128xi32, #tpu.memory_space<vmem>>
        %dma_start3A_319 = tpu.memref_squeeze %dma_start3A_318 : memref<1x8x128xi32, #tpu.memory_space<vmem>> -> memref<8x128xi32, #tpu.memory_space<vmem>>
        %dma_start3A_320 = arith.constant 0 : i32
        %dma_start3A_321 = tpu.memref_slice %arg3[%dma_start3A_320, %multiple_of3A_314] : memref<8x1000000xi32, #tpu.memory_space<hbm>> -> memref<8x128xi32, #tpu.memory_space<hbm>>
        %dma_start3A_322 = arith.constant 0 : i32
        %dma_start3A_323 = arith.constant 0 : i32
        %dma_start3A_324 = tpu.memref_slice %arg10[%dma_start3A_315, %dma_start3A_322, %dma_start3A_323] : memref<8x8x128xi32, #tpu.memory_space<vmem>> -> memref<1x8x128xi32, #tpu.memory_space<vmem>>
        %dma_start3A_325 = tpu.memref_squeeze %dma_start3A_324 : memref<1x8x128xi32, #tpu.memory_space<vmem>> -> memref<8x128xi32, #tpu.memory_space<vmem>>
        %dma_start3A_326 = arith.constant 0 : i32
        %dma_start3A_327 = tpu.memref_slice %arg3[%dma_start3A_326, %multiple_of3A_314] : memref<8x1000000xi32, #tpu.memory_space<hbm>> -> memref<8x128xi32, #tpu.memory_space<hbm>>
        tpu.enqueue_dma source(%dma_start3A_327 : memref<8x128xi32, #tpu.memory_space<hbm>>) target(%dma_start3A_325 : memref<8x128xi32, #tpu.memory_space<vmem>>) target_semaphore(%arg14 : memref<!tpu.dma_semaphore, #tpu.memory_space<semaphore_mem>>)
        %dma_start3A_328 = arith.constant 0 : i32
        %dma_start3A_329 = arith.constant 0 : i32
        %dma_start3A_330 = arith.constant 0 : i32
        %dma_start3A_331 = tpu.memref_slice %arg11[%dma_start3A_328, %dma_start3A_329, %dma_start3A_330] : memref<8x8x128xi32, #tpu.memory_space<vmem>> -> memref<1x8x128xi32, #tpu.memory_space<vmem>>
        %dma_start3A_332 = tpu.memref_squeeze %dma_start3A_331 : memref<1x8x128xi32, #tpu.memory_space<vmem>> -> memref<8x128xi32, #tpu.memory_space<vmem>>
        %dma_start3A_333 = arith.constant 0 : i32
        %dma_start3A_334 = tpu.memref_slice %arg4[%dma_start3A_333, %multiple_of3A_314] : memref<8x1000000xi32, #tpu.memory_space<hbm>> -> memref<8x128xi32, #tpu.memory_space<hbm>>
        %dma_start3A_335 = arith.constant 0 : i32
        %dma_start3A_336 = arith.constant 0 : i32
        %dma_start3A_337 = tpu.memref_slice %arg11[%dma_start3A_328, %dma_start3A_335, %dma_start3A_336] : memref<8x8x128xi32, #tpu.memory_space<vmem>> -> memref<1x8x128xi32, #tpu.memory_space<vmem>>
        %dma_start3A_338 = tpu.memref_squeeze %dma_start3A_337 : memref<1x8x128xi32, #tpu.memory_space<vmem>> -> memref<8x128xi32, #tpu.memory_space<vmem>>
        %dma_start3A_339 = arith.constant 0 : i32
        %dma_start3A_340 = tpu.memref_slice %arg4[%dma_start3A_339, %multiple_of3A_314] : memref<8x1000000xi32, #tpu.memory_space<hbm>> -> memref<8x128xi32, #tpu.memory_space<hbm>>
        tpu.enqueue_dma source(%dma_start3A_340 : memref<8x128xi32, #tpu.memory_space<hbm>>) target(%dma_start3A_338 : memref<8x128xi32, #tpu.memory_space<vmem>>) target_semaphore(%arg14 : memref<!tpu.dma_semaphore, #tpu.memory_space<semaphore_mem>>)
        %slice3A_341 = vector.extract_strided_slice %get3A_302 {offsets = [1], sizes = [1], strides = [1]} : vector<16xi32> to vector<1xi32>
        %squeeze3A_342 = vector.extract %slice3A_341[0] : i32 from vector<1xi32>
        %and3A_343 = arith.constant -128 : i32
        %and3A_344 = arith.andi %squeeze3A_342, %and3A_343 : i32
        %multiple_of3A_345 = tpu.assume_multiple %and3A_344, 128 : i32
        %dma_start3A_346 = arith.constant 1 : i32
        %dma_start3A_347 = arith.constant 0 : i32
        %dma_start3A_348 = arith.constant 0 : i32
        %dma_start3A_349 = tpu.memref_slice %arg10[%dma_start3A_346, %dma_start3A_347, %dma_start3A_348] : memref<8x8x128xi32, #tpu.memory_space<vmem>> -> memref<1x8x128xi32, #tpu.memory_space<vmem>>
        %dma_start3A_350 = tpu.memref_squeeze %dma_start3A_349 : memref<1x8x128xi32, #tpu.memory_space<vmem>> -> memref<8x128xi32, #tpu.memory_space<vmem>>
        %dma_start3A_351 = arith.constant 0 : i32
        %dma_start3A_352 = tpu.memref_slice %arg3[%dma_start3A_351, %multiple_of3A_345] : memref<8x1000000xi32, #tpu.memory_space<hbm>> -> memref<8x128xi32, #tpu.memory_space<hbm>>
        %dma_start3A_353 = arith.constant 0 : i32
        %dma_start3A_354 = arith.constant 0 : i32
        %dma_start3A_355 = tpu.memref_slice %arg10[%dma_start3A_346, %dma_start3A_353, %dma_start3A_354] : memref<8x8x128xi32, #tpu.memory_space<vmem>> -> memref<1x8x128xi32, #tpu.memory_space<vmem>>
        %dma_start3A_356 = tpu.memref_squeeze %dma_start3A_355 : memref<1x8x128xi32, #tpu.memory_space<vmem>> -> memref<8x128xi32, #tpu.memory_space<vmem>>
        %dma_start3A_357 = arith.constant 0 : i32
        %dma_start3A_358 = tpu.memref_slice %arg3[%dma_start3A_357, %multiple_of3A_345] : memref<8x1000000xi32, #tpu.memory_space<hbm>> -> memref<8x128xi32, #tpu.memory_space<hbm>>
        tpu.enqueue_dma source(%dma_start3A_358 : memref<8x128xi32, #tpu.memory_space<hbm>>) target(%dma_start3A_356 : memref<8x128xi32, #tpu.memory_space<vmem>>) target_semaphore(%arg14 : memref<!tpu.dma_semaphore, #tpu.memory_space<semaphore_mem>>)
        %dma_start3A_359 = arith.constant 1 : i32
        %dma_start3A_360 = arith.constant 0 : i32
        %dma_start3A_361 = arith.constant 0 : i32
        %dma_start3A_362 = tpu.memref_slice %arg11[%dma_start3A_359, %dma_start3A_360, %dma_start3A_361] : memref<8x8x128xi32, #tpu.memory_space<vmem>> -> memref<1x8x128xi32, #tpu.memory_space<vmem>>
        %dma_start3A_363 = tpu.memref_squeeze %dma_start3A_362 : memref<1x8x128xi32, #tpu.memory_space<vmem>> -> memref<8x128xi32, #tpu.memory_space<vmem>>
        %dma_start3A_364 = arith.constant 0 : i32
        %dma_start3A_365 = tpu.memref_slice %arg4[%dma_start3A_364, %multiple_of3A_345] : memref<8x1000000xi32, #tpu.memory_space<hbm>> -> memref<8x128xi32, #tpu.memory_space<hbm>>
        %dma_start3A_366 = arith.constant 0 : i32
        %dma_start3A_367 = arith.constant 0 : i32
        %dma_start3A_368 = tpu.memref_slice %arg11[%dma_start3A_359, %dma_start3A_366, %dma_start3A_367] : memref<8x8x128xi32, #tpu.memory_space<vmem>> -> memref<1x8x128xi32, #tpu.memory_space<vmem>>
        %dma_start3A_369 = tpu.memref_squeeze %dma_start3A_368 : memref<1x8x128xi32, #tpu.memory_space<vmem>> -> memref<8x128xi32, #tpu.memory_space<vmem>>
        %dma_start3A_370 = arith.constant 0 : i32
        %dma_start3A_371 = tpu.memref_slice %arg4[%dma_start3A_370, %multiple_of3A_345] : memref<8x1000000xi32, #tpu.memory_space<hbm>> -> memref<8x128xi32, #tpu.memory_space<hbm>>
        tpu.enqueue_dma source(%dma_start3A_371 : memref<8x128xi32, #tpu.memory_space<hbm>>) target(%dma_start3A_369 : memref<8x128xi32, #tpu.memory_space<vmem>>) target_semaphore(%arg14 : memref<!tpu.dma_semaphore, #tpu.memory_space<semaphore_mem>>)
        %slice3A_372 = vector.extract_strided_slice %get3A_302 {offsets = [2], sizes = [1], strides = [1]} : vector<16xi32> to vector<1xi32>
        %squeeze3A_373 = vector.extract %slice3A_372[0] : i32 from vector<1xi32>
        %and3A_374 = arith.constant -128 : i32
        %and3A_375 = arith.andi %squeeze3A_373, %and3A_374 : i32
        %multiple_of3A_376 = tpu.assume_multiple %and3A_375, 128 : i32
        %dma_start3A_377 = arith.constant 2 : i32
        %dma_start3A_378 = arith.constant 0 : i32
        %dma_start3A_379 = arith.constant 0 : i32
        %dma_start3A_380 = tpu.memref_slice %arg10[%dma_start3A_377, %dma_start3A_378, %dma_start3A_379] : memref<8x8x128xi32, #tpu.memory_space<vmem>> -> memref<1x8x128xi32, #tpu.memory_space<vmem>>
        %dma_start3A_381 = tpu.memref_squeeze %dma_start3A_380 : memref<1x8x128xi32, #tpu.memory_space<vmem>> -> memref<8x128xi32, #tpu.memory_space<vmem>>
        %dma_start3A_382 = arith.constant 0 : i32
        %dma_start3A_383 = tpu.memref_slice %arg3[%dma_start3A_382, %multiple_of3A_376] : memref<8x1000000xi32, #tpu.memory_space<hbm>> -> memref<8x128xi32, #tpu.memory_space<hbm>>
        %dma_start3A_384 = arith.constant 0 : i32
        %dma_start3A_385 = arith.constant 0 : i32
        %dma_start3A_386 = tpu.memref_slice %arg10[%dma_start3A_377, %dma_start3A_384, %dma_start3A_385] : memref<8x8x128xi32, #tpu.memory_space<vmem>> -> memref<1x8x128xi32, #tpu.memory_space<vmem>>
        %dma_start3A_387 = tpu.memref_squeeze %dma_start3A_386 : memref<1x8x128xi32, #tpu.memory_space<vmem>> -> memref<8x128xi32, #tpu.memory_space<vmem>>
        %dma_start3A_388 = arith.constant 0 : i32
        %dma_start3A_389 = tpu.memref_slice %arg3[%dma_start3A_388, %multiple_of3A_376] : memref<8x1000000xi32, #tpu.memory_space<hbm>> -> memref<8x128xi32, #tpu.memory_space<hbm>>
        tpu.enqueue_dma source(%dma_start3A_389 : memref<8x128xi32, #tpu.memory_space<hbm>>) target(%dma_start3A_387 : memref<8x128xi32, #tpu.memory_space<vmem>>) target_semaphore(%arg14 : memref<!tpu.dma_semaphore, #tpu.memory_space<semaphore_mem>>)
        %dma_start3A_390 = arith.constant 2 : i32
        %dma_start3A_391 = arith.constant 0 : i32
        %dma_start3A_392 = arith.constant 0 : i32
        %dma_start3A_393 = tpu.memref_slice %arg11[%dma_start3A_390, %dma_start3A_391, %dma_start3A_392] : memref<8x8x128xi32, #tpu.memory_space<vmem>> -> memref<1x8x128xi32, #tpu.memory_space<vmem>>
        %dma_start3A_394 = tpu.memref_squeeze %dma_start3A_393 : memref<1x8x128xi32, #tpu.memory_space<vmem>> -> memref<8x128xi32, #tpu.memory_space<vmem>>
        %dma_start3A_395 = arith.constant 0 : i32
        %dma_start3A_396 = tpu.memref_slice %arg4[%dma_start3A_395, %multiple_of3A_376] : memref<8x1000000xi32, #tpu.memory_space<hbm>> -> memref<8x128xi32, #tpu.memory_space<hbm>>
        %dma_start3A_397 = arith.constant 0 : i32
        %dma_start3A_398 = arith.constant 0 : i32
        %dma_start3A_399 = tpu.memref_slice %arg11[%dma_start3A_390, %dma_start3A_397, %dma_start3A_398] : memref<8x8x128xi32, #tpu.memory_space<vmem>> -> memref<1x8x128xi32, #tpu.memory_space<vmem>>
        %dma_start3A_400 = tpu.memref_squeeze %dma_start3A_399 : memref<1x8x128xi32, #tpu.memory_space<vmem>> -> memref<8x128xi32, #tpu.memory_space<vmem>>
        %dma_start3A_401 = arith.constant 0 : i32
        %dma_start3A_402 = tpu.memref_slice %arg4[%dma_start3A_401, %multiple_of3A_376] : memref<8x1000000xi32, #tpu.memory_space<hbm>> -> memref<8x128xi32, #tpu.memory_space<hbm>>
        tpu.enqueue_dma source(%dma_start3A_402 : memref<8x128xi32, #tpu.memory_space<hbm>>) target(%dma_start3A_400 : memref<8x128xi32, #tpu.memory_space<vmem>>) target_semaphore(%arg14 : memref<!tpu.dma_semaphore, #tpu.memory_space<semaphore_mem>>)
        %slice3A_403 = vector.extract_strided_slice %get3A_302 {offsets = [3], sizes = [1], strides = [1]} : vector<16xi32> to vector<1xi32>
        %squeeze3A_404 = vector.extract %slice3A_403[0] : i32 from vector<1xi32>
        %and3A_405 = arith.constant -128 : i32
        %and3A_406 = arith.andi %squeeze3A_404, %and3A_405 : i32
        %multiple_of3A_407 = tpu.assume_multiple %and3A_406, 128 : i32
        %dma_start3A_408 = arith.constant 3 : i32
        %dma_start3A_409 = arith.constant 0 : i32
        %dma_start3A_410 = arith.constant 0 : i32
        %dma_start3A_411 = tpu.memref_slice %arg10[%dma_start3A_408, %dma_start3A_409, %dma_start3A_410] : memref<8x8x128xi32, #tpu.memory_space<vmem>> -> memref<1x8x128xi32, #tpu.memory_space<vmem>>
        %dma_start3A_412 = tpu.memref_squeeze %dma_start3A_411 : memref<1x8x128xi32, #tpu.memory_space<vmem>> -> memref<8x128xi32, #tpu.memory_space<vmem>>
        %dma_start3A_413 = arith.constant 0 : i32
        %dma_start3A_414 = tpu.memref_slice %arg3[%dma_start3A_413, %multiple_of3A_407] : memref<8x1000000xi32, #tpu.memory_space<hbm>> -> memref<8x128xi32, #tpu.memory_space<hbm>>
        %dma_start3A_415 = arith.constant 0 : i32
        %dma_start3A_416 = arith.constant 0 : i32
        %dma_start3A_417 = tpu.memref_slice %arg10[%dma_start3A_408, %dma_start3A_415, %dma_start3A_416] : memref<8x8x128xi32, #tpu.memory_space<vmem>> -> memref<1x8x128xi32, #tpu.memory_space<vmem>>
        %dma_start3A_418 = tpu.memref_squeeze %dma_start3A_417 : memref<1x8x128xi32, #tpu.memory_space<vmem>> -> memref<8x128xi32, #tpu.memory_space<vmem>>
        %dma_start3A_419 = arith.constant 0 : i32
        %dma_start3A_420 = tpu.memref_slice %arg3[%dma_start3A_419, %multiple_of3A_407] : memref<8x1000000xi32, #tpu.memory_space<hbm>> -> memref<8x128xi32, #tpu.memory_space<hbm>>
        tpu.enqueue_dma source(%dma_start3A_420 : memref<8x128xi32, #tpu.memory_space<hbm>>) target(%dma_start3A_418 : memref<8x128xi32, #tpu.memory_space<vmem>>) target_semaphore(%arg14 : memref<!tpu.dma_semaphore, #tpu.memory_space<semaphore_mem>>)
        %dma_start3A_421 = arith.constant 3 : i32
        %dma_start3A_422 = arith.constant 0 : i32
        %dma_start3A_423 = arith.constant 0 : i32
        %dma_start3A_424 = tpu.memref_slice %arg11[%dma_start3A_421, %dma_start3A_422, %dma_start3A_423] : memref<8x8x128xi32, #tpu.memory_space<vmem>> -> memref<1x8x128xi32, #tpu.memory_space<vmem>>
        %dma_start3A_425 = tpu.memref_squeeze %dma_start3A_424 : memref<1x8x128xi32, #tpu.memory_space<vmem>> -> memref<8x128xi32, #tpu.memory_space<vmem>>
        %dma_start3A_426 = arith.constant 0 : i32
        %dma_start3A_427 = tpu.memref_slice %arg4[%dma_start3A_426, %multiple_of3A_407] : memref<8x1000000xi32, #tpu.memory_space<hbm>> -> memref<8x128xi32, #tpu.memory_space<hbm>>
        %dma_start3A_428 = arith.constant 0 : i32
        %dma_start3A_429 = arith.constant 0 : i32
        %dma_start3A_430 = tpu.memref_slice %arg11[%dma_start3A_421, %dma_start3A_428, %dma_start3A_429] : memref<8x8x128xi32, #tpu.memory_space<vmem>> -> memref<1x8x128xi32, #tpu.memory_space<vmem>>
        %dma_start3A_431 = tpu.memref_squeeze %dma_start3A_430 : memref<1x8x128xi32, #tpu.memory_space<vmem>> -> memref<8x128xi32, #tpu.memory_space<vmem>>
        %dma_start3A_432 = arith.constant 0 : i32
        %dma_start3A_433 = tpu.memref_slice %arg4[%dma_start3A_432, %multiple_of3A_407] : memref<8x1000000xi32, #tpu.memory_space<hbm>> -> memref<8x128xi32, #tpu.memory_space<hbm>>
        tpu.enqueue_dma source(%dma_start3A_433 : memref<8x128xi32, #tpu.memory_space<hbm>>) target(%dma_start3A_431 : memref<8x128xi32, #tpu.memory_space<vmem>>) target_semaphore(%arg14 : memref<!tpu.dma_semaphore, #tpu.memory_space<semaphore_mem>>)
        %slice3A_434 = vector.extract_strided_slice %get3A_302 {offsets = [4], sizes = [1], strides = [1]} : vector<16xi32> to vector<1xi32>
        %squeeze3A_435 = vector.extract %slice3A_434[0] : i32 from vector<1xi32>
        %and3A_436 = arith.constant -128 : i32
        %and3A_437 = arith.andi %squeeze3A_435, %and3A_436 : i32
        %multiple_of3A_438 = tpu.assume_multiple %and3A_437, 128 : i32
        %dma_start3A_439 = arith.constant 4 : i32
        %dma_start3A_440 = arith.constant 0 : i32
        %dma_start3A_441 = arith.constant 0 : i32
        %dma_start3A_442 = tpu.memref_slice %arg10[%dma_start3A_439, %dma_start3A_440, %dma_start3A_441] : memref<8x8x128xi32, #tpu.memory_space<vmem>> -> memref<1x8x128xi32, #tpu.memory_space<vmem>>
        %dma_start3A_443 = tpu.memref_squeeze %dma_start3A_442 : memref<1x8x128xi32, #tpu.memory_space<vmem>> -> memref<8x128xi32, #tpu.memory_space<vmem>>
        %dma_start3A_444 = arith.constant 0 : i32
        %dma_start3A_445 = tpu.memref_slice %arg3[%dma_start3A_444, %multiple_of3A_438] : memref<8x1000000xi32, #tpu.memory_space<hbm>> -> memref<8x128xi32, #tpu.memory_space<hbm>>
        %dma_start3A_446 = arith.constant 0 : i32
        %dma_start3A_447 = arith.constant 0 : i32
        %dma_start3A_448 = tpu.memref_slice %arg10[%dma_start3A_439, %dma_start3A_446, %dma_start3A_447] : memref<8x8x128xi32, #tpu.memory_space<vmem>> -> memref<1x8x128xi32, #tpu.memory_space<vmem>>
        %dma_start3A_449 = tpu.memref_squeeze %dma_start3A_448 : memref<1x8x128xi32, #tpu.memory_space<vmem>> -> memref<8x128xi32, #tpu.memory_space<vmem>>
        %dma_start3A_450 = arith.constant 0 : i32
        %dma_start3A_451 = tpu.memref_slice %arg3[%dma_start3A_450, %multiple_of3A_438] : memref<8x1000000xi32, #tpu.memory_space<hbm>> -> memref<8x128xi32, #tpu.memory_space<hbm>>
        tpu.enqueue_dma source(%dma_start3A_451 : memref<8x128xi32, #tpu.memory_space<hbm>>) target(%dma_start3A_449 : memref<8x128xi32, #tpu.memory_space<vmem>>) target_semaphore(%arg14 : memref<!tpu.dma_semaphore, #tpu.memory_space<semaphore_mem>>)
        %dma_start3A_452 = arith.constant 4 : i32
        %dma_start3A_453 = arith.constant 0 : i32
        %dma_start3A_454 = arith.constant 0 : i32
        %dma_start3A_455 = tpu.memref_slice %arg11[%dma_start3A_452, %dma_start3A_453, %dma_start3A_454] : memref<8x8x128xi32, #tpu.memory_space<vmem>> -> memref<1x8x128xi32, #tpu.memory_space<vmem>>
        %dma_start3A_456 = tpu.memref_squeeze %dma_start3A_455 : memref<1x8x128xi32, #tpu.memory_space<vmem>> -> memref<8x128xi32, #tpu.memory_space<vmem>>
        %dma_start3A_457 = arith.constant 0 : i32
        %dma_start3A_458 = tpu.memref_slice %arg4[%dma_start3A_457, %multiple_of3A_438] : memref<8x1000000xi32, #tpu.memory_space<hbm>> -> memref<8x128xi32, #tpu.memory_space<hbm>>
        %dma_start3A_459 = arith.constant 0 : i32
        %dma_start3A_460 = arith.constant 0 : i32
        %dma_start3A_461 = tpu.memref_slice %arg11[%dma_start3A_452, %dma_start3A_459, %dma_start3A_460] : memref<8x8x128xi32, #tpu.memory_space<vmem>> -> memref<1x8x128xi32, #tpu.memory_space<vmem>>
        %dma_start3A_462 = tpu.memref_squeeze %dma_start3A_461 : memref<1x8x128xi32, #tpu.memory_space<vmem>> -> memref<8x128xi32, #tpu.memory_space<vmem>>
        %dma_start3A_463 = arith.constant 0 : i32
        %dma_start3A_464 = tpu.memref_slice %arg4[%dma_start3A_463, %multiple_of3A_438] : memref<8x1000000xi32, #tpu.memory_space<hbm>> -> memref<8x128xi32, #tpu.memory_space<hbm>>
        tpu.enqueue_dma source(%dma_start3A_464 : memref<8x128xi32, #tpu.memory_space<hbm>>) target(%dma_start3A_462 : memref<8x128xi32, #tpu.memory_space<vmem>>) target_semaphore(%arg14 : memref<!tpu.dma_semaphore, #tpu.memory_space<semaphore_mem>>)
        %slice3A_465 = vector.extract_strided_slice %get3A_302 {offsets = [5], sizes = [1], strides = [1]} : vector<16xi32> to vector<1xi32>
        %squeeze3A_466 = vector.extract %slice3A_465[0] : i32 from vector<1xi32>
        %and3A_467 = arith.constant -128 : i32
        %and3A_468 = arith.andi %squeeze3A_466, %and3A_467 : i32
        %multiple_of3A_469 = tpu.assume_multiple %and3A_468, 128 : i32
        %dma_start3A_470 = arith.constant 5 : i32
        %dma_start3A_471 = arith.constant 0 : i32
        %dma_start3A_472 = arith.constant 0 : i32
        %dma_start3A_473 = tpu.memref_slice %arg10[%dma_start3A_470, %dma_start3A_471, %dma_start3A_472] : memref<8x8x128xi32, #tpu.memory_space<vmem>> -> memref<1x8x128xi32, #tpu.memory_space<vmem>>
        %dma_start3A_474 = tpu.memref_squeeze %dma_start3A_473 : memref<1x8x128xi32, #tpu.memory_space<vmem>> -> memref<8x128xi32, #tpu.memory_space<vmem>>
        %dma_start3A_475 = arith.constant 0 : i32
        %dma_start3A_476 = tpu.memref_slice %arg3[%dma_start3A_475, %multiple_of3A_469] : memref<8x1000000xi32, #tpu.memory_space<hbm>> -> memref<8x128xi32, #tpu.memory_space<hbm>>
        %dma_start3A_477 = arith.constant 0 : i32
        %dma_start3A_478 = arith.constant 0 : i32
        %dma_start3A_479 = tpu.memref_slice %arg10[%dma_start3A_470, %dma_start3A_477, %dma_start3A_478] : memref<8x8x128xi32, #tpu.memory_space<vmem>> -> memref<1x8x128xi32, #tpu.memory_space<vmem>>
        %dma_start3A_480 = tpu.memref_squeeze %dma_start3A_479 : memref<1x8x128xi32, #tpu.memory_space<vmem>> -> memref<8x128xi32, #tpu.memory_space<vmem>>
        %dma_start3A_481 = arith.constant 0 : i32
        %dma_start3A_482 = tpu.memref_slice %arg3[%dma_start3A_481, %multiple_of3A_469] : memref<8x1000000xi32, #tpu.memory_space<hbm>> -> memref<8x128xi32, #tpu.memory_space<hbm>>
        tpu.enqueue_dma source(%dma_start3A_482 : memref<8x128xi32, #tpu.memory_space<hbm>>) target(%dma_start3A_480 : memref<8x128xi32, #tpu.memory_space<vmem>>) target_semaphore(%arg14 : memref<!tpu.dma_semaphore, #tpu.memory_space<semaphore_mem>>)
        %dma_start3A_483 = arith.constant 5 : i32
        %dma_start3A_484 = arith.constant 0 : i32
        %dma_start3A_485 = arith.constant 0 : i32
        %dma_start3A_486 = tpu.memref_slice %arg11[%dma_start3A_483, %dma_start3A_484, %dma_start3A_485] : memref<8x8x128xi32, #tpu.memory_space<vmem>> -> memref<1x8x128xi32, #tpu.memory_space<vmem>>
        %dma_start3A_487 = tpu.memref_squeeze %dma_start3A_486 : memref<1x8x128xi32, #tpu.memory_space<vmem>> -> memref<8x128xi32, #tpu.memory_space<vmem>>
        %dma_start3A_488 = arith.constant 0 : i32
        %dma_start3A_489 = tpu.memref_slice %arg4[%dma_start3A_488, %multiple_of3A_469] : memref<8x1000000xi32, #tpu.memory_space<hbm>> -> memref<8x128xi32, #tpu.memory_space<hbm>>
        %dma_start3A_490 = arith.constant 0 : i32
        %dma_start3A_491 = arith.constant 0 : i32
        %dma_start3A_492 = tpu.memref_slice %arg11[%dma_start3A_483, %dma_start3A_490, %dma_start3A_491] : memref<8x8x128xi32, #tpu.memory_space<vmem>> -> memref<1x8x128xi32, #tpu.memory_space<vmem>>
        %dma_start3A_493 = tpu.memref_squeeze %dma_start3A_492 : memref<1x8x128xi32, #tpu.memory_space<vmem>> -> memref<8x128xi32, #tpu.memory_space<vmem>>
        %dma_start3A_494 = arith.constant 0 : i32
        %dma_start3A_495 = tpu.memref_slice %arg4[%dma_start3A_494, %multiple_of3A_469] : memref<8x1000000xi32, #tpu.memory_space<hbm>> -> memref<8x128xi32, #tpu.memory_space<hbm>>
        tpu.enqueue_dma source(%dma_start3A_495 : memref<8x128xi32, #tpu.memory_space<hbm>>) target(%dma_start3A_493 : memref<8x128xi32, #tpu.memory_space<vmem>>) target_semaphore(%arg14 : memref<!tpu.dma_semaphore, #tpu.memory_space<semaphore_mem>>)
        %slice3A_496 = vector.extract_strided_slice %get3A_302 {offsets = [6], sizes = [1], strides = [1]} : vector<16xi32> to vector<1xi32>
        %squeeze3A_497 = vector.extract %slice3A_496[0] : i32 from vector<1xi32>
        %and3A_498 = arith.constant -128 : i32
        %and3A_499 = arith.andi %squeeze3A_497, %and3A_498 : i32
        %multiple_of3A_500 = tpu.assume_multiple %and3A_499, 128 : i32
        %dma_start3A_501 = arith.constant 6 : i32
        %dma_start3A_502 = arith.constant 0 : i32
        %dma_start3A_503 = arith.constant 0 : i32
        %dma_start3A_504 = tpu.memref_slice %arg10[%dma_start3A_501, %dma_start3A_502, %dma_start3A_503] : memref<8x8x128xi32, #tpu.memory_space<vmem>> -> memref<1x8x128xi32, #tpu.memory_space<vmem>>
        %dma_start3A_505 = tpu.memref_squeeze %dma_start3A_504 : memref<1x8x128xi32, #tpu.memory_space<vmem>> -> memref<8x128xi32, #tpu.memory_space<vmem>>
        %dma_start3A_506 = arith.constant 0 : i32
        %dma_start3A_507 = tpu.memref_slice %arg3[%dma_start3A_506, %multiple_of3A_500] : memref<8x1000000xi32, #tpu.memory_space<hbm>> -> memref<8x128xi32, #tpu.memory_space<hbm>>
        %dma_start3A_508 = arith.constant 0 : i32
        %dma_start3A_509 = arith.constant 0 : i32
        %dma_start3A_510 = tpu.memref_slice %arg10[%dma_start3A_501, %dma_start3A_508, %dma_start3A_509] : memref<8x8x128xi32, #tpu.memory_space<vmem>> -> memref<1x8x128xi32, #tpu.memory_space<vmem>>
        %dma_start3A_511 = tpu.memref_squeeze %dma_start3A_510 : memref<1x8x128xi32, #tpu.memory_space<vmem>> -> memref<8x128xi32, #tpu.memory_space<vmem>>
        %dma_start3A_512 = arith.constant 0 : i32
        %dma_start3A_513 = tpu.memref_slice %arg3[%dma_start3A_512, %multiple_of3A_500] : memref<8x1000000xi32, #tpu.memory_space<hbm>> -> memref<8x128xi32, #tpu.memory_space<hbm>>
        tpu.enqueue_dma source(%dma_start3A_513 : memref<8x128xi32, #tpu.memory_space<hbm>>) target(%dma_start3A_511 : memref<8x128xi32, #tpu.memory_space<vmem>>) target_semaphore(%arg14 : memref<!tpu.dma_semaphore, #tpu.memory_space<semaphore_mem>>)
        %dma_start3A_514 = arith.constant 6 : i32
        %dma_start3A_515 = arith.constant 0 : i32
        %dma_start3A_516 = arith.constant 0 : i32
        %dma_start3A_517 = tpu.memref_slice %arg11[%dma_start3A_514, %dma_start3A_515, %dma_start3A_516] : memref<8x8x128xi32, #tpu.memory_space<vmem>> -> memref<1x8x128xi32, #tpu.memory_space<vmem>>
        %dma_start3A_518 = tpu.memref_squeeze %dma_start3A_517 : memref<1x8x128xi32, #tpu.memory_space<vmem>> -> memref<8x128xi32, #tpu.memory_space<vmem>>
        %dma_start3A_519 = arith.constant 0 : i32
        %dma_start3A_520 = tpu.memref_slice %arg4[%dma_start3A_519, %multiple_of3A_500] : memref<8x1000000xi32, #tpu.memory_space<hbm>> -> memref<8x128xi32, #tpu.memory_space<hbm>>
        %dma_start3A_521 = arith.constant 0 : i32
        %dma_start3A_522 = arith.constant 0 : i32
        %dma_start3A_523 = tpu.memref_slice %arg11[%dma_start3A_514, %dma_start3A_521, %dma_start3A_522] : memref<8x8x128xi32, #tpu.memory_space<vmem>> -> memref<1x8x128xi32, #tpu.memory_space<vmem>>
        %dma_start3A_524 = tpu.memref_squeeze %dma_start3A_523 : memref<1x8x128xi32, #tpu.memory_space<vmem>> -> memref<8x128xi32, #tpu.memory_space<vmem>>
        %dma_start3A_525 = arith.constant 0 : i32
        %dma_start3A_526 = tpu.memref_slice %arg4[%dma_start3A_525, %multiple_of3A_500] : memref<8x1000000xi32, #tpu.memory_space<hbm>> -> memref<8x128xi32, #tpu.memory_space<hbm>>
        tpu.enqueue_dma source(%dma_start3A_526 : memref<8x128xi32, #tpu.memory_space<hbm>>) target(%dma_start3A_524 : memref<8x128xi32, #tpu.memory_space<vmem>>) target_semaphore(%arg14 : memref<!tpu.dma_semaphore, #tpu.memory_space<semaphore_mem>>)
        %slice3A_527 = vector.extract_strided_slice %get3A_302 {offsets = [7], sizes = [1], strides = [1]} : vector<16xi32> to vector<1xi32>
        %squeeze3A_528 = vector.extract %slice3A_527[0] : i32 from vector<1xi32>
        %and3A_529 = arith.constant -128 : i32
        %and3A_530 = arith.andi %squeeze3A_528, %and3A_529 : i32
        %multiple_of3A_531 = tpu.assume_multiple %and3A_530, 128 : i32
        %dma_start3A_532 = arith.constant 7 : i32
        %dma_start3A_533 = arith.constant 0 : i32
        %dma_start3A_534 = arith.constant 0 : i32
        %dma_start3A_535 = tpu.memref_slice %arg10[%dma_start3A_532, %dma_start3A_533, %dma_start3A_534] : memref<8x8x128xi32, #tpu.memory_space<vmem>> -> memref<1x8x128xi32, #tpu.memory_space<vmem>>
        %dma_start3A_536 = tpu.memref_squeeze %dma_start3A_535 : memref<1x8x128xi32, #tpu.memory_space<vmem>> -> memref<8x128xi32, #tpu.memory_space<vmem>>
        %dma_start3A_537 = arith.constant 0 : i32
        %dma_start3A_538 = tpu.memref_slice %arg3[%dma_start3A_537, %multiple_of3A_531] : memref<8x1000000xi32, #tpu.memory_space<hbm>> -> memref<8x128xi32, #tpu.memory_space<hbm>>
        %dma_start3A_539 = arith.constant 0 : i32
        %dma_start3A_540 = arith.constant 0 : i32
        %dma_start3A_541 = tpu.memref_slice %arg10[%dma_start3A_532, %dma_start3A_539, %dma_start3A_540] : memref<8x8x128xi32, #tpu.memory_space<vmem>> -> memref<1x8x128xi32, #tpu.memory_space<vmem>>
        %dma_start3A_542 = tpu.memref_squeeze %dma_start3A_541 : memref<1x8x128xi32, #tpu.memory_space<vmem>> -> memref<8x128xi32, #tpu.memory_space<vmem>>
        %dma_start3A_543 = arith.constant 0 : i32
        %dma_start3A_544 = tpu.memref_slice %arg3[%dma_start3A_543, %multiple_of3A_531] : memref<8x1000000xi32, #tpu.memory_space<hbm>> -> memref<8x128xi32, #tpu.memory_space<hbm>>
        tpu.enqueue_dma source(%dma_start3A_544 : memref<8x128xi32, #tpu.memory_space<hbm>>) target(%dma_start3A_542 : memref<8x128xi32, #tpu.memory_space<vmem>>) target_semaphore(%arg14 : memref<!tpu.dma_semaphore, #tpu.memory_space<semaphore_mem>>)
        %dma_start3A_545 = arith.constant 7 : i32
        %dma_start3A_546 = arith.constant 0 : i32
        %dma_start3A_547 = arith.constant 0 : i32
        %dma_start3A_548 = tpu.memref_slice %arg11[%dma_start3A_545, %dma_start3A_546, %dma_start3A_547] : memref<8x8x128xi32, #tpu.memory_space<vmem>> -> memref<1x8x128xi32, #tpu.memory_space<vmem>>
        %dma_start3A_549 = tpu.memref_squeeze %dma_start3A_548 : memref<1x8x128xi32, #tpu.memory_space<vmem>> -> memref<8x128xi32, #tpu.memory_space<vmem>>
        %dma_start3A_550 = arith.constant 0 : i32
        %dma_start3A_551 = tpu.memref_slice %arg4[%dma_start3A_550, %multiple_of3A_531] : memref<8x1000000xi32, #tpu.memory_space<hbm>> -> memref<8x128xi32, #tpu.memory_space<hbm>>
        %dma_start3A_552 = arith.constant 0 : i32
        %dma_start3A_553 = arith.constant 0 : i32
        %dma_start3A_554 = tpu.memref_slice %arg11[%dma_start3A_545, %dma_start3A_552, %dma_start3A_553] : memref<8x8x128xi32, #tpu.memory_space<vmem>> -> memref<1x8x128xi32, #tpu.memory_space<vmem>>
        %dma_start3A_555 = tpu.memref_squeeze %dma_start3A_554 : memref<1x8x128xi32, #tpu.memory_space<vmem>> -> memref<8x128xi32, #tpu.memory_space<vmem>>
        %dma_start3A_556 = arith.constant 0 : i32
        %dma_start3A_557 = tpu.memref_slice %arg4[%dma_start3A_556, %multiple_of3A_531] : memref<8x1000000xi32, #tpu.memory_space<hbm>> -> memref<8x128xi32, #tpu.memory_space<hbm>>
        tpu.enqueue_dma source(%dma_start3A_557 : memref<8x128xi32, #tpu.memory_space<hbm>>) target(%dma_start3A_555 : memref<8x128xi32, #tpu.memory_space<vmem>>) target_semaphore(%arg14 : memref<!tpu.dma_semaphore, #tpu.memory_space<semaphore_mem>>)
      } else {
      }
      %scan3A_268 = arith.constant 0 : i32
      %scan3A_269 = arith.constant 8 : i32
      %scan3A_270 = arith.addi %scan3A_268, %scan3A_269 : i32
      %scan3A_271 = arith.constant 1 : i32
      scf.for %scan3A_297 = %scan3A_268 to %scan3A_270 step %scan3A_271  : i32 {
        %mul3A_298 = arith.constant 1 : i32
        %mul3A_299 = arith.muli %scan3A_297, %mul3A_298 : i32
        %add3A_300 = arith.constant 0 : i32
        %add3A_301 = arith.addi %add3A_300, %mul3A_299 : i32
        %dma_wait3A = arith.constant 0 : i32
        %dma_wait3A_302 = arith.constant 0 : i32
        %dma_wait3A_303 = tpu.memref_slice %arg8[%add3A_301, %dma_wait3A, %dma_wait3A_302] : memref<8x8x128xi32, #tpu.memory_space<vmem>> -> memref<1x8x128xi32, #tpu.memory_space<vmem>>
        %dma_wait3A_304 = tpu.memref_squeeze %dma_wait3A_303 : memref<1x8x128xi32, #tpu.memory_space<vmem>> -> memref<8x128xi32, #tpu.memory_space<vmem>>
        %dma_wait3A_305 = arith.constant 0 : i32
        %dma_wait3A_306 = arith.constant 0 : i32
        %dma_wait3A_307 = tpu.memref_slice %arg3[%dma_wait3A_305, %dma_wait3A_306] : memref<8x1000000xi32, #tpu.memory_space<hbm>> -> memref<8x128xi32, #tpu.memory_space<hbm>>
        %dma_wait3A_308 = arith.constant 0 : i32
        %dma_wait3A_309 = arith.constant 0 : i32
        %dma_wait3A_310 = tpu.memref_slice %arg8[%add3A_301, %dma_wait3A_308, %dma_wait3A_309] : memref<8x8x128xi32, #tpu.memory_space<vmem>> -> memref<1x8x128xi32, #tpu.memory_space<vmem>>
        %dma_wait3A_311 = tpu.memref_squeeze %dma_wait3A_310 : memref<1x8x128xi32, #tpu.memory_space<vmem>> -> memref<8x128xi32, #tpu.memory_space<vmem>>
        %dma_wait3A_312 = arith.constant 0 : i32
        %dma_wait3A_313 = arith.constant 0 : i32
        %dma_wait3A_314 = tpu.memref_slice %arg3[%dma_wait3A_312, %dma_wait3A_313] : memref<8x1000000xi32, #tpu.memory_space<hbm>> -> memref<8x128xi32, #tpu.memory_space<hbm>>
        tpu.wait_dma2 semaphore(%arg13 : memref<!tpu.dma_semaphore, #tpu.memory_space<semaphore_mem>>) src(%dma_wait3A_314 : memref<8x128xi32, #tpu.memory_space<hbm>>) dst(%dma_wait3A_311 : memref<8x128xi32, #tpu.memory_space<vmem>>)
        %dma_wait3A_315 = arith.constant 0 : i32
        %dma_wait3A_316 = arith.constant 0 : i32
        %dma_wait3A_317 = tpu.memref_slice %arg9[%add3A_301, %dma_wait3A_315, %dma_wait3A_316] : memref<8x8x128xi32, #tpu.memory_space<vmem>> -> memref<1x8x128xi32, #tpu.memory_space<vmem>>
        %dma_wait3A_318 = tpu.memref_squeeze %dma_wait3A_317 : memref<1x8x128xi32, #tpu.memory_space<vmem>> -> memref<8x128xi32, #tpu.memory_space<vmem>>
        %dma_wait3A_319 = arith.constant 0 : i32
        %dma_wait3A_320 = arith.constant 0 : i32
        %dma_wait3A_321 = tpu.memref_slice %arg3[%dma_wait3A_319, %dma_wait3A_320] : memref<8x1000000xi32, #tpu.memory_space<hbm>> -> memref<8x128xi32, #tpu.memory_space<hbm>>
        %dma_wait3A_322 = arith.constant 0 : i32
        %dma_wait3A_323 = arith.constant 0 : i32
        %dma_wait3A_324 = tpu.memref_slice %arg9[%add3A_301, %dma_wait3A_322, %dma_wait3A_323] : memref<8x8x128xi32, #tpu.memory_space<vmem>> -> memref<1x8x128xi32, #tpu.memory_space<vmem>>
        %dma_wait3A_325 = tpu.memref_squeeze %dma_wait3A_324 : memref<1x8x128xi32, #tpu.memory_space<vmem>> -> memref<8x128xi32, #tpu.memory_space<vmem>>
        %dma_wait3A_326 = arith.constant 0 : i32
        %dma_wait3A_327 = arith.constant 0 : i32
        %dma_wait3A_328 = tpu.memref_slice %arg3[%dma_wait3A_326, %dma_wait3A_327] : memref<8x1000000xi32, #tpu.memory_space<hbm>> -> memref<8x128xi32, #tpu.memory_space<hbm>>
        tpu.wait_dma2 semaphore(%arg13 : memref<!tpu.dma_semaphore, #tpu.memory_space<semaphore_mem>>) src(%dma_wait3A_328 : memref<8x128xi32, #tpu.memory_space<hbm>>) dst(%dma_wait3A_325 : memref<8x128xi32, #tpu.memory_space<vmem>>)
      }
      %scan3A_272 = arith.constant 8 : i32
      %scan3A_273 = arith.constant 0 : i32
      %scan3A_274 = arith.constant 4 : i32
      %scan3A_275 = arith.addi %scan3A_273, %scan3A_274 : i32
      %scan3A_276 = arith.constant 1 : i32
      scf.for %scan3A_297 = %scan3A_273 to %scan3A_275 step %scan3A_276  : i32 {
        %mul3A_298 = arith.constant 1 : i32
        %mul3A_299 = arith.muli %scan3A_297, %mul3A_298 : i32
        %add3A_300 = arith.constant 0 : i32
        %add3A_301 = arith.addi %add3A_300, %mul3A_299 : i32
        %iota3A = tpu.iota {dimensions = array<i32: 0>} : vector<16xi32>
        %mul3A_302 = arith.constant 64 : i32
        %mul3A_303 = arith.muli %add3A_263, %mul3A_302 : i32
        %add3A_304 = vector.broadcast %mul3A_303 : i32 to vector<16xi32>
        %add3A_305 = arith.addi %iota3A, %add3A_304 : vector<16xi32>
        %mul3A_306 = arith.constant 16 : i32
        %mul3A_307 = arith.muli %add3A_301, %mul3A_306 : i32
        %add3A_308 = vector.broadcast %mul3A_307 : i32 to vector<16xi32>
        %add3A_309 = arith.addi %add3A_305, %add3A_308 : vector<16xi32>
        %shift_right_arithmetic3A = arith.constant 3 : i32
        %shift_right_arithmetic3A_310 = vector.broadcast %shift_right_arithmetic3A : i32 to vector<16xi32>
        %shift_right_arithmetic3A_311 = arith.shrsi %add3A_309, %shift_right_arithmetic3A_310 : vector<16xi32>
        %mul3A_312 = arith.constant 8 : i32
        %mul3A_313 = arith.muli %add3A_263, %mul3A_312 : i32
        %sub3A = vector.broadcast %mul3A_313 : i32 to vector<16xi32>
        %sub3A_314 = arith.subi %shift_right_arithmetic3A_311, %sub3A : vector<16xi32>
        %and3A_315 = arith.constant 7 : i32
        %and3A_316 = vector.broadcast %and3A_315 : i32 to vector<16xi32>
        %and3A_317 = arith.andi %add3A_309, %and3A_316 : vector<16xi32>
        %gather3A = tpu.vector_load_idx %arg7[%shift_right_arithmetic3A_311] : memref<144xi32, #tpu.memory_space<vmem>>[vector<16xi32>], vector<16xi32>,
        %gather3A_318 = tpu.vector_load_idx %arg8[%sub3A_314, %and3A_317, %gather3A] : memref<8x8x128xi32, #tpu.memory_space<vmem>>[vector<16xi32>, vector<16xi32>, vector<16xi32>], vector<16xi32>,
        %mul3A_319 = arith.constant 64 : i32
        %mul3A_320 = arith.muli %add3A_263, %mul3A_319 : i32
        %mul3A_321 = arith.constant 16 : i32
        %mul3A_322 = arith.muli %add3A_301, %mul3A_321 : i32
        %add3A_323 = arith.addi %mul3A_320, %mul3A_322 : i32
        %swap3A_324 = arith.index_cast %add3A_323 : i32 to index
        %swap3A_325 = tpu.vector_load %arg12[%swap3A_324] {strides = array<i32>} : memref<2080xi32, #tpu.memory_space<vmem>>, vector<16xi32>,
        tpu.vector_store %arg12[%swap3A_324], %gather3A_318 {strides = array<i32>} : memref<2080xi32, #tpu.memory_space<vmem>>, vector<16xi32>,
        %gather3A_326 = tpu.vector_load_idx %arg9[%sub3A_314, %and3A_317, %gather3A] : memref<8x8x128xi32, #tpu.memory_space<vmem>>[vector<16xi32>, vector<16xi32>, vector<16xi32>], vector<16xi32>,
        %mul3A_327 = arith.constant 64 : i32
        %mul3A_328 = arith.muli %add3A_263, %mul3A_327 : i32
        %add3A_329 = arith.constant 1024 : i32
        %add3A_330 = arith.addi %add3A_329, %mul3A_328 : i32
        %mul3A_331 = arith.constant 16 : i32
        %mul3A_332 = arith.muli %add3A_301, %mul3A_331 : i32
        %add3A_333 = arith.addi %add3A_330, %mul3A_332 : i32
        %swap3A_334 = arith.index_cast %add3A_333 : i32 to index
        %swap3A_335 = tpu.vector_load %arg12[%swap3A_334] {strides = array<i32>} : memref<2080xi32, #tpu.memory_space<vmem>>, vector<16xi32>,
        tpu.vector_store %arg12[%swap3A_334], %gather3A_326 {strides = array<i32>} : memref<2080xi32, #tpu.memory_space<vmem>>, vector<16xi32>,
      }
      %scan3A_277 = arith.constant 4 : i32
      %add3A_278 = arith.constant 1 : i32
      %add3A_279 = arith.addi %add3A_261, %add3A_278 : i32
      %add3A_280 = arith.constant 1 : i32
      %add3A_281 = arith.addi %add3A_279, %add3A_280 : i32
      %lt3A_282 = arith.constant 16 : i32
      %lt3A_283 = arith.cmpi slt, %add3A_281, %lt3A_282 : i32
      %convert_element_type3A_284 = arith.extui %lt3A_283 : i1 to i32
      %cond3A_285 = arith.constant 0 : i32
      %cond3A_286 = arith.cmpi ne, %convert_element_type3A_284, %cond3A_285 : i32
      scf.if %cond3A_286 {
        %add3A_297 = arith.constant 1 : i32
        %add3A_298 = arith.addi %add3A_279, %add3A_297 : i32
        %mul3A_299 = arith.constant 8 : i32
        %mul3A_300 = arith.muli %add3A_298, %mul3A_299 : i32
        %get3A_301 = arith.index_cast %mul3A_300 : i32 to index
        %get3A_302 = tpu.vector_load %arg6[%get3A_301] {strides = array<i32>} : memref<144xi32, #tpu.memory_space<vmem>>, vector<16xi32>,
        %and3A_303 = arith.constant 127 : i32
        %and3A_304 = vector.broadcast %and3A_303 : i32 to vector<16xi32>
        %and3A_305 = arith.andi %get3A_302, %and3A_304 : vector<16xi32>
        %mul3A_306 = arith.constant 8 : i32
        %mul3A_307 = arith.muli %add3A_298, %mul3A_306 : i32
        %swap3A_308 = arith.index_cast %mul3A_307 : i32 to index
        %swap3A_309 = tpu.vector_load %arg7[%swap3A_308] {strides = array<i32>} : memref<144xi32, #tpu.memory_space<vmem>>, vector<16xi32>,
        tpu.vector_store %arg7[%swap3A_308], %and3A_305 {strides = array<i32>} : memref<144xi32, #tpu.memory_space<vmem>>, vector<16xi32>,
        %slice3A_310 = vector.extract_strided_slice %get3A_302 {offsets = [0], sizes = [1], strides = [1]} : vector<16xi32> to vector<1xi32>
        %squeeze3A_311 = vector.extract %slice3A_310[0] : i32 from vector<1xi32>
        %and3A_312 = arith.constant -128 : i32
        %and3A_313 = arith.andi %squeeze3A_311, %and3A_312 : i32
        %multiple_of3A_314 = tpu.assume_multiple %and3A_313, 128 : i32
        %dma_start3A_315 = arith.constant 0 : i32
        %dma_start3A_316 = arith.constant 0 : i32
        %dma_start3A_317 = arith.constant 0 : i32
        %dma_start3A_318 = tpu.memref_slice %arg8[%dma_start3A_315, %dma_start3A_316, %dma_start3A_317] : memref<8x8x128xi32, #tpu.memory_space<vmem>> -> memref<1x8x128xi32, #tpu.memory_space<vmem>>
        %dma_start3A_319 = tpu.memref_squeeze %dma_start3A_318 : memref<1x8x128xi32, #tpu.memory_space<vmem>> -> memref<8x128xi32, #tpu.memory_space<vmem>>
        %dma_start3A_320 = arith.constant 0 : i32
        %dma_start3A_321 = tpu.memref_slice %arg3[%dma_start3A_320, %multiple_of3A_314] : memref<8x1000000xi32, #tpu.memory_space<hbm>> -> memref<8x128xi32, #tpu.memory_space<hbm>>
        %dma_start3A_322 = arith.constant 0 : i32
        %dma_start3A_323 = arith.constant 0 : i32
        %dma_start3A_324 = tpu.memref_slice %arg8[%dma_start3A_315, %dma_start3A_322, %dma_start3A_323] : memref<8x8x128xi32, #tpu.memory_space<vmem>> -> memref<1x8x128xi32, #tpu.memory_space<vmem>>
        %dma_start3A_325 = tpu.memref_squeeze %dma_start3A_324 : memref<1x8x128xi32, #tpu.memory_space<vmem>> -> memref<8x128xi32, #tpu.memory_space<vmem>>
        %dma_start3A_326 = arith.constant 0 : i32
        %dma_start3A_327 = tpu.memref_slice %arg3[%dma_start3A_326, %multiple_of3A_314] : memref<8x1000000xi32, #tpu.memory_space<hbm>> -> memref<8x128xi32, #tpu.memory_space<hbm>>
        tpu.enqueue_dma source(%dma_start3A_327 : memref<8x128xi32, #tpu.memory_space<hbm>>) target(%dma_start3A_325 : memref<8x128xi32, #tpu.memory_space<vmem>>) target_semaphore(%arg13 : memref<!tpu.dma_semaphore, #tpu.memory_space<semaphore_mem>>)
        %dma_start3A_328 = arith.constant 0 : i32
        %dma_start3A_329 = arith.constant 0 : i32
        %dma_start3A_330 = arith.constant 0 : i32
        %dma_start3A_331 = tpu.memref_slice %arg9[%dma_start3A_328, %dma_start3A_329, %dma_start3A_330] : memref<8x8x128xi32, #tpu.memory_space<vmem>> -> memref<1x8x128xi32, #tpu.memory_space<vmem>>
        %dma_start3A_332 = tpu.memref_squeeze %dma_start3A_331 : memref<1x8x128xi32, #tpu.memory_space<vmem>> -> memref<8x128xi32, #tpu.memory_space<vmem>>
        %dma_start3A_333 = arith.constant 0 : i32
        %dma_start3A_334 = tpu.memref_slice %arg4[%dma_start3A_333, %multiple_of3A_314] : memref<8x1000000xi32, #tpu.memory_space<hbm>> -> memref<8x128xi32, #tpu.memory_space<hbm>>
        %dma_start3A_335 = arith.constant 0 : i32
        %dma_start3A_336 = arith.constant 0 : i32
        %dma_start3A_337 = tpu.memref_slice %arg9[%dma_start3A_328, %dma_start3A_335, %dma_start3A_336] : memref<8x8x128xi32, #tpu.memory_space<vmem>> -> memref<1x8x128xi32, #tpu.memory_space<vmem>>
        %dma_start3A_338 = tpu.memref_squeeze %dma_start3A_337 : memref<1x8x128xi32, #tpu.memory_space<vmem>> -> memref<8x128xi32, #tpu.memory_space<vmem>>
        %dma_start3A_339 = arith.constant 0 : i32
        %dma_start3A_340 = tpu.memref_slice %arg4[%dma_start3A_339, %multiple_of3A_314] : memref<8x1000000xi32, #tpu.memory_space<hbm>> -> memref<8x128xi32, #tpu.memory_space<hbm>>
        tpu.enqueue_dma source(%dma_start3A_340 : memref<8x128xi32, #tpu.memory_space<hbm>>) target(%dma_start3A_338 : memref<8x128xi32, #tpu.memory_space<vmem>>) target_semaphore(%arg13 : memref<!tpu.dma_semaphore, #tpu.memory_space<semaphore_mem>>)
        %slice3A_341 = vector.extract_strided_slice %get3A_302 {offsets = [1], sizes = [1], strides = [1]} : vector<16xi32> to vector<1xi32>
        %squeeze3A_342 = vector.extract %slice3A_341[0] : i32 from vector<1xi32>
        %and3A_343 = arith.constant -128 : i32
        %and3A_344 = arith.andi %squeeze3A_342, %and3A_343 : i32
        %multiple_of3A_345 = tpu.assume_multiple %and3A_344, 128 : i32
        %dma_start3A_346 = arith.constant 1 : i32
        %dma_start3A_347 = arith.constant 0 : i32
        %dma_start3A_348 = arith.constant 0 : i32
        %dma_start3A_349 = tpu.memref_slice %arg8[%dma_start3A_346, %dma_start3A_347, %dma_start3A_348] : memref<8x8x128xi32, #tpu.memory_space<vmem>> -> memref<1x8x128xi32, #tpu.memory_space<vmem>>
        %dma_start3A_350 = tpu.memref_squeeze %dma_start3A_349 : memref<1x8x128xi32, #tpu.memory_space<vmem>> -> memref<8x128xi32, #tpu.memory_space<vmem>>
        %dma_start3A_351 = arith.constant 0 : i32
        %dma_start3A_352 = tpu.memref_slice %arg3[%dma_start3A_351, %multiple_of3A_345] : memref<8x1000000xi32, #tpu.memory_space<hbm>> -> memref<8x128xi32, #tpu.memory_space<hbm>>
        %dma_start3A_353 = arith.constant 0 : i32
        %dma_start3A_354 = arith.constant 0 : i32
        %dma_start3A_355 = tpu.memref_slice %arg8[%dma_start3A_346, %dma_start3A_353, %dma_start3A_354] : memref<8x8x128xi32, #tpu.memory_space<vmem>> -> memref<1x8x128xi32, #tpu.memory_space<vmem>>
        %dma_start3A_356 = tpu.memref_squeeze %dma_start3A_355 : memref<1x8x128xi32, #tpu.memory_space<vmem>> -> memref<8x128xi32, #tpu.memory_space<vmem>>
        %dma_start3A_357 = arith.constant 0 : i32
        %dma_start3A_358 = tpu.memref_slice %arg3[%dma_start3A_357, %multiple_of3A_345] : memref<8x1000000xi32, #tpu.memory_space<hbm>> -> memref<8x128xi32, #tpu.memory_space<hbm>>
        tpu.enqueue_dma source(%dma_start3A_358 : memref<8x128xi32, #tpu.memory_space<hbm>>) target(%dma_start3A_356 : memref<8x128xi32, #tpu.memory_space<vmem>>) target_semaphore(%arg13 : memref<!tpu.dma_semaphore, #tpu.memory_space<semaphore_mem>>)
        %dma_start3A_359 = arith.constant 1 : i32
        %dma_start3A_360 = arith.constant 0 : i32
        %dma_start3A_361 = arith.constant 0 : i32
        %dma_start3A_362 = tpu.memref_slice %arg9[%dma_start3A_359, %dma_start3A_360, %dma_start3A_361] : memref<8x8x128xi32, #tpu.memory_space<vmem>> -> memref<1x8x128xi32, #tpu.memory_space<vmem>>
        %dma_start3A_363 = tpu.memref_squeeze %dma_start3A_362 : memref<1x8x128xi32, #tpu.memory_space<vmem>> -> memref<8x128xi32, #tpu.memory_space<vmem>>
        %dma_start3A_364 = arith.constant 0 : i32
        %dma_start3A_365 = tpu.memref_slice %arg4[%dma_start3A_364, %multiple_of3A_345] : memref<8x1000000xi32, #tpu.memory_space<hbm>> -> memref<8x128xi32, #tpu.memory_space<hbm>>
        %dma_start3A_366 = arith.constant 0 : i32
        %dma_start3A_367 = arith.constant 0 : i32
        %dma_start3A_368 = tpu.memref_slice %arg9[%dma_start3A_359, %dma_start3A_366, %dma_start3A_367] : memref<8x8x128xi32, #tpu.memory_space<vmem>> -> memref<1x8x128xi32, #tpu.memory_space<vmem>>
        %dma_start3A_369 = tpu.memref_squeeze %dma_start3A_368 : memref<1x8x128xi32, #tpu.memory_space<vmem>> -> memref<8x128xi32, #tpu.memory_space<vmem>>
        %dma_start3A_370 = arith.constant 0 : i32
        %dma_start3A_371 = tpu.memref_slice %arg4[%dma_start3A_370, %multiple_of3A_345] : memref<8x1000000xi32, #tpu.memory_space<hbm>> -> memref<8x128xi32, #tpu.memory_space<hbm>>
        tpu.enqueue_dma source(%dma_start3A_371 : memref<8x128xi32, #tpu.memory_space<hbm>>) target(%dma_start3A_369 : memref<8x128xi32, #tpu.memory_space<vmem>>) target_semaphore(%arg13 : memref<!tpu.dma_semaphore, #tpu.memory_space<semaphore_mem>>)
        %slice3A_372 = vector.extract_strided_slice %get3A_302 {offsets = [2], sizes = [1], strides = [1]} : vector<16xi32> to vector<1xi32>
        %squeeze3A_373 = vector.extract %slice3A_372[0] : i32 from vector<1xi32>
        %and3A_374 = arith.constant -128 : i32
        %and3A_375 = arith.andi %squeeze3A_373, %and3A_374 : i32
        %multiple_of3A_376 = tpu.assume_multiple %and3A_375, 128 : i32
        %dma_start3A_377 = arith.constant 2 : i32
        %dma_start3A_378 = arith.constant 0 : i32
        %dma_start3A_379 = arith.constant 0 : i32
        %dma_start3A_380 = tpu.memref_slice %arg8[%dma_start3A_377, %dma_start3A_378, %dma_start3A_379] : memref<8x8x128xi32, #tpu.memory_space<vmem>> -> memref<1x8x128xi32, #tpu.memory_space<vmem>>
        %dma_start3A_381 = tpu.memref_squeeze %dma_start3A_380 : memref<1x8x128xi32, #tpu.memory_space<vmem>> -> memref<8x128xi32, #tpu.memory_space<vmem>>
        %dma_start3A_382 = arith.constant 0 : i32
        %dma_start3A_383 = tpu.memref_slice %arg3[%dma_start3A_382, %multiple_of3A_376] : memref<8x1000000xi32, #tpu.memory_space<hbm>> -> memref<8x128xi32, #tpu.memory_space<hbm>>
        %dma_start3A_384 = arith.constant 0 : i32
        %dma_start3A_385 = arith.constant 0 : i32
        %dma_start3A_386 = tpu.memref_slice %arg8[%dma_start3A_377, %dma_start3A_384, %dma_start3A_385] : memref<8x8x128xi32, #tpu.memory_space<vmem>> -> memref<1x8x128xi32, #tpu.memory_space<vmem>>
        %dma_start3A_387 = tpu.memref_squeeze %dma_start3A_386 : memref<1x8x128xi32, #tpu.memory_space<vmem>> -> memref<8x128xi32, #tpu.memory_space<vmem>>
        %dma_start3A_388 = arith.constant 0 : i32
        %dma_start3A_389 = tpu.memref_slice %arg3[%dma_start3A_388, %multiple_of3A_376] : memref<8x1000000xi32, #tpu.memory_space<hbm>> -> memref<8x128xi32, #tpu.memory_space<hbm>>
        tpu.enqueue_dma source(%dma_start3A_389 : memref<8x128xi32, #tpu.memory_space<hbm>>) target(%dma_start3A_387 : memref<8x128xi32, #tpu.memory_space<vmem>>) target_semaphore(%arg13 : memref<!tpu.dma_semaphore, #tpu.memory_space<semaphore_mem>>)
        %dma_start3A_390 = arith.constant 2 : i32
        %dma_start3A_391 = arith.constant 0 : i32
        %dma_start3A_392 = arith.constant 0 : i32
        %dma_start3A_393 = tpu.memref_slice %arg9[%dma_start3A_390, %dma_start3A_391, %dma_start3A_392] : memref<8x8x128xi32, #tpu.memory_space<vmem>> -> memref<1x8x128xi32, #tpu.memory_space<vmem>>
        %dma_start3A_394 = tpu.memref_squeeze %dma_start3A_393 : memref<1x8x128xi32, #tpu.memory_space<vmem>> -> memref<8x128xi32, #tpu.memory_space<vmem>>
        %dma_start3A_395 = arith.constant 0 : i32
        %dma_start3A_396 = tpu.memref_slice %arg4[%dma_start3A_395, %multiple_of3A_376] : memref<8x1000000xi32, #tpu.memory_space<hbm>> -> memref<8x128xi32, #tpu.memory_space<hbm>>
        %dma_start3A_397 = arith.constant 0 : i32
        %dma_start3A_398 = arith.constant 0 : i32
        %dma_start3A_399 = tpu.memref_slice %arg9[%dma_start3A_390, %dma_start3A_397, %dma_start3A_398] : memref<8x8x128xi32, #tpu.memory_space<vmem>> -> memref<1x8x128xi32, #tpu.memory_space<vmem>>
        %dma_start3A_400 = tpu.memref_squeeze %dma_start3A_399 : memref<1x8x128xi32, #tpu.memory_space<vmem>> -> memref<8x128xi32, #tpu.memory_space<vmem>>
        %dma_start3A_401 = arith.constant 0 : i32
        %dma_start3A_402 = tpu.memref_slice %arg4[%dma_start3A_401, %multiple_of3A_376] : memref<8x1000000xi32, #tpu.memory_space<hbm>> -> memref<8x128xi32, #tpu.memory_space<hbm>>
        tpu.enqueue_dma source(%dma_start3A_402 : memref<8x128xi32, #tpu.memory_space<hbm>>) target(%dma_start3A_400 : memref<8x128xi32, #tpu.memory_space<vmem>>) target_semaphore(%arg13 : memref<!tpu.dma_semaphore, #tpu.memory_space<semaphore_mem>>)
        %slice3A_403 = vector.extract_strided_slice %get3A_302 {offsets = [3], sizes = [1], strides = [1]} : vector<16xi32> to vector<1xi32>
        %squeeze3A_404 = vector.extract %slice3A_403[0] : i32 from vector<1xi32>
        %and3A_405 = arith.constant -128 : i32
        %and3A_406 = arith.andi %squeeze3A_404, %and3A_405 : i32
        %multiple_of3A_407 = tpu.assume_multiple %and3A_406, 128 : i32
        %dma_start3A_408 = arith.constant 3 : i32
        %dma_start3A_409 = arith.constant 0 : i32
        %dma_start3A_410 = arith.constant 0 : i32
        %dma_start3A_411 = tpu.memref_slice %arg8[%dma_start3A_408, %dma_start3A_409, %dma_start3A_410] : memref<8x8x128xi32, #tpu.memory_space<vmem>> -> memref<1x8x128xi32, #tpu.memory_space<vmem>>
        %dma_start3A_412 = tpu.memref_squeeze %dma_start3A_411 : memref<1x8x128xi32, #tpu.memory_space<vmem>> -> memref<8x128xi32, #tpu.memory_space<vmem>>
        %dma_start3A_413 = arith.constant 0 : i32
        %dma_start3A_414 = tpu.memref_slice %arg3[%dma_start3A_413, %multiple_of3A_407] : memref<8x1000000xi32, #tpu.memory_space<hbm>> -> memref<8x128xi32, #tpu.memory_space<hbm>>
        %dma_start3A_415 = arith.constant 0 : i32
        %dma_start3A_416 = arith.constant 0 : i32
        %dma_start3A_417 = tpu.memref_slice %arg8[%dma_start3A_408, %dma_start3A_415, %dma_start3A_416] : memref<8x8x128xi32, #tpu.memory_space<vmem>> -> memref<1x8x128xi32, #tpu.memory_space<vmem>>
        %dma_start3A_418 = tpu.memref_squeeze %dma_start3A_417 : memref<1x8x128xi32, #tpu.memory_space<vmem>> -> memref<8x128xi32, #tpu.memory_space<vmem>>
        %dma_start3A_419 = arith.constant 0 : i32
        %dma_start3A_420 = tpu.memref_slice %arg3[%dma_start3A_419, %multiple_of3A_407] : memref<8x1000000xi32, #tpu.memory_space<hbm>> -> memref<8x128xi32, #tpu.memory_space<hbm>>
        tpu.enqueue_dma source(%dma_start3A_420 : memref<8x128xi32, #tpu.memory_space<hbm>>) target(%dma_start3A_418 : memref<8x128xi32, #tpu.memory_space<vmem>>) target_semaphore(%arg13 : memref<!tpu.dma_semaphore, #tpu.memory_space<semaphore_mem>>)
        %dma_start3A_421 = arith.constant 3 : i32
        %dma_start3A_422 = arith.constant 0 : i32
        %dma_start3A_423 = arith.constant 0 : i32
        %dma_start3A_424 = tpu.memref_slice %arg9[%dma_start3A_421, %dma_start3A_422, %dma_start3A_423] : memref<8x8x128xi32, #tpu.memory_space<vmem>> -> memref<1x8x128xi32, #tpu.memory_space<vmem>>
        %dma_start3A_425 = tpu.memref_squeeze %dma_start3A_424 : memref<1x8x128xi32, #tpu.memory_space<vmem>> -> memref<8x128xi32, #tpu.memory_space<vmem>>
        %dma_start3A_426 = arith.constant 0 : i32
        %dma_start3A_427 = tpu.memref_slice %arg4[%dma_start3A_426, %multiple_of3A_407] : memref<8x1000000xi32, #tpu.memory_space<hbm>> -> memref<8x128xi32, #tpu.memory_space<hbm>>
        %dma_start3A_428 = arith.constant 0 : i32
        %dma_start3A_429 = arith.constant 0 : i32
        %dma_start3A_430 = tpu.memref_slice %arg9[%dma_start3A_421, %dma_start3A_428, %dma_start3A_429] : memref<8x8x128xi32, #tpu.memory_space<vmem>> -> memref<1x8x128xi32, #tpu.memory_space<vmem>>
        %dma_start3A_431 = tpu.memref_squeeze %dma_start3A_430 : memref<1x8x128xi32, #tpu.memory_space<vmem>> -> memref<8x128xi32, #tpu.memory_space<vmem>>
        %dma_start3A_432 = arith.constant 0 : i32
        %dma_start3A_433 = tpu.memref_slice %arg4[%dma_start3A_432, %multiple_of3A_407] : memref<8x1000000xi32, #tpu.memory_space<hbm>> -> memref<8x128xi32, #tpu.memory_space<hbm>>
        tpu.enqueue_dma source(%dma_start3A_433 : memref<8x128xi32, #tpu.memory_space<hbm>>) target(%dma_start3A_431 : memref<8x128xi32, #tpu.memory_space<vmem>>) target_semaphore(%arg13 : memref<!tpu.dma_semaphore, #tpu.memory_space<semaphore_mem>>)
        %slice3A_434 = vector.extract_strided_slice %get3A_302 {offsets = [4], sizes = [1], strides = [1]} : vector<16xi32> to vector<1xi32>
        %squeeze3A_435 = vector.extract %slice3A_434[0] : i32 from vector<1xi32>
        %and3A_436 = arith.constant -128 : i32
        %and3A_437 = arith.andi %squeeze3A_435, %and3A_436 : i32
        %multiple_of3A_438 = tpu.assume_multiple %and3A_437, 128 : i32
        %dma_start3A_439 = arith.constant 4 : i32
        %dma_start3A_440 = arith.constant 0 : i32
        %dma_start3A_441 = arith.constant 0 : i32
        %dma_start3A_442 = tpu.memref_slice %arg8[%dma_start3A_439, %dma_start3A_440, %dma_start3A_441] : memref<8x8x128xi32, #tpu.memory_space<vmem>> -> memref<1x8x128xi32, #tpu.memory_space<vmem>>
        %dma_start3A_443 = tpu.memref_squeeze %dma_start3A_442 : memref<1x8x128xi32, #tpu.memory_space<vmem>> -> memref<8x128xi32, #tpu.memory_space<vmem>>
        %dma_start3A_444 = arith.constant 0 : i32
        %dma_start3A_445 = tpu.memref_slice %arg3[%dma_start3A_444, %multiple_of3A_438] : memref<8x1000000xi32, #tpu.memory_space<hbm>> -> memref<8x128xi32, #tpu.memory_space<hbm>>
        %dma_start3A_446 = arith.constant 0 : i32
        %dma_start3A_447 = arith.constant 0 : i32
        %dma_start3A_448 = tpu.memref_slice %arg8[%dma_start3A_439, %dma_start3A_446, %dma_start3A_447] : memref<8x8x128xi32, #tpu.memory_space<vmem>> -> memref<1x8x128xi32, #tpu.memory_space<vmem>>
        %dma_start3A_449 = tpu.memref_squeeze %dma_start3A_448 : memref<1x8x128xi32, #tpu.memory_space<vmem>> -> memref<8x128xi32, #tpu.memory_space<vmem>>
        %dma_start3A_450 = arith.constant 0 : i32
        %dma_start3A_451 = tpu.memref_slice %arg3[%dma_start3A_450, %multiple_of3A_438] : memref<8x1000000xi32, #tpu.memory_space<hbm>> -> memref<8x128xi32, #tpu.memory_space<hbm>>
        tpu.enqueue_dma source(%dma_start3A_451 : memref<8x128xi32, #tpu.memory_space<hbm>>) target(%dma_start3A_449 : memref<8x128xi32, #tpu.memory_space<vmem>>) target_semaphore(%arg13 : memref<!tpu.dma_semaphore, #tpu.memory_space<semaphore_mem>>)
        %dma_start3A_452 = arith.constant 4 : i32
        %dma_start3A_453 = arith.constant 0 : i32
        %dma_start3A_454 = arith.constant 0 : i32
        %dma_start3A_455 = tpu.memref_slice %arg9[%dma_start3A_452, %dma_start3A_453, %dma_start3A_454] : memref<8x8x128xi32, #tpu.memory_space<vmem>> -> memref<1x8x128xi32, #tpu.memory_space<vmem>>
        %dma_start3A_456 = tpu.memref_squeeze %dma_start3A_455 : memref<1x8x128xi32, #tpu.memory_space<vmem>> -> memref<8x128xi32, #tpu.memory_space<vmem>>
        %dma_start3A_457 = arith.constant 0 : i32
        %dma_start3A_458 = tpu.memref_slice %arg4[%dma_start3A_457, %multiple_of3A_438] : memref<8x1000000xi32, #tpu.memory_space<hbm>> -> memref<8x128xi32, #tpu.memory_space<hbm>>
        %dma_start3A_459 = arith.constant 0 : i32
        %dma_start3A_460 = arith.constant 0 : i32
        %dma_start3A_461 = tpu.memref_slice %arg9[%dma_start3A_452, %dma_start3A_459, %dma_start3A_460] : memref<8x8x128xi32, #tpu.memory_space<vmem>> -> memref<1x8x128xi32, #tpu.memory_space<vmem>>
        %dma_start3A_462 = tpu.memref_squeeze %dma_start3A_461 : memref<1x8x128xi32, #tpu.memory_space<vmem>> -> memref<8x128xi32, #tpu.memory_space<vmem>>
        %dma_start3A_463 = arith.constant 0 : i32
        %dma_start3A_464 = tpu.memref_slice %arg4[%dma_start3A_463, %multiple_of3A_438] : memref<8x1000000xi32, #tpu.memory_space<hbm>> -> memref<8x128xi32, #tpu.memory_space<hbm>>
        tpu.enqueue_dma source(%dma_start3A_464 : memref<8x128xi32, #tpu.memory_space<hbm>>) target(%dma_start3A_462 : memref<8x128xi32, #tpu.memory_space<vmem>>) target_semaphore(%arg13 : memref<!tpu.dma_semaphore, #tpu.memory_space<semaphore_mem>>)
        %slice3A_465 = vector.extract_strided_slice %get3A_302 {offsets = [5], sizes = [1], strides = [1]} : vector<16xi32> to vector<1xi32>
        %squeeze3A_466 = vector.extract %slice3A_465[0] : i32 from vector<1xi32>
        %and3A_467 = arith.constant -128 : i32
        %and3A_468 = arith.andi %squeeze3A_466, %and3A_467 : i32
        %multiple_of3A_469 = tpu.assume_multiple %and3A_468, 128 : i32
        %dma_start3A_470 = arith.constant 5 : i32
        %dma_start3A_471 = arith.constant 0 : i32
        %dma_start3A_472 = arith.constant 0 : i32
        %dma_start3A_473 = tpu.memref_slice %arg8[%dma_start3A_470, %dma_start3A_471, %dma_start3A_472] : memref<8x8x128xi32, #tpu.memory_space<vmem>> -> memref<1x8x128xi32, #tpu.memory_space<vmem>>
        %dma_start3A_474 = tpu.memref_squeeze %dma_start3A_473 : memref<1x8x128xi32, #tpu.memory_space<vmem>> -> memref<8x128xi32, #tpu.memory_space<vmem>>
        %dma_start3A_475 = arith.constant 0 : i32
        %dma_start3A_476 = tpu.memref_slice %arg3[%dma_start3A_475, %multiple_of3A_469] : memref<8x1000000xi32, #tpu.memory_space<hbm>> -> memref<8x128xi32, #tpu.memory_space<hbm>>
        %dma_start3A_477 = arith.constant 0 : i32
        %dma_start3A_478 = arith.constant 0 : i32
        %dma_start3A_479 = tpu.memref_slice %arg8[%dma_start3A_470, %dma_start3A_477, %dma_start3A_478] : memref<8x8x128xi32, #tpu.memory_space<vmem>> -> memref<1x8x128xi32, #tpu.memory_space<vmem>>
        %dma_start3A_480 = tpu.memref_squeeze %dma_start3A_479 : memref<1x8x128xi32, #tpu.memory_space<vmem>> -> memref<8x128xi32, #tpu.memory_space<vmem>>
        %dma_start3A_481 = arith.constant 0 : i32
        %dma_start3A_482 = tpu.memref_slice %arg3[%dma_start3A_481, %multiple_of3A_469] : memref<8x1000000xi32, #tpu.memory_space<hbm>> -> memref<8x128xi32, #tpu.memory_space<hbm>>
        tpu.enqueue_dma source(%dma_start3A_482 : memref<8x128xi32, #tpu.memory_space<hbm>>) target(%dma_start3A_480 : memref<8x128xi32, #tpu.memory_space<vmem>>) target_semaphore(%arg13 : memref<!tpu.dma_semaphore, #tpu.memory_space<semaphore_mem>>)
        %dma_start3A_483 = arith.constant 5 : i32
        %dma_start3A_484 = arith.constant 0 : i32
        %dma_start3A_485 = arith.constant 0 : i32
        %dma_start3A_486 = tpu.memref_slice %arg9[%dma_start3A_483, %dma_start3A_484, %dma_start3A_485] : memref<8x8x128xi32, #tpu.memory_space<vmem>> -> memref<1x8x128xi32, #tpu.memory_space<vmem>>
        %dma_start3A_487 = tpu.memref_squeeze %dma_start3A_486 : memref<1x8x128xi32, #tpu.memory_space<vmem>> -> memref<8x128xi32, #tpu.memory_space<vmem>>
        %dma_start3A_488 = arith.constant 0 : i32
        %dma_start3A_489 = tpu.memref_slice %arg4[%dma_start3A_488, %multiple_of3A_469] : memref<8x1000000xi32, #tpu.memory_space<hbm>> -> memref<8x128xi32, #tpu.memory_space<hbm>>
        %dma_start3A_490 = arith.constant 0 : i32
        %dma_start3A_491 = arith.constant 0 : i32
        %dma_start3A_492 = tpu.memref_slice %arg9[%dma_start3A_483, %dma_start3A_490, %dma_start3A_491] : memref<8x8x128xi32, #tpu.memory_space<vmem>> -> memref<1x8x128xi32, #tpu.memory_space<vmem>>
        %dma_start3A_493 = tpu.memref_squeeze %dma_start3A_492 : memref<1x8x128xi32, #tpu.memory_space<vmem>> -> memref<8x128xi32, #tpu.memory_space<vmem>>
        %dma_start3A_494 = arith.constant 0 : i32
        %dma_start3A_495 = tpu.memref_slice %arg4[%dma_start3A_494, %multiple_of3A_469] : memref<8x1000000xi32, #tpu.memory_space<hbm>> -> memref<8x128xi32, #tpu.memory_space<hbm>>
        tpu.enqueue_dma source(%dma_start3A_495 : memref<8x128xi32, #tpu.memory_space<hbm>>) target(%dma_start3A_493 : memref<8x128xi32, #tpu.memory_space<vmem>>) target_semaphore(%arg13 : memref<!tpu.dma_semaphore, #tpu.memory_space<semaphore_mem>>)
        %slice3A_496 = vector.extract_strided_slice %get3A_302 {offsets = [6], sizes = [1], strides = [1]} : vector<16xi32> to vector<1xi32>
        %squeeze3A_497 = vector.extract %slice3A_496[0] : i32 from vector<1xi32>
        %and3A_498 = arith.constant -128 : i32
        %and3A_499 = arith.andi %squeeze3A_497, %and3A_498 : i32
        %multiple_of3A_500 = tpu.assume_multiple %and3A_499, 128 : i32
        %dma_start3A_501 = arith.constant 6 : i32
        %dma_start3A_502 = arith.constant 0 : i32
        %dma_start3A_503 = arith.constant 0 : i32
        %dma_start3A_504 = tpu.memref_slice %arg8[%dma_start3A_501, %dma_start3A_502, %dma_start3A_503] : memref<8x8x128xi32, #tpu.memory_space<vmem>> -> memref<1x8x128xi32, #tpu.memory_space<vmem>>
        %dma_start3A_505 = tpu.memref_squeeze %dma_start3A_504 : memref<1x8x128xi32, #tpu.memory_space<vmem>> -> memref<8x128xi32, #tpu.memory_space<vmem>>
        %dma_start3A_506 = arith.constant 0 : i32
        %dma_start3A_507 = tpu.memref_slice %arg3[%dma_start3A_506, %multiple_of3A_500] : memref<8x1000000xi32, #tpu.memory_space<hbm>> -> memref<8x128xi32, #tpu.memory_space<hbm>>
        %dma_start3A_508 = arith.constant 0 : i32
        %dma_start3A_509 = arith.constant 0 : i32
        %dma_start3A_510 = tpu.memref_slice %arg8[%dma_start3A_501, %dma_start3A_508, %dma_start3A_509] : memref<8x8x128xi32, #tpu.memory_space<vmem>> -> memref<1x8x128xi32, #tpu.memory_space<vmem>>
        %dma_start3A_511 = tpu.memref_squeeze %dma_start3A_510 : memref<1x8x128xi32, #tpu.memory_space<vmem>> -> memref<8x128xi32, #tpu.memory_space<vmem>>
        %dma_start3A_512 = arith.constant 0 : i32
        %dma_start3A_513 = tpu.memref_slice %arg3[%dma_start3A_512, %multiple_of3A_500] : memref<8x1000000xi32, #tpu.memory_space<hbm>> -> memref<8x128xi32, #tpu.memory_space<hbm>>
        tpu.enqueue_dma source(%dma_start3A_513 : memref<8x128xi32, #tpu.memory_space<hbm>>) target(%dma_start3A_511 : memref<8x128xi32, #tpu.memory_space<vmem>>) target_semaphore(%arg13 : memref<!tpu.dma_semaphore, #tpu.memory_space<semaphore_mem>>)
        %dma_start3A_514 = arith.constant 6 : i32
        %dma_start3A_515 = arith.constant 0 : i32
        %dma_start3A_516 = arith.constant 0 : i32
        %dma_start3A_517 = tpu.memref_slice %arg9[%dma_start3A_514, %dma_start3A_515, %dma_start3A_516] : memref<8x8x128xi32, #tpu.memory_space<vmem>> -> memref<1x8x128xi32, #tpu.memory_space<vmem>>
        %dma_start3A_518 = tpu.memref_squeeze %dma_start3A_517 : memref<1x8x128xi32, #tpu.memory_space<vmem>> -> memref<8x128xi32, #tpu.memory_space<vmem>>
        %dma_start3A_519 = arith.constant 0 : i32
        %dma_start3A_520 = tpu.memref_slice %arg4[%dma_start3A_519, %multiple_of3A_500] : memref<8x1000000xi32, #tpu.memory_space<hbm>> -> memref<8x128xi32, #tpu.memory_space<hbm>>
        %dma_start3A_521 = arith.constant 0 : i32
        %dma_start3A_522 = arith.constant 0 : i32
        %dma_start3A_523 = tpu.memref_slice %arg9[%dma_start3A_514, %dma_start3A_521, %dma_start3A_522] : memref<8x8x128xi32, #tpu.memory_space<vmem>> -> memref<1x8x128xi32, #tpu.memory_space<vmem>>
        %dma_start3A_524 = tpu.memref_squeeze %dma_start3A_523 : memref<1x8x128xi32, #tpu.memory_space<vmem>> -> memref<8x128xi32, #tpu.memory_space<vmem>>
        %dma_start3A_525 = arith.constant 0 : i32
        %dma_start3A_526 = tpu.memref_slice %arg4[%dma_start3A_525, %multiple_of3A_500] : memref<8x1000000xi32, #tpu.memory_space<hbm>> -> memref<8x128xi32, #tpu.memory_space<hbm>>
        tpu.enqueue_dma source(%dma_start3A_526 : memref<8x128xi32, #tpu.memory_space<hbm>>) target(%dma_start3A_524 : memref<8x128xi32, #tpu.memory_space<vmem>>) target_semaphore(%arg13 : memref<!tpu.dma_semaphore, #tpu.memory_space<semaphore_mem>>)
        %slice3A_527 = vector.extract_strided_slice %get3A_302 {offsets = [7], sizes = [1], strides = [1]} : vector<16xi32> to vector<1xi32>
        %squeeze3A_528 = vector.extract %slice3A_527[0] : i32 from vector<1xi32>
        %and3A_529 = arith.constant -128 : i32
        %and3A_530 = arith.andi %squeeze3A_528, %and3A_529 : i32
        %multiple_of3A_531 = tpu.assume_multiple %and3A_530, 128 : i32
        %dma_start3A_532 = arith.constant 7 : i32
        %dma_start3A_533 = arith.constant 0 : i32
        %dma_start3A_534 = arith.constant 0 : i32
        %dma_start3A_535 = tpu.memref_slice %arg8[%dma_start3A_532, %dma_start3A_533, %dma_start3A_534] : memref<8x8x128xi32, #tpu.memory_space<vmem>> -> memref<1x8x128xi32, #tpu.memory_space<vmem>>
        %dma_start3A_536 = tpu.memref_squeeze %dma_start3A_535 : memref<1x8x128xi32, #tpu.memory_space<vmem>> -> memref<8x128xi32, #tpu.memory_space<vmem>>
        %dma_start3A_537 = arith.constant 0 : i32
        %dma_start3A_538 = tpu.memref_slice %arg3[%dma_start3A_537, %multiple_of3A_531] : memref<8x1000000xi32, #tpu.memory_space<hbm>> -> memref<8x128xi32, #tpu.memory_space<hbm>>
        %dma_start3A_539 = arith.constant 0 : i32
        %dma_start3A_540 = arith.constant 0 : i32
        %dma_start3A_541 = tpu.memref_slice %arg8[%dma_start3A_532, %dma_start3A_539, %dma_start3A_540] : memref<8x8x128xi32, #tpu.memory_space<vmem>> -> memref<1x8x128xi32, #tpu.memory_space<vmem>>
        %dma_start3A_542 = tpu.memref_squeeze %dma_start3A_541 : memref<1x8x128xi32, #tpu.memory_space<vmem>> -> memref<8x128xi32, #tpu.memory_space<vmem>>
        %dma_start3A_543 = arith.constant 0 : i32
        %dma_start3A_544 = tpu.memref_slice %arg3[%dma_start3A_543, %multiple_of3A_531] : memref<8x1000000xi32, #tpu.memory_space<hbm>> -> memref<8x128xi32, #tpu.memory_space<hbm>>
        tpu.enqueue_dma source(%dma_start3A_544 : memref<8x128xi32, #tpu.memory_space<hbm>>) target(%dma_start3A_542 : memref<8x128xi32, #tpu.memory_space<vmem>>) target_semaphore(%arg13 : memref<!tpu.dma_semaphore, #tpu.memory_space<semaphore_mem>>)
        %dma_start3A_545 = arith.constant 7 : i32
        %dma_start3A_546 = arith.constant 0 : i32
        %dma_start3A_547 = arith.constant 0 : i32
        %dma_start3A_548 = tpu.memref_slice %arg9[%dma_start3A_545, %dma_start3A_546, %dma_start3A_547] : memref<8x8x128xi32, #tpu.memory_space<vmem>> -> memref<1x8x128xi32, #tpu.memory_space<vmem>>
        %dma_start3A_549 = tpu.memref_squeeze %dma_start3A_548 : memref<1x8x128xi32, #tpu.memory_space<vmem>> -> memref<8x128xi32, #tpu.memory_space<vmem>>
        %dma_start3A_550 = arith.constant 0 : i32
        %dma_start3A_551 = tpu.memref_slice %arg4[%dma_start3A_550, %multiple_of3A_531] : memref<8x1000000xi32, #tpu.memory_space<hbm>> -> memref<8x128xi32, #tpu.memory_space<hbm>>
        %dma_start3A_552 = arith.constant 0 : i32
        %dma_start3A_553 = arith.constant 0 : i32
        %dma_start3A_554 = tpu.memref_slice %arg9[%dma_start3A_545, %dma_start3A_552, %dma_start3A_553] : memref<8x8x128xi32, #tpu.memory_space<vmem>> -> memref<1x8x128xi32, #tpu.memory_space<vmem>>
        %dma_start3A_555 = tpu.memref_squeeze %dma_start3A_554 : memref<1x8x128xi32, #tpu.memory_space<vmem>> -> memref<8x128xi32, #tpu.memory_space<vmem>>
        %dma_start3A_556 = arith.constant 0 : i32
        %dma_start3A_557 = tpu.memref_slice %arg4[%dma_start3A_556, %multiple_of3A_531] : memref<8x1000000xi32, #tpu.memory_space<hbm>> -> memref<8x128xi32, #tpu.memory_space<hbm>>
        tpu.enqueue_dma source(%dma_start3A_557 : memref<8x128xi32, #tpu.memory_space<hbm>>) target(%dma_start3A_555 : memref<8x128xi32, #tpu.memory_space<vmem>>) target_semaphore(%arg13 : memref<!tpu.dma_semaphore, #tpu.memory_space<semaphore_mem>>)
      } else {
      }
      %scan3A_287 = arith.constant 0 : i32
      %scan3A_288 = arith.constant 8 : i32
      %scan3A_289 = arith.addi %scan3A_287, %scan3A_288 : i32
      %scan3A_290 = arith.constant 1 : i32
      scf.for %scan3A_297 = %scan3A_287 to %scan3A_289 step %scan3A_290  : i32 {
        %mul3A_298 = arith.constant 1 : i32
        %mul3A_299 = arith.muli %scan3A_297, %mul3A_298 : i32
        %add3A_300 = arith.constant 0 : i32
        %add3A_301 = arith.addi %add3A_300, %mul3A_299 : i32
        %dma_wait3A = arith.constant 0 : i32
        %dma_wait3A_302 = arith.constant 0 : i32
        %dma_wait3A_303 = tpu.memref_slice %arg10[%add3A_301, %dma_wait3A, %dma_wait3A_302] : memref<8x8x128xi32, #tpu.memory_space<vmem>> -> memref<1x8x128xi32, #tpu.memory_space<vmem>>
        %dma_wait3A_304 = tpu.memref_squeeze %dma_wait3A_303 : memref<1x8x128xi32, #tpu.memory_space<vmem>> -> memref<8x128xi32, #tpu.memory_space<vmem>>
        %dma_wait3A_305 = arith.constant 0 : i32
        %dma_wait3A_306 = arith.constant 0 : i32
        %dma_wait3A_307 = tpu.memref_slice %arg3[%dma_wait3A_305, %dma_wait3A_306] : memref<8x1000000xi32, #tpu.memory_space<hbm>> -> memref<8x128xi32, #tpu.memory_space<hbm>>
        %dma_wait3A_308 = arith.constant 0 : i32
        %dma_wait3A_309 = arith.constant 0 : i32
        %dma_wait3A_310 = tpu.memref_slice %arg10[%add3A_301, %dma_wait3A_308, %dma_wait3A_309] : memref<8x8x128xi32, #tpu.memory_space<vmem>> -> memref<1x8x128xi32, #tpu.memory_space<vmem>>
        %dma_wait3A_311 = tpu.memref_squeeze %dma_wait3A_310 : memref<1x8x128xi32, #tpu.memory_space<vmem>> -> memref<8x128xi32, #tpu.memory_space<vmem>>
        %dma_wait3A_312 = arith.constant 0 : i32
        %dma_wait3A_313 = arith.constant 0 : i32
        %dma_wait3A_314 = tpu.memref_slice %arg3[%dma_wait3A_312, %dma_wait3A_313] : memref<8x1000000xi32, #tpu.memory_space<hbm>> -> memref<8x128xi32, #tpu.memory_space<hbm>>
        tpu.wait_dma2 semaphore(%arg14 : memref<!tpu.dma_semaphore, #tpu.memory_space<semaphore_mem>>) src(%dma_wait3A_314 : memref<8x128xi32, #tpu.memory_space<hbm>>) dst(%dma_wait3A_311 : memref<8x128xi32, #tpu.memory_space<vmem>>)
        %dma_wait3A_315 = arith.constant 0 : i32
        %dma_wait3A_316 = arith.constant 0 : i32
        %dma_wait3A_317 = tpu.memref_slice %arg11[%add3A_301, %dma_wait3A_315, %dma_wait3A_316] : memref<8x8x128xi32, #tpu.memory_space<vmem>> -> memref<1x8x128xi32, #tpu.memory_space<vmem>>
        %dma_wait3A_318 = tpu.memref_squeeze %dma_wait3A_317 : memref<1x8x128xi32, #tpu.memory_space<vmem>> -> memref<8x128xi32, #tpu.memory_space<vmem>>
        %dma_wait3A_319 = arith.constant 0 : i32
        %dma_wait3A_320 = arith.constant 0 : i32
        %dma_wait3A_321 = tpu.memref_slice %arg3[%dma_wait3A_319, %dma_wait3A_320] : memref<8x1000000xi32, #tpu.memory_space<hbm>> -> memref<8x128xi32, #tpu.memory_space<hbm>>
        %dma_wait3A_322 = arith.constant 0 : i32
        %dma_wait3A_323 = arith.constant 0 : i32
        %dma_wait3A_324 = tpu.memref_slice %arg11[%add3A_301, %dma_wait3A_322, %dma_wait3A_323] : memref<8x8x128xi32, #tpu.memory_space<vmem>> -> memref<1x8x128xi32, #tpu.memory_space<vmem>>
        %dma_wait3A_325 = tpu.memref_squeeze %dma_wait3A_324 : memref<1x8x128xi32, #tpu.memory_space<vmem>> -> memref<8x128xi32, #tpu.memory_space<vmem>>
        %dma_wait3A_326 = arith.constant 0 : i32
        %dma_wait3A_327 = arith.constant 0 : i32
        %dma_wait3A_328 = tpu.memref_slice %arg3[%dma_wait3A_326, %dma_wait3A_327] : memref<8x1000000xi32, #tpu.memory_space<hbm>> -> memref<8x128xi32, #tpu.memory_space<hbm>>
        tpu.wait_dma2 semaphore(%arg14 : memref<!tpu.dma_semaphore, #tpu.memory_space<semaphore_mem>>) src(%dma_wait3A_328 : memref<8x128xi32, #tpu.memory_space<hbm>>) dst(%dma_wait3A_325 : memref<8x128xi32, #tpu.memory_space<vmem>>)
      }
      %scan3A_291 = arith.constant 8 : i32
      %scan3A_292 = arith.constant 0 : i32
      %scan3A_293 = arith.constant 4 : i32
      %scan3A_294 = arith.addi %scan3A_292, %scan3A_293 : i32
      %scan3A_295 = arith.constant 1 : i32
      scf.for %scan3A_297 = %scan3A_292 to %scan3A_294 step %scan3A_295  : i32 {
        %mul3A_298 = arith.constant 1 : i32
        %mul3A_299 = arith.muli %scan3A_297, %mul3A_298 : i32
        %add3A_300 = arith.constant 0 : i32
        %add3A_301 = arith.addi %add3A_300, %mul3A_299 : i32
        %iota3A = tpu.iota {dimensions = array<i32: 0>} : vector<16xi32>
        %mul3A_302 = arith.constant 64 : i32
        %mul3A_303 = arith.muli %add3A_279, %mul3A_302 : i32
        %add3A_304 = vector.broadcast %mul3A_303 : i32 to vector<16xi32>
        %add3A_305 = arith.addi %iota3A, %add3A_304 : vector<16xi32>
        %mul3A_306 = arith.constant 16 : i32
        %mul3A_307 = arith.muli %add3A_301, %mul3A_306 : i32
        %add3A_308 = vector.broadcast %mul3A_307 : i32 to vector<16xi32>
        %add3A_309 = arith.addi %add3A_305, %add3A_308 : vector<16xi32>
        %shift_right_arithmetic3A = arith.constant 3 : i32
        %shift_right_arithmetic3A_310 = vector.broadcast %shift_right_arithmetic3A : i32 to vector<16xi32>
        %shift_right_arithmetic3A_311 = arith.shrsi %add3A_309, %shift_right_arithmetic3A_310 : vector<16xi32>
        %mul3A_312 = arith.constant 8 : i32
        %mul3A_313 = arith.muli %add3A_279, %mul3A_312 : i32
        %sub3A = vector.broadcast %mul3A_313 : i32 to vector<16xi32>
        %sub3A_314 = arith.subi %shift_right_arithmetic3A_311, %sub3A : vector<16xi32>
        %and3A_315 = arith.constant 7 : i32
        %and3A_316 = vector.broadcast %and3A_315 : i32 to vector<16xi32>
        %and3A_317 = arith.andi %add3A_309, %and3A_316 : vector<16xi32>
        %gather3A = tpu.vector_load_idx %arg7[%shift_right_arithmetic3A_311] : memref<144xi32, #tpu.memory_space<vmem>>[vector<16xi32>], vector<16xi32>,
        %gather3A_318 = tpu.vector_load_idx %arg10[%sub3A_314, %and3A_317, %gather3A] : memref<8x8x128xi32, #tpu.memory_space<vmem>>[vector<16xi32>, vector<16xi32>, vector<16xi32>], vector<16xi32>,
        %mul3A_319 = arith.constant 64 : i32
        %mul3A_320 = arith.muli %add3A_279, %mul3A_319 : i32
        %mul3A_321 = arith.constant 16 : i32
        %mul3A_322 = arith.muli %add3A_301, %mul3A_321 : i32
        %add3A_323 = arith.addi %mul3A_320, %mul3A_322 : i32
        %swap3A_324 = arith.index_cast %add3A_323 : i32 to index
        %swap3A_325 = tpu.vector_load %arg12[%swap3A_324] {strides = array<i32>} : memref<2080xi32, #tpu.memory_space<vmem>>, vector<16xi32>,
        tpu.vector_store %arg12[%swap3A_324], %gather3A_318 {strides = array<i32>} : memref<2080xi32, #tpu.memory_space<vmem>>, vector<16xi32>,
        %gather3A_326 = tpu.vector_load_idx %arg11[%sub3A_314, %and3A_317, %gather3A] : memref<8x8x128xi32, #tpu.memory_space<vmem>>[vector<16xi32>, vector<16xi32>, vector<16xi32>], vector<16xi32>,
        %mul3A_327 = arith.constant 64 : i32
        %mul3A_328 = arith.muli %add3A_279, %mul3A_327 : i32
        %add3A_329 = arith.constant 1024 : i32
        %add3A_330 = arith.addi %add3A_329, %mul3A_328 : i32
        %mul3A_331 = arith.constant 16 : i32
        %mul3A_332 = arith.muli %add3A_301, %mul3A_331 : i32
        %add3A_333 = arith.addi %add3A_330, %mul3A_332 : i32
        %swap3A_334 = arith.index_cast %add3A_333 : i32 to index
        %swap3A_335 = tpu.vector_load %arg12[%swap3A_334] {strides = array<i32>} : memref<2080xi32, #tpu.memory_space<vmem>>, vector<16xi32>,
        tpu.vector_store %arg12[%swap3A_334], %gather3A_326 {strides = array<i32>} : memref<2080xi32, #tpu.memory_space<vmem>>, vector<16xi32>,
      }
      %scan3A_296 = arith.constant 4 : i32
    }
    %scan3A_254 = arith.constant 8 : i32
    %mul3A_255 = arith.constant 2080 : i32
    %mul3A_256 = arith.muli %add3A, %mul3A_255 : i32
    "tpu.region"() ({
      %run_scoped3A = tpu.sem_alloc : memref<!tpu.dma_semaphore, #tpu.memory_space<semaphore_mem>>
      %dma_start3A_257 = tpu.memref_slice %arg5[%mul3A_256] : memref<66560xi32, #tpu.memory_space<hbm>> -> memref<2080xi32, #tpu.memory_space<hbm>>
      %dma_start3A_258 = tpu.memref_slice %arg5[%mul3A_256] : memref<66560xi32, #tpu.memory_space<hbm>> -> memref<2080xi32, #tpu.memory_space<hbm>>
      tpu.enqueue_dma source(%arg12 : memref<2080xi32, #tpu.memory_space<vmem>>) target(%dma_start3A_258 : memref<2080xi32, #tpu.memory_space<hbm>>) target_semaphore(%run_scoped3A : memref<!tpu.dma_semaphore, #tpu.memory_space<semaphore_mem>>)
      %dma_wait3A = tpu.memref_slice %arg5[%mul3A_256] : memref<66560xi32, #tpu.memory_space<hbm>> -> memref<2080xi32, #tpu.memory_space<hbm>>
      %dma_wait3A_259 = tpu.memref_slice %arg5[%mul3A_256] : memref<66560xi32, #tpu.memory_space<hbm>> -> memref<2080xi32, #tpu.memory_space<hbm>>
      tpu.wait_dma2 semaphore(%run_scoped3A : memref<!tpu.dma_semaphore, #tpu.memory_space<semaphore_mem>>) src(%arg12 : memref<2080xi32, #tpu.memory_space<vmem>>) dst(%dma_wait3A_259 : memref<2080xi32, #tpu.memory_space<hbm>>)
      tpu.yield
    }) : () -> ()
    return
  }
}

#map = affine_map<(d0, d1) -> (0)>
#map1 = affine_map<(d0, d1) -> (0, 0)>
#map2 = affine_map<(d0, d1) -> (0, 0, 0)>
module attributes {stable_mosaic.version = 14 : i64} {
  func.func @_pool_body(%arg0: i32, %arg1: i32, %arg2: memref<66560xi32, #tpu.memory_space<hbm>>, %arg3: memref<100000x64xf32, #tpu.memory_space<hbm>>, %arg4: memref<32x128x128xf32, #tpu.memory_space<hbm>>, %arg5: memref<2080xi32, #tpu.memory_space<vmem>>, %arg6: memref<128x64xf32, #tpu.memory_space<vmem>>, %arg7: memref<128x64xf32, #tpu.memory_space<vmem>>, %arg8: memref<128x128xf32, #tpu.memory_space<vmem>>, %arg9: memref<64xf32, #tpu.memory_space<vmem>>, %arg10: memref<!tpu.dma_semaphore, #tpu.memory_space<semaphore_mem>>, %arg11: memref<!tpu.dma_semaphore, #tpu.memory_space<semaphore_mem>>) attributes {dimension_semantics = [#tpu.dimension_semantics<core_parallel>, #tpu.dimension_semantics<subcore_parallel>], iteration_bounds = array<i64: 2, 16>, scalar_prefetch = 0 : i64, scratch_operands = 7 : i64, tpu.core_type = #tpu.core_type<sc_vector_subcore>, window_params = [{transform_indices = #map}, {transform_indices = #map1}, {transform_indices = #map2}]} {
    %mul3A = arith.constant 2 : i32
    %mul3A_0 = arith.muli %arg1, %mul3A : i32
    %add3A = arith.addi %mul3A_0, %arg0 : i32
    %mul3A_1 = arith.constant 2080 : i32
    %mul3A_2 = arith.muli %add3A, %mul3A_1 : i32
    "tpu.region"() ({
      %run_scoped3A_19 = tpu.sem_alloc : memref<!tpu.dma_semaphore, #tpu.memory_space<semaphore_mem>>
      %dma_start3A = tpu.memref_slice %arg2[%mul3A_2] : memref<66560xi32, #tpu.memory_space<hbm>> -> memref<2080xi32, #tpu.memory_space<hbm>>
      %dma_start3A_20 = tpu.memref_slice %arg2[%mul3A_2] : memref<66560xi32, #tpu.memory_space<hbm>> -> memref<2080xi32, #tpu.memory_space<hbm>>
      tpu.enqueue_dma source(%dma_start3A_20 : memref<2080xi32, #tpu.memory_space<hbm>>) target(%arg5 : memref<2080xi32, #tpu.memory_space<vmem>>) target_semaphore(%run_scoped3A_19 : memref<!tpu.dma_semaphore, #tpu.memory_space<semaphore_mem>>)
      %dma_wait3A = tpu.memref_slice %arg2[%mul3A_2] : memref<66560xi32, #tpu.memory_space<hbm>> -> memref<2080xi32, #tpu.memory_space<hbm>>
      %dma_wait3A_21 = tpu.memref_slice %arg2[%mul3A_2] : memref<66560xi32, #tpu.memory_space<hbm>> -> memref<2080xi32, #tpu.memory_space<hbm>>
      tpu.wait_dma2 semaphore(%run_scoped3A_19 : memref<!tpu.dma_semaphore, #tpu.memory_space<semaphore_mem>>) src(%dma_wait3A_21 : memref<2080xi32, #tpu.memory_space<hbm>>) dst(%arg5 : memref<2080xi32, #tpu.memory_space<vmem>>)
      tpu.yield
    }) : () -> ()
    %run_scoped3A = arith.constant 0 : i32
    "tpu.region"() ({
      %run_scoped3A_19 = tpu.sem_alloc : memref<!tpu.dma_semaphore, #tpu.memory_space<semaphore_mem>>
      %dma_start3A = arith.constant 0 : i32
      %dma_start3A_20 = tpu.memref_slice %arg3[%run_scoped3A, %dma_start3A] : memref<100000x64xf32, #tpu.memory_space<hbm>> -> memref<1x64xf32, #tpu.memory_space<hbm>>
      %dma_start3A_21 = tpu.memref_squeeze %dma_start3A_20 : memref<1x64xf32, #tpu.memory_space<hbm>> -> memref<64xf32, #tpu.memory_space<hbm>>
      %dma_start3A_22 = arith.constant 0 : i32
      %dma_start3A_23 = tpu.memref_slice %arg3[%run_scoped3A, %dma_start3A_22] : memref<100000x64xf32, #tpu.memory_space<hbm>> -> memref<1x64xf32, #tpu.memory_space<hbm>>
      %dma_start3A_24 = tpu.memref_squeeze %dma_start3A_23 : memref<1x64xf32, #tpu.memory_space<hbm>> -> memref<64xf32, #tpu.memory_space<hbm>>
      tpu.enqueue_dma source(%dma_start3A_24 : memref<64xf32, #tpu.memory_space<hbm>>) target(%arg9 : memref<64xf32, #tpu.memory_space<vmem>>) target_semaphore(%run_scoped3A_19 : memref<!tpu.dma_semaphore, #tpu.memory_space<semaphore_mem>>)
      %dma_wait3A = arith.constant 0 : i32
      %dma_wait3A_25 = tpu.memref_slice %arg3[%run_scoped3A, %dma_wait3A] : memref<100000x64xf32, #tpu.memory_space<hbm>> -> memref<1x64xf32, #tpu.memory_space<hbm>>
      %dma_wait3A_26 = tpu.memref_squeeze %dma_wait3A_25 : memref<1x64xf32, #tpu.memory_space<hbm>> -> memref<64xf32, #tpu.memory_space<hbm>>
      %dma_wait3A_27 = arith.constant 0 : i32
      %dma_wait3A_28 = tpu.memref_slice %arg3[%run_scoped3A, %dma_wait3A_27] : memref<100000x64xf32, #tpu.memory_space<hbm>> -> memref<1x64xf32, #tpu.memory_space<hbm>>
      %dma_wait3A_29 = tpu.memref_squeeze %dma_wait3A_28 : memref<1x64xf32, #tpu.memory_space<hbm>> -> memref<64xf32, #tpu.memory_space<hbm>>
      tpu.wait_dma2 semaphore(%run_scoped3A_19 : memref<!tpu.dma_semaphore, #tpu.memory_space<semaphore_mem>>) src(%dma_wait3A_29 : memref<64xf32, #tpu.memory_space<hbm>>) dst(%arg9 : memref<64xf32, #tpu.memory_space<vmem>>)
      tpu.yield
    }) : () -> ()
    %get3A = arith.constant 0 : index
    %get3A_3 = tpu.vector_load %arg9[%get3A] {strides = array<i32>} : memref<64xf32, #tpu.memory_space<vmem>>, vector<16xf32>,
    %get3A_4 = arith.constant 16 : index
    %get3A_5 = tpu.vector_load %arg9[%get3A_4] {strides = array<i32>} : memref<64xf32, #tpu.memory_space<vmem>>, vector<16xf32>,
    %get3A_6 = arith.constant 32 : index
    %get3A_7 = tpu.vector_load %arg9[%get3A_6] {strides = array<i32>} : memref<64xf32, #tpu.memory_space<vmem>>, vector<16xf32>,
    %get3A_8 = arith.constant 48 : index
    %get3A_9 = tpu.vector_load %arg9[%get3A_8] {strides = array<i32>} : memref<64xf32, #tpu.memory_space<vmem>>, vector<16xf32>,
    %scan3A = arith.constant 0 : i32
    %scan3A_10 = arith.constant 8 : i32
    %scan3A_11 = arith.addi %scan3A, %scan3A_10 : i32
    %scan3A_12 = arith.constant 1 : i32
    scf.for %scan3A_19 = %scan3A to %scan3A_11 step %scan3A_12  : i32 {
      %mul3A_20 = arith.constant 1 : i32
      %mul3A_21 = arith.muli %scan3A_19, %mul3A_20 : i32
      %add3A_22 = arith.constant 0 : i32
      %add3A_23 = arith.addi %add3A_22, %mul3A_21 : i32
      %mul3A_24 = arith.constant 16 : i32
      %mul3A_25 = arith.muli %add3A_23, %mul3A_24 : i32
      %add3A_26 = arith.constant 0 : i32
      %add3A_27 = arith.addi %add3A_26, %mul3A_25 : i32
      %get3A_28 = arith.index_cast %add3A_27 : i32 to index
      %get3A_29 = tpu.vector_load %arg5[%get3A_28] {strides = array<i32>} : memref<2080xi32, #tpu.memory_space<vmem>>, vector<16xi32>,
      %slice3A = vector.extract_strided_slice %get3A_29 {offsets = [0], sizes = [1], strides = [1]} : vector<16xi32> to vector<1xi32>
      %squeeze3A = vector.extract %slice3A[0] : i32 from vector<1xi32>
      %mul3A_30 = arith.constant 16 : i32
      %mul3A_31 = arith.muli %add3A_23, %mul3A_30 : i32
      %add3A_32 = arith.constant 0 : i32
      %add3A_33 = arith.addi %mul3A_31, %add3A_32 : i32
      %dma_start3A = arith.constant 0 : i32
      %dma_start3A_34 = tpu.memref_slice %arg6[%add3A_33, %dma_start3A] : memref<128x64xf32, #tpu.memory_space<vmem>> -> memref<1x64xf32, #tpu.memory_space<vmem>>
      %dma_start3A_35 = tpu.memref_squeeze %dma_start3A_34 : memref<1x64xf32, #tpu.memory_space<vmem>> -> memref<64xf32, #tpu.memory_space<vmem>>
      %dma_start3A_36 = arith.constant 0 : i32
      %dma_start3A_37 = tpu.memref_slice %arg3[%squeeze3A, %dma_start3A_36] : memref<100000x64xf32, #tpu.memory_space<hbm>> -> memref<1x64xf32, #tpu.memory_space<hbm>>
      %dma_start3A_38 = tpu.memref_squeeze %dma_start3A_37 : memref<1x64xf32, #tpu.memory_space<hbm>> -> memref<64xf32, #tpu.memory_space<hbm>>
      %dma_start3A_39 = arith.constant 0 : i32
      %dma_start3A_40 = tpu.memref_slice %arg6[%add3A_33, %dma_start3A_39] : memref<128x64xf32, #tpu.memory_space<vmem>> -> memref<1x64xf32, #tpu.memory_space<vmem>>
      %dma_start3A_41 = tpu.memref_squeeze %dma_start3A_40 : memref<1x64xf32, #tpu.memory_space<vmem>> -> memref<64xf32, #tpu.memory_space<vmem>>
      %dma_start3A_42 = arith.constant 0 : i32
      %dma_start3A_43 = tpu.memref_slice %arg3[%squeeze3A, %dma_start3A_42] : memref<100000x64xf32, #tpu.memory_space<hbm>> -> memref<1x64xf32, #tpu.memory_space<hbm>>
      %dma_start3A_44 = tpu.memref_squeeze %dma_start3A_43 : memref<1x64xf32, #tpu.memory_space<hbm>> -> memref<64xf32, #tpu.memory_space<hbm>>
      tpu.enqueue_dma source(%dma_start3A_44 : memref<64xf32, #tpu.memory_space<hbm>>) target(%dma_start3A_41 : memref<64xf32, #tpu.memory_space<vmem>>) target_semaphore(%arg10 : memref<!tpu.dma_semaphore, #tpu.memory_space<semaphore_mem>>)
      %slice3A_45 = vector.extract_strided_slice %get3A_29 {offsets = [1], sizes = [1], strides = [1]} : vector<16xi32> to vector<1xi32>
      %squeeze3A_46 = vector.extract %slice3A_45[0] : i32 from vector<1xi32>
      %mul3A_47 = arith.constant 16 : i32
      %mul3A_48 = arith.muli %add3A_23, %mul3A_47 : i32
      %add3A_49 = arith.constant 1 : i32
      %add3A_50 = arith.addi %mul3A_48, %add3A_49 : i32
      %dma_start3A_51 = arith.constant 0 : i32
      %dma_start3A_52 = tpu.memref_slice %arg6[%add3A_50, %dma_start3A_51] : memref<128x64xf32, #tpu.memory_space<vmem>> -> memref<1x64xf32, #tpu.memory_space<vmem>>
      %dma_start3A_53 = tpu.memref_squeeze %dma_start3A_52 : memref<1x64xf32, #tpu.memory_space<vmem>> -> memref<64xf32, #tpu.memory_space<vmem>>
      %dma_start3A_54 = arith.constant 0 : i32
      %dma_start3A_55 = tpu.memref_slice %arg3[%squeeze3A_46, %dma_start3A_54] : memref<100000x64xf32, #tpu.memory_space<hbm>> -> memref<1x64xf32, #tpu.memory_space<hbm>>
      %dma_start3A_56 = tpu.memref_squeeze %dma_start3A_55 : memref<1x64xf32, #tpu.memory_space<hbm>> -> memref<64xf32, #tpu.memory_space<hbm>>
      %dma_start3A_57 = arith.constant 0 : i32
      %dma_start3A_58 = tpu.memref_slice %arg6[%add3A_50, %dma_start3A_57] : memref<128x64xf32, #tpu.memory_space<vmem>> -> memref<1x64xf32, #tpu.memory_space<vmem>>
      %dma_start3A_59 = tpu.memref_squeeze %dma_start3A_58 : memref<1x64xf32, #tpu.memory_space<vmem>> -> memref<64xf32, #tpu.memory_space<vmem>>
      %dma_start3A_60 = arith.constant 0 : i32
      %dma_start3A_61 = tpu.memref_slice %arg3[%squeeze3A_46, %dma_start3A_60] : memref<100000x64xf32, #tpu.memory_space<hbm>> -> memref<1x64xf32, #tpu.memory_space<hbm>>
      %dma_start3A_62 = tpu.memref_squeeze %dma_start3A_61 : memref<1x64xf32, #tpu.memory_space<hbm>> -> memref<64xf32, #tpu.memory_space<hbm>>
      tpu.enqueue_dma source(%dma_start3A_62 : memref<64xf32, #tpu.memory_space<hbm>>) target(%dma_start3A_59 : memref<64xf32, #tpu.memory_space<vmem>>) target_semaphore(%arg10 : memref<!tpu.dma_semaphore, #tpu.memory_space<semaphore_mem>>)
      %slice3A_63 = vector.extract_strided_slice %get3A_29 {offsets = [2], sizes = [1], strides = [1]} : vector<16xi32> to vector<1xi32>
      %squeeze3A_64 = vector.extract %slice3A_63[0] : i32 from vector<1xi32>
      %mul3A_65 = arith.constant 16 : i32
      %mul3A_66 = arith.muli %add3A_23, %mul3A_65 : i32
      %add3A_67 = arith.constant 2 : i32
      %add3A_68 = arith.addi %mul3A_66, %add3A_67 : i32
      %dma_start3A_69 = arith.constant 0 : i32
      %dma_start3A_70 = tpu.memref_slice %arg6[%add3A_68, %dma_start3A_69] : memref<128x64xf32, #tpu.memory_space<vmem>> -> memref<1x64xf32, #tpu.memory_space<vmem>>
      %dma_start3A_71 = tpu.memref_squeeze %dma_start3A_70 : memref<1x64xf32, #tpu.memory_space<vmem>> -> memref<64xf32, #tpu.memory_space<vmem>>
      %dma_start3A_72 = arith.constant 0 : i32
      %dma_start3A_73 = tpu.memref_slice %arg3[%squeeze3A_64, %dma_start3A_72] : memref<100000x64xf32, #tpu.memory_space<hbm>> -> memref<1x64xf32, #tpu.memory_space<hbm>>
      %dma_start3A_74 = tpu.memref_squeeze %dma_start3A_73 : memref<1x64xf32, #tpu.memory_space<hbm>> -> memref<64xf32, #tpu.memory_space<hbm>>
      %dma_start3A_75 = arith.constant 0 : i32
      %dma_start3A_76 = tpu.memref_slice %arg6[%add3A_68, %dma_start3A_75] : memref<128x64xf32, #tpu.memory_space<vmem>> -> memref<1x64xf32, #tpu.memory_space<vmem>>
      %dma_start3A_77 = tpu.memref_squeeze %dma_start3A_76 : memref<1x64xf32, #tpu.memory_space<vmem>> -> memref<64xf32, #tpu.memory_space<vmem>>
      %dma_start3A_78 = arith.constant 0 : i32
      %dma_start3A_79 = tpu.memref_slice %arg3[%squeeze3A_64, %dma_start3A_78] : memref<100000x64xf32, #tpu.memory_space<hbm>> -> memref<1x64xf32, #tpu.memory_space<hbm>>
      %dma_start3A_80 = tpu.memref_squeeze %dma_start3A_79 : memref<1x64xf32, #tpu.memory_space<hbm>> -> memref<64xf32, #tpu.memory_space<hbm>>
      tpu.enqueue_dma source(%dma_start3A_80 : memref<64xf32, #tpu.memory_space<hbm>>) target(%dma_start3A_77 : memref<64xf32, #tpu.memory_space<vmem>>) target_semaphore(%arg10 : memref<!tpu.dma_semaphore, #tpu.memory_space<semaphore_mem>>)
      %slice3A_81 = vector.extract_strided_slice %get3A_29 {offsets = [3], sizes = [1], strides = [1]} : vector<16xi32> to vector<1xi32>
      %squeeze3A_82 = vector.extract %slice3A_81[0] : i32 from vector<1xi32>
      %mul3A_83 = arith.constant 16 : i32
      %mul3A_84 = arith.muli %add3A_23, %mul3A_83 : i32
      %add3A_85 = arith.constant 3 : i32
      %add3A_86 = arith.addi %mul3A_84, %add3A_85 : i32
      %dma_start3A_87 = arith.constant 0 : i32
      %dma_start3A_88 = tpu.memref_slice %arg6[%add3A_86, %dma_start3A_87] : memref<128x64xf32, #tpu.memory_space<vmem>> -> memref<1x64xf32, #tpu.memory_space<vmem>>
      %dma_start3A_89 = tpu.memref_squeeze %dma_start3A_88 : memref<1x64xf32, #tpu.memory_space<vmem>> -> memref<64xf32, #tpu.memory_space<vmem>>
      %dma_start3A_90 = arith.constant 0 : i32
      %dma_start3A_91 = tpu.memref_slice %arg3[%squeeze3A_82, %dma_start3A_90] : memref<100000x64xf32, #tpu.memory_space<hbm>> -> memref<1x64xf32, #tpu.memory_space<hbm>>
      %dma_start3A_92 = tpu.memref_squeeze %dma_start3A_91 : memref<1x64xf32, #tpu.memory_space<hbm>> -> memref<64xf32, #tpu.memory_space<hbm>>
      %dma_start3A_93 = arith.constant 0 : i32
      %dma_start3A_94 = tpu.memref_slice %arg6[%add3A_86, %dma_start3A_93] : memref<128x64xf32, #tpu.memory_space<vmem>> -> memref<1x64xf32, #tpu.memory_space<vmem>>
      %dma_start3A_95 = tpu.memref_squeeze %dma_start3A_94 : memref<1x64xf32, #tpu.memory_space<vmem>> -> memref<64xf32, #tpu.memory_space<vmem>>
      %dma_start3A_96 = arith.constant 0 : i32
      %dma_start3A_97 = tpu.memref_slice %arg3[%squeeze3A_82, %dma_start3A_96] : memref<100000x64xf32, #tpu.memory_space<hbm>> -> memref<1x64xf32, #tpu.memory_space<hbm>>
      %dma_start3A_98 = tpu.memref_squeeze %dma_start3A_97 : memref<1x64xf32, #tpu.memory_space<hbm>> -> memref<64xf32, #tpu.memory_space<hbm>>
      tpu.enqueue_dma source(%dma_start3A_98 : memref<64xf32, #tpu.memory_space<hbm>>) target(%dma_start3A_95 : memref<64xf32, #tpu.memory_space<vmem>>) target_semaphore(%arg10 : memref<!tpu.dma_semaphore, #tpu.memory_space<semaphore_mem>>)
      %slice3A_99 = vector.extract_strided_slice %get3A_29 {offsets = [4], sizes = [1], strides = [1]} : vector<16xi32> to vector<1xi32>
      %squeeze3A_100 = vector.extract %slice3A_99[0] : i32 from vector<1xi32>
      %mul3A_101 = arith.constant 16 : i32
      %mul3A_102 = arith.muli %add3A_23, %mul3A_101 : i32
      %add3A_103 = arith.constant 4 : i32
      %add3A_104 = arith.addi %mul3A_102, %add3A_103 : i32
      %dma_start3A_105 = arith.constant 0 : i32
      %dma_start3A_106 = tpu.memref_slice %arg6[%add3A_104, %dma_start3A_105] : memref<128x64xf32, #tpu.memory_space<vmem>> -> memref<1x64xf32, #tpu.memory_space<vmem>>
      %dma_start3A_107 = tpu.memref_squeeze %dma_start3A_106 : memref<1x64xf32, #tpu.memory_space<vmem>> -> memref<64xf32, #tpu.memory_space<vmem>>
      %dma_start3A_108 = arith.constant 0 : i32
      %dma_start3A_109 = tpu.memref_slice %arg3[%squeeze3A_100, %dma_start3A_108] : memref<100000x64xf32, #tpu.memory_space<hbm>> -> memref<1x64xf32, #tpu.memory_space<hbm>>
      %dma_start3A_110 = tpu.memref_squeeze %dma_start3A_109 : memref<1x64xf32, #tpu.memory_space<hbm>> -> memref<64xf32, #tpu.memory_space<hbm>>
      %dma_start3A_111 = arith.constant 0 : i32
      %dma_start3A_112 = tpu.memref_slice %arg6[%add3A_104, %dma_start3A_111] : memref<128x64xf32, #tpu.memory_space<vmem>> -> memref<1x64xf32, #tpu.memory_space<vmem>>
      %dma_start3A_113 = tpu.memref_squeeze %dma_start3A_112 : memref<1x64xf32, #tpu.memory_space<vmem>> -> memref<64xf32, #tpu.memory_space<vmem>>
      %dma_start3A_114 = arith.constant 0 : i32
      %dma_start3A_115 = tpu.memref_slice %arg3[%squeeze3A_100, %dma_start3A_114] : memref<100000x64xf32, #tpu.memory_space<hbm>> -> memref<1x64xf32, #tpu.memory_space<hbm>>
      %dma_start3A_116 = tpu.memref_squeeze %dma_start3A_115 : memref<1x64xf32, #tpu.memory_space<hbm>> -> memref<64xf32, #tpu.memory_space<hbm>>
      tpu.enqueue_dma source(%dma_start3A_116 : memref<64xf32, #tpu.memory_space<hbm>>) target(%dma_start3A_113 : memref<64xf32, #tpu.memory_space<vmem>>) target_semaphore(%arg10 : memref<!tpu.dma_semaphore, #tpu.memory_space<semaphore_mem>>)
      %slice3A_117 = vector.extract_strided_slice %get3A_29 {offsets = [5], sizes = [1], strides = [1]} : vector<16xi32> to vector<1xi32>
      %squeeze3A_118 = vector.extract %slice3A_117[0] : i32 from vector<1xi32>
      %mul3A_119 = arith.constant 16 : i32
      %mul3A_120 = arith.muli %add3A_23, %mul3A_119 : i32
      %add3A_121 = arith.constant 5 : i32
      %add3A_122 = arith.addi %mul3A_120, %add3A_121 : i32
      %dma_start3A_123 = arith.constant 0 : i32
      %dma_start3A_124 = tpu.memref_slice %arg6[%add3A_122, %dma_start3A_123] : memref<128x64xf32, #tpu.memory_space<vmem>> -> memref<1x64xf32, #tpu.memory_space<vmem>>
      %dma_start3A_125 = tpu.memref_squeeze %dma_start3A_124 : memref<1x64xf32, #tpu.memory_space<vmem>> -> memref<64xf32, #tpu.memory_space<vmem>>
      %dma_start3A_126 = arith.constant 0 : i32
      %dma_start3A_127 = tpu.memref_slice %arg3[%squeeze3A_118, %dma_start3A_126] : memref<100000x64xf32, #tpu.memory_space<hbm>> -> memref<1x64xf32, #tpu.memory_space<hbm>>
      %dma_start3A_128 = tpu.memref_squeeze %dma_start3A_127 : memref<1x64xf32, #tpu.memory_space<hbm>> -> memref<64xf32, #tpu.memory_space<hbm>>
      %dma_start3A_129 = arith.constant 0 : i32
      %dma_start3A_130 = tpu.memref_slice %arg6[%add3A_122, %dma_start3A_129] : memref<128x64xf32, #tpu.memory_space<vmem>> -> memref<1x64xf32, #tpu.memory_space<vmem>>
      %dma_start3A_131 = tpu.memref_squeeze %dma_start3A_130 : memref<1x64xf32, #tpu.memory_space<vmem>> -> memref<64xf32, #tpu.memory_space<vmem>>
      %dma_start3A_132 = arith.constant 0 : i32
      %dma_start3A_133 = tpu.memref_slice %arg3[%squeeze3A_118, %dma_start3A_132] : memref<100000x64xf32, #tpu.memory_space<hbm>> -> memref<1x64xf32, #tpu.memory_space<hbm>>
      %dma_start3A_134 = tpu.memref_squeeze %dma_start3A_133 : memref<1x64xf32, #tpu.memory_space<hbm>> -> memref<64xf32, #tpu.memory_space<hbm>>
      tpu.enqueue_dma source(%dma_start3A_134 : memref<64xf32, #tpu.memory_space<hbm>>) target(%dma_start3A_131 : memref<64xf32, #tpu.memory_space<vmem>>) target_semaphore(%arg10 : memref<!tpu.dma_semaphore, #tpu.memory_space<semaphore_mem>>)
      %slice3A_135 = vector.extract_strided_slice %get3A_29 {offsets = [6], sizes = [1], strides = [1]} : vector<16xi32> to vector<1xi32>
      %squeeze3A_136 = vector.extract %slice3A_135[0] : i32 from vector<1xi32>
      %mul3A_137 = arith.constant 16 : i32
      %mul3A_138 = arith.muli %add3A_23, %mul3A_137 : i32
      %add3A_139 = arith.constant 6 : i32
      %add3A_140 = arith.addi %mul3A_138, %add3A_139 : i32
      %dma_start3A_141 = arith.constant 0 : i32
      %dma_start3A_142 = tpu.memref_slice %arg6[%add3A_140, %dma_start3A_141] : memref<128x64xf32, #tpu.memory_space<vmem>> -> memref<1x64xf32, #tpu.memory_space<vmem>>
      %dma_start3A_143 = tpu.memref_squeeze %dma_start3A_142 : memref<1x64xf32, #tpu.memory_space<vmem>> -> memref<64xf32, #tpu.memory_space<vmem>>
      %dma_start3A_144 = arith.constant 0 : i32
      %dma_start3A_145 = tpu.memref_slice %arg3[%squeeze3A_136, %dma_start3A_144] : memref<100000x64xf32, #tpu.memory_space<hbm>> -> memref<1x64xf32, #tpu.memory_space<hbm>>
      %dma_start3A_146 = tpu.memref_squeeze %dma_start3A_145 : memref<1x64xf32, #tpu.memory_space<hbm>> -> memref<64xf32, #tpu.memory_space<hbm>>
      %dma_start3A_147 = arith.constant 0 : i32
      %dma_start3A_148 = tpu.memref_slice %arg6[%add3A_140, %dma_start3A_147] : memref<128x64xf32, #tpu.memory_space<vmem>> -> memref<1x64xf32, #tpu.memory_space<vmem>>
      %dma_start3A_149 = tpu.memref_squeeze %dma_start3A_148 : memref<1x64xf32, #tpu.memory_space<vmem>> -> memref<64xf32, #tpu.memory_space<vmem>>
      %dma_start3A_150 = arith.constant 0 : i32
      %dma_start3A_151 = tpu.memref_slice %arg3[%squeeze3A_136, %dma_start3A_150] : memref<100000x64xf32, #tpu.memory_space<hbm>> -> memref<1x64xf32, #tpu.memory_space<hbm>>
      %dma_start3A_152 = tpu.memref_squeeze %dma_start3A_151 : memref<1x64xf32, #tpu.memory_space<hbm>> -> memref<64xf32, #tpu.memory_space<hbm>>
      tpu.enqueue_dma source(%dma_start3A_152 : memref<64xf32, #tpu.memory_space<hbm>>) target(%dma_start3A_149 : memref<64xf32, #tpu.memory_space<vmem>>) target_semaphore(%arg10 : memref<!tpu.dma_semaphore, #tpu.memory_space<semaphore_mem>>)
      %slice3A_153 = vector.extract_strided_slice %get3A_29 {offsets = [7], sizes = [1], strides = [1]} : vector<16xi32> to vector<1xi32>
      %squeeze3A_154 = vector.extract %slice3A_153[0] : i32 from vector<1xi32>
      %mul3A_155 = arith.constant 16 : i32
      %mul3A_156 = arith.muli %add3A_23, %mul3A_155 : i32
      %add3A_157 = arith.constant 7 : i32
      %add3A_158 = arith.addi %mul3A_156, %add3A_157 : i32
      %dma_start3A_159 = arith.constant 0 : i32
      %dma_start3A_160 = tpu.memref_slice %arg6[%add3A_158, %dma_start3A_159] : memref<128x64xf32, #tpu.memory_space<vmem>> -> memref<1x64xf32, #tpu.memory_space<vmem>>
      %dma_start3A_161 = tpu.memref_squeeze %dma_start3A_160 : memref<1x64xf32, #tpu.memory_space<vmem>> -> memref<64xf32, #tpu.memory_space<vmem>>
      %dma_start3A_162 = arith.constant 0 : i32
      %dma_start3A_163 = tpu.memref_slice %arg3[%squeeze3A_154, %dma_start3A_162] : memref<100000x64xf32, #tpu.memory_space<hbm>> -> memref<1x64xf32, #tpu.memory_space<hbm>>
      %dma_start3A_164 = tpu.memref_squeeze %dma_start3A_163 : memref<1x64xf32, #tpu.memory_space<hbm>> -> memref<64xf32, #tpu.memory_space<hbm>>
      %dma_start3A_165 = arith.constant 0 : i32
      %dma_start3A_166 = tpu.memref_slice %arg6[%add3A_158, %dma_start3A_165] : memref<128x64xf32, #tpu.memory_space<vmem>> -> memref<1x64xf32, #tpu.memory_space<vmem>>
      %dma_start3A_167 = tpu.memref_squeeze %dma_start3A_166 : memref<1x64xf32, #tpu.memory_space<vmem>> -> memref<64xf32, #tpu.memory_space<vmem>>
      %dma_start3A_168 = arith.constant 0 : i32
      %dma_start3A_169 = tpu.memref_slice %arg3[%squeeze3A_154, %dma_start3A_168] : memref<100000x64xf32, #tpu.memory_space<hbm>> -> memref<1x64xf32, #tpu.memory_space<hbm>>
      %dma_start3A_170 = tpu.memref_squeeze %dma_start3A_169 : memref<1x64xf32, #tpu.memory_space<hbm>> -> memref<64xf32, #tpu.memory_space<hbm>>
      tpu.enqueue_dma source(%dma_start3A_170 : memref<64xf32, #tpu.memory_space<hbm>>) target(%dma_start3A_167 : memref<64xf32, #tpu.memory_space<vmem>>) target_semaphore(%arg10 : memref<!tpu.dma_semaphore, #tpu.memory_space<semaphore_mem>>)
      %slice3A_171 = vector.extract_strided_slice %get3A_29 {offsets = [8], sizes = [1], strides = [1]} : vector<16xi32> to vector<1xi32>
      %squeeze3A_172 = vector.extract %slice3A_171[0] : i32 from vector<1xi32>
      %mul3A_173 = arith.constant 16 : i32
      %mul3A_174 = arith.muli %add3A_23, %mul3A_173 : i32
      %add3A_175 = arith.constant 8 : i32
      %add3A_176 = arith.addi %mul3A_174, %add3A_175 : i32
      %dma_start3A_177 = arith.constant 0 : i32
      %dma_start3A_178 = tpu.memref_slice %arg6[%add3A_176, %dma_start3A_177] : memref<128x64xf32, #tpu.memory_space<vmem>> -> memref<1x64xf32, #tpu.memory_space<vmem>>
      %dma_start3A_179 = tpu.memref_squeeze %dma_start3A_178 : memref<1x64xf32, #tpu.memory_space<vmem>> -> memref<64xf32, #tpu.memory_space<vmem>>
      %dma_start3A_180 = arith.constant 0 : i32
      %dma_start3A_181 = tpu.memref_slice %arg3[%squeeze3A_172, %dma_start3A_180] : memref<100000x64xf32, #tpu.memory_space<hbm>> -> memref<1x64xf32, #tpu.memory_space<hbm>>
      %dma_start3A_182 = tpu.memref_squeeze %dma_start3A_181 : memref<1x64xf32, #tpu.memory_space<hbm>> -> memref<64xf32, #tpu.memory_space<hbm>>
      %dma_start3A_183 = arith.constant 0 : i32
      %dma_start3A_184 = tpu.memref_slice %arg6[%add3A_176, %dma_start3A_183] : memref<128x64xf32, #tpu.memory_space<vmem>> -> memref<1x64xf32, #tpu.memory_space<vmem>>
      %dma_start3A_185 = tpu.memref_squeeze %dma_start3A_184 : memref<1x64xf32, #tpu.memory_space<vmem>> -> memref<64xf32, #tpu.memory_space<vmem>>
      %dma_start3A_186 = arith.constant 0 : i32
      %dma_start3A_187 = tpu.memref_slice %arg3[%squeeze3A_172, %dma_start3A_186] : memref<100000x64xf32, #tpu.memory_space<hbm>> -> memref<1x64xf32, #tpu.memory_space<hbm>>
      %dma_start3A_188 = tpu.memref_squeeze %dma_start3A_187 : memref<1x64xf32, #tpu.memory_space<hbm>> -> memref<64xf32, #tpu.memory_space<hbm>>
      tpu.enqueue_dma source(%dma_start3A_188 : memref<64xf32, #tpu.memory_space<hbm>>) target(%dma_start3A_185 : memref<64xf32, #tpu.memory_space<vmem>>) target_semaphore(%arg10 : memref<!tpu.dma_semaphore, #tpu.memory_space<semaphore_mem>>)
      %slice3A_189 = vector.extract_strided_slice %get3A_29 {offsets = [9], sizes = [1], strides = [1]} : vector<16xi32> to vector<1xi32>
      %squeeze3A_190 = vector.extract %slice3A_189[0] : i32 from vector<1xi32>
      %mul3A_191 = arith.constant 16 : i32
      %mul3A_192 = arith.muli %add3A_23, %mul3A_191 : i32
      %add3A_193 = arith.constant 9 : i32
      %add3A_194 = arith.addi %mul3A_192, %add3A_193 : i32
      %dma_start3A_195 = arith.constant 0 : i32
      %dma_start3A_196 = tpu.memref_slice %arg6[%add3A_194, %dma_start3A_195] : memref<128x64xf32, #tpu.memory_space<vmem>> -> memref<1x64xf32, #tpu.memory_space<vmem>>
      %dma_start3A_197 = tpu.memref_squeeze %dma_start3A_196 : memref<1x64xf32, #tpu.memory_space<vmem>> -> memref<64xf32, #tpu.memory_space<vmem>>
      %dma_start3A_198 = arith.constant 0 : i32
      %dma_start3A_199 = tpu.memref_slice %arg3[%squeeze3A_190, %dma_start3A_198] : memref<100000x64xf32, #tpu.memory_space<hbm>> -> memref<1x64xf32, #tpu.memory_space<hbm>>
      %dma_start3A_200 = tpu.memref_squeeze %dma_start3A_199 : memref<1x64xf32, #tpu.memory_space<hbm>> -> memref<64xf32, #tpu.memory_space<hbm>>
      %dma_start3A_201 = arith.constant 0 : i32
      %dma_start3A_202 = tpu.memref_slice %arg6[%add3A_194, %dma_start3A_201] : memref<128x64xf32, #tpu.memory_space<vmem>> -> memref<1x64xf32, #tpu.memory_space<vmem>>
      %dma_start3A_203 = tpu.memref_squeeze %dma_start3A_202 : memref<1x64xf32, #tpu.memory_space<vmem>> -> memref<64xf32, #tpu.memory_space<vmem>>
      %dma_start3A_204 = arith.constant 0 : i32
      %dma_start3A_205 = tpu.memref_slice %arg3[%squeeze3A_190, %dma_start3A_204] : memref<100000x64xf32, #tpu.memory_space<hbm>> -> memref<1x64xf32, #tpu.memory_space<hbm>>
      %dma_start3A_206 = tpu.memref_squeeze %dma_start3A_205 : memref<1x64xf32, #tpu.memory_space<hbm>> -> memref<64xf32, #tpu.memory_space<hbm>>
      tpu.enqueue_dma source(%dma_start3A_206 : memref<64xf32, #tpu.memory_space<hbm>>) target(%dma_start3A_203 : memref<64xf32, #tpu.memory_space<vmem>>) target_semaphore(%arg10 : memref<!tpu.dma_semaphore, #tpu.memory_space<semaphore_mem>>)
      %slice3A_207 = vector.extract_strided_slice %get3A_29 {offsets = [10], sizes = [1], strides = [1]} : vector<16xi32> to vector<1xi32>
      %squeeze3A_208 = vector.extract %slice3A_207[0] : i32 from vector<1xi32>
      %mul3A_209 = arith.constant 16 : i32
      %mul3A_210 = arith.muli %add3A_23, %mul3A_209 : i32
      %add3A_211 = arith.constant 10 : i32
      %add3A_212 = arith.addi %mul3A_210, %add3A_211 : i32
      %dma_start3A_213 = arith.constant 0 : i32
      %dma_start3A_214 = tpu.memref_slice %arg6[%add3A_212, %dma_start3A_213] : memref<128x64xf32, #tpu.memory_space<vmem>> -> memref<1x64xf32, #tpu.memory_space<vmem>>
      %dma_start3A_215 = tpu.memref_squeeze %dma_start3A_214 : memref<1x64xf32, #tpu.memory_space<vmem>> -> memref<64xf32, #tpu.memory_space<vmem>>
      %dma_start3A_216 = arith.constant 0 : i32
      %dma_start3A_217 = tpu.memref_slice %arg3[%squeeze3A_208, %dma_start3A_216] : memref<100000x64xf32, #tpu.memory_space<hbm>> -> memref<1x64xf32, #tpu.memory_space<hbm>>
      %dma_start3A_218 = tpu.memref_squeeze %dma_start3A_217 : memref<1x64xf32, #tpu.memory_space<hbm>> -> memref<64xf32, #tpu.memory_space<hbm>>
      %dma_start3A_219 = arith.constant 0 : i32
      %dma_start3A_220 = tpu.memref_slice %arg6[%add3A_212, %dma_start3A_219] : memref<128x64xf32, #tpu.memory_space<vmem>> -> memref<1x64xf32, #tpu.memory_space<vmem>>
      %dma_start3A_221 = tpu.memref_squeeze %dma_start3A_220 : memref<1x64xf32, #tpu.memory_space<vmem>> -> memref<64xf32, #tpu.memory_space<vmem>>
      %dma_start3A_222 = arith.constant 0 : i32
      %dma_start3A_223 = tpu.memref_slice %arg3[%squeeze3A_208, %dma_start3A_222] : memref<100000x64xf32, #tpu.memory_space<hbm>> -> memref<1x64xf32, #tpu.memory_space<hbm>>
      %dma_start3A_224 = tpu.memref_squeeze %dma_start3A_223 : memref<1x64xf32, #tpu.memory_space<hbm>> -> memref<64xf32, #tpu.memory_space<hbm>>
      tpu.enqueue_dma source(%dma_start3A_224 : memref<64xf32, #tpu.memory_space<hbm>>) target(%dma_start3A_221 : memref<64xf32, #tpu.memory_space<vmem>>) target_semaphore(%arg10 : memref<!tpu.dma_semaphore, #tpu.memory_space<semaphore_mem>>)
      %slice3A_225 = vector.extract_strided_slice %get3A_29 {offsets = [11], sizes = [1], strides = [1]} : vector<16xi32> to vector<1xi32>
      %squeeze3A_226 = vector.extract %slice3A_225[0] : i32 from vector<1xi32>
      %mul3A_227 = arith.constant 16 : i32
      %mul3A_228 = arith.muli %add3A_23, %mul3A_227 : i32
      %add3A_229 = arith.constant 11 : i32
      %add3A_230 = arith.addi %mul3A_228, %add3A_229 : i32
      %dma_start3A_231 = arith.constant 0 : i32
      %dma_start3A_232 = tpu.memref_slice %arg6[%add3A_230, %dma_start3A_231] : memref<128x64xf32, #tpu.memory_space<vmem>> -> memref<1x64xf32, #tpu.memory_space<vmem>>
      %dma_start3A_233 = tpu.memref_squeeze %dma_start3A_232 : memref<1x64xf32, #tpu.memory_space<vmem>> -> memref<64xf32, #tpu.memory_space<vmem>>
      %dma_start3A_234 = arith.constant 0 : i32
      %dma_start3A_235 = tpu.memref_slice %arg3[%squeeze3A_226, %dma_start3A_234] : memref<100000x64xf32, #tpu.memory_space<hbm>> -> memref<1x64xf32, #tpu.memory_space<hbm>>
      %dma_start3A_236 = tpu.memref_squeeze %dma_start3A_235 : memref<1x64xf32, #tpu.memory_space<hbm>> -> memref<64xf32, #tpu.memory_space<hbm>>
      %dma_start3A_237 = arith.constant 0 : i32
      %dma_start3A_238 = tpu.memref_slice %arg6[%add3A_230, %dma_start3A_237] : memref<128x64xf32, #tpu.memory_space<vmem>> -> memref<1x64xf32, #tpu.memory_space<vmem>>
      %dma_start3A_239 = tpu.memref_squeeze %dma_start3A_238 : memref<1x64xf32, #tpu.memory_space<vmem>> -> memref<64xf32, #tpu.memory_space<vmem>>
      %dma_start3A_240 = arith.constant 0 : i32
      %dma_start3A_241 = tpu.memref_slice %arg3[%squeeze3A_226, %dma_start3A_240] : memref<100000x64xf32, #tpu.memory_space<hbm>> -> memref<1x64xf32, #tpu.memory_space<hbm>>
      %dma_start3A_242 = tpu.memref_squeeze %dma_start3A_241 : memref<1x64xf32, #tpu.memory_space<hbm>> -> memref<64xf32, #tpu.memory_space<hbm>>
      tpu.enqueue_dma source(%dma_start3A_242 : memref<64xf32, #tpu.memory_space<hbm>>) target(%dma_start3A_239 : memref<64xf32, #tpu.memory_space<vmem>>) target_semaphore(%arg10 : memref<!tpu.dma_semaphore, #tpu.memory_space<semaphore_mem>>)
      %slice3A_243 = vector.extract_strided_slice %get3A_29 {offsets = [12], sizes = [1], strides = [1]} : vector<16xi32> to vector<1xi32>
      %squeeze3A_244 = vector.extract %slice3A_243[0] : i32 from vector<1xi32>
      %mul3A_245 = arith.constant 16 : i32
      %mul3A_246 = arith.muli %add3A_23, %mul3A_245 : i32
      %add3A_247 = arith.constant 12 : i32
      %add3A_248 = arith.addi %mul3A_246, %add3A_247 : i32
      %dma_start3A_249 = arith.constant 0 : i32
      %dma_start3A_250 = tpu.memref_slice %arg6[%add3A_248, %dma_start3A_249] : memref<128x64xf32, #tpu.memory_space<vmem>> -> memref<1x64xf32, #tpu.memory_space<vmem>>
      %dma_start3A_251 = tpu.memref_squeeze %dma_start3A_250 : memref<1x64xf32, #tpu.memory_space<vmem>> -> memref<64xf32, #tpu.memory_space<vmem>>
      %dma_start3A_252 = arith.constant 0 : i32
      %dma_start3A_253 = tpu.memref_slice %arg3[%squeeze3A_244, %dma_start3A_252] : memref<100000x64xf32, #tpu.memory_space<hbm>> -> memref<1x64xf32, #tpu.memory_space<hbm>>
      %dma_start3A_254 = tpu.memref_squeeze %dma_start3A_253 : memref<1x64xf32, #tpu.memory_space<hbm>> -> memref<64xf32, #tpu.memory_space<hbm>>
      %dma_start3A_255 = arith.constant 0 : i32
      %dma_start3A_256 = tpu.memref_slice %arg6[%add3A_248, %dma_start3A_255] : memref<128x64xf32, #tpu.memory_space<vmem>> -> memref<1x64xf32, #tpu.memory_space<vmem>>
      %dma_start3A_257 = tpu.memref_squeeze %dma_start3A_256 : memref<1x64xf32, #tpu.memory_space<vmem>> -> memref<64xf32, #tpu.memory_space<vmem>>
      %dma_start3A_258 = arith.constant 0 : i32
      %dma_start3A_259 = tpu.memref_slice %arg3[%squeeze3A_244, %dma_start3A_258] : memref<100000x64xf32, #tpu.memory_space<hbm>> -> memref<1x64xf32, #tpu.memory_space<hbm>>
      %dma_start3A_260 = tpu.memref_squeeze %dma_start3A_259 : memref<1x64xf32, #tpu.memory_space<hbm>> -> memref<64xf32, #tpu.memory_space<hbm>>
      tpu.enqueue_dma source(%dma_start3A_260 : memref<64xf32, #tpu.memory_space<hbm>>) target(%dma_start3A_257 : memref<64xf32, #tpu.memory_space<vmem>>) target_semaphore(%arg10 : memref<!tpu.dma_semaphore, #tpu.memory_space<semaphore_mem>>)
      %slice3A_261 = vector.extract_strided_slice %get3A_29 {offsets = [13], sizes = [1], strides = [1]} : vector<16xi32> to vector<1xi32>
      %squeeze3A_262 = vector.extract %slice3A_261[0] : i32 from vector<1xi32>
      %mul3A_263 = arith.constant 16 : i32
      %mul3A_264 = arith.muli %add3A_23, %mul3A_263 : i32
      %add3A_265 = arith.constant 13 : i32
      %add3A_266 = arith.addi %mul3A_264, %add3A_265 : i32
      %dma_start3A_267 = arith.constant 0 : i32
      %dma_start3A_268 = tpu.memref_slice %arg6[%add3A_266, %dma_start3A_267] : memref<128x64xf32, #tpu.memory_space<vmem>> -> memref<1x64xf32, #tpu.memory_space<vmem>>
      %dma_start3A_269 = tpu.memref_squeeze %dma_start3A_268 : memref<1x64xf32, #tpu.memory_space<vmem>> -> memref<64xf32, #tpu.memory_space<vmem>>
      %dma_start3A_270 = arith.constant 0 : i32
      %dma_start3A_271 = tpu.memref_slice %arg3[%squeeze3A_262, %dma_start3A_270] : memref<100000x64xf32, #tpu.memory_space<hbm>> -> memref<1x64xf32, #tpu.memory_space<hbm>>
      %dma_start3A_272 = tpu.memref_squeeze %dma_start3A_271 : memref<1x64xf32, #tpu.memory_space<hbm>> -> memref<64xf32, #tpu.memory_space<hbm>>
      %dma_start3A_273 = arith.constant 0 : i32
      %dma_start3A_274 = tpu.memref_slice %arg6[%add3A_266, %dma_start3A_273] : memref<128x64xf32, #tpu.memory_space<vmem>> -> memref<1x64xf32, #tpu.memory_space<vmem>>
      %dma_start3A_275 = tpu.memref_squeeze %dma_start3A_274 : memref<1x64xf32, #tpu.memory_space<vmem>> -> memref<64xf32, #tpu.memory_space<vmem>>
      %dma_start3A_276 = arith.constant 0 : i32
      %dma_start3A_277 = tpu.memref_slice %arg3[%squeeze3A_262, %dma_start3A_276] : memref<100000x64xf32, #tpu.memory_space<hbm>> -> memref<1x64xf32, #tpu.memory_space<hbm>>
      %dma_start3A_278 = tpu.memref_squeeze %dma_start3A_277 : memref<1x64xf32, #tpu.memory_space<hbm>> -> memref<64xf32, #tpu.memory_space<hbm>>
      tpu.enqueue_dma source(%dma_start3A_278 : memref<64xf32, #tpu.memory_space<hbm>>) target(%dma_start3A_275 : memref<64xf32, #tpu.memory_space<vmem>>) target_semaphore(%arg10 : memref<!tpu.dma_semaphore, #tpu.memory_space<semaphore_mem>>)
      %slice3A_279 = vector.extract_strided_slice %get3A_29 {offsets = [14], sizes = [1], strides = [1]} : vector<16xi32> to vector<1xi32>
      %squeeze3A_280 = vector.extract %slice3A_279[0] : i32 from vector<1xi32>
      %mul3A_281 = arith.constant 16 : i32
      %mul3A_282 = arith.muli %add3A_23, %mul3A_281 : i32
      %add3A_283 = arith.constant 14 : i32
      %add3A_284 = arith.addi %mul3A_282, %add3A_283 : i32
      %dma_start3A_285 = arith.constant 0 : i32
      %dma_start3A_286 = tpu.memref_slice %arg6[%add3A_284, %dma_start3A_285] : memref<128x64xf32, #tpu.memory_space<vmem>> -> memref<1x64xf32, #tpu.memory_space<vmem>>
      %dma_start3A_287 = tpu.memref_squeeze %dma_start3A_286 : memref<1x64xf32, #tpu.memory_space<vmem>> -> memref<64xf32, #tpu.memory_space<vmem>>
      %dma_start3A_288 = arith.constant 0 : i32
      %dma_start3A_289 = tpu.memref_slice %arg3[%squeeze3A_280, %dma_start3A_288] : memref<100000x64xf32, #tpu.memory_space<hbm>> -> memref<1x64xf32, #tpu.memory_space<hbm>>
      %dma_start3A_290 = tpu.memref_squeeze %dma_start3A_289 : memref<1x64xf32, #tpu.memory_space<hbm>> -> memref<64xf32, #tpu.memory_space<hbm>>
      %dma_start3A_291 = arith.constant 0 : i32
      %dma_start3A_292 = tpu.memref_slice %arg6[%add3A_284, %dma_start3A_291] : memref<128x64xf32, #tpu.memory_space<vmem>> -> memref<1x64xf32, #tpu.memory_space<vmem>>
      %dma_start3A_293 = tpu.memref_squeeze %dma_start3A_292 : memref<1x64xf32, #tpu.memory_space<vmem>> -> memref<64xf32, #tpu.memory_space<vmem>>
      %dma_start3A_294 = arith.constant 0 : i32
      %dma_start3A_295 = tpu.memref_slice %arg3[%squeeze3A_280, %dma_start3A_294] : memref<100000x64xf32, #tpu.memory_space<hbm>> -> memref<1x64xf32, #tpu.memory_space<hbm>>
      %dma_start3A_296 = tpu.memref_squeeze %dma_start3A_295 : memref<1x64xf32, #tpu.memory_space<hbm>> -> memref<64xf32, #tpu.memory_space<hbm>>
      tpu.enqueue_dma source(%dma_start3A_296 : memref<64xf32, #tpu.memory_space<hbm>>) target(%dma_start3A_293 : memref<64xf32, #tpu.memory_space<vmem>>) target_semaphore(%arg10 : memref<!tpu.dma_semaphore, #tpu.memory_space<semaphore_mem>>)
      %slice3A_297 = vector.extract_strided_slice %get3A_29 {offsets = [15], sizes = [1], strides = [1]} : vector<16xi32> to vector<1xi32>
      %squeeze3A_298 = vector.extract %slice3A_297[0] : i32 from vector<1xi32>
      %mul3A_299 = arith.constant 16 : i32
      %mul3A_300 = arith.muli %add3A_23, %mul3A_299 : i32
      %add3A_301 = arith.constant 15 : i32
      %add3A_302 = arith.addi %mul3A_300, %add3A_301 : i32
      %dma_start3A_303 = arith.constant 0 : i32
      %dma_start3A_304 = tpu.memref_slice %arg6[%add3A_302, %dma_start3A_303] : memref<128x64xf32, #tpu.memory_space<vmem>> -> memref<1x64xf32, #tpu.memory_space<vmem>>
      %dma_start3A_305 = tpu.memref_squeeze %dma_start3A_304 : memref<1x64xf32, #tpu.memory_space<vmem>> -> memref<64xf32, #tpu.memory_space<vmem>>
      %dma_start3A_306 = arith.constant 0 : i32
      %dma_start3A_307 = tpu.memref_slice %arg3[%squeeze3A_298, %dma_start3A_306] : memref<100000x64xf32, #tpu.memory_space<hbm>> -> memref<1x64xf32, #tpu.memory_space<hbm>>
      %dma_start3A_308 = tpu.memref_squeeze %dma_start3A_307 : memref<1x64xf32, #tpu.memory_space<hbm>> -> memref<64xf32, #tpu.memory_space<hbm>>
      %dma_start3A_309 = arith.constant 0 : i32
      %dma_start3A_310 = tpu.memref_slice %arg6[%add3A_302, %dma_start3A_309] : memref<128x64xf32, #tpu.memory_space<vmem>> -> memref<1x64xf32, #tpu.memory_space<vmem>>
      %dma_start3A_311 = tpu.memref_squeeze %dma_start3A_310 : memref<1x64xf32, #tpu.memory_space<vmem>> -> memref<64xf32, #tpu.memory_space<vmem>>
      %dma_start3A_312 = arith.constant 0 : i32
      %dma_start3A_313 = tpu.memref_slice %arg3[%squeeze3A_298, %dma_start3A_312] : memref<100000x64xf32, #tpu.memory_space<hbm>> -> memref<1x64xf32, #tpu.memory_space<hbm>>
      %dma_start3A_314 = tpu.memref_squeeze %dma_start3A_313 : memref<1x64xf32, #tpu.memory_space<hbm>> -> memref<64xf32, #tpu.memory_space<hbm>>
      tpu.enqueue_dma source(%dma_start3A_314 : memref<64xf32, #tpu.memory_space<hbm>>) target(%dma_start3A_311 : memref<64xf32, #tpu.memory_space<vmem>>) target_semaphore(%arg10 : memref<!tpu.dma_semaphore, #tpu.memory_space<semaphore_mem>>)
    }
    %scan3A_13 = arith.constant 8 : i32
    %scan3A_14 = arith.constant 0 : i32
    %scan3A_15 = arith.constant 8 : i32
    %scan3A_16 = arith.addi %scan3A_14, %scan3A_15 : i32
    %scan3A_17 = arith.constant 1 : i32
    scf.for %scan3A_19 = %scan3A_14 to %scan3A_16 step %scan3A_17  : i32 {
      %mul3A_20 = arith.constant 2 : i32
      %mul3A_21 = arith.muli %scan3A_19, %mul3A_20 : i32
      %add3A_22 = arith.constant 0 : i32
      %add3A_23 = arith.addi %add3A_22, %mul3A_21 : i32
      %add3A_24 = arith.constant 0 : i32
      %add3A_25 = arith.addi %add3A_23, %add3A_24 : i32
      %add3A_26 = arith.constant 1 : i32
      %add3A_27 = arith.addi %add3A_25, %add3A_26 : i32
      %lt3A = arith.constant 16 : i32
      %lt3A_28 = arith.cmpi slt, %add3A_27, %lt3A : i32
      %convert_element_type3A = arith.extui %lt3A_28 : i1 to i32
      %cond3A = arith.constant 0 : i32
      %cond3A_29 = arith.cmpi ne, %convert_element_type3A, %cond3A : i32
      scf.if %cond3A_29 {
        %add3A_66 = arith.constant 1 : i32
        %add3A_67 = arith.addi %add3A_25, %add3A_66 : i32
        %scan3A_68 = arith.constant 0 : i32
        %scan3A_69 = arith.constant 8 : i32
        %scan3A_70 = arith.addi %scan3A_68, %scan3A_69 : i32
        %scan3A_71 = arith.constant 1 : i32
        scf.for %scan3A_73 = %scan3A_68 to %scan3A_70 step %scan3A_71  : i32 {
          %mul3A_74 = arith.constant 1 : i32
          %mul3A_75 = arith.muli %scan3A_73, %mul3A_74 : i32
          %add3A_76 = arith.constant 0 : i32
          %add3A_77 = arith.addi %add3A_76, %mul3A_75 : i32
          %mul3A_78 = arith.constant 128 : i32
          %mul3A_79 = arith.muli %add3A_67, %mul3A_78 : i32
          %mul3A_80 = arith.constant 16 : i32
          %mul3A_81 = arith.muli %add3A_77, %mul3A_80 : i32
          %add3A_82 = arith.addi %mul3A_79, %mul3A_81 : i32
          %get3A_83 = arith.index_cast %add3A_82 : i32 to index
          %get3A_84 = tpu.vector_load %arg5[%get3A_83] {strides = array<i32>} : memref<2080xi32, #tpu.memory_space<vmem>>, vector<16xi32>,
          %slice3A = vector.extract_strided_slice %get3A_84 {offsets = [0], sizes = [1], strides = [1]} : vector<16xi32> to vector<1xi32>
          %squeeze3A = vector.extract %slice3A[0] : i32 from vector<1xi32>
          %mul3A_85 = arith.constant 16 : i32
          %mul3A_86 = arith.muli %add3A_77, %mul3A_85 : i32
          %add3A_87 = arith.constant 0 : i32
          %add3A_88 = arith.addi %mul3A_86, %add3A_87 : i32
          %dma_start3A = arith.constant 0 : i32
          %dma_start3A_89 = tpu.memref_slice %arg7[%add3A_88, %dma_start3A] : memref<128x64xf32, #tpu.memory_space<vmem>> -> memref<1x64xf32, #tpu.memory_space<vmem>>
          %dma_start3A_90 = tpu.memref_squeeze %dma_start3A_89 : memref<1x64xf32, #tpu.memory_space<vmem>> -> memref<64xf32, #tpu.memory_space<vmem>>
          %dma_start3A_91 = arith.constant 0 : i32
          %dma_start3A_92 = tpu.memref_slice %arg3[%squeeze3A, %dma_start3A_91] : memref<100000x64xf32, #tpu.memory_space<hbm>> -> memref<1x64xf32, #tpu.memory_space<hbm>>
          %dma_start3A_93 = tpu.memref_squeeze %dma_start3A_92 : memref<1x64xf32, #tpu.memory_space<hbm>> -> memref<64xf32, #tpu.memory_space<hbm>>
          %dma_start3A_94 = arith.constant 0 : i32
          %dma_start3A_95 = tpu.memref_slice %arg7[%add3A_88, %dma_start3A_94] : memref<128x64xf32, #tpu.memory_space<vmem>> -> memref<1x64xf32, #tpu.memory_space<vmem>>
          %dma_start3A_96 = tpu.memref_squeeze %dma_start3A_95 : memref<1x64xf32, #tpu.memory_space<vmem>> -> memref<64xf32, #tpu.memory_space<vmem>>
          %dma_start3A_97 = arith.constant 0 : i32
          %dma_start3A_98 = tpu.memref_slice %arg3[%squeeze3A, %dma_start3A_97] : memref<100000x64xf32, #tpu.memory_space<hbm>> -> memref<1x64xf32, #tpu.memory_space<hbm>>
          %dma_start3A_99 = tpu.memref_squeeze %dma_start3A_98 : memref<1x64xf32, #tpu.memory_space<hbm>> -> memref<64xf32, #tpu.memory_space<hbm>>
          tpu.enqueue_dma source(%dma_start3A_99 : memref<64xf32, #tpu.memory_space<hbm>>) target(%dma_start3A_96 : memref<64xf32, #tpu.memory_space<vmem>>) target_semaphore(%arg11 : memref<!tpu.dma_semaphore, #tpu.memory_space<semaphore_mem>>)
          %slice3A_100 = vector.extract_strided_slice %get3A_84 {offsets = [1], sizes = [1], strides = [1]} : vector<16xi32> to vector<1xi32>
          %squeeze3A_101 = vector.extract %slice3A_100[0] : i32 from vector<1xi32>
          %mul3A_102 = arith.constant 16 : i32
          %mul3A_103 = arith.muli %add3A_77, %mul3A_102 : i32
          %add3A_104 = arith.constant 1 : i32
          %add3A_105 = arith.addi %mul3A_103, %add3A_104 : i32
          %dma_start3A_106 = arith.constant 0 : i32
          %dma_start3A_107 = tpu.memref_slice %arg7[%add3A_105, %dma_start3A_106] : memref<128x64xf32, #tpu.memory_space<vmem>> -> memref<1x64xf32, #tpu.memory_space<vmem>>
          %dma_start3A_108 = tpu.memref_squeeze %dma_start3A_107 : memref<1x64xf32, #tpu.memory_space<vmem>> -> memref<64xf32, #tpu.memory_space<vmem>>
          %dma_start3A_109 = arith.constant 0 : i32
          %dma_start3A_110 = tpu.memref_slice %arg3[%squeeze3A_101, %dma_start3A_109] : memref<100000x64xf32, #tpu.memory_space<hbm>> -> memref<1x64xf32, #tpu.memory_space<hbm>>
          %dma_start3A_111 = tpu.memref_squeeze %dma_start3A_110 : memref<1x64xf32, #tpu.memory_space<hbm>> -> memref<64xf32, #tpu.memory_space<hbm>>
          %dma_start3A_112 = arith.constant 0 : i32
          %dma_start3A_113 = tpu.memref_slice %arg7[%add3A_105, %dma_start3A_112] : memref<128x64xf32, #tpu.memory_space<vmem>> -> memref<1x64xf32, #tpu.memory_space<vmem>>
          %dma_start3A_114 = tpu.memref_squeeze %dma_start3A_113 : memref<1x64xf32, #tpu.memory_space<vmem>> -> memref<64xf32, #tpu.memory_space<vmem>>
          %dma_start3A_115 = arith.constant 0 : i32
          %dma_start3A_116 = tpu.memref_slice %arg3[%squeeze3A_101, %dma_start3A_115] : memref<100000x64xf32, #tpu.memory_space<hbm>> -> memref<1x64xf32, #tpu.memory_space<hbm>>
          %dma_start3A_117 = tpu.memref_squeeze %dma_start3A_116 : memref<1x64xf32, #tpu.memory_space<hbm>> -> memref<64xf32, #tpu.memory_space<hbm>>
          tpu.enqueue_dma source(%dma_start3A_117 : memref<64xf32, #tpu.memory_space<hbm>>) target(%dma_start3A_114 : memref<64xf32, #tpu.memory_space<vmem>>) target_semaphore(%arg11 : memref<!tpu.dma_semaphore, #tpu.memory_space<semaphore_mem>>)
          %slice3A_118 = vector.extract_strided_slice %get3A_84 {offsets = [2], sizes = [1], strides = [1]} : vector<16xi32> to vector<1xi32>
          %squeeze3A_119 = vector.extract %slice3A_118[0] : i32 from vector<1xi32>
          %mul3A_120 = arith.constant 16 : i32
          %mul3A_121 = arith.muli %add3A_77, %mul3A_120 : i32
          %add3A_122 = arith.constant 2 : i32
          %add3A_123 = arith.addi %mul3A_121, %add3A_122 : i32
          %dma_start3A_124 = arith.constant 0 : i32
          %dma_start3A_125 = tpu.memref_slice %arg7[%add3A_123, %dma_start3A_124] : memref<128x64xf32, #tpu.memory_space<vmem>> -> memref<1x64xf32, #tpu.memory_space<vmem>>
          %dma_start3A_126 = tpu.memref_squeeze %dma_start3A_125 : memref<1x64xf32, #tpu.memory_space<vmem>> -> memref<64xf32, #tpu.memory_space<vmem>>
          %dma_start3A_127 = arith.constant 0 : i32
          %dma_start3A_128 = tpu.memref_slice %arg3[%squeeze3A_119, %dma_start3A_127] : memref<100000x64xf32, #tpu.memory_space<hbm>> -> memref<1x64xf32, #tpu.memory_space<hbm>>
          %dma_start3A_129 = tpu.memref_squeeze %dma_start3A_128 : memref<1x64xf32, #tpu.memory_space<hbm>> -> memref<64xf32, #tpu.memory_space<hbm>>
          %dma_start3A_130 = arith.constant 0 : i32
          %dma_start3A_131 = tpu.memref_slice %arg7[%add3A_123, %dma_start3A_130] : memref<128x64xf32, #tpu.memory_space<vmem>> -> memref<1x64xf32, #tpu.memory_space<vmem>>
          %dma_start3A_132 = tpu.memref_squeeze %dma_start3A_131 : memref<1x64xf32, #tpu.memory_space<vmem>> -> memref<64xf32, #tpu.memory_space<vmem>>
          %dma_start3A_133 = arith.constant 0 : i32
          %dma_start3A_134 = tpu.memref_slice %arg3[%squeeze3A_119, %dma_start3A_133] : memref<100000x64xf32, #tpu.memory_space<hbm>> -> memref<1x64xf32, #tpu.memory_space<hbm>>
          %dma_start3A_135 = tpu.memref_squeeze %dma_start3A_134 : memref<1x64xf32, #tpu.memory_space<hbm>> -> memref<64xf32, #tpu.memory_space<hbm>>
          tpu.enqueue_dma source(%dma_start3A_135 : memref<64xf32, #tpu.memory_space<hbm>>) target(%dma_start3A_132 : memref<64xf32, #tpu.memory_space<vmem>>) target_semaphore(%arg11 : memref<!tpu.dma_semaphore, #tpu.memory_space<semaphore_mem>>)
          %slice3A_136 = vector.extract_strided_slice %get3A_84 {offsets = [3], sizes = [1], strides = [1]} : vector<16xi32> to vector<1xi32>
          %squeeze3A_137 = vector.extract %slice3A_136[0] : i32 from vector<1xi32>
          %mul3A_138 = arith.constant 16 : i32
          %mul3A_139 = arith.muli %add3A_77, %mul3A_138 : i32
          %add3A_140 = arith.constant 3 : i32
          %add3A_141 = arith.addi %mul3A_139, %add3A_140 : i32
          %dma_start3A_142 = arith.constant 0 : i32
          %dma_start3A_143 = tpu.memref_slice %arg7[%add3A_141, %dma_start3A_142] : memref<128x64xf32, #tpu.memory_space<vmem>> -> memref<1x64xf32, #tpu.memory_space<vmem>>
          %dma_start3A_144 = tpu.memref_squeeze %dma_start3A_143 : memref<1x64xf32, #tpu.memory_space<vmem>> -> memref<64xf32, #tpu.memory_space<vmem>>
          %dma_start3A_145 = arith.constant 0 : i32
          %dma_start3A_146 = tpu.memref_slice %arg3[%squeeze3A_137, %dma_start3A_145] : memref<100000x64xf32, #tpu.memory_space<hbm>> -> memref<1x64xf32, #tpu.memory_space<hbm>>
          %dma_start3A_147 = tpu.memref_squeeze %dma_start3A_146 : memref<1x64xf32, #tpu.memory_space<hbm>> -> memref<64xf32, #tpu.memory_space<hbm>>
          %dma_start3A_148 = arith.constant 0 : i32
          %dma_start3A_149 = tpu.memref_slice %arg7[%add3A_141, %dma_start3A_148] : memref<128x64xf32, #tpu.memory_space<vmem>> -> memref<1x64xf32, #tpu.memory_space<vmem>>
          %dma_start3A_150 = tpu.memref_squeeze %dma_start3A_149 : memref<1x64xf32, #tpu.memory_space<vmem>> -> memref<64xf32, #tpu.memory_space<vmem>>
          %dma_start3A_151 = arith.constant 0 : i32
          %dma_start3A_152 = tpu.memref_slice %arg3[%squeeze3A_137, %dma_start3A_151] : memref<100000x64xf32, #tpu.memory_space<hbm>> -> memref<1x64xf32, #tpu.memory_space<hbm>>
          %dma_start3A_153 = tpu.memref_squeeze %dma_start3A_152 : memref<1x64xf32, #tpu.memory_space<hbm>> -> memref<64xf32, #tpu.memory_space<hbm>>
          tpu.enqueue_dma source(%dma_start3A_153 : memref<64xf32, #tpu.memory_space<hbm>>) target(%dma_start3A_150 : memref<64xf32, #tpu.memory_space<vmem>>) target_semaphore(%arg11 : memref<!tpu.dma_semaphore, #tpu.memory_space<semaphore_mem>>)
          %slice3A_154 = vector.extract_strided_slice %get3A_84 {offsets = [4], sizes = [1], strides = [1]} : vector<16xi32> to vector<1xi32>
          %squeeze3A_155 = vector.extract %slice3A_154[0] : i32 from vector<1xi32>
          %mul3A_156 = arith.constant 16 : i32
          %mul3A_157 = arith.muli %add3A_77, %mul3A_156 : i32
          %add3A_158 = arith.constant 4 : i32
          %add3A_159 = arith.addi %mul3A_157, %add3A_158 : i32
          %dma_start3A_160 = arith.constant 0 : i32
          %dma_start3A_161 = tpu.memref_slice %arg7[%add3A_159, %dma_start3A_160] : memref<128x64xf32, #tpu.memory_space<vmem>> -> memref<1x64xf32, #tpu.memory_space<vmem>>
          %dma_start3A_162 = tpu.memref_squeeze %dma_start3A_161 : memref<1x64xf32, #tpu.memory_space<vmem>> -> memref<64xf32, #tpu.memory_space<vmem>>
          %dma_start3A_163 = arith.constant 0 : i32
          %dma_start3A_164 = tpu.memref_slice %arg3[%squeeze3A_155, %dma_start3A_163] : memref<100000x64xf32, #tpu.memory_space<hbm>> -> memref<1x64xf32, #tpu.memory_space<hbm>>
          %dma_start3A_165 = tpu.memref_squeeze %dma_start3A_164 : memref<1x64xf32, #tpu.memory_space<hbm>> -> memref<64xf32, #tpu.memory_space<hbm>>
          %dma_start3A_166 = arith.constant 0 : i32
          %dma_start3A_167 = tpu.memref_slice %arg7[%add3A_159, %dma_start3A_166] : memref<128x64xf32, #tpu.memory_space<vmem>> -> memref<1x64xf32, #tpu.memory_space<vmem>>
          %dma_start3A_168 = tpu.memref_squeeze %dma_start3A_167 : memref<1x64xf32, #tpu.memory_space<vmem>> -> memref<64xf32, #tpu.memory_space<vmem>>
          %dma_start3A_169 = arith.constant 0 : i32
          %dma_start3A_170 = tpu.memref_slice %arg3[%squeeze3A_155, %dma_start3A_169] : memref<100000x64xf32, #tpu.memory_space<hbm>> -> memref<1x64xf32, #tpu.memory_space<hbm>>
          %dma_start3A_171 = tpu.memref_squeeze %dma_start3A_170 : memref<1x64xf32, #tpu.memory_space<hbm>> -> memref<64xf32, #tpu.memory_space<hbm>>
          tpu.enqueue_dma source(%dma_start3A_171 : memref<64xf32, #tpu.memory_space<hbm>>) target(%dma_start3A_168 : memref<64xf32, #tpu.memory_space<vmem>>) target_semaphore(%arg11 : memref<!tpu.dma_semaphore, #tpu.memory_space<semaphore_mem>>)
          %slice3A_172 = vector.extract_strided_slice %get3A_84 {offsets = [5], sizes = [1], strides = [1]} : vector<16xi32> to vector<1xi32>
          %squeeze3A_173 = vector.extract %slice3A_172[0] : i32 from vector<1xi32>
          %mul3A_174 = arith.constant 16 : i32
          %mul3A_175 = arith.muli %add3A_77, %mul3A_174 : i32
          %add3A_176 = arith.constant 5 : i32
          %add3A_177 = arith.addi %mul3A_175, %add3A_176 : i32
          %dma_start3A_178 = arith.constant 0 : i32
          %dma_start3A_179 = tpu.memref_slice %arg7[%add3A_177, %dma_start3A_178] : memref<128x64xf32, #tpu.memory_space<vmem>> -> memref<1x64xf32, #tpu.memory_space<vmem>>
          %dma_start3A_180 = tpu.memref_squeeze %dma_start3A_179 : memref<1x64xf32, #tpu.memory_space<vmem>> -> memref<64xf32, #tpu.memory_space<vmem>>
          %dma_start3A_181 = arith.constant 0 : i32
          %dma_start3A_182 = tpu.memref_slice %arg3[%squeeze3A_173, %dma_start3A_181] : memref<100000x64xf32, #tpu.memory_space<hbm>> -> memref<1x64xf32, #tpu.memory_space<hbm>>
          %dma_start3A_183 = tpu.memref_squeeze %dma_start3A_182 : memref<1x64xf32, #tpu.memory_space<hbm>> -> memref<64xf32, #tpu.memory_space<hbm>>
          %dma_start3A_184 = arith.constant 0 : i32
          %dma_start3A_185 = tpu.memref_slice %arg7[%add3A_177, %dma_start3A_184] : memref<128x64xf32, #tpu.memory_space<vmem>> -> memref<1x64xf32, #tpu.memory_space<vmem>>
          %dma_start3A_186 = tpu.memref_squeeze %dma_start3A_185 : memref<1x64xf32, #tpu.memory_space<vmem>> -> memref<64xf32, #tpu.memory_space<vmem>>
          %dma_start3A_187 = arith.constant 0 : i32
          %dma_start3A_188 = tpu.memref_slice %arg3[%squeeze3A_173, %dma_start3A_187] : memref<100000x64xf32, #tpu.memory_space<hbm>> -> memref<1x64xf32, #tpu.memory_space<hbm>>
          %dma_start3A_189 = tpu.memref_squeeze %dma_start3A_188 : memref<1x64xf32, #tpu.memory_space<hbm>> -> memref<64xf32, #tpu.memory_space<hbm>>
          tpu.enqueue_dma source(%dma_start3A_189 : memref<64xf32, #tpu.memory_space<hbm>>) target(%dma_start3A_186 : memref<64xf32, #tpu.memory_space<vmem>>) target_semaphore(%arg11 : memref<!tpu.dma_semaphore, #tpu.memory_space<semaphore_mem>>)
          %slice3A_190 = vector.extract_strided_slice %get3A_84 {offsets = [6], sizes = [1], strides = [1]} : vector<16xi32> to vector<1xi32>
          %squeeze3A_191 = vector.extract %slice3A_190[0] : i32 from vector<1xi32>
          %mul3A_192 = arith.constant 16 : i32
          %mul3A_193 = arith.muli %add3A_77, %mul3A_192 : i32
          %add3A_194 = arith.constant 6 : i32
          %add3A_195 = arith.addi %mul3A_193, %add3A_194 : i32
          %dma_start3A_196 = arith.constant 0 : i32
          %dma_start3A_197 = tpu.memref_slice %arg7[%add3A_195, %dma_start3A_196] : memref<128x64xf32, #tpu.memory_space<vmem>> -> memref<1x64xf32, #tpu.memory_space<vmem>>
          %dma_start3A_198 = tpu.memref_squeeze %dma_start3A_197 : memref<1x64xf32, #tpu.memory_space<vmem>> -> memref<64xf32, #tpu.memory_space<vmem>>
          %dma_start3A_199 = arith.constant 0 : i32
          %dma_start3A_200 = tpu.memref_slice %arg3[%squeeze3A_191, %dma_start3A_199] : memref<100000x64xf32, #tpu.memory_space<hbm>> -> memref<1x64xf32, #tpu.memory_space<hbm>>
          %dma_start3A_201 = tpu.memref_squeeze %dma_start3A_200 : memref<1x64xf32, #tpu.memory_space<hbm>> -> memref<64xf32, #tpu.memory_space<hbm>>
          %dma_start3A_202 = arith.constant 0 : i32
          %dma_start3A_203 = tpu.memref_slice %arg7[%add3A_195, %dma_start3A_202] : memref<128x64xf32, #tpu.memory_space<vmem>> -> memref<1x64xf32, #tpu.memory_space<vmem>>
          %dma_start3A_204 = tpu.memref_squeeze %dma_start3A_203 : memref<1x64xf32, #tpu.memory_space<vmem>> -> memref<64xf32, #tpu.memory_space<vmem>>
          %dma_start3A_205 = arith.constant 0 : i32
          %dma_start3A_206 = tpu.memref_slice %arg3[%squeeze3A_191, %dma_start3A_205] : memref<100000x64xf32, #tpu.memory_space<hbm>> -> memref<1x64xf32, #tpu.memory_space<hbm>>
          %dma_start3A_207 = tpu.memref_squeeze %dma_start3A_206 : memref<1x64xf32, #tpu.memory_space<hbm>> -> memref<64xf32, #tpu.memory_space<hbm>>
          tpu.enqueue_dma source(%dma_start3A_207 : memref<64xf32, #tpu.memory_space<hbm>>) target(%dma_start3A_204 : memref<64xf32, #tpu.memory_space<vmem>>) target_semaphore(%arg11 : memref<!tpu.dma_semaphore, #tpu.memory_space<semaphore_mem>>)
          %slice3A_208 = vector.extract_strided_slice %get3A_84 {offsets = [7], sizes = [1], strides = [1]} : vector<16xi32> to vector<1xi32>
          %squeeze3A_209 = vector.extract %slice3A_208[0] : i32 from vector<1xi32>
          %mul3A_210 = arith.constant 16 : i32
          %mul3A_211 = arith.muli %add3A_77, %mul3A_210 : i32
          %add3A_212 = arith.constant 7 : i32
          %add3A_213 = arith.addi %mul3A_211, %add3A_212 : i32
          %dma_start3A_214 = arith.constant 0 : i32
          %dma_start3A_215 = tpu.memref_slice %arg7[%add3A_213, %dma_start3A_214] : memref<128x64xf32, #tpu.memory_space<vmem>> -> memref<1x64xf32, #tpu.memory_space<vmem>>
          %dma_start3A_216 = tpu.memref_squeeze %dma_start3A_215 : memref<1x64xf32, #tpu.memory_space<vmem>> -> memref<64xf32, #tpu.memory_space<vmem>>
          %dma_start3A_217 = arith.constant 0 : i32
          %dma_start3A_218 = tpu.memref_slice %arg3[%squeeze3A_209, %dma_start3A_217] : memref<100000x64xf32, #tpu.memory_space<hbm>> -> memref<1x64xf32, #tpu.memory_space<hbm>>
          %dma_start3A_219 = tpu.memref_squeeze %dma_start3A_218 : memref<1x64xf32, #tpu.memory_space<hbm>> -> memref<64xf32, #tpu.memory_space<hbm>>
          %dma_start3A_220 = arith.constant 0 : i32
          %dma_start3A_221 = tpu.memref_slice %arg7[%add3A_213, %dma_start3A_220] : memref<128x64xf32, #tpu.memory_space<vmem>> -> memref<1x64xf32, #tpu.memory_space<vmem>>
          %dma_start3A_222 = tpu.memref_squeeze %dma_start3A_221 : memref<1x64xf32, #tpu.memory_space<vmem>> -> memref<64xf32, #tpu.memory_space<vmem>>
          %dma_start3A_223 = arith.constant 0 : i32
          %dma_start3A_224 = tpu.memref_slice %arg3[%squeeze3A_209, %dma_start3A_223] : memref<100000x64xf32, #tpu.memory_space<hbm>> -> memref<1x64xf32, #tpu.memory_space<hbm>>
          %dma_start3A_225 = tpu.memref_squeeze %dma_start3A_224 : memref<1x64xf32, #tpu.memory_space<hbm>> -> memref<64xf32, #tpu.memory_space<hbm>>
          tpu.enqueue_dma source(%dma_start3A_225 : memref<64xf32, #tpu.memory_space<hbm>>) target(%dma_start3A_222 : memref<64xf32, #tpu.memory_space<vmem>>) target_semaphore(%arg11 : memref<!tpu.dma_semaphore, #tpu.memory_space<semaphore_mem>>)
          %slice3A_226 = vector.extract_strided_slice %get3A_84 {offsets = [8], sizes = [1], strides = [1]} : vector<16xi32> to vector<1xi32>
          %squeeze3A_227 = vector.extract %slice3A_226[0] : i32 from vector<1xi32>
          %mul3A_228 = arith.constant 16 : i32
          %mul3A_229 = arith.muli %add3A_77, %mul3A_228 : i32
          %add3A_230 = arith.constant 8 : i32
          %add3A_231 = arith.addi %mul3A_229, %add3A_230 : i32
          %dma_start3A_232 = arith.constant 0 : i32
          %dma_start3A_233 = tpu.memref_slice %arg7[%add3A_231, %dma_start3A_232] : memref<128x64xf32, #tpu.memory_space<vmem>> -> memref<1x64xf32, #tpu.memory_space<vmem>>
          %dma_start3A_234 = tpu.memref_squeeze %dma_start3A_233 : memref<1x64xf32, #tpu.memory_space<vmem>> -> memref<64xf32, #tpu.memory_space<vmem>>
          %dma_start3A_235 = arith.constant 0 : i32
          %dma_start3A_236 = tpu.memref_slice %arg3[%squeeze3A_227, %dma_start3A_235] : memref<100000x64xf32, #tpu.memory_space<hbm>> -> memref<1x64xf32, #tpu.memory_space<hbm>>
          %dma_start3A_237 = tpu.memref_squeeze %dma_start3A_236 : memref<1x64xf32, #tpu.memory_space<hbm>> -> memref<64xf32, #tpu.memory_space<hbm>>
          %dma_start3A_238 = arith.constant 0 : i32
          %dma_start3A_239 = tpu.memref_slice %arg7[%add3A_231, %dma_start3A_238] : memref<128x64xf32, #tpu.memory_space<vmem>> -> memref<1x64xf32, #tpu.memory_space<vmem>>
          %dma_start3A_240 = tpu.memref_squeeze %dma_start3A_239 : memref<1x64xf32, #tpu.memory_space<vmem>> -> memref<64xf32, #tpu.memory_space<vmem>>
          %dma_start3A_241 = arith.constant 0 : i32
          %dma_start3A_242 = tpu.memref_slice %arg3[%squeeze3A_227, %dma_start3A_241] : memref<100000x64xf32, #tpu.memory_space<hbm>> -> memref<1x64xf32, #tpu.memory_space<hbm>>
          %dma_start3A_243 = tpu.memref_squeeze %dma_start3A_242 : memref<1x64xf32, #tpu.memory_space<hbm>> -> memref<64xf32, #tpu.memory_space<hbm>>
          tpu.enqueue_dma source(%dma_start3A_243 : memref<64xf32, #tpu.memory_space<hbm>>) target(%dma_start3A_240 : memref<64xf32, #tpu.memory_space<vmem>>) target_semaphore(%arg11 : memref<!tpu.dma_semaphore, #tpu.memory_space<semaphore_mem>>)
          %slice3A_244 = vector.extract_strided_slice %get3A_84 {offsets = [9], sizes = [1], strides = [1]} : vector<16xi32> to vector<1xi32>
          %squeeze3A_245 = vector.extract %slice3A_244[0] : i32 from vector<1xi32>
          %mul3A_246 = arith.constant 16 : i32
          %mul3A_247 = arith.muli %add3A_77, %mul3A_246 : i32
          %add3A_248 = arith.constant 9 : i32
          %add3A_249 = arith.addi %mul3A_247, %add3A_248 : i32
          %dma_start3A_250 = arith.constant 0 : i32
          %dma_start3A_251 = tpu.memref_slice %arg7[%add3A_249, %dma_start3A_250] : memref<128x64xf32, #tpu.memory_space<vmem>> -> memref<1x64xf32, #tpu.memory_space<vmem>>
          %dma_start3A_252 = tpu.memref_squeeze %dma_start3A_251 : memref<1x64xf32, #tpu.memory_space<vmem>> -> memref<64xf32, #tpu.memory_space<vmem>>
          %dma_start3A_253 = arith.constant 0 : i32
          %dma_start3A_254 = tpu.memref_slice %arg3[%squeeze3A_245, %dma_start3A_253] : memref<100000x64xf32, #tpu.memory_space<hbm>> -> memref<1x64xf32, #tpu.memory_space<hbm>>
          %dma_start3A_255 = tpu.memref_squeeze %dma_start3A_254 : memref<1x64xf32, #tpu.memory_space<hbm>> -> memref<64xf32, #tpu.memory_space<hbm>>
          %dma_start3A_256 = arith.constant 0 : i32
          %dma_start3A_257 = tpu.memref_slice %arg7[%add3A_249, %dma_start3A_256] : memref<128x64xf32, #tpu.memory_space<vmem>> -> memref<1x64xf32, #tpu.memory_space<vmem>>
          %dma_start3A_258 = tpu.memref_squeeze %dma_start3A_257 : memref<1x64xf32, #tpu.memory_space<vmem>> -> memref<64xf32, #tpu.memory_space<vmem>>
          %dma_start3A_259 = arith.constant 0 : i32
          %dma_start3A_260 = tpu.memref_slice %arg3[%squeeze3A_245, %dma_start3A_259] : memref<100000x64xf32, #tpu.memory_space<hbm>> -> memref<1x64xf32, #tpu.memory_space<hbm>>
          %dma_start3A_261 = tpu.memref_squeeze %dma_start3A_260 : memref<1x64xf32, #tpu.memory_space<hbm>> -> memref<64xf32, #tpu.memory_space<hbm>>
          tpu.enqueue_dma source(%dma_start3A_261 : memref<64xf32, #tpu.memory_space<hbm>>) target(%dma_start3A_258 : memref<64xf32, #tpu.memory_space<vmem>>) target_semaphore(%arg11 : memref<!tpu.dma_semaphore, #tpu.memory_space<semaphore_mem>>)
          %slice3A_262 = vector.extract_strided_slice %get3A_84 {offsets = [10], sizes = [1], strides = [1]} : vector<16xi32> to vector<1xi32>
          %squeeze3A_263 = vector.extract %slice3A_262[0] : i32 from vector<1xi32>
          %mul3A_264 = arith.constant 16 : i32
          %mul3A_265 = arith.muli %add3A_77, %mul3A_264 : i32
          %add3A_266 = arith.constant 10 : i32
          %add3A_267 = arith.addi %mul3A_265, %add3A_266 : i32
          %dma_start3A_268 = arith.constant 0 : i32
          %dma_start3A_269 = tpu.memref_slice %arg7[%add3A_267, %dma_start3A_268] : memref<128x64xf32, #tpu.memory_space<vmem>> -> memref<1x64xf32, #tpu.memory_space<vmem>>
          %dma_start3A_270 = tpu.memref_squeeze %dma_start3A_269 : memref<1x64xf32, #tpu.memory_space<vmem>> -> memref<64xf32, #tpu.memory_space<vmem>>
          %dma_start3A_271 = arith.constant 0 : i32
          %dma_start3A_272 = tpu.memref_slice %arg3[%squeeze3A_263, %dma_start3A_271] : memref<100000x64xf32, #tpu.memory_space<hbm>> -> memref<1x64xf32, #tpu.memory_space<hbm>>
          %dma_start3A_273 = tpu.memref_squeeze %dma_start3A_272 : memref<1x64xf32, #tpu.memory_space<hbm>> -> memref<64xf32, #tpu.memory_space<hbm>>
          %dma_start3A_274 = arith.constant 0 : i32
          %dma_start3A_275 = tpu.memref_slice %arg7[%add3A_267, %dma_start3A_274] : memref<128x64xf32, #tpu.memory_space<vmem>> -> memref<1x64xf32, #tpu.memory_space<vmem>>
          %dma_start3A_276 = tpu.memref_squeeze %dma_start3A_275 : memref<1x64xf32, #tpu.memory_space<vmem>> -> memref<64xf32, #tpu.memory_space<vmem>>
          %dma_start3A_277 = arith.constant 0 : i32
          %dma_start3A_278 = tpu.memref_slice %arg3[%squeeze3A_263, %dma_start3A_277] : memref<100000x64xf32, #tpu.memory_space<hbm>> -> memref<1x64xf32, #tpu.memory_space<hbm>>
          %dma_start3A_279 = tpu.memref_squeeze %dma_start3A_278 : memref<1x64xf32, #tpu.memory_space<hbm>> -> memref<64xf32, #tpu.memory_space<hbm>>
          tpu.enqueue_dma source(%dma_start3A_279 : memref<64xf32, #tpu.memory_space<hbm>>) target(%dma_start3A_276 : memref<64xf32, #tpu.memory_space<vmem>>) target_semaphore(%arg11 : memref<!tpu.dma_semaphore, #tpu.memory_space<semaphore_mem>>)
          %slice3A_280 = vector.extract_strided_slice %get3A_84 {offsets = [11], sizes = [1], strides = [1]} : vector<16xi32> to vector<1xi32>
          %squeeze3A_281 = vector.extract %slice3A_280[0] : i32 from vector<1xi32>
          %mul3A_282 = arith.constant 16 : i32
          %mul3A_283 = arith.muli %add3A_77, %mul3A_282 : i32
          %add3A_284 = arith.constant 11 : i32
          %add3A_285 = arith.addi %mul3A_283, %add3A_284 : i32
          %dma_start3A_286 = arith.constant 0 : i32
          %dma_start3A_287 = tpu.memref_slice %arg7[%add3A_285, %dma_start3A_286] : memref<128x64xf32, #tpu.memory_space<vmem>> -> memref<1x64xf32, #tpu.memory_space<vmem>>
          %dma_start3A_288 = tpu.memref_squeeze %dma_start3A_287 : memref<1x64xf32, #tpu.memory_space<vmem>> -> memref<64xf32, #tpu.memory_space<vmem>>
          %dma_start3A_289 = arith.constant 0 : i32
          %dma_start3A_290 = tpu.memref_slice %arg3[%squeeze3A_281, %dma_start3A_289] : memref<100000x64xf32, #tpu.memory_space<hbm>> -> memref<1x64xf32, #tpu.memory_space<hbm>>
          %dma_start3A_291 = tpu.memref_squeeze %dma_start3A_290 : memref<1x64xf32, #tpu.memory_space<hbm>> -> memref<64xf32, #tpu.memory_space<hbm>>
          %dma_start3A_292 = arith.constant 0 : i32
          %dma_start3A_293 = tpu.memref_slice %arg7[%add3A_285, %dma_start3A_292] : memref<128x64xf32, #tpu.memory_space<vmem>> -> memref<1x64xf32, #tpu.memory_space<vmem>>
          %dma_start3A_294 = tpu.memref_squeeze %dma_start3A_293 : memref<1x64xf32, #tpu.memory_space<vmem>> -> memref<64xf32, #tpu.memory_space<vmem>>
          %dma_start3A_295 = arith.constant 0 : i32
          %dma_start3A_296 = tpu.memref_slice %arg3[%squeeze3A_281, %dma_start3A_295] : memref<100000x64xf32, #tpu.memory_space<hbm>> -> memref<1x64xf32, #tpu.memory_space<hbm>>
          %dma_start3A_297 = tpu.memref_squeeze %dma_start3A_296 : memref<1x64xf32, #tpu.memory_space<hbm>> -> memref<64xf32, #tpu.memory_space<hbm>>
          tpu.enqueue_dma source(%dma_start3A_297 : memref<64xf32, #tpu.memory_space<hbm>>) target(%dma_start3A_294 : memref<64xf32, #tpu.memory_space<vmem>>) target_semaphore(%arg11 : memref<!tpu.dma_semaphore, #tpu.memory_space<semaphore_mem>>)
          %slice3A_298 = vector.extract_strided_slice %get3A_84 {offsets = [12], sizes = [1], strides = [1]} : vector<16xi32> to vector<1xi32>
          %squeeze3A_299 = vector.extract %slice3A_298[0] : i32 from vector<1xi32>
          %mul3A_300 = arith.constant 16 : i32
          %mul3A_301 = arith.muli %add3A_77, %mul3A_300 : i32
          %add3A_302 = arith.constant 12 : i32
          %add3A_303 = arith.addi %mul3A_301, %add3A_302 : i32
          %dma_start3A_304 = arith.constant 0 : i32
          %dma_start3A_305 = tpu.memref_slice %arg7[%add3A_303, %dma_start3A_304] : memref<128x64xf32, #tpu.memory_space<vmem>> -> memref<1x64xf32, #tpu.memory_space<vmem>>
          %dma_start3A_306 = tpu.memref_squeeze %dma_start3A_305 : memref<1x64xf32, #tpu.memory_space<vmem>> -> memref<64xf32, #tpu.memory_space<vmem>>
          %dma_start3A_307 = arith.constant 0 : i32
          %dma_start3A_308 = tpu.memref_slice %arg3[%squeeze3A_299, %dma_start3A_307] : memref<100000x64xf32, #tpu.memory_space<hbm>> -> memref<1x64xf32, #tpu.memory_space<hbm>>
          %dma_start3A_309 = tpu.memref_squeeze %dma_start3A_308 : memref<1x64xf32, #tpu.memory_space<hbm>> -> memref<64xf32, #tpu.memory_space<hbm>>
          %dma_start3A_310 = arith.constant 0 : i32
          %dma_start3A_311 = tpu.memref_slice %arg7[%add3A_303, %dma_start3A_310] : memref<128x64xf32, #tpu.memory_space<vmem>> -> memref<1x64xf32, #tpu.memory_space<vmem>>
          %dma_start3A_312 = tpu.memref_squeeze %dma_start3A_311 : memref<1x64xf32, #tpu.memory_space<vmem>> -> memref<64xf32, #tpu.memory_space<vmem>>
          %dma_start3A_313 = arith.constant 0 : i32
          %dma_start3A_314 = tpu.memref_slice %arg3[%squeeze3A_299, %dma_start3A_313] : memref<100000x64xf32, #tpu.memory_space<hbm>> -> memref<1x64xf32, #tpu.memory_space<hbm>>
          %dma_start3A_315 = tpu.memref_squeeze %dma_start3A_314 : memref<1x64xf32, #tpu.memory_space<hbm>> -> memref<64xf32, #tpu.memory_space<hbm>>
          tpu.enqueue_dma source(%dma_start3A_315 : memref<64xf32, #tpu.memory_space<hbm>>) target(%dma_start3A_312 : memref<64xf32, #tpu.memory_space<vmem>>) target_semaphore(%arg11 : memref<!tpu.dma_semaphore, #tpu.memory_space<semaphore_mem>>)
          %slice3A_316 = vector.extract_strided_slice %get3A_84 {offsets = [13], sizes = [1], strides = [1]} : vector<16xi32> to vector<1xi32>
          %squeeze3A_317 = vector.extract %slice3A_316[0] : i32 from vector<1xi32>
          %mul3A_318 = arith.constant 16 : i32
          %mul3A_319 = arith.muli %add3A_77, %mul3A_318 : i32
          %add3A_320 = arith.constant 13 : i32
          %add3A_321 = arith.addi %mul3A_319, %add3A_320 : i32
          %dma_start3A_322 = arith.constant 0 : i32
          %dma_start3A_323 = tpu.memref_slice %arg7[%add3A_321, %dma_start3A_322] : memref<128x64xf32, #tpu.memory_space<vmem>> -> memref<1x64xf32, #tpu.memory_space<vmem>>
          %dma_start3A_324 = tpu.memref_squeeze %dma_start3A_323 : memref<1x64xf32, #tpu.memory_space<vmem>> -> memref<64xf32, #tpu.memory_space<vmem>>
          %dma_start3A_325 = arith.constant 0 : i32
          %dma_start3A_326 = tpu.memref_slice %arg3[%squeeze3A_317, %dma_start3A_325] : memref<100000x64xf32, #tpu.memory_space<hbm>> -> memref<1x64xf32, #tpu.memory_space<hbm>>
          %dma_start3A_327 = tpu.memref_squeeze %dma_start3A_326 : memref<1x64xf32, #tpu.memory_space<hbm>> -> memref<64xf32, #tpu.memory_space<hbm>>
          %dma_start3A_328 = arith.constant 0 : i32
          %dma_start3A_329 = tpu.memref_slice %arg7[%add3A_321, %dma_start3A_328] : memref<128x64xf32, #tpu.memory_space<vmem>> -> memref<1x64xf32, #tpu.memory_space<vmem>>
          %dma_start3A_330 = tpu.memref_squeeze %dma_start3A_329 : memref<1x64xf32, #tpu.memory_space<vmem>> -> memref<64xf32, #tpu.memory_space<vmem>>
          %dma_start3A_331 = arith.constant 0 : i32
          %dma_start3A_332 = tpu.memref_slice %arg3[%squeeze3A_317, %dma_start3A_331] : memref<100000x64xf32, #tpu.memory_space<hbm>> -> memref<1x64xf32, #tpu.memory_space<hbm>>
          %dma_start3A_333 = tpu.memref_squeeze %dma_start3A_332 : memref<1x64xf32, #tpu.memory_space<hbm>> -> memref<64xf32, #tpu.memory_space<hbm>>
          tpu.enqueue_dma source(%dma_start3A_333 : memref<64xf32, #tpu.memory_space<hbm>>) target(%dma_start3A_330 : memref<64xf32, #tpu.memory_space<vmem>>) target_semaphore(%arg11 : memref<!tpu.dma_semaphore, #tpu.memory_space<semaphore_mem>>)
          %slice3A_334 = vector.extract_strided_slice %get3A_84 {offsets = [14], sizes = [1], strides = [1]} : vector<16xi32> to vector<1xi32>
          %squeeze3A_335 = vector.extract %slice3A_334[0] : i32 from vector<1xi32>
          %mul3A_336 = arith.constant 16 : i32
          %mul3A_337 = arith.muli %add3A_77, %mul3A_336 : i32
          %add3A_338 = arith.constant 14 : i32
          %add3A_339 = arith.addi %mul3A_337, %add3A_338 : i32
          %dma_start3A_340 = arith.constant 0 : i32
          %dma_start3A_341 = tpu.memref_slice %arg7[%add3A_339, %dma_start3A_340] : memref<128x64xf32, #tpu.memory_space<vmem>> -> memref<1x64xf32, #tpu.memory_space<vmem>>
          %dma_start3A_342 = tpu.memref_squeeze %dma_start3A_341 : memref<1x64xf32, #tpu.memory_space<vmem>> -> memref<64xf32, #tpu.memory_space<vmem>>
          %dma_start3A_343 = arith.constant 0 : i32
          %dma_start3A_344 = tpu.memref_slice %arg3[%squeeze3A_335, %dma_start3A_343] : memref<100000x64xf32, #tpu.memory_space<hbm>> -> memref<1x64xf32, #tpu.memory_space<hbm>>
          %dma_start3A_345 = tpu.memref_squeeze %dma_start3A_344 : memref<1x64xf32, #tpu.memory_space<hbm>> -> memref<64xf32, #tpu.memory_space<hbm>>
          %dma_start3A_346 = arith.constant 0 : i32
          %dma_start3A_347 = tpu.memref_slice %arg7[%add3A_339, %dma_start3A_346] : memref<128x64xf32, #tpu.memory_space<vmem>> -> memref<1x64xf32, #tpu.memory_space<vmem>>
          %dma_start3A_348 = tpu.memref_squeeze %dma_start3A_347 : memref<1x64xf32, #tpu.memory_space<vmem>> -> memref<64xf32, #tpu.memory_space<vmem>>
          %dma_start3A_349 = arith.constant 0 : i32
          %dma_start3A_350 = tpu.memref_slice %arg3[%squeeze3A_335, %dma_start3A_349] : memref<100000x64xf32, #tpu.memory_space<hbm>> -> memref<1x64xf32, #tpu.memory_space<hbm>>
          %dma_start3A_351 = tpu.memref_squeeze %dma_start3A_350 : memref<1x64xf32, #tpu.memory_space<hbm>> -> memref<64xf32, #tpu.memory_space<hbm>>
          tpu.enqueue_dma source(%dma_start3A_351 : memref<64xf32, #tpu.memory_space<hbm>>) target(%dma_start3A_348 : memref<64xf32, #tpu.memory_space<vmem>>) target_semaphore(%arg11 : memref<!tpu.dma_semaphore, #tpu.memory_space<semaphore_mem>>)
          %slice3A_352 = vector.extract_strided_slice %get3A_84 {offsets = [15], sizes = [1], strides = [1]} : vector<16xi32> to vector<1xi32>
          %squeeze3A_353 = vector.extract %slice3A_352[0] : i32 from vector<1xi32>
          %mul3A_354 = arith.constant 16 : i32
          %mul3A_355 = arith.muli %add3A_77, %mul3A_354 : i32
          %add3A_356 = arith.constant 15 : i32
          %add3A_357 = arith.addi %mul3A_355, %add3A_356 : i32
          %dma_start3A_358 = arith.constant 0 : i32
          %dma_start3A_359 = tpu.memref_slice %arg7[%add3A_357, %dma_start3A_358] : memref<128x64xf32, #tpu.memory_space<vmem>> -> memref<1x64xf32, #tpu.memory_space<vmem>>
          %dma_start3A_360 = tpu.memref_squeeze %dma_start3A_359 : memref<1x64xf32, #tpu.memory_space<vmem>> -> memref<64xf32, #tpu.memory_space<vmem>>
          %dma_start3A_361 = arith.constant 0 : i32
          %dma_start3A_362 = tpu.memref_slice %arg3[%squeeze3A_353, %dma_start3A_361] : memref<100000x64xf32, #tpu.memory_space<hbm>> -> memref<1x64xf32, #tpu.memory_space<hbm>>
          %dma_start3A_363 = tpu.memref_squeeze %dma_start3A_362 : memref<1x64xf32, #tpu.memory_space<hbm>> -> memref<64xf32, #tpu.memory_space<hbm>>
          %dma_start3A_364 = arith.constant 0 : i32
          %dma_start3A_365 = tpu.memref_slice %arg7[%add3A_357, %dma_start3A_364] : memref<128x64xf32, #tpu.memory_space<vmem>> -> memref<1x64xf32, #tpu.memory_space<vmem>>
          %dma_start3A_366 = tpu.memref_squeeze %dma_start3A_365 : memref<1x64xf32, #tpu.memory_space<vmem>> -> memref<64xf32, #tpu.memory_space<vmem>>
          %dma_start3A_367 = arith.constant 0 : i32
          %dma_start3A_368 = tpu.memref_slice %arg3[%squeeze3A_353, %dma_start3A_367] : memref<100000x64xf32, #tpu.memory_space<hbm>> -> memref<1x64xf32, #tpu.memory_space<hbm>>
          %dma_start3A_369 = tpu.memref_squeeze %dma_start3A_368 : memref<1x64xf32, #tpu.memory_space<hbm>> -> memref<64xf32, #tpu.memory_space<hbm>>
          tpu.enqueue_dma source(%dma_start3A_369 : memref<64xf32, #tpu.memory_space<hbm>>) target(%dma_start3A_366 : memref<64xf32, #tpu.memory_space<vmem>>) target_semaphore(%arg11 : memref<!tpu.dma_semaphore, #tpu.memory_space<semaphore_mem>>)
        }
        %scan3A_72 = arith.constant 8 : i32
      } else {
      }
      %dma_wait3A = arith.constant 0 : i32
      %dma_wait3A_30 = arith.constant 0 : i32
      %dma_wait3A_31 = tpu.memref_slice %arg3[%dma_wait3A, %dma_wait3A_30] : memref<100000x64xf32, #tpu.memory_space<hbm>> -> memref<128x64xf32, #tpu.memory_space<hbm>>
      %dma_wait3A_32 = arith.constant 0 : i32
      %dma_wait3A_33 = arith.constant 0 : i32
      %dma_wait3A_34 = tpu.memref_slice %arg3[%dma_wait3A_32, %dma_wait3A_33] : memref<100000x64xf32, #tpu.memory_space<hbm>> -> memref<128x64xf32, #tpu.memory_space<hbm>>
      tpu.wait_dma2 semaphore(%arg10 : memref<!tpu.dma_semaphore, #tpu.memory_space<semaphore_mem>>) src(%dma_wait3A_34 : memref<128x64xf32, #tpu.memory_space<hbm>>) dst(%arg6 : memref<128x64xf32, #tpu.memory_space<vmem>>)
      %shift_right_arithmetic3A = arith.constant 3 : i32
      %shift_right_arithmetic3A_35 = arith.shrsi %add3A_25, %shift_right_arithmetic3A : i32
      %and3A = arith.constant 7 : i32
      %and3A_36 = arith.andi %add3A_25, %and3A : i32
      %scan3A_37 = arith.constant 0 : i32
      %scan3A_38 = arith.constant 16 : i32
      %scan3A_39 = arith.addi %scan3A_37, %scan3A_38 : i32
      %scan3A_40 = arith.constant 1 : i32
      scf.for %scan3A_66 = %scan3A_37 to %scan3A_39 step %scan3A_40  : i32 {
        %mul3A_67 = arith.constant 1 : i32
        %mul3A_68 = arith.muli %scan3A_66, %mul3A_67 : i32
        %add3A_69 = arith.constant 0 : i32
        %add3A_70 = arith.addi %add3A_69, %mul3A_68 : i32
        %mul3A_71 = arith.constant 8 : i32
        %mul3A_72 = arith.muli %add3A_70, %mul3A_71 : i32
        %get3A_73 = arith.index_cast %mul3A_72 : i32 to index
        %get3A_74 = arith.constant 0 : index
        %get3A_75 = tpu.vector_load %arg6[%get3A_73, %get3A_74] {strides = array<i32>} : memref<128x64xf32, #tpu.memory_space<vmem>>, vector<16xf32>,
        %get3A_76 = arith.index_cast %mul3A_72 : i32 to index
        %get3A_77 = arith.constant 16 : index
        %get3A_78 = tpu.vector_load %arg6[%get3A_76, %get3A_77] {strides = array<i32>} : memref<128x64xf32, #tpu.memory_space<vmem>>, vector<16xf32>,
        %get3A_79 = arith.index_cast %mul3A_72 : i32 to index
        %get3A_80 = arith.constant 32 : index
        %get3A_81 = tpu.vector_load %arg6[%get3A_79, %get3A_80] {strides = array<i32>} : memref<128x64xf32, #tpu.memory_space<vmem>>, vector<16xf32>,
        %get3A_82 = arith.index_cast %mul3A_72 : i32 to index
        %get3A_83 = arith.constant 48 : index
        %get3A_84 = tpu.vector_load %arg6[%get3A_82, %get3A_83] {strides = array<i32>} : memref<128x64xf32, #tpu.memory_space<vmem>>, vector<16xf32>,
        %add3A_85 = arith.constant 1 : i32
        %add3A_86 = arith.addi %mul3A_72, %add3A_85 : i32
        %get3A_87 = arith.index_cast %add3A_86 : i32 to index
        %get3A_88 = arith.constant 0 : index
        %get3A_89 = tpu.vector_load %arg6[%get3A_87, %get3A_88] {strides = array<i32>} : memref<128x64xf32, #tpu.memory_space<vmem>>, vector<16xf32>,
        %add3A_90 = arith.addf %get3A_75, %get3A_89 : vector<16xf32>
        %add3A_91 = arith.constant 1 : i32
        %add3A_92 = arith.addi %mul3A_72, %add3A_91 : i32
        %get3A_93 = arith.index_cast %add3A_92 : i32 to index
        %get3A_94 = arith.constant 16 : index
        %get3A_95 = tpu.vector_load %arg6[%get3A_93, %get3A_94] {strides = array<i32>} : memref<128x64xf32, #tpu.memory_space<vmem>>, vector<16xf32>,
        %add3A_96 = arith.addf %get3A_78, %get3A_95 : vector<16xf32>
        %add3A_97 = arith.constant 1 : i32
        %add3A_98 = arith.addi %mul3A_72, %add3A_97 : i32
        %get3A_99 = arith.index_cast %add3A_98 : i32 to index
        %get3A_100 = arith.constant 32 : index
        %get3A_101 = tpu.vector_load %arg6[%get3A_99, %get3A_100] {strides = array<i32>} : memref<128x64xf32, #tpu.memory_space<vmem>>, vector<16xf32>,
        %add3A_102 = arith.addf %get3A_81, %get3A_101 : vector<16xf32>
        %add3A_103 = arith.constant 1 : i32
        %add3A_104 = arith.addi %mul3A_72, %add3A_103 : i32
        %get3A_105 = arith.index_cast %add3A_104 : i32 to index
        %get3A_106 = arith.constant 48 : index
        %get3A_107 = tpu.vector_load %arg6[%get3A_105, %get3A_106] {strides = array<i32>} : memref<128x64xf32, #tpu.memory_space<vmem>>, vector<16xf32>,
        %add3A_108 = arith.addf %get3A_84, %get3A_107 : vector<16xf32>
        %add3A_109 = arith.constant 2 : i32
        %add3A_110 = arith.addi %mul3A_72, %add3A_109 : i32
        %get3A_111 = arith.index_cast %add3A_110 : i32 to index
        %get3A_112 = arith.constant 0 : index
        %get3A_113 = tpu.vector_load %arg6[%get3A_111, %get3A_112] {strides = array<i32>} : memref<128x64xf32, #tpu.memory_space<vmem>>, vector<16xf32>,
        %add3A_114 = arith.addf %add3A_90, %get3A_113 : vector<16xf32>
        %add3A_115 = arith.constant 2 : i32
        %add3A_116 = arith.addi %mul3A_72, %add3A_115 : i32
        %get3A_117 = arith.index_cast %add3A_116 : i32 to index
        %get3A_118 = arith.constant 16 : index
        %get3A_119 = tpu.vector_load %arg6[%get3A_117, %get3A_118] {strides = array<i32>} : memref<128x64xf32, #tpu.memory_space<vmem>>, vector<16xf32>,
        %add3A_120 = arith.addf %add3A_96, %get3A_119 : vector<16xf32>
        %add3A_121 = arith.constant 2 : i32
        %add3A_122 = arith.addi %mul3A_72, %add3A_121 : i32
        %get3A_123 = arith.index_cast %add3A_122 : i32 to index
        %get3A_124 = arith.constant 32 : index
        %get3A_125 = tpu.vector_load %arg6[%get3A_123, %get3A_124] {strides = array<i32>} : memref<128x64xf32, #tpu.memory_space<vmem>>, vector<16xf32>,
        %add3A_126 = arith.addf %add3A_102, %get3A_125 : vector<16xf32>
        %add3A_127 = arith.constant 2 : i32
        %add3A_128 = arith.addi %mul3A_72, %add3A_127 : i32
        %get3A_129 = arith.index_cast %add3A_128 : i32 to index
        %get3A_130 = arith.constant 48 : index
        %get3A_131 = tpu.vector_load %arg6[%get3A_129, %get3A_130] {strides = array<i32>} : memref<128x64xf32, #tpu.memory_space<vmem>>, vector<16xf32>,
        %add3A_132 = arith.addf %add3A_108, %get3A_131 : vector<16xf32>
        %add3A_133 = arith.constant 3 : i32
        %add3A_134 = arith.addi %mul3A_72, %add3A_133 : i32
        %get3A_135 = arith.index_cast %add3A_134 : i32 to index
        %get3A_136 = arith.constant 0 : index
        %get3A_137 = tpu.vector_load %arg6[%get3A_135, %get3A_136] {strides = array<i32>} : memref<128x64xf32, #tpu.memory_space<vmem>>, vector<16xf32>,
        %add3A_138 = arith.addf %add3A_114, %get3A_137 : vector<16xf32>
        %add3A_139 = arith.constant 3 : i32
        %add3A_140 = arith.addi %mul3A_72, %add3A_139 : i32
        %get3A_141 = arith.index_cast %add3A_140 : i32 to index
        %get3A_142 = arith.constant 16 : index
        %get3A_143 = tpu.vector_load %arg6[%get3A_141, %get3A_142] {strides = array<i32>} : memref<128x64xf32, #tpu.memory_space<vmem>>, vector<16xf32>,
        %add3A_144 = arith.addf %add3A_120, %get3A_143 : vector<16xf32>
        %add3A_145 = arith.constant 3 : i32
        %add3A_146 = arith.addi %mul3A_72, %add3A_145 : i32
        %get3A_147 = arith.index_cast %add3A_146 : i32 to index
        %get3A_148 = arith.constant 32 : index
        %get3A_149 = tpu.vector_load %arg6[%get3A_147, %get3A_148] {strides = array<i32>} : memref<128x64xf32, #tpu.memory_space<vmem>>, vector<16xf32>,
        %add3A_150 = arith.addf %add3A_126, %get3A_149 : vector<16xf32>
        %add3A_151 = arith.constant 3 : i32
        %add3A_152 = arith.addi %mul3A_72, %add3A_151 : i32
        %get3A_153 = arith.index_cast %add3A_152 : i32 to index
        %get3A_154 = arith.constant 48 : index
        %get3A_155 = tpu.vector_load %arg6[%get3A_153, %get3A_154] {strides = array<i32>} : memref<128x64xf32, #tpu.memory_space<vmem>>, vector<16xf32>,
        %add3A_156 = arith.addf %add3A_132, %get3A_155 : vector<16xf32>
        %add3A_157 = arith.constant 4 : i32
        %add3A_158 = arith.addi %mul3A_72, %add3A_157 : i32
        %get3A_159 = arith.index_cast %add3A_158 : i32 to index
        %get3A_160 = arith.constant 0 : index
        %get3A_161 = tpu.vector_load %arg6[%get3A_159, %get3A_160] {strides = array<i32>} : memref<128x64xf32, #tpu.memory_space<vmem>>, vector<16xf32>,
        %add3A_162 = arith.addf %add3A_138, %get3A_161 : vector<16xf32>
        %add3A_163 = arith.constant 4 : i32
        %add3A_164 = arith.addi %mul3A_72, %add3A_163 : i32
        %get3A_165 = arith.index_cast %add3A_164 : i32 to index
        %get3A_166 = arith.constant 16 : index
        %get3A_167 = tpu.vector_load %arg6[%get3A_165, %get3A_166] {strides = array<i32>} : memref<128x64xf32, #tpu.memory_space<vmem>>, vector<16xf32>,
        %add3A_168 = arith.addf %add3A_144, %get3A_167 : vector<16xf32>
        %add3A_169 = arith.constant 4 : i32
        %add3A_170 = arith.addi %mul3A_72, %add3A_169 : i32
        %get3A_171 = arith.index_cast %add3A_170 : i32 to index
        %get3A_172 = arith.constant 32 : index
        %get3A_173 = tpu.vector_load %arg6[%get3A_171, %get3A_172] {strides = array<i32>} : memref<128x64xf32, #tpu.memory_space<vmem>>, vector<16xf32>,
        %add3A_174 = arith.addf %add3A_150, %get3A_173 : vector<16xf32>
        %add3A_175 = arith.constant 4 : i32
        %add3A_176 = arith.addi %mul3A_72, %add3A_175 : i32
        %get3A_177 = arith.index_cast %add3A_176 : i32 to index
        %get3A_178 = arith.constant 48 : index
        %get3A_179 = tpu.vector_load %arg6[%get3A_177, %get3A_178] {strides = array<i32>} : memref<128x64xf32, #tpu.memory_space<vmem>>, vector<16xf32>,
        %add3A_180 = arith.addf %add3A_156, %get3A_179 : vector<16xf32>
        %add3A_181 = arith.constant 5 : i32
        %add3A_182 = arith.addi %mul3A_72, %add3A_181 : i32
        %get3A_183 = arith.index_cast %add3A_182 : i32 to index
        %get3A_184 = arith.constant 0 : index
        %get3A_185 = tpu.vector_load %arg6[%get3A_183, %get3A_184] {strides = array<i32>} : memref<128x64xf32, #tpu.memory_space<vmem>>, vector<16xf32>,
        %add3A_186 = arith.addf %add3A_162, %get3A_185 : vector<16xf32>
        %add3A_187 = arith.constant 5 : i32
        %add3A_188 = arith.addi %mul3A_72, %add3A_187 : i32
        %get3A_189 = arith.index_cast %add3A_188 : i32 to index
        %get3A_190 = arith.constant 16 : index
        %get3A_191 = tpu.vector_load %arg6[%get3A_189, %get3A_190] {strides = array<i32>} : memref<128x64xf32, #tpu.memory_space<vmem>>, vector<16xf32>,
        %add3A_192 = arith.addf %add3A_168, %get3A_191 : vector<16xf32>
        %add3A_193 = arith.constant 5 : i32
        %add3A_194 = arith.addi %mul3A_72, %add3A_193 : i32
        %get3A_195 = arith.index_cast %add3A_194 : i32 to index
        %get3A_196 = arith.constant 32 : index
        %get3A_197 = tpu.vector_load %arg6[%get3A_195, %get3A_196] {strides = array<i32>} : memref<128x64xf32, #tpu.memory_space<vmem>>, vector<16xf32>,
        %add3A_198 = arith.addf %add3A_174, %get3A_197 : vector<16xf32>
        %add3A_199 = arith.constant 5 : i32
        %add3A_200 = arith.addi %mul3A_72, %add3A_199 : i32
        %get3A_201 = arith.index_cast %add3A_200 : i32 to index
        %get3A_202 = arith.constant 48 : index
        %get3A_203 = tpu.vector_load %arg6[%get3A_201, %get3A_202] {strides = array<i32>} : memref<128x64xf32, #tpu.memory_space<vmem>>, vector<16xf32>,
        %add3A_204 = arith.addf %add3A_180, %get3A_203 : vector<16xf32>
        %add3A_205 = arith.constant 6 : i32
        %add3A_206 = arith.addi %mul3A_72, %add3A_205 : i32
        %get3A_207 = arith.index_cast %add3A_206 : i32 to index
        %get3A_208 = arith.constant 0 : index
        %get3A_209 = tpu.vector_load %arg6[%get3A_207, %get3A_208] {strides = array<i32>} : memref<128x64xf32, #tpu.memory_space<vmem>>, vector<16xf32>,
        %add3A_210 = arith.addf %add3A_186, %get3A_209 : vector<16xf32>
        %add3A_211 = arith.constant 6 : i32
        %add3A_212 = arith.addi %mul3A_72, %add3A_211 : i32
        %get3A_213 = arith.index_cast %add3A_212 : i32 to index
        %get3A_214 = arith.constant 16 : index
        %get3A_215 = tpu.vector_load %arg6[%get3A_213, %get3A_214] {strides = array<i32>} : memref<128x64xf32, #tpu.memory_space<vmem>>, vector<16xf32>,
        %add3A_216 = arith.addf %add3A_192, %get3A_215 : vector<16xf32>
        %add3A_217 = arith.constant 6 : i32
        %add3A_218 = arith.addi %mul3A_72, %add3A_217 : i32
        %get3A_219 = arith.index_cast %add3A_218 : i32 to index
        %get3A_220 = arith.constant 32 : index
        %get3A_221 = tpu.vector_load %arg6[%get3A_219, %get3A_220] {strides = array<i32>} : memref<128x64xf32, #tpu.memory_space<vmem>>, vector<16xf32>,
        %add3A_222 = arith.addf %add3A_198, %get3A_221 : vector<16xf32>
        %add3A_223 = arith.constant 6 : i32
        %add3A_224 = arith.addi %mul3A_72, %add3A_223 : i32
        %get3A_225 = arith.index_cast %add3A_224 : i32 to index
        %get3A_226 = arith.constant 48 : index
        %get3A_227 = tpu.vector_load %arg6[%get3A_225, %get3A_226] {strides = array<i32>} : memref<128x64xf32, #tpu.memory_space<vmem>>, vector<16xf32>,
        %add3A_228 = arith.addf %add3A_204, %get3A_227 : vector<16xf32>
        %add3A_229 = arith.constant 7 : i32
        %add3A_230 = arith.addi %mul3A_72, %add3A_229 : i32
        %get3A_231 = arith.index_cast %add3A_230 : i32 to index
        %get3A_232 = arith.constant 0 : index
        %get3A_233 = tpu.vector_load %arg6[%get3A_231, %get3A_232] {strides = array<i32>} : memref<128x64xf32, #tpu.memory_space<vmem>>, vector<16xf32>,
        %add3A_234 = arith.addf %add3A_210, %get3A_233 : vector<16xf32>
        %add3A_235 = arith.constant 7 : i32
        %add3A_236 = arith.addi %mul3A_72, %add3A_235 : i32
        %get3A_237 = arith.index_cast %add3A_236 : i32 to index
        %get3A_238 = arith.constant 16 : index
        %get3A_239 = tpu.vector_load %arg6[%get3A_237, %get3A_238] {strides = array<i32>} : memref<128x64xf32, #tpu.memory_space<vmem>>, vector<16xf32>,
        %add3A_240 = arith.addf %add3A_216, %get3A_239 : vector<16xf32>
        %add3A_241 = arith.constant 7 : i32
        %add3A_242 = arith.addi %mul3A_72, %add3A_241 : i32
        %get3A_243 = arith.index_cast %add3A_242 : i32 to index
        %get3A_244 = arith.constant 32 : index
        %get3A_245 = tpu.vector_load %arg6[%get3A_243, %get3A_244] {strides = array<i32>} : memref<128x64xf32, #tpu.memory_space<vmem>>, vector<16xf32>,
        %add3A_246 = arith.addf %add3A_222, %get3A_245 : vector<16xf32>
        %add3A_247 = arith.constant 7 : i32
        %add3A_248 = arith.addi %mul3A_72, %add3A_247 : i32
        %get3A_249 = arith.index_cast %add3A_248 : i32 to index
        %get3A_250 = arith.constant 48 : index
        %get3A_251 = tpu.vector_load %arg6[%get3A_249, %get3A_250] {strides = array<i32>} : memref<128x64xf32, #tpu.memory_space<vmem>>, vector<16xf32>,
        %add3A_252 = arith.addf %add3A_228, %get3A_251 : vector<16xf32>
        %mul3A_253 = arith.constant 128 : i32
        %mul3A_254 = arith.muli %add3A_25, %mul3A_253 : i32
        %add3A_255 = arith.addi %mul3A_254, %mul3A_72 : i32
        %get3A_256 = arith.index_cast %add3A_255 : i32 to index
        %get3A_257 = tpu.vector_load %arg5[%get3A_256] {strides = array<i32>} : memref<2080xi32, #tpu.memory_space<vmem>>, vector<16xi32>,
        %eq3A = arith.constant 0 : i32
        %eq3A_258 = vector.broadcast %eq3A : i32 to vector<16xi32>
        %eq3A_259 = arith.cmpi eq, %get3A_257, %eq3A_258 : vector<16xi32>
        %iota3A = tpu.iota {dimensions = array<i32: 0>} : vector<16xi32>
        %lt3A_260 = arith.constant 8 : i32
        %lt3A_261 = vector.broadcast %lt3A_260 : i32 to vector<16xi32>
        %lt3A_262 = arith.cmpi slt, %iota3A, %lt3A_261 : vector<16xi32>
        %and3A_263 = arith.andi %eq3A_259, %lt3A_262 : vector<16xi1>
        %jit3A = arith.constant 1.000000e+00 : f32
        %jit3A_264 = arith.constant 0.000000e+00 : f32
        %broadcast_in_dim3A = vector.broadcast %jit3A : f32 to vector<16xf32>
        %broadcast_in_dim3A_265 = vector.broadcast %jit3A_264 : f32 to vector<16xf32>
        %select_n3A = arith.select %and3A_263, %broadcast_in_dim3A, %broadcast_in_dim3A_265 : vector<16xi1>, vector<16xf32>
        %reduce_sum3A = arith.constant true
        %reduce_sum3A_266 = vector.broadcast %reduce_sum3A : i1 to vector<16xi1>
        %reduce_sum3A_267 = tpu.scan <sum>, %select_n3A masked %reduce_sum3A_266 : vector<16xf32>, vector<16xi1> -> vector<16xf32>
        %reduce_sum3A_268 = vector.extract %reduce_sum3A_267[15] : f32 from vector<16xf32>
        %mul3A_269 = arith.constant 16 : i32
        %mul3A_270 = arith.muli %and3A_36, %mul3A_269 : i32
        %add3A_271 = arith.addi %mul3A_270, %add3A_70 : i32
        %mul3A_272 = arith.constant 64 : i32
        %mul3A_273 = arith.muli %shift_right_arithmetic3A_35, %mul3A_272 : i32
        %mul3A_274 = vector.broadcast %reduce_sum3A_268 : f32 to vector<16xf32>
        %mul3A_275 = arith.mulf %mul3A_274, %get3A_3 : vector<16xf32>
        %sub3A = arith.subf %add3A_234, %mul3A_275 : vector<16xf32>
        %add3A_276 = arith.constant 0 : i32
        %add3A_277 = arith.addi %mul3A_273, %add3A_276 : i32
        %swap3A = arith.index_cast %add3A_271 : i32 to index
        %swap3A_278 = arith.index_cast %add3A_277 : i32 to index
        %swap3A_279 = tpu.vector_load %arg8[%swap3A, %swap3A_278] {strides = array<i32>} : memref<128x128xf32, #tpu.memory_space<vmem>>, vector<16xf32>,
        tpu.vector_store %arg8[%swap3A, %swap3A_278], %sub3A {strides = array<i32>} : memref<128x128xf32, #tpu.memory_space<vmem>>, vector<16xf32>,
        %mul3A_280 = vector.broadcast %reduce_sum3A_268 : f32 to vector<16xf32>
        %mul3A_281 = arith.mulf %mul3A_280, %get3A_5 : vector<16xf32>
        %sub3A_282 = arith.subf %add3A_240, %mul3A_281 : vector<16xf32>
        %add3A_283 = arith.constant 16 : i32
        %add3A_284 = arith.addi %mul3A_273, %add3A_283 : i32
        %swap3A_285 = arith.index_cast %add3A_271 : i32 to index
        %swap3A_286 = arith.index_cast %add3A_284 : i32 to index
        %swap3A_287 = tpu.vector_load %arg8[%swap3A_285, %swap3A_286] {strides = array<i32>} : memref<128x128xf32, #tpu.memory_space<vmem>>, vector<16xf32>,
        tpu.vector_store %arg8[%swap3A_285, %swap3A_286], %sub3A_282 {strides = array<i32>} : memref<128x128xf32, #tpu.memory_space<vmem>>, vector<16xf32>,
        %mul3A_288 = vector.broadcast %reduce_sum3A_268 : f32 to vector<16xf32>
        %mul3A_289 = arith.mulf %mul3A_288, %get3A_7 : vector<16xf32>
        %sub3A_290 = arith.subf %add3A_246, %mul3A_289 : vector<16xf32>
        %add3A_291 = arith.constant 32 : i32
        %add3A_292 = arith.addi %mul3A_273, %add3A_291 : i32
        %swap3A_293 = arith.index_cast %add3A_271 : i32 to index
        %swap3A_294 = arith.index_cast %add3A_292 : i32 to index
        %swap3A_295 = tpu.vector_load %arg8[%swap3A_293, %swap3A_294] {strides = array<i32>} : memref<128x128xf32, #tpu.memory_space<vmem>>, vector<16xf32>,
        tpu.vector_store %arg8[%swap3A_293, %swap3A_294], %sub3A_290 {strides = array<i32>} : memref<128x128xf32, #tpu.memory_space<vmem>>, vector<16xf32>,
        %mul3A_296 = vector.broadcast %reduce_sum3A_268 : f32 to vector<16xf32>
        %mul3A_297 = arith.mulf %mul3A_296, %get3A_9 : vector<16xf32>
        %sub3A_298 = arith.subf %add3A_252, %mul3A_297 : vector<16xf32>
        %add3A_299 = arith.constant 48 : i32
        %add3A_300 = arith.addi %mul3A_273, %add3A_299 : i32
        %swap3A_301 = arith.index_cast %add3A_271 : i32 to index
        %swap3A_302 = arith.index_cast %add3A_300 : i32 to index
        %swap3A_303 = tpu.vector_load %arg8[%swap3A_301, %swap3A_302] {strides = array<i32>} : memref<128x128xf32, #tpu.memory_space<vmem>>, vector<16xf32>,
        tpu.vector_store %arg8[%swap3A_301, %swap3A_302], %sub3A_298 {strides = array<i32>} : memref<128x128xf32, #tpu.memory_space<vmem>>, vector<16xf32>,
      }
      %scan3A_41 = arith.constant 16 : i32
      %add3A_42 = arith.constant 1 : i32
      %add3A_43 = arith.addi %add3A_23, %add3A_42 : i32
      %add3A_44 = arith.constant 1 : i32
      %add3A_45 = arith.addi %add3A_43, %add3A_44 : i32
      %lt3A_46 = arith.constant 16 : i32
      %lt3A_47 = arith.cmpi slt, %add3A_45, %lt3A_46 : i32
      %convert_element_type3A_48 = arith.extui %lt3A_47 : i1 to i32
      %cond3A_49 = arith.constant 0 : i32
      %cond3A_50 = arith.cmpi ne, %convert_element_type3A_48, %cond3A_49 : i32
      scf.if %cond3A_50 {
        %add3A_66 = arith.constant 1 : i32
        %add3A_67 = arith.addi %add3A_43, %add3A_66 : i32
        %scan3A_68 = arith.constant 0 : i32
        %scan3A_69 = arith.constant 8 : i32
        %scan3A_70 = arith.addi %scan3A_68, %scan3A_69 : i32
        %scan3A_71 = arith.constant 1 : i32
        scf.for %scan3A_73 = %scan3A_68 to %scan3A_70 step %scan3A_71  : i32 {
          %mul3A_74 = arith.constant 1 : i32
          %mul3A_75 = arith.muli %scan3A_73, %mul3A_74 : i32
          %add3A_76 = arith.constant 0 : i32
          %add3A_77 = arith.addi %add3A_76, %mul3A_75 : i32
          %mul3A_78 = arith.constant 128 : i32
          %mul3A_79 = arith.muli %add3A_67, %mul3A_78 : i32
          %mul3A_80 = arith.constant 16 : i32
          %mul3A_81 = arith.muli %add3A_77, %mul3A_80 : i32
          %add3A_82 = arith.addi %mul3A_79, %mul3A_81 : i32
          %get3A_83 = arith.index_cast %add3A_82 : i32 to index
          %get3A_84 = tpu.vector_load %arg5[%get3A_83] {strides = array<i32>} : memref<2080xi32, #tpu.memory_space<vmem>>, vector<16xi32>,
          %slice3A = vector.extract_strided_slice %get3A_84 {offsets = [0], sizes = [1], strides = [1]} : vector<16xi32> to vector<1xi32>
          %squeeze3A = vector.extract %slice3A[0] : i32 from vector<1xi32>
          %mul3A_85 = arith.constant 16 : i32
          %mul3A_86 = arith.muli %add3A_77, %mul3A_85 : i32
          %add3A_87 = arith.constant 0 : i32
          %add3A_88 = arith.addi %mul3A_86, %add3A_87 : i32
          %dma_start3A = arith.constant 0 : i32
          %dma_start3A_89 = tpu.memref_slice %arg6[%add3A_88, %dma_start3A] : memref<128x64xf32, #tpu.memory_space<vmem>> -> memref<1x64xf32, #tpu.memory_space<vmem>>
          %dma_start3A_90 = tpu.memref_squeeze %dma_start3A_89 : memref<1x64xf32, #tpu.memory_space<vmem>> -> memref<64xf32, #tpu.memory_space<vmem>>
          %dma_start3A_91 = arith.constant 0 : i32
          %dma_start3A_92 = tpu.memref_slice %arg3[%squeeze3A, %dma_start3A_91] : memref<100000x64xf32, #tpu.memory_space<hbm>> -> memref<1x64xf32, #tpu.memory_space<hbm>>
          %dma_start3A_93 = tpu.memref_squeeze %dma_start3A_92 : memref<1x64xf32, #tpu.memory_space<hbm>> -> memref<64xf32, #tpu.memory_space<hbm>>
          %dma_start3A_94 = arith.constant 0 : i32
          %dma_start3A_95 = tpu.memref_slice %arg6[%add3A_88, %dma_start3A_94] : memref<128x64xf32, #tpu.memory_space<vmem>> -> memref<1x64xf32, #tpu.memory_space<vmem>>
          %dma_start3A_96 = tpu.memref_squeeze %dma_start3A_95 : memref<1x64xf32, #tpu.memory_space<vmem>> -> memref<64xf32, #tpu.memory_space<vmem>>
          %dma_start3A_97 = arith.constant 0 : i32
          %dma_start3A_98 = tpu.memref_slice %arg3[%squeeze3A, %dma_start3A_97] : memref<100000x64xf32, #tpu.memory_space<hbm>> -> memref<1x64xf32, #tpu.memory_space<hbm>>
          %dma_start3A_99 = tpu.memref_squeeze %dma_start3A_98 : memref<1x64xf32, #tpu.memory_space<hbm>> -> memref<64xf32, #tpu.memory_space<hbm>>
          tpu.enqueue_dma source(%dma_start3A_99 : memref<64xf32, #tpu.memory_space<hbm>>) target(%dma_start3A_96 : memref<64xf32, #tpu.memory_space<vmem>>) target_semaphore(%arg10 : memref<!tpu.dma_semaphore, #tpu.memory_space<semaphore_mem>>)
          %slice3A_100 = vector.extract_strided_slice %get3A_84 {offsets = [1], sizes = [1], strides = [1]} : vector<16xi32> to vector<1xi32>
          %squeeze3A_101 = vector.extract %slice3A_100[0] : i32 from vector<1xi32>
          %mul3A_102 = arith.constant 16 : i32
          %mul3A_103 = arith.muli %add3A_77, %mul3A_102 : i32
          %add3A_104 = arith.constant 1 : i32
          %add3A_105 = arith.addi %mul3A_103, %add3A_104 : i32
          %dma_start3A_106 = arith.constant 0 : i32
          %dma_start3A_107 = tpu.memref_slice %arg6[%add3A_105, %dma_start3A_106] : memref<128x64xf32, #tpu.memory_space<vmem>> -> memref<1x64xf32, #tpu.memory_space<vmem>>
          %dma_start3A_108 = tpu.memref_squeeze %dma_start3A_107 : memref<1x64xf32, #tpu.memory_space<vmem>> -> memref<64xf32, #tpu.memory_space<vmem>>
          %dma_start3A_109 = arith.constant 0 : i32
          %dma_start3A_110 = tpu.memref_slice %arg3[%squeeze3A_101, %dma_start3A_109] : memref<100000x64xf32, #tpu.memory_space<hbm>> -> memref<1x64xf32, #tpu.memory_space<hbm>>
          %dma_start3A_111 = tpu.memref_squeeze %dma_start3A_110 : memref<1x64xf32, #tpu.memory_space<hbm>> -> memref<64xf32, #tpu.memory_space<hbm>>
          %dma_start3A_112 = arith.constant 0 : i32
          %dma_start3A_113 = tpu.memref_slice %arg6[%add3A_105, %dma_start3A_112] : memref<128x64xf32, #tpu.memory_space<vmem>> -> memref<1x64xf32, #tpu.memory_space<vmem>>
          %dma_start3A_114 = tpu.memref_squeeze %dma_start3A_113 : memref<1x64xf32, #tpu.memory_space<vmem>> -> memref<64xf32, #tpu.memory_space<vmem>>
          %dma_start3A_115 = arith.constant 0 : i32
          %dma_start3A_116 = tpu.memref_slice %arg3[%squeeze3A_101, %dma_start3A_115] : memref<100000x64xf32, #tpu.memory_space<hbm>> -> memref<1x64xf32, #tpu.memory_space<hbm>>
          %dma_start3A_117 = tpu.memref_squeeze %dma_start3A_116 : memref<1x64xf32, #tpu.memory_space<hbm>> -> memref<64xf32, #tpu.memory_space<hbm>>
          tpu.enqueue_dma source(%dma_start3A_117 : memref<64xf32, #tpu.memory_space<hbm>>) target(%dma_start3A_114 : memref<64xf32, #tpu.memory_space<vmem>>) target_semaphore(%arg10 : memref<!tpu.dma_semaphore, #tpu.memory_space<semaphore_mem>>)
          %slice3A_118 = vector.extract_strided_slice %get3A_84 {offsets = [2], sizes = [1], strides = [1]} : vector<16xi32> to vector<1xi32>
          %squeeze3A_119 = vector.extract %slice3A_118[0] : i32 from vector<1xi32>
          %mul3A_120 = arith.constant 16 : i32
          %mul3A_121 = arith.muli %add3A_77, %mul3A_120 : i32
          %add3A_122 = arith.constant 2 : i32
          %add3A_123 = arith.addi %mul3A_121, %add3A_122 : i32
          %dma_start3A_124 = arith.constant 0 : i32
          %dma_start3A_125 = tpu.memref_slice %arg6[%add3A_123, %dma_start3A_124] : memref<128x64xf32, #tpu.memory_space<vmem>> -> memref<1x64xf32, #tpu.memory_space<vmem>>
          %dma_start3A_126 = tpu.memref_squeeze %dma_start3A_125 : memref<1x64xf32, #tpu.memory_space<vmem>> -> memref<64xf32, #tpu.memory_space<vmem>>
          %dma_start3A_127 = arith.constant 0 : i32
          %dma_start3A_128 = tpu.memref_slice %arg3[%squeeze3A_119, %dma_start3A_127] : memref<100000x64xf32, #tpu.memory_space<hbm>> -> memref<1x64xf32, #tpu.memory_space<hbm>>
          %dma_start3A_129 = tpu.memref_squeeze %dma_start3A_128 : memref<1x64xf32, #tpu.memory_space<hbm>> -> memref<64xf32, #tpu.memory_space<hbm>>
          %dma_start3A_130 = arith.constant 0 : i32
          %dma_start3A_131 = tpu.memref_slice %arg6[%add3A_123, %dma_start3A_130] : memref<128x64xf32, #tpu.memory_space<vmem>> -> memref<1x64xf32, #tpu.memory_space<vmem>>
          %dma_start3A_132 = tpu.memref_squeeze %dma_start3A_131 : memref<1x64xf32, #tpu.memory_space<vmem>> -> memref<64xf32, #tpu.memory_space<vmem>>
          %dma_start3A_133 = arith.constant 0 : i32
          %dma_start3A_134 = tpu.memref_slice %arg3[%squeeze3A_119, %dma_start3A_133] : memref<100000x64xf32, #tpu.memory_space<hbm>> -> memref<1x64xf32, #tpu.memory_space<hbm>>
          %dma_start3A_135 = tpu.memref_squeeze %dma_start3A_134 : memref<1x64xf32, #tpu.memory_space<hbm>> -> memref<64xf32, #tpu.memory_space<hbm>>
          tpu.enqueue_dma source(%dma_start3A_135 : memref<64xf32, #tpu.memory_space<hbm>>) target(%dma_start3A_132 : memref<64xf32, #tpu.memory_space<vmem>>) target_semaphore(%arg10 : memref<!tpu.dma_semaphore, #tpu.memory_space<semaphore_mem>>)
          %slice3A_136 = vector.extract_strided_slice %get3A_84 {offsets = [3], sizes = [1], strides = [1]} : vector<16xi32> to vector<1xi32>
          %squeeze3A_137 = vector.extract %slice3A_136[0] : i32 from vector<1xi32>
          %mul3A_138 = arith.constant 16 : i32
          %mul3A_139 = arith.muli %add3A_77, %mul3A_138 : i32
          %add3A_140 = arith.constant 3 : i32
          %add3A_141 = arith.addi %mul3A_139, %add3A_140 : i32
          %dma_start3A_142 = arith.constant 0 : i32
          %dma_start3A_143 = tpu.memref_slice %arg6[%add3A_141, %dma_start3A_142] : memref<128x64xf32, #tpu.memory_space<vmem>> -> memref<1x64xf32, #tpu.memory_space<vmem>>
          %dma_start3A_144 = tpu.memref_squeeze %dma_start3A_143 : memref<1x64xf32, #tpu.memory_space<vmem>> -> memref<64xf32, #tpu.memory_space<vmem>>
          %dma_start3A_145 = arith.constant 0 : i32
          %dma_start3A_146 = tpu.memref_slice %arg3[%squeeze3A_137, %dma_start3A_145] : memref<100000x64xf32, #tpu.memory_space<hbm>> -> memref<1x64xf32, #tpu.memory_space<hbm>>
          %dma_start3A_147 = tpu.memref_squeeze %dma_start3A_146 : memref<1x64xf32, #tpu.memory_space<hbm>> -> memref<64xf32, #tpu.memory_space<hbm>>
          %dma_start3A_148 = arith.constant 0 : i32
          %dma_start3A_149 = tpu.memref_slice %arg6[%add3A_141, %dma_start3A_148] : memref<128x64xf32, #tpu.memory_space<vmem>> -> memref<1x64xf32, #tpu.memory_space<vmem>>
          %dma_start3A_150 = tpu.memref_squeeze %dma_start3A_149 : memref<1x64xf32, #tpu.memory_space<vmem>> -> memref<64xf32, #tpu.memory_space<vmem>>
          %dma_start3A_151 = arith.constant 0 : i32
          %dma_start3A_152 = tpu.memref_slice %arg3[%squeeze3A_137, %dma_start3A_151] : memref<100000x64xf32, #tpu.memory_space<hbm>> -> memref<1x64xf32, #tpu.memory_space<hbm>>
          %dma_start3A_153 = tpu.memref_squeeze %dma_start3A_152 : memref<1x64xf32, #tpu.memory_space<hbm>> -> memref<64xf32, #tpu.memory_space<hbm>>
          tpu.enqueue_dma source(%dma_start3A_153 : memref<64xf32, #tpu.memory_space<hbm>>) target(%dma_start3A_150 : memref<64xf32, #tpu.memory_space<vmem>>) target_semaphore(%arg10 : memref<!tpu.dma_semaphore, #tpu.memory_space<semaphore_mem>>)
          %slice3A_154 = vector.extract_strided_slice %get3A_84 {offsets = [4], sizes = [1], strides = [1]} : vector<16xi32> to vector<1xi32>
          %squeeze3A_155 = vector.extract %slice3A_154[0] : i32 from vector<1xi32>
          %mul3A_156 = arith.constant 16 : i32
          %mul3A_157 = arith.muli %add3A_77, %mul3A_156 : i32
          %add3A_158 = arith.constant 4 : i32
          %add3A_159 = arith.addi %mul3A_157, %add3A_158 : i32
          %dma_start3A_160 = arith.constant 0 : i32
          %dma_start3A_161 = tpu.memref_slice %arg6[%add3A_159, %dma_start3A_160] : memref<128x64xf32, #tpu.memory_space<vmem>> -> memref<1x64xf32, #tpu.memory_space<vmem>>
          %dma_start3A_162 = tpu.memref_squeeze %dma_start3A_161 : memref<1x64xf32, #tpu.memory_space<vmem>> -> memref<64xf32, #tpu.memory_space<vmem>>
          %dma_start3A_163 = arith.constant 0 : i32
          %dma_start3A_164 = tpu.memref_slice %arg3[%squeeze3A_155, %dma_start3A_163] : memref<100000x64xf32, #tpu.memory_space<hbm>> -> memref<1x64xf32, #tpu.memory_space<hbm>>
          %dma_start3A_165 = tpu.memref_squeeze %dma_start3A_164 : memref<1x64xf32, #tpu.memory_space<hbm>> -> memref<64xf32, #tpu.memory_space<hbm>>
          %dma_start3A_166 = arith.constant 0 : i32
          %dma_start3A_167 = tpu.memref_slice %arg6[%add3A_159, %dma_start3A_166] : memref<128x64xf32, #tpu.memory_space<vmem>> -> memref<1x64xf32, #tpu.memory_space<vmem>>
          %dma_start3A_168 = tpu.memref_squeeze %dma_start3A_167 : memref<1x64xf32, #tpu.memory_space<vmem>> -> memref<64xf32, #tpu.memory_space<vmem>>
          %dma_start3A_169 = arith.constant 0 : i32
          %dma_start3A_170 = tpu.memref_slice %arg3[%squeeze3A_155, %dma_start3A_169] : memref<100000x64xf32, #tpu.memory_space<hbm>> -> memref<1x64xf32, #tpu.memory_space<hbm>>
          %dma_start3A_171 = tpu.memref_squeeze %dma_start3A_170 : memref<1x64xf32, #tpu.memory_space<hbm>> -> memref<64xf32, #tpu.memory_space<hbm>>
          tpu.enqueue_dma source(%dma_start3A_171 : memref<64xf32, #tpu.memory_space<hbm>>) target(%dma_start3A_168 : memref<64xf32, #tpu.memory_space<vmem>>) target_semaphore(%arg10 : memref<!tpu.dma_semaphore, #tpu.memory_space<semaphore_mem>>)
          %slice3A_172 = vector.extract_strided_slice %get3A_84 {offsets = [5], sizes = [1], strides = [1]} : vector<16xi32> to vector<1xi32>
          %squeeze3A_173 = vector.extract %slice3A_172[0] : i32 from vector<1xi32>
          %mul3A_174 = arith.constant 16 : i32
          %mul3A_175 = arith.muli %add3A_77, %mul3A_174 : i32
          %add3A_176 = arith.constant 5 : i32
          %add3A_177 = arith.addi %mul3A_175, %add3A_176 : i32
          %dma_start3A_178 = arith.constant 0 : i32
          %dma_start3A_179 = tpu.memref_slice %arg6[%add3A_177, %dma_start3A_178] : memref<128x64xf32, #tpu.memory_space<vmem>> -> memref<1x64xf32, #tpu.memory_space<vmem>>
          %dma_start3A_180 = tpu.memref_squeeze %dma_start3A_179 : memref<1x64xf32, #tpu.memory_space<vmem>> -> memref<64xf32, #tpu.memory_space<vmem>>
          %dma_start3A_181 = arith.constant 0 : i32
          %dma_start3A_182 = tpu.memref_slice %arg3[%squeeze3A_173, %dma_start3A_181] : memref<100000x64xf32, #tpu.memory_space<hbm>> -> memref<1x64xf32, #tpu.memory_space<hbm>>
          %dma_start3A_183 = tpu.memref_squeeze %dma_start3A_182 : memref<1x64xf32, #tpu.memory_space<hbm>> -> memref<64xf32, #tpu.memory_space<hbm>>
          %dma_start3A_184 = arith.constant 0 : i32
          %dma_start3A_185 = tpu.memref_slice %arg6[%add3A_177, %dma_start3A_184] : memref<128x64xf32, #tpu.memory_space<vmem>> -> memref<1x64xf32, #tpu.memory_space<vmem>>
          %dma_start3A_186 = tpu.memref_squeeze %dma_start3A_185 : memref<1x64xf32, #tpu.memory_space<vmem>> -> memref<64xf32, #tpu.memory_space<vmem>>
          %dma_start3A_187 = arith.constant 0 : i32
          %dma_start3A_188 = tpu.memref_slice %arg3[%squeeze3A_173, %dma_start3A_187] : memref<100000x64xf32, #tpu.memory_space<hbm>> -> memref<1x64xf32, #tpu.memory_space<hbm>>
          %dma_start3A_189 = tpu.memref_squeeze %dma_start3A_188 : memref<1x64xf32, #tpu.memory_space<hbm>> -> memref<64xf32, #tpu.memory_space<hbm>>
          tpu.enqueue_dma source(%dma_start3A_189 : memref<64xf32, #tpu.memory_space<hbm>>) target(%dma_start3A_186 : memref<64xf32, #tpu.memory_space<vmem>>) target_semaphore(%arg10 : memref<!tpu.dma_semaphore, #tpu.memory_space<semaphore_mem>>)
          %slice3A_190 = vector.extract_strided_slice %get3A_84 {offsets = [6], sizes = [1], strides = [1]} : vector<16xi32> to vector<1xi32>
          %squeeze3A_191 = vector.extract %slice3A_190[0] : i32 from vector<1xi32>
          %mul3A_192 = arith.constant 16 : i32
          %mul3A_193 = arith.muli %add3A_77, %mul3A_192 : i32
          %add3A_194 = arith.constant 6 : i32
          %add3A_195 = arith.addi %mul3A_193, %add3A_194 : i32
          %dma_start3A_196 = arith.constant 0 : i32
          %dma_start3A_197 = tpu.memref_slice %arg6[%add3A_195, %dma_start3A_196] : memref<128x64xf32, #tpu.memory_space<vmem>> -> memref<1x64xf32, #tpu.memory_space<vmem>>
          %dma_start3A_198 = tpu.memref_squeeze %dma_start3A_197 : memref<1x64xf32, #tpu.memory_space<vmem>> -> memref<64xf32, #tpu.memory_space<vmem>>
          %dma_start3A_199 = arith.constant 0 : i32
          %dma_start3A_200 = tpu.memref_slice %arg3[%squeeze3A_191, %dma_start3A_199] : memref<100000x64xf32, #tpu.memory_space<hbm>> -> memref<1x64xf32, #tpu.memory_space<hbm>>
          %dma_start3A_201 = tpu.memref_squeeze %dma_start3A_200 : memref<1x64xf32, #tpu.memory_space<hbm>> -> memref<64xf32, #tpu.memory_space<hbm>>
          %dma_start3A_202 = arith.constant 0 : i32
          %dma_start3A_203 = tpu.memref_slice %arg6[%add3A_195, %dma_start3A_202] : memref<128x64xf32, #tpu.memory_space<vmem>> -> memref<1x64xf32, #tpu.memory_space<vmem>>
          %dma_start3A_204 = tpu.memref_squeeze %dma_start3A_203 : memref<1x64xf32, #tpu.memory_space<vmem>> -> memref<64xf32, #tpu.memory_space<vmem>>
          %dma_start3A_205 = arith.constant 0 : i32
          %dma_start3A_206 = tpu.memref_slice %arg3[%squeeze3A_191, %dma_start3A_205] : memref<100000x64xf32, #tpu.memory_space<hbm>> -> memref<1x64xf32, #tpu.memory_space<hbm>>
          %dma_start3A_207 = tpu.memref_squeeze %dma_start3A_206 : memref<1x64xf32, #tpu.memory_space<hbm>> -> memref<64xf32, #tpu.memory_space<hbm>>
          tpu.enqueue_dma source(%dma_start3A_207 : memref<64xf32, #tpu.memory_space<hbm>>) target(%dma_start3A_204 : memref<64xf32, #tpu.memory_space<vmem>>) target_semaphore(%arg10 : memref<!tpu.dma_semaphore, #tpu.memory_space<semaphore_mem>>)
          %slice3A_208 = vector.extract_strided_slice %get3A_84 {offsets = [7], sizes = [1], strides = [1]} : vector<16xi32> to vector<1xi32>
          %squeeze3A_209 = vector.extract %slice3A_208[0] : i32 from vector<1xi32>
          %mul3A_210 = arith.constant 16 : i32
          %mul3A_211 = arith.muli %add3A_77, %mul3A_210 : i32
          %add3A_212 = arith.constant 7 : i32
          %add3A_213 = arith.addi %mul3A_211, %add3A_212 : i32
          %dma_start3A_214 = arith.constant 0 : i32
          %dma_start3A_215 = tpu.memref_slice %arg6[%add3A_213, %dma_start3A_214] : memref<128x64xf32, #tpu.memory_space<vmem>> -> memref<1x64xf32, #tpu.memory_space<vmem>>
          %dma_start3A_216 = tpu.memref_squeeze %dma_start3A_215 : memref<1x64xf32, #tpu.memory_space<vmem>> -> memref<64xf32, #tpu.memory_space<vmem>>
          %dma_start3A_217 = arith.constant 0 : i32
          %dma_start3A_218 = tpu.memref_slice %arg3[%squeeze3A_209, %dma_start3A_217] : memref<100000x64xf32, #tpu.memory_space<hbm>> -> memref<1x64xf32, #tpu.memory_space<hbm>>
          %dma_start3A_219 = tpu.memref_squeeze %dma_start3A_218 : memref<1x64xf32, #tpu.memory_space<hbm>> -> memref<64xf32, #tpu.memory_space<hbm>>
          %dma_start3A_220 = arith.constant 0 : i32
          %dma_start3A_221 = tpu.memref_slice %arg6[%add3A_213, %dma_start3A_220] : memref<128x64xf32, #tpu.memory_space<vmem>> -> memref<1x64xf32, #tpu.memory_space<vmem>>
          %dma_start3A_222 = tpu.memref_squeeze %dma_start3A_221 : memref<1x64xf32, #tpu.memory_space<vmem>> -> memref<64xf32, #tpu.memory_space<vmem>>
          %dma_start3A_223 = arith.constant 0 : i32
          %dma_start3A_224 = tpu.memref_slice %arg3[%squeeze3A_209, %dma_start3A_223] : memref<100000x64xf32, #tpu.memory_space<hbm>> -> memref<1x64xf32, #tpu.memory_space<hbm>>
          %dma_start3A_225 = tpu.memref_squeeze %dma_start3A_224 : memref<1x64xf32, #tpu.memory_space<hbm>> -> memref<64xf32, #tpu.memory_space<hbm>>
          tpu.enqueue_dma source(%dma_start3A_225 : memref<64xf32, #tpu.memory_space<hbm>>) target(%dma_start3A_222 : memref<64xf32, #tpu.memory_space<vmem>>) target_semaphore(%arg10 : memref<!tpu.dma_semaphore, #tpu.memory_space<semaphore_mem>>)
          %slice3A_226 = vector.extract_strided_slice %get3A_84 {offsets = [8], sizes = [1], strides = [1]} : vector<16xi32> to vector<1xi32>
          %squeeze3A_227 = vector.extract %slice3A_226[0] : i32 from vector<1xi32>
          %mul3A_228 = arith.constant 16 : i32
          %mul3A_229 = arith.muli %add3A_77, %mul3A_228 : i32
          %add3A_230 = arith.constant 8 : i32
          %add3A_231 = arith.addi %mul3A_229, %add3A_230 : i32
          %dma_start3A_232 = arith.constant 0 : i32
          %dma_start3A_233 = tpu.memref_slice %arg6[%add3A_231, %dma_start3A_232] : memref<128x64xf32, #tpu.memory_space<vmem>> -> memref<1x64xf32, #tpu.memory_space<vmem>>
          %dma_start3A_234 = tpu.memref_squeeze %dma_start3A_233 : memref<1x64xf32, #tpu.memory_space<vmem>> -> memref<64xf32, #tpu.memory_space<vmem>>
          %dma_start3A_235 = arith.constant 0 : i32
          %dma_start3A_236 = tpu.memref_slice %arg3[%squeeze3A_227, %dma_start3A_235] : memref<100000x64xf32, #tpu.memory_space<hbm>> -> memref<1x64xf32, #tpu.memory_space<hbm>>
          %dma_start3A_237 = tpu.memref_squeeze %dma_start3A_236 : memref<1x64xf32, #tpu.memory_space<hbm>> -> memref<64xf32, #tpu.memory_space<hbm>>
          %dma_start3A_238 = arith.constant 0 : i32
          %dma_start3A_239 = tpu.memref_slice %arg6[%add3A_231, %dma_start3A_238] : memref<128x64xf32, #tpu.memory_space<vmem>> -> memref<1x64xf32, #tpu.memory_space<vmem>>
          %dma_start3A_240 = tpu.memref_squeeze %dma_start3A_239 : memref<1x64xf32, #tpu.memory_space<vmem>> -> memref<64xf32, #tpu.memory_space<vmem>>
          %dma_start3A_241 = arith.constant 0 : i32
          %dma_start3A_242 = tpu.memref_slice %arg3[%squeeze3A_227, %dma_start3A_241] : memref<100000x64xf32, #tpu.memory_space<hbm>> -> memref<1x64xf32, #tpu.memory_space<hbm>>
          %dma_start3A_243 = tpu.memref_squeeze %dma_start3A_242 : memref<1x64xf32, #tpu.memory_space<hbm>> -> memref<64xf32, #tpu.memory_space<hbm>>
          tpu.enqueue_dma source(%dma_start3A_243 : memref<64xf32, #tpu.memory_space<hbm>>) target(%dma_start3A_240 : memref<64xf32, #tpu.memory_space<vmem>>) target_semaphore(%arg10 : memref<!tpu.dma_semaphore, #tpu.memory_space<semaphore_mem>>)
          %slice3A_244 = vector.extract_strided_slice %get3A_84 {offsets = [9], sizes = [1], strides = [1]} : vector<16xi32> to vector<1xi32>
          %squeeze3A_245 = vector.extract %slice3A_244[0] : i32 from vector<1xi32>
          %mul3A_246 = arith.constant 16 : i32
          %mul3A_247 = arith.muli %add3A_77, %mul3A_246 : i32
          %add3A_248 = arith.constant 9 : i32
          %add3A_249 = arith.addi %mul3A_247, %add3A_248 : i32
          %dma_start3A_250 = arith.constant 0 : i32
          %dma_start3A_251 = tpu.memref_slice %arg6[%add3A_249, %dma_start3A_250] : memref<128x64xf32, #tpu.memory_space<vmem>> -> memref<1x64xf32, #tpu.memory_space<vmem>>
          %dma_start3A_252 = tpu.memref_squeeze %dma_start3A_251 : memref<1x64xf32, #tpu.memory_space<vmem>> -> memref<64xf32, #tpu.memory_space<vmem>>
          %dma_start3A_253 = arith.constant 0 : i32
          %dma_start3A_254 = tpu.memref_slice %arg3[%squeeze3A_245, %dma_start3A_253] : memref<100000x64xf32, #tpu.memory_space<hbm>> -> memref<1x64xf32, #tpu.memory_space<hbm>>
          %dma_start3A_255 = tpu.memref_squeeze %dma_start3A_254 : memref<1x64xf32, #tpu.memory_space<hbm>> -> memref<64xf32, #tpu.memory_space<hbm>>
          %dma_start3A_256 = arith.constant 0 : i32
          %dma_start3A_257 = tpu.memref_slice %arg6[%add3A_249, %dma_start3A_256] : memref<128x64xf32, #tpu.memory_space<vmem>> -> memref<1x64xf32, #tpu.memory_space<vmem>>
          %dma_start3A_258 = tpu.memref_squeeze %dma_start3A_257 : memref<1x64xf32, #tpu.memory_space<vmem>> -> memref<64xf32, #tpu.memory_space<vmem>>
          %dma_start3A_259 = arith.constant 0 : i32
          %dma_start3A_260 = tpu.memref_slice %arg3[%squeeze3A_245, %dma_start3A_259] : memref<100000x64xf32, #tpu.memory_space<hbm>> -> memref<1x64xf32, #tpu.memory_space<hbm>>
          %dma_start3A_261 = tpu.memref_squeeze %dma_start3A_260 : memref<1x64xf32, #tpu.memory_space<hbm>> -> memref<64xf32, #tpu.memory_space<hbm>>
          tpu.enqueue_dma source(%dma_start3A_261 : memref<64xf32, #tpu.memory_space<hbm>>) target(%dma_start3A_258 : memref<64xf32, #tpu.memory_space<vmem>>) target_semaphore(%arg10 : memref<!tpu.dma_semaphore, #tpu.memory_space<semaphore_mem>>)
          %slice3A_262 = vector.extract_strided_slice %get3A_84 {offsets = [10], sizes = [1], strides = [1]} : vector<16xi32> to vector<1xi32>
          %squeeze3A_263 = vector.extract %slice3A_262[0] : i32 from vector<1xi32>
          %mul3A_264 = arith.constant 16 : i32
          %mul3A_265 = arith.muli %add3A_77, %mul3A_264 : i32
          %add3A_266 = arith.constant 10 : i32
          %add3A_267 = arith.addi %mul3A_265, %add3A_266 : i32
          %dma_start3A_268 = arith.constant 0 : i32
          %dma_start3A_269 = tpu.memref_slice %arg6[%add3A_267, %dma_start3A_268] : memref<128x64xf32, #tpu.memory_space<vmem>> -> memref<1x64xf32, #tpu.memory_space<vmem>>
          %dma_start3A_270 = tpu.memref_squeeze %dma_start3A_269 : memref<1x64xf32, #tpu.memory_space<vmem>> -> memref<64xf32, #tpu.memory_space<vmem>>
          %dma_start3A_271 = arith.constant 0 : i32
          %dma_start3A_272 = tpu.memref_slice %arg3[%squeeze3A_263, %dma_start3A_271] : memref<100000x64xf32, #tpu.memory_space<hbm>> -> memref<1x64xf32, #tpu.memory_space<hbm>>
          %dma_start3A_273 = tpu.memref_squeeze %dma_start3A_272 : memref<1x64xf32, #tpu.memory_space<hbm>> -> memref<64xf32, #tpu.memory_space<hbm>>
          %dma_start3A_274 = arith.constant 0 : i32
          %dma_start3A_275 = tpu.memref_slice %arg6[%add3A_267, %dma_start3A_274] : memref<128x64xf32, #tpu.memory_space<vmem>> -> memref<1x64xf32, #tpu.memory_space<vmem>>
          %dma_start3A_276 = tpu.memref_squeeze %dma_start3A_275 : memref<1x64xf32, #tpu.memory_space<vmem>> -> memref<64xf32, #tpu.memory_space<vmem>>
          %dma_start3A_277 = arith.constant 0 : i32
          %dma_start3A_278 = tpu.memref_slice %arg3[%squeeze3A_263, %dma_start3A_277] : memref<100000x64xf32, #tpu.memory_space<hbm>> -> memref<1x64xf32, #tpu.memory_space<hbm>>
          %dma_start3A_279 = tpu.memref_squeeze %dma_start3A_278 : memref<1x64xf32, #tpu.memory_space<hbm>> -> memref<64xf32, #tpu.memory_space<hbm>>
          tpu.enqueue_dma source(%dma_start3A_279 : memref<64xf32, #tpu.memory_space<hbm>>) target(%dma_start3A_276 : memref<64xf32, #tpu.memory_space<vmem>>) target_semaphore(%arg10 : memref<!tpu.dma_semaphore, #tpu.memory_space<semaphore_mem>>)
          %slice3A_280 = vector.extract_strided_slice %get3A_84 {offsets = [11], sizes = [1], strides = [1]} : vector<16xi32> to vector<1xi32>
          %squeeze3A_281 = vector.extract %slice3A_280[0] : i32 from vector<1xi32>
          %mul3A_282 = arith.constant 16 : i32
          %mul3A_283 = arith.muli %add3A_77, %mul3A_282 : i32
          %add3A_284 = arith.constant 11 : i32
          %add3A_285 = arith.addi %mul3A_283, %add3A_284 : i32
          %dma_start3A_286 = arith.constant 0 : i32
          %dma_start3A_287 = tpu.memref_slice %arg6[%add3A_285, %dma_start3A_286] : memref<128x64xf32, #tpu.memory_space<vmem>> -> memref<1x64xf32, #tpu.memory_space<vmem>>
          %dma_start3A_288 = tpu.memref_squeeze %dma_start3A_287 : memref<1x64xf32, #tpu.memory_space<vmem>> -> memref<64xf32, #tpu.memory_space<vmem>>
          %dma_start3A_289 = arith.constant 0 : i32
          %dma_start3A_290 = tpu.memref_slice %arg3[%squeeze3A_281, %dma_start3A_289] : memref<100000x64xf32, #tpu.memory_space<hbm>> -> memref<1x64xf32, #tpu.memory_space<hbm>>
          %dma_start3A_291 = tpu.memref_squeeze %dma_start3A_290 : memref<1x64xf32, #tpu.memory_space<hbm>> -> memref<64xf32, #tpu.memory_space<hbm>>
          %dma_start3A_292 = arith.constant 0 : i32
          %dma_start3A_293 = tpu.memref_slice %arg6[%add3A_285, %dma_start3A_292] : memref<128x64xf32, #tpu.memory_space<vmem>> -> memref<1x64xf32, #tpu.memory_space<vmem>>
          %dma_start3A_294 = tpu.memref_squeeze %dma_start3A_293 : memref<1x64xf32, #tpu.memory_space<vmem>> -> memref<64xf32, #tpu.memory_space<vmem>>
          %dma_start3A_295 = arith.constant 0 : i32
          %dma_start3A_296 = tpu.memref_slice %arg3[%squeeze3A_281, %dma_start3A_295] : memref<100000x64xf32, #tpu.memory_space<hbm>> -> memref<1x64xf32, #tpu.memory_space<hbm>>
          %dma_start3A_297 = tpu.memref_squeeze %dma_start3A_296 : memref<1x64xf32, #tpu.memory_space<hbm>> -> memref<64xf32, #tpu.memory_space<hbm>>
          tpu.enqueue_dma source(%dma_start3A_297 : memref<64xf32, #tpu.memory_space<hbm>>) target(%dma_start3A_294 : memref<64xf32, #tpu.memory_space<vmem>>) target_semaphore(%arg10 : memref<!tpu.dma_semaphore, #tpu.memory_space<semaphore_mem>>)
          %slice3A_298 = vector.extract_strided_slice %get3A_84 {offsets = [12], sizes = [1], strides = [1]} : vector<16xi32> to vector<1xi32>
          %squeeze3A_299 = vector.extract %slice3A_298[0] : i32 from vector<1xi32>
          %mul3A_300 = arith.constant 16 : i32
          %mul3A_301 = arith.muli %add3A_77, %mul3A_300 : i32
          %add3A_302 = arith.constant 12 : i32
          %add3A_303 = arith.addi %mul3A_301, %add3A_302 : i32
          %dma_start3A_304 = arith.constant 0 : i32
          %dma_start3A_305 = tpu.memref_slice %arg6[%add3A_303, %dma_start3A_304] : memref<128x64xf32, #tpu.memory_space<vmem>> -> memref<1x64xf32, #tpu.memory_space<vmem>>
          %dma_start3A_306 = tpu.memref_squeeze %dma_start3A_305 : memref<1x64xf32, #tpu.memory_space<vmem>> -> memref<64xf32, #tpu.memory_space<vmem>>
          %dma_start3A_307 = arith.constant 0 : i32
          %dma_start3A_308 = tpu.memref_slice %arg3[%squeeze3A_299, %dma_start3A_307] : memref<100000x64xf32, #tpu.memory_space<hbm>> -> memref<1x64xf32, #tpu.memory_space<hbm>>
          %dma_start3A_309 = tpu.memref_squeeze %dma_start3A_308 : memref<1x64xf32, #tpu.memory_space<hbm>> -> memref<64xf32, #tpu.memory_space<hbm>>
          %dma_start3A_310 = arith.constant 0 : i32
          %dma_start3A_311 = tpu.memref_slice %arg6[%add3A_303, %dma_start3A_310] : memref<128x64xf32, #tpu.memory_space<vmem>> -> memref<1x64xf32, #tpu.memory_space<vmem>>
          %dma_start3A_312 = tpu.memref_squeeze %dma_start3A_311 : memref<1x64xf32, #tpu.memory_space<vmem>> -> memref<64xf32, #tpu.memory_space<vmem>>
          %dma_start3A_313 = arith.constant 0 : i32
          %dma_start3A_314 = tpu.memref_slice %arg3[%squeeze3A_299, %dma_start3A_313] : memref<100000x64xf32, #tpu.memory_space<hbm>> -> memref<1x64xf32, #tpu.memory_space<hbm>>
          %dma_start3A_315 = tpu.memref_squeeze %dma_start3A_314 : memref<1x64xf32, #tpu.memory_space<hbm>> -> memref<64xf32, #tpu.memory_space<hbm>>
          tpu.enqueue_dma source(%dma_start3A_315 : memref<64xf32, #tpu.memory_space<hbm>>) target(%dma_start3A_312 : memref<64xf32, #tpu.memory_space<vmem>>) target_semaphore(%arg10 : memref<!tpu.dma_semaphore, #tpu.memory_space<semaphore_mem>>)
          %slice3A_316 = vector.extract_strided_slice %get3A_84 {offsets = [13], sizes = [1], strides = [1]} : vector<16xi32> to vector<1xi32>
          %squeeze3A_317 = vector.extract %slice3A_316[0] : i32 from vector<1xi32>
          %mul3A_318 = arith.constant 16 : i32
          %mul3A_319 = arith.muli %add3A_77, %mul3A_318 : i32
          %add3A_320 = arith.constant 13 : i32
          %add3A_321 = arith.addi %mul3A_319, %add3A_320 : i32
          %dma_start3A_322 = arith.constant 0 : i32
          %dma_start3A_323 = tpu.memref_slice %arg6[%add3A_321, %dma_start3A_322] : memref<128x64xf32, #tpu.memory_space<vmem>> -> memref<1x64xf32, #tpu.memory_space<vmem>>
          %dma_start3A_324 = tpu.memref_squeeze %dma_start3A_323 : memref<1x64xf32, #tpu.memory_space<vmem>> -> memref<64xf32, #tpu.memory_space<vmem>>
          %dma_start3A_325 = arith.constant 0 : i32
          %dma_start3A_326 = tpu.memref_slice %arg3[%squeeze3A_317, %dma_start3A_325] : memref<100000x64xf32, #tpu.memory_space<hbm>> -> memref<1x64xf32, #tpu.memory_space<hbm>>
          %dma_start3A_327 = tpu.memref_squeeze %dma_start3A_326 : memref<1x64xf32, #tpu.memory_space<hbm>> -> memref<64xf32, #tpu.memory_space<hbm>>
          %dma_start3A_328 = arith.constant 0 : i32
          %dma_start3A_329 = tpu.memref_slice %arg6[%add3A_321, %dma_start3A_328] : memref<128x64xf32, #tpu.memory_space<vmem>> -> memref<1x64xf32, #tpu.memory_space<vmem>>
          %dma_start3A_330 = tpu.memref_squeeze %dma_start3A_329 : memref<1x64xf32, #tpu.memory_space<vmem>> -> memref<64xf32, #tpu.memory_space<vmem>>
          %dma_start3A_331 = arith.constant 0 : i32
          %dma_start3A_332 = tpu.memref_slice %arg3[%squeeze3A_317, %dma_start3A_331] : memref<100000x64xf32, #tpu.memory_space<hbm>> -> memref<1x64xf32, #tpu.memory_space<hbm>>
          %dma_start3A_333 = tpu.memref_squeeze %dma_start3A_332 : memref<1x64xf32, #tpu.memory_space<hbm>> -> memref<64xf32, #tpu.memory_space<hbm>>
          tpu.enqueue_dma source(%dma_start3A_333 : memref<64xf32, #tpu.memory_space<hbm>>) target(%dma_start3A_330 : memref<64xf32, #tpu.memory_space<vmem>>) target_semaphore(%arg10 : memref<!tpu.dma_semaphore, #tpu.memory_space<semaphore_mem>>)
          %slice3A_334 = vector.extract_strided_slice %get3A_84 {offsets = [14], sizes = [1], strides = [1]} : vector<16xi32> to vector<1xi32>
          %squeeze3A_335 = vector.extract %slice3A_334[0] : i32 from vector<1xi32>
          %mul3A_336 = arith.constant 16 : i32
          %mul3A_337 = arith.muli %add3A_77, %mul3A_336 : i32
          %add3A_338 = arith.constant 14 : i32
          %add3A_339 = arith.addi %mul3A_337, %add3A_338 : i32
          %dma_start3A_340 = arith.constant 0 : i32
          %dma_start3A_341 = tpu.memref_slice %arg6[%add3A_339, %dma_start3A_340] : memref<128x64xf32, #tpu.memory_space<vmem>> -> memref<1x64xf32, #tpu.memory_space<vmem>>
          %dma_start3A_342 = tpu.memref_squeeze %dma_start3A_341 : memref<1x64xf32, #tpu.memory_space<vmem>> -> memref<64xf32, #tpu.memory_space<vmem>>
          %dma_start3A_343 = arith.constant 0 : i32
          %dma_start3A_344 = tpu.memref_slice %arg3[%squeeze3A_335, %dma_start3A_343] : memref<100000x64xf32, #tpu.memory_space<hbm>> -> memref<1x64xf32, #tpu.memory_space<hbm>>
          %dma_start3A_345 = tpu.memref_squeeze %dma_start3A_344 : memref<1x64xf32, #tpu.memory_space<hbm>> -> memref<64xf32, #tpu.memory_space<hbm>>
          %dma_start3A_346 = arith.constant 0 : i32
          %dma_start3A_347 = tpu.memref_slice %arg6[%add3A_339, %dma_start3A_346] : memref<128x64xf32, #tpu.memory_space<vmem>> -> memref<1x64xf32, #tpu.memory_space<vmem>>
          %dma_start3A_348 = tpu.memref_squeeze %dma_start3A_347 : memref<1x64xf32, #tpu.memory_space<vmem>> -> memref<64xf32, #tpu.memory_space<vmem>>
          %dma_start3A_349 = arith.constant 0 : i32
          %dma_start3A_350 = tpu.memref_slice %arg3[%squeeze3A_335, %dma_start3A_349] : memref<100000x64xf32, #tpu.memory_space<hbm>> -> memref<1x64xf32, #tpu.memory_space<hbm>>
          %dma_start3A_351 = tpu.memref_squeeze %dma_start3A_350 : memref<1x64xf32, #tpu.memory_space<hbm>> -> memref<64xf32, #tpu.memory_space<hbm>>
          tpu.enqueue_dma source(%dma_start3A_351 : memref<64xf32, #tpu.memory_space<hbm>>) target(%dma_start3A_348 : memref<64xf32, #tpu.memory_space<vmem>>) target_semaphore(%arg10 : memref<!tpu.dma_semaphore, #tpu.memory_space<semaphore_mem>>)
          %slice3A_352 = vector.extract_strided_slice %get3A_84 {offsets = [15], sizes = [1], strides = [1]} : vector<16xi32> to vector<1xi32>
          %squeeze3A_353 = vector.extract %slice3A_352[0] : i32 from vector<1xi32>
          %mul3A_354 = arith.constant 16 : i32
          %mul3A_355 = arith.muli %add3A_77, %mul3A_354 : i32
          %add3A_356 = arith.constant 15 : i32
          %add3A_357 = arith.addi %mul3A_355, %add3A_356 : i32
          %dma_start3A_358 = arith.constant 0 : i32
          %dma_start3A_359 = tpu.memref_slice %arg6[%add3A_357, %dma_start3A_358] : memref<128x64xf32, #tpu.memory_space<vmem>> -> memref<1x64xf32, #tpu.memory_space<vmem>>
          %dma_start3A_360 = tpu.memref_squeeze %dma_start3A_359 : memref<1x64xf32, #tpu.memory_space<vmem>> -> memref<64xf32, #tpu.memory_space<vmem>>
          %dma_start3A_361 = arith.constant 0 : i32
          %dma_start3A_362 = tpu.memref_slice %arg3[%squeeze3A_353, %dma_start3A_361] : memref<100000x64xf32, #tpu.memory_space<hbm>> -> memref<1x64xf32, #tpu.memory_space<hbm>>
          %dma_start3A_363 = tpu.memref_squeeze %dma_start3A_362 : memref<1x64xf32, #tpu.memory_space<hbm>> -> memref<64xf32, #tpu.memory_space<hbm>>
          %dma_start3A_364 = arith.constant 0 : i32
          %dma_start3A_365 = tpu.memref_slice %arg6[%add3A_357, %dma_start3A_364] : memref<128x64xf32, #tpu.memory_space<vmem>> -> memref<1x64xf32, #tpu.memory_space<vmem>>
          %dma_start3A_366 = tpu.memref_squeeze %dma_start3A_365 : memref<1x64xf32, #tpu.memory_space<vmem>> -> memref<64xf32, #tpu.memory_space<vmem>>
          %dma_start3A_367 = arith.constant 0 : i32
          %dma_start3A_368 = tpu.memref_slice %arg3[%squeeze3A_353, %dma_start3A_367] : memref<100000x64xf32, #tpu.memory_space<hbm>> -> memref<1x64xf32, #tpu.memory_space<hbm>>
          %dma_start3A_369 = tpu.memref_squeeze %dma_start3A_368 : memref<1x64xf32, #tpu.memory_space<hbm>> -> memref<64xf32, #tpu.memory_space<hbm>>
          tpu.enqueue_dma source(%dma_start3A_369 : memref<64xf32, #tpu.memory_space<hbm>>) target(%dma_start3A_366 : memref<64xf32, #tpu.memory_space<vmem>>) target_semaphore(%arg10 : memref<!tpu.dma_semaphore, #tpu.memory_space<semaphore_mem>>)
        }
        %scan3A_72 = arith.constant 8 : i32
      } else {
      }
      %dma_wait3A_51 = arith.constant 0 : i32
      %dma_wait3A_52 = arith.constant 0 : i32
      %dma_wait3A_53 = tpu.memref_slice %arg3[%dma_wait3A_51, %dma_wait3A_52] : memref<100000x64xf32, #tpu.memory_space<hbm>> -> memref<128x64xf32, #tpu.memory_space<hbm>>
      %dma_wait3A_54 = arith.constant 0 : i32
      %dma_wait3A_55 = arith.constant 0 : i32
      %dma_wait3A_56 = tpu.memref_slice %arg3[%dma_wait3A_54, %dma_wait3A_55] : memref<100000x64xf32, #tpu.memory_space<hbm>> -> memref<128x64xf32, #tpu.memory_space<hbm>>
      tpu.wait_dma2 semaphore(%arg11 : memref<!tpu.dma_semaphore, #tpu.memory_space<semaphore_mem>>) src(%dma_wait3A_56 : memref<128x64xf32, #tpu.memory_space<hbm>>) dst(%arg7 : memref<128x64xf32, #tpu.memory_space<vmem>>)
      %shift_right_arithmetic3A_57 = arith.constant 3 : i32
      %shift_right_arithmetic3A_58 = arith.shrsi %add3A_43, %shift_right_arithmetic3A_57 : i32
      %and3A_59 = arith.constant 7 : i32
      %and3A_60 = arith.andi %add3A_43, %and3A_59 : i32
      %scan3A_61 = arith.constant 0 : i32
      %scan3A_62 = arith.constant 16 : i32
      %scan3A_63 = arith.addi %scan3A_61, %scan3A_62 : i32
      %scan3A_64 = arith.constant 1 : i32
      scf.for %scan3A_66 = %scan3A_61 to %scan3A_63 step %scan3A_64  : i32 {
        %mul3A_67 = arith.constant 1 : i32
        %mul3A_68 = arith.muli %scan3A_66, %mul3A_67 : i32
        %add3A_69 = arith.constant 0 : i32
        %add3A_70 = arith.addi %add3A_69, %mul3A_68 : i32
        %mul3A_71 = arith.constant 8 : i32
        %mul3A_72 = arith.muli %add3A_70, %mul3A_71 : i32
        %get3A_73 = arith.index_cast %mul3A_72 : i32 to index
        %get3A_74 = arith.constant 0 : index
        %get3A_75 = tpu.vector_load %arg7[%get3A_73, %get3A_74] {strides = array<i32>} : memref<128x64xf32, #tpu.memory_space<vmem>>, vector<16xf32>,
        %get3A_76 = arith.index_cast %mul3A_72 : i32 to index
        %get3A_77 = arith.constant 16 : index
        %get3A_78 = tpu.vector_load %arg7[%get3A_76, %get3A_77] {strides = array<i32>} : memref<128x64xf32, #tpu.memory_space<vmem>>, vector<16xf32>,
        %get3A_79 = arith.index_cast %mul3A_72 : i32 to index
        %get3A_80 = arith.constant 32 : index
        %get3A_81 = tpu.vector_load %arg7[%get3A_79, %get3A_80] {strides = array<i32>} : memref<128x64xf32, #tpu.memory_space<vmem>>, vector<16xf32>,
        %get3A_82 = arith.index_cast %mul3A_72 : i32 to index
        %get3A_83 = arith.constant 48 : index
        %get3A_84 = tpu.vector_load %arg7[%get3A_82, %get3A_83] {strides = array<i32>} : memref<128x64xf32, #tpu.memory_space<vmem>>, vector<16xf32>,
        %add3A_85 = arith.constant 1 : i32
        %add3A_86 = arith.addi %mul3A_72, %add3A_85 : i32
        %get3A_87 = arith.index_cast %add3A_86 : i32 to index
        %get3A_88 = arith.constant 0 : index
        %get3A_89 = tpu.vector_load %arg7[%get3A_87, %get3A_88] {strides = array<i32>} : memref<128x64xf32, #tpu.memory_space<vmem>>, vector<16xf32>,
        %add3A_90 = arith.addf %get3A_75, %get3A_89 : vector<16xf32>
        %add3A_91 = arith.constant 1 : i32
        %add3A_92 = arith.addi %mul3A_72, %add3A_91 : i32
        %get3A_93 = arith.index_cast %add3A_92 : i32 to index
        %get3A_94 = arith.constant 16 : index
        %get3A_95 = tpu.vector_load %arg7[%get3A_93, %get3A_94] {strides = array<i32>} : memref<128x64xf32, #tpu.memory_space<vmem>>, vector<16xf32>,
        %add3A_96 = arith.addf %get3A_78, %get3A_95 : vector<16xf32>
        %add3A_97 = arith.constant 1 : i32
        %add3A_98 = arith.addi %mul3A_72, %add3A_97 : i32
        %get3A_99 = arith.index_cast %add3A_98 : i32 to index
        %get3A_100 = arith.constant 32 : index
        %get3A_101 = tpu.vector_load %arg7[%get3A_99, %get3A_100] {strides = array<i32>} : memref<128x64xf32, #tpu.memory_space<vmem>>, vector<16xf32>,
        %add3A_102 = arith.addf %get3A_81, %get3A_101 : vector<16xf32>
        %add3A_103 = arith.constant 1 : i32
        %add3A_104 = arith.addi %mul3A_72, %add3A_103 : i32
        %get3A_105 = arith.index_cast %add3A_104 : i32 to index
        %get3A_106 = arith.constant 48 : index
        %get3A_107 = tpu.vector_load %arg7[%get3A_105, %get3A_106] {strides = array<i32>} : memref<128x64xf32, #tpu.memory_space<vmem>>, vector<16xf32>,
        %add3A_108 = arith.addf %get3A_84, %get3A_107 : vector<16xf32>
        %add3A_109 = arith.constant 2 : i32
        %add3A_110 = arith.addi %mul3A_72, %add3A_109 : i32
        %get3A_111 = arith.index_cast %add3A_110 : i32 to index
        %get3A_112 = arith.constant 0 : index
        %get3A_113 = tpu.vector_load %arg7[%get3A_111, %get3A_112] {strides = array<i32>} : memref<128x64xf32, #tpu.memory_space<vmem>>, vector<16xf32>,
        %add3A_114 = arith.addf %add3A_90, %get3A_113 : vector<16xf32>
        %add3A_115 = arith.constant 2 : i32
        %add3A_116 = arith.addi %mul3A_72, %add3A_115 : i32
        %get3A_117 = arith.index_cast %add3A_116 : i32 to index
        %get3A_118 = arith.constant 16 : index
        %get3A_119 = tpu.vector_load %arg7[%get3A_117, %get3A_118] {strides = array<i32>} : memref<128x64xf32, #tpu.memory_space<vmem>>, vector<16xf32>,
        %add3A_120 = arith.addf %add3A_96, %get3A_119 : vector<16xf32>
        %add3A_121 = arith.constant 2 : i32
        %add3A_122 = arith.addi %mul3A_72, %add3A_121 : i32
        %get3A_123 = arith.index_cast %add3A_122 : i32 to index
        %get3A_124 = arith.constant 32 : index
        %get3A_125 = tpu.vector_load %arg7[%get3A_123, %get3A_124] {strides = array<i32>} : memref<128x64xf32, #tpu.memory_space<vmem>>, vector<16xf32>,
        %add3A_126 = arith.addf %add3A_102, %get3A_125 : vector<16xf32>
        %add3A_127 = arith.constant 2 : i32
        %add3A_128 = arith.addi %mul3A_72, %add3A_127 : i32
        %get3A_129 = arith.index_cast %add3A_128 : i32 to index
        %get3A_130 = arith.constant 48 : index
        %get3A_131 = tpu.vector_load %arg7[%get3A_129, %get3A_130] {strides = array<i32>} : memref<128x64xf32, #tpu.memory_space<vmem>>, vector<16xf32>,
        %add3A_132 = arith.addf %add3A_108, %get3A_131 : vector<16xf32>
        %add3A_133 = arith.constant 3 : i32
        %add3A_134 = arith.addi %mul3A_72, %add3A_133 : i32
        %get3A_135 = arith.index_cast %add3A_134 : i32 to index
        %get3A_136 = arith.constant 0 : index
        %get3A_137 = tpu.vector_load %arg7[%get3A_135, %get3A_136] {strides = array<i32>} : memref<128x64xf32, #tpu.memory_space<vmem>>, vector<16xf32>,
        %add3A_138 = arith.addf %add3A_114, %get3A_137 : vector<16xf32>
        %add3A_139 = arith.constant 3 : i32
        %add3A_140 = arith.addi %mul3A_72, %add3A_139 : i32
        %get3A_141 = arith.index_cast %add3A_140 : i32 to index
        %get3A_142 = arith.constant 16 : index
        %get3A_143 = tpu.vector_load %arg7[%get3A_141, %get3A_142] {strides = array<i32>} : memref<128x64xf32, #tpu.memory_space<vmem>>, vector<16xf32>,
        %add3A_144 = arith.addf %add3A_120, %get3A_143 : vector<16xf32>
        %add3A_145 = arith.constant 3 : i32
        %add3A_146 = arith.addi %mul3A_72, %add3A_145 : i32
        %get3A_147 = arith.index_cast %add3A_146 : i32 to index
        %get3A_148 = arith.constant 32 : index
        %get3A_149 = tpu.vector_load %arg7[%get3A_147, %get3A_148] {strides = array<i32>} : memref<128x64xf32, #tpu.memory_space<vmem>>, vector<16xf32>,
        %add3A_150 = arith.addf %add3A_126, %get3A_149 : vector<16xf32>
        %add3A_151 = arith.constant 3 : i32
        %add3A_152 = arith.addi %mul3A_72, %add3A_151 : i32
        %get3A_153 = arith.index_cast %add3A_152 : i32 to index
        %get3A_154 = arith.constant 48 : index
        %get3A_155 = tpu.vector_load %arg7[%get3A_153, %get3A_154] {strides = array<i32>} : memref<128x64xf32, #tpu.memory_space<vmem>>, vector<16xf32>,
        %add3A_156 = arith.addf %add3A_132, %get3A_155 : vector<16xf32>
        %add3A_157 = arith.constant 4 : i32
        %add3A_158 = arith.addi %mul3A_72, %add3A_157 : i32
        %get3A_159 = arith.index_cast %add3A_158 : i32 to index
        %get3A_160 = arith.constant 0 : index
        %get3A_161 = tpu.vector_load %arg7[%get3A_159, %get3A_160] {strides = array<i32>} : memref<128x64xf32, #tpu.memory_space<vmem>>, vector<16xf32>,
        %add3A_162 = arith.addf %add3A_138, %get3A_161 : vector<16xf32>
        %add3A_163 = arith.constant 4 : i32
        %add3A_164 = arith.addi %mul3A_72, %add3A_163 : i32
        %get3A_165 = arith.index_cast %add3A_164 : i32 to index
        %get3A_166 = arith.constant 16 : index
        %get3A_167 = tpu.vector_load %arg7[%get3A_165, %get3A_166] {strides = array<i32>} : memref<128x64xf32, #tpu.memory_space<vmem>>, vector<16xf32>,
        %add3A_168 = arith.addf %add3A_144, %get3A_167 : vector<16xf32>
        %add3A_169 = arith.constant 4 : i32
        %add3A_170 = arith.addi %mul3A_72, %add3A_169 : i32
        %get3A_171 = arith.index_cast %add3A_170 : i32 to index
        %get3A_172 = arith.constant 32 : index
        %get3A_173 = tpu.vector_load %arg7[%get3A_171, %get3A_172] {strides = array<i32>} : memref<128x64xf32, #tpu.memory_space<vmem>>, vector<16xf32>,
        %add3A_174 = arith.addf %add3A_150, %get3A_173 : vector<16xf32>
        %add3A_175 = arith.constant 4 : i32
        %add3A_176 = arith.addi %mul3A_72, %add3A_175 : i32
        %get3A_177 = arith.index_cast %add3A_176 : i32 to index
        %get3A_178 = arith.constant 48 : index
        %get3A_179 = tpu.vector_load %arg7[%get3A_177, %get3A_178] {strides = array<i32>} : memref<128x64xf32, #tpu.memory_space<vmem>>, vector<16xf32>,
        %add3A_180 = arith.addf %add3A_156, %get3A_179 : vector<16xf32>
        %add3A_181 = arith.constant 5 : i32
        %add3A_182 = arith.addi %mul3A_72, %add3A_181 : i32
        %get3A_183 = arith.index_cast %add3A_182 : i32 to index
        %get3A_184 = arith.constant 0 : index
        %get3A_185 = tpu.vector_load %arg7[%get3A_183, %get3A_184] {strides = array<i32>} : memref<128x64xf32, #tpu.memory_space<vmem>>, vector<16xf32>,
        %add3A_186 = arith.addf %add3A_162, %get3A_185 : vector<16xf32>
        %add3A_187 = arith.constant 5 : i32
        %add3A_188 = arith.addi %mul3A_72, %add3A_187 : i32
        %get3A_189 = arith.index_cast %add3A_188 : i32 to index
        %get3A_190 = arith.constant 16 : index
        %get3A_191 = tpu.vector_load %arg7[%get3A_189, %get3A_190] {strides = array<i32>} : memref<128x64xf32, #tpu.memory_space<vmem>>, vector<16xf32>,
        %add3A_192 = arith.addf %add3A_168, %get3A_191 : vector<16xf32>
        %add3A_193 = arith.constant 5 : i32
        %add3A_194 = arith.addi %mul3A_72, %add3A_193 : i32
        %get3A_195 = arith.index_cast %add3A_194 : i32 to index
        %get3A_196 = arith.constant 32 : index
        %get3A_197 = tpu.vector_load %arg7[%get3A_195, %get3A_196] {strides = array<i32>} : memref<128x64xf32, #tpu.memory_space<vmem>>, vector<16xf32>,
        %add3A_198 = arith.addf %add3A_174, %get3A_197 : vector<16xf32>
        %add3A_199 = arith.constant 5 : i32
        %add3A_200 = arith.addi %mul3A_72, %add3A_199 : i32
        %get3A_201 = arith.index_cast %add3A_200 : i32 to index
        %get3A_202 = arith.constant 48 : index
        %get3A_203 = tpu.vector_load %arg7[%get3A_201, %get3A_202] {strides = array<i32>} : memref<128x64xf32, #tpu.memory_space<vmem>>, vector<16xf32>,
        %add3A_204 = arith.addf %add3A_180, %get3A_203 : vector<16xf32>
        %add3A_205 = arith.constant 6 : i32
        %add3A_206 = arith.addi %mul3A_72, %add3A_205 : i32
        %get3A_207 = arith.index_cast %add3A_206 : i32 to index
        %get3A_208 = arith.constant 0 : index
        %get3A_209 = tpu.vector_load %arg7[%get3A_207, %get3A_208] {strides = array<i32>} : memref<128x64xf32, #tpu.memory_space<vmem>>, vector<16xf32>,
        %add3A_210 = arith.addf %add3A_186, %get3A_209 : vector<16xf32>
        %add3A_211 = arith.constant 6 : i32
        %add3A_212 = arith.addi %mul3A_72, %add3A_211 : i32
        %get3A_213 = arith.index_cast %add3A_212 : i32 to index
        %get3A_214 = arith.constant 16 : index
        %get3A_215 = tpu.vector_load %arg7[%get3A_213, %get3A_214] {strides = array<i32>} : memref<128x64xf32, #tpu.memory_space<vmem>>, vector<16xf32>,
        %add3A_216 = arith.addf %add3A_192, %get3A_215 : vector<16xf32>
        %add3A_217 = arith.constant 6 : i32
        %add3A_218 = arith.addi %mul3A_72, %add3A_217 : i32
        %get3A_219 = arith.index_cast %add3A_218 : i32 to index
        %get3A_220 = arith.constant 32 : index
        %get3A_221 = tpu.vector_load %arg7[%get3A_219, %get3A_220] {strides = array<i32>} : memref<128x64xf32, #tpu.memory_space<vmem>>, vector<16xf32>,
        %add3A_222 = arith.addf %add3A_198, %get3A_221 : vector<16xf32>
        %add3A_223 = arith.constant 6 : i32
        %add3A_224 = arith.addi %mul3A_72, %add3A_223 : i32
        %get3A_225 = arith.index_cast %add3A_224 : i32 to index
        %get3A_226 = arith.constant 48 : index
        %get3A_227 = tpu.vector_load %arg7[%get3A_225, %get3A_226] {strides = array<i32>} : memref<128x64xf32, #tpu.memory_space<vmem>>, vector<16xf32>,
        %add3A_228 = arith.addf %add3A_204, %get3A_227 : vector<16xf32>
        %add3A_229 = arith.constant 7 : i32
        %add3A_230 = arith.addi %mul3A_72, %add3A_229 : i32
        %get3A_231 = arith.index_cast %add3A_230 : i32 to index
        %get3A_232 = arith.constant 0 : index
        %get3A_233 = tpu.vector_load %arg7[%get3A_231, %get3A_232] {strides = array<i32>} : memref<128x64xf32, #tpu.memory_space<vmem>>, vector<16xf32>,
        %add3A_234 = arith.addf %add3A_210, %get3A_233 : vector<16xf32>
        %add3A_235 = arith.constant 7 : i32
        %add3A_236 = arith.addi %mul3A_72, %add3A_235 : i32
        %get3A_237 = arith.index_cast %add3A_236 : i32 to index
        %get3A_238 = arith.constant 16 : index
        %get3A_239 = tpu.vector_load %arg7[%get3A_237, %get3A_238] {strides = array<i32>} : memref<128x64xf32, #tpu.memory_space<vmem>>, vector<16xf32>,
        %add3A_240 = arith.addf %add3A_216, %get3A_239 : vector<16xf32>
        %add3A_241 = arith.constant 7 : i32
        %add3A_242 = arith.addi %mul3A_72, %add3A_241 : i32
        %get3A_243 = arith.index_cast %add3A_242 : i32 to index
        %get3A_244 = arith.constant 32 : index
        %get3A_245 = tpu.vector_load %arg7[%get3A_243, %get3A_244] {strides = array<i32>} : memref<128x64xf32, #tpu.memory_space<vmem>>, vector<16xf32>,
        %add3A_246 = arith.addf %add3A_222, %get3A_245 : vector<16xf32>
        %add3A_247 = arith.constant 7 : i32
        %add3A_248 = arith.addi %mul3A_72, %add3A_247 : i32
        %get3A_249 = arith.index_cast %add3A_248 : i32 to index
        %get3A_250 = arith.constant 48 : index
        %get3A_251 = tpu.vector_load %arg7[%get3A_249, %get3A_250] {strides = array<i32>} : memref<128x64xf32, #tpu.memory_space<vmem>>, vector<16xf32>,
        %add3A_252 = arith.addf %add3A_228, %get3A_251 : vector<16xf32>
        %mul3A_253 = arith.constant 128 : i32
        %mul3A_254 = arith.muli %add3A_43, %mul3A_253 : i32
        %add3A_255 = arith.addi %mul3A_254, %mul3A_72 : i32
        %get3A_256 = arith.index_cast %add3A_255 : i32 to index
        %get3A_257 = tpu.vector_load %arg5[%get3A_256] {strides = array<i32>} : memref<2080xi32, #tpu.memory_space<vmem>>, vector<16xi32>,
        %eq3A = arith.constant 0 : i32
        %eq3A_258 = vector.broadcast %eq3A : i32 to vector<16xi32>
        %eq3A_259 = arith.cmpi eq, %get3A_257, %eq3A_258 : vector<16xi32>
        %iota3A = tpu.iota {dimensions = array<i32: 0>} : vector<16xi32>
        %lt3A_260 = arith.constant 8 : i32
        %lt3A_261 = vector.broadcast %lt3A_260 : i32 to vector<16xi32>
        %lt3A_262 = arith.cmpi slt, %iota3A, %lt3A_261 : vector<16xi32>
        %and3A_263 = arith.andi %eq3A_259, %lt3A_262 : vector<16xi1>
        %jit3A = arith.constant 1.000000e+00 : f32
        %jit3A_264 = arith.constant 0.000000e+00 : f32
        %broadcast_in_dim3A = vector.broadcast %jit3A : f32 to vector<16xf32>
        %broadcast_in_dim3A_265 = vector.broadcast %jit3A_264 : f32 to vector<16xf32>
        %select_n3A = arith.select %and3A_263, %broadcast_in_dim3A, %broadcast_in_dim3A_265 : vector<16xi1>, vector<16xf32>
        %reduce_sum3A = arith.constant true
        %reduce_sum3A_266 = vector.broadcast %reduce_sum3A : i1 to vector<16xi1>
        %reduce_sum3A_267 = tpu.scan <sum>, %select_n3A masked %reduce_sum3A_266 : vector<16xf32>, vector<16xi1> -> vector<16xf32>
        %reduce_sum3A_268 = vector.extract %reduce_sum3A_267[15] : f32 from vector<16xf32>
        %mul3A_269 = arith.constant 16 : i32
        %mul3A_270 = arith.muli %and3A_60, %mul3A_269 : i32
        %add3A_271 = arith.addi %mul3A_270, %add3A_70 : i32
        %mul3A_272 = arith.constant 64 : i32
        %mul3A_273 = arith.muli %shift_right_arithmetic3A_58, %mul3A_272 : i32
        %mul3A_274 = vector.broadcast %reduce_sum3A_268 : f32 to vector<16xf32>
        %mul3A_275 = arith.mulf %mul3A_274, %get3A_3 : vector<16xf32>
        %sub3A = arith.subf %add3A_234, %mul3A_275 : vector<16xf32>
        %add3A_276 = arith.constant 0 : i32
        %add3A_277 = arith.addi %mul3A_273, %add3A_276 : i32
        %swap3A = arith.index_cast %add3A_271 : i32 to index
        %swap3A_278 = arith.index_cast %add3A_277 : i32 to index
        %swap3A_279 = tpu.vector_load %arg8[%swap3A, %swap3A_278] {strides = array<i32>} : memref<128x128xf32, #tpu.memory_space<vmem>>, vector<16xf32>,
        tpu.vector_store %arg8[%swap3A, %swap3A_278], %sub3A {strides = array<i32>} : memref<128x128xf32, #tpu.memory_space<vmem>>, vector<16xf32>,
        %mul3A_280 = vector.broadcast %reduce_sum3A_268 : f32 to vector<16xf32>
        %mul3A_281 = arith.mulf %mul3A_280, %get3A_5 : vector<16xf32>
        %sub3A_282 = arith.subf %add3A_240, %mul3A_281 : vector<16xf32>
        %add3A_283 = arith.constant 16 : i32
        %add3A_284 = arith.addi %mul3A_273, %add3A_283 : i32
        %swap3A_285 = arith.index_cast %add3A_271 : i32 to index
        %swap3A_286 = arith.index_cast %add3A_284 : i32 to index
        %swap3A_287 = tpu.vector_load %arg8[%swap3A_285, %swap3A_286] {strides = array<i32>} : memref<128x128xf32, #tpu.memory_space<vmem>>, vector<16xf32>,
        tpu.vector_store %arg8[%swap3A_285, %swap3A_286], %sub3A_282 {strides = array<i32>} : memref<128x128xf32, #tpu.memory_space<vmem>>, vector<16xf32>,
        %mul3A_288 = vector.broadcast %reduce_sum3A_268 : f32 to vector<16xf32>
        %mul3A_289 = arith.mulf %mul3A_288, %get3A_7 : vector<16xf32>
        %sub3A_290 = arith.subf %add3A_246, %mul3A_289 : vector<16xf32>
        %add3A_291 = arith.constant 32 : i32
        %add3A_292 = arith.addi %mul3A_273, %add3A_291 : i32
        %swap3A_293 = arith.index_cast %add3A_271 : i32 to index
        %swap3A_294 = arith.index_cast %add3A_292 : i32 to index
        %swap3A_295 = tpu.vector_load %arg8[%swap3A_293, %swap3A_294] {strides = array<i32>} : memref<128x128xf32, #tpu.memory_space<vmem>>, vector<16xf32>,
        tpu.vector_store %arg8[%swap3A_293, %swap3A_294], %sub3A_290 {strides = array<i32>} : memref<128x128xf32, #tpu.memory_space<vmem>>, vector<16xf32>,
        %mul3A_296 = vector.broadcast %reduce_sum3A_268 : f32 to vector<16xf32>
        %mul3A_297 = arith.mulf %mul3A_296, %get3A_9 : vector<16xf32>
        %sub3A_298 = arith.subf %add3A_252, %mul3A_297 : vector<16xf32>
        %add3A_299 = arith.constant 48 : i32
        %add3A_300 = arith.addi %mul3A_273, %add3A_299 : i32
        %swap3A_301 = arith.index_cast %add3A_271 : i32 to index
        %swap3A_302 = arith.index_cast %add3A_300 : i32 to index
        %swap3A_303 = tpu.vector_load %arg8[%swap3A_301, %swap3A_302] {strides = array<i32>} : memref<128x128xf32, #tpu.memory_space<vmem>>, vector<16xf32>,
        tpu.vector_store %arg8[%swap3A_301, %swap3A_302], %sub3A_298 {strides = array<i32>} : memref<128x128xf32, #tpu.memory_space<vmem>>, vector<16xf32>,
      }
      %scan3A_65 = arith.constant 16 : i32
    }
    %scan3A_18 = arith.constant 8 : i32
    "tpu.region"() ({
      %run_scoped3A_19 = tpu.sem_alloc : memref<!tpu.dma_semaphore, #tpu.memory_space<semaphore_mem>>
      %dma_start3A = arith.constant 0 : i32
      %dma_start3A_20 = arith.constant 0 : i32
      %dma_start3A_21 = tpu.memref_slice %arg4[%add3A, %dma_start3A, %dma_start3A_20] : memref<32x128x128xf32, #tpu.memory_space<hbm>> -> memref<1x128x128xf32, #tpu.memory_space<hbm>>
      %dma_start3A_22 = tpu.memref_squeeze %dma_start3A_21 : memref<1x128x128xf32, #tpu.memory_space<hbm>> -> memref<128x128xf32, #tpu.memory_space<hbm>>
      %dma_start3A_23 = arith.constant 0 : i32
      %dma_start3A_24 = arith.constant 0 : i32
      %dma_start3A_25 = tpu.memref_slice %arg4[%add3A, %dma_start3A_23, %dma_start3A_24] : memref<32x128x128xf32, #tpu.memory_space<hbm>> -> memref<1x128x128xf32, #tpu.memory_space<hbm>>
      %dma_start3A_26 = tpu.memref_squeeze %dma_start3A_25 : memref<1x128x128xf32, #tpu.memory_space<hbm>> -> memref<128x128xf32, #tpu.memory_space<hbm>>
      tpu.enqueue_dma source(%arg8 : memref<128x128xf32, #tpu.memory_space<vmem>>) target(%dma_start3A_26 : memref<128x128xf32, #tpu.memory_space<hbm>>) target_semaphore(%run_scoped3A_19 : memref<!tpu.dma_semaphore, #tpu.memory_space<semaphore_mem>>)
      %dma_wait3A = arith.constant 0 : i32
      %dma_wait3A_27 = arith.constant 0 : i32
      %dma_wait3A_28 = tpu.memref_slice %arg4[%add3A, %dma_wait3A, %dma_wait3A_27] : memref<32x128x128xf32, #tpu.memory_space<hbm>> -> memref<1x128x128xf32, #tpu.memory_space<hbm>>
      %dma_wait3A_29 = tpu.memref_squeeze %dma_wait3A_28 : memref<1x128x128xf32, #tpu.memory_space<hbm>> -> memref<128x128xf32, #tpu.memory_space<hbm>>
      %dma_wait3A_30 = arith.constant 0 : i32
      %dma_wait3A_31 = arith.constant 0 : i32
      %dma_wait3A_32 = tpu.memref_slice %arg4[%add3A, %dma_wait3A_30, %dma_wait3A_31] : memref<32x128x128xf32, #tpu.memory_space<hbm>> -> memref<1x128x128xf32, #tpu.memory_space<hbm>>
      %dma_wait3A_33 = tpu.memref_squeeze %dma_wait3A_32 : memref<1x128x128xf32, #tpu.memory_space<hbm>> -> memref<128x128xf32, #tpu.memory_space<hbm>>
      tpu.wait_dma2 semaphore(%run_scoped3A_19 : memref<!tpu.dma_semaphore, #tpu.memory_space<semaphore_mem>>) src(%arg8 : memref<128x128xf32, #tpu.memory_space<vmem>>) dst(%dma_wait3A_33 : memref<128x128xf32, #tpu.memory_space<hbm>>)
      tpu.yield
    }) : () -> ()
    return
  }
}

</mosaic_0001>

<sc_bundles>
// kernel: kernel.4.cloned.1.call-start
scs
__scs_entry_jumppad:
0x0: {  	(pc) =	sbr.rel $0x88, $3  }
0x1: {  	(tag) =	ssettag $0x0;
	lr =	simm.s32 $0x1  }
0x2: {  	[smem:$0x3F9D] =	sst lr;
	_ =	strace $0xD0000000  }
0x3: {  	_ = 	snop  }
0x4: {  	_ = 	snop  }
0x5: {  	_ = 	snop  }
0x6: {  	_ = 	snop  }
0x7: {  	_ = 	snop  }
__scs_overlays_trampoline_lowered:
0x8: {  	[smem:$0x3FAC] =	sst s0  }
0x9: {  	[smem:$0x3FAD] =	sst s1  }
0xa: {  	[smem:$0x3FAE] =	sst s2  }
0xb: {  	[smem:$0x3FAF] =	sst s3  }
0xc: {  	[smem:$0x3FB0] =	sst s4  }
0xd: {  	[smem:$0x3FB1] =	sst s5  }
0xe: {  	[smem:$0x3FB2] =	sst s6  }
0xf: {  	[smem:$0x3FB3] =	sst s7  }
0x10: {  	[smem:$0x3FB4] =	sst s8  }
0x11: {  	[smem:$0x3FB5] =	sst s9;
	s0 =	simm.s32 @!p0 $0x0  }
0x12: {  	s1 =	sld [smem:$0x3F9B];
	s0 =	simm.s32 @p0 $0x1  }
0x13: {  	[smem:$0x3FB6] =	sst s0;
	s0 =	simm.s32 @!p1 $0x0  }
0x14: {  	s2 =	sld [smem:$0x3F9A];
	s0 =	simm.s32 @p1 $0x1  }
0x15: {  	[smem:$0x3FB7] =	sst s0;
	s0 =	simm.s32 @!p2 $0x0  }
0x16: {  	s3 =	sld [smem:$0x3FDB];
	s0 =	simm.s32 @p2 $0x1  }
0x17: {  	s4 =	simm.s32 $0x1BF5;
	[smem:$0x3FB9] =	sst s0  }
0x18: {  	s0 =	sld [smem:$0x3F9C];
	_ =	swait.ge [sflag:s4], $0x0  }
0x19: {  	s7 =	sld [smem:$0x3F9D]  }
0x1a: {  	s8 =	sadd.s32 $0xFFFFE003, lr  }
0x1b: {  	s9 =	sadd.s32 $0xFFFFFEF7, lr;
	s5 =	simm.s32 $0xFFFFFFFF;
	p2 =	slt.u32 s8, $0xFFFFF086  }
0x1c: {  	p1 =	slt.u32 s9, $0xF7A;
	s5 =	simm.s32 @!p2 $0x0  }
0x1d: {  	s5 =	simm.s32 @p1 $0x1;
	p0 =	seq.s32 s7, s2  }
0x1e: {  	s7 =	smul.u32 @!p0 $0xF7A, s2;
	p2 =	seq.s32 @!p0 s5, $0x0  }
0x1f: {  	s9 =	smul.u32 $0xF7A, s1;
	s8 =	simm.s32 @!p0 $0x1BF5;
	p2 =	por !p2, p0  }
0x20: {  	[sflag:s8] =	ssyncset.s32 @!p0 $0xFFFFF086;
	s6 =	sadd.s32 @!p0 s3, s7;
	s7 =	simm.s32 @!p0 $0x108  }
0x21: {  	s3 =	sadd.s32 s3, s9;
	s6 =	sadd.s32 @!p0 $0x88, s6;
	s7 =	simm.s32 @p2 $0x1082  }
0x22: {  	[simem:s7], [sflag:s8] =	dma.local @!p0 [hbm:s6], $0xF7A  }
0x23: {  	s9 =	sor.u32 $0xD0000000, s2;
	s6 =	simm.s32 $0x108;
	_ =	swait.ge @!p0 [sflag:s8], $0x0  }
0x24: {  	s3 =	sadd.s32 $0x88, s3;
	s6 =	simm.s32 @!p1 $0x1082;
	[sflag:s4] =	ssyncset.s32 $0xFFFFF086  }
0x25: {  	[simem:s6], [sflag:s4] =	dma.local [hbm:s3], $0xF7A  }
0x26: {  	[smem:$0x3F9D] =	sst s1;
	(tag) =	ssettag s2;
	_ =	strace s9  }
0x27: {  	s1 =	sld [smem:$0x3FAD]  }
0x28: {  	s2 =	sld [smem:$0x3FAE]  }
0x29: {  	s4 =	sld [smem:$0x3FB0]  }
0x2a: {  	p0 =	seq.s32 s5, $0x0;
	s5 =	sld [smem:$0x3FB1]  }
0x2b: {  	s6 =	sld [smem:$0x3FB2]  }
0x2c: {  	s7 =	sld [smem:$0x3FB3]  }
0x2d: {  	s3 =	simm.s32 $0x108;
	s8 =	sld [smem:$0x3FB4]  }
0x2e: {  	s3 =	simm.s32 @!p0 $0x1082;
	s9 =	sld [smem:$0x3FB5]  }
0x2f: {  	lr =	sadd.s32 s0, s3;
	s0 =	sld [smem:$0x3FAC]  }
0x30: {  	s3 =	sld [smem:$0x3FAF]  }
0x31: {  	[smem:$0x3FB8] =	sst s10  }
0x32: {  	s10 =	sld [smem:$0x3FB6];
	_ =	sdelay $0x3  }
0x33: {  	p0 =	seq.s32 s10, $0x1;
	s10 =	sld [smem:$0x3FB8];
	_ =	sdelay $0x3  }
0x34: {  	[smem:$0x3FB8] =	sst s10  }
0x35: {  	s10 =	sld [smem:$0x3FB7];
	_ =	sdelay $0x3  }
0x36: {  	p1 =	seq.s32 s10, $0x1;
	s10 =	sld [smem:$0x3FB8];
	_ =	sdelay $0x3  }
0x37: {  	[smem:$0x3FB8] =	sst s10  }
0x38: {  	s10 =	sld [smem:$0x3FB9]  }
0x39: {  	_ = 	snop;
	(pc) =	sbr.ind lr, $3  }
0x3a: {  	_ = 	snop  }
0x3b: {  	_ = 	snop  }
0x3c: {  	p2 =	seq.s32 s10, $0x1;
	s10 =	sld [smem:$0x3FB8]  }
0x3d: {  	_ =	shalt  }
0x3e: {  	_ =	shalt  }
0x3f: {  	_ =	shalt  }
0x40: {  	_ =	shalt  }
0x41: {  	_ =	shalt  }
0x42: {  	_ =	shalt  }
0x43: {  	_ =	shalt  }
0x44: {  	_ =	shalt  }
0x45: {  	_ =	shalt  }
0x46: {  	_ =	shalt  }
0x47: {  	_ =	shalt  }
0x48: {  	_ =	shalt  }
0x49: {  	_ =	shalt  }
0x4a: {  	_ =	shalt  }
0x4b: {  	_ =	shalt  }
0x4c: {  	_ =	shalt  }
0x4d: {  	_ =	shalt  }
0x4e: {  	_ =	shalt  }
0x4f: {  	_ =	shalt  }
0x50: {  	_ =	shalt  }
0x51: {  	_ =	shalt  }
0x52: {  	_ =	shalt  }
0x53: {  	_ =	shalt  }
0x54: {  	_ =	shalt  }
0x55: {  	_ =	shalt  }
0x56: {  	_ =	shalt  }
0x57: {  	_ =	shalt  }
0x58: {  	_ =	shalt  }
0x59: {  	_ =	shalt  }
0x5a: {  	_ =	shalt  }
0x5b: {  	_ =	shalt  }
0x5c: {  	_ =	shalt  }
0x5d: {  	_ =	shalt  }
0x5e: {  	_ =	shalt  }
0x5f: {  	_ =	shalt  }
0x60: {  	_ =	shalt  }
0x61: {  	_ =	shalt  }
0x62: {  	_ =	shalt  }
0x63: {  	_ =	shalt  }
0x64: {  	_ =	shalt  }
0x65: {  	_ =	shalt  }
0x66: {  	_ =	shalt  }
0x67: {  	_ =	shalt  }
0x68: {  	_ =	shalt  }
0x69: {  	_ =	shalt  }
0x6a: {  	_ =	shalt  }
0x6b: {  	_ =	shalt  }
0x6c: {  	_ =	shalt  }
0x6d: {  	_ =	shalt  }
0x6e: {  	_ =	shalt  }
0x6f: {  	_ =	shalt  }
0x70: {  	_ =	shalt  }
0x71: {  	_ =	shalt  }
0x72: {  	_ =	shalt  }
0x73: {  	_ =	shalt  }
0x74: {  	_ =	shalt  }
0x75: {  	_ =	shalt  }
0x76: {  	_ =	shalt  }
0x77: {  	_ =	shalt  }
0x78: {  	_ =	shalt  }
0x79: {  	_ =	shalt  }
0x7a: {  	_ =	shalt  }
0x7b: {  	_ =	shalt  }
0x7c: {  	_ =	shalt  }
0x7d: {  	_ =	shalt  }
0x7e: {  	_ =	shalt  }
0x7f: {  	_ =	shalt  }
0x80: {  	_ =	shalt  }
0x81: {  	_ =	shalt  }
0x82: {  	_ =	shalt  }
0x83: {  	_ =	shalt  }
0x84: {  	_ =	shalt  }
0x85: {  	_ =	shalt  }
0x86: {  	_ =	shalt  }
0x87: {  	_ =	shalt  }
.Lfunc_end0:
.L_simem_size_0:
called_computation_lowered:
.L_overlay_start_0:
0x88: {  	s2 =	sld [smem:$0x3FD9]  }
0x89: {  	s3 =	sld [smem:$0x3FFE];
	_ =	sdelay $0x1  }
0x8a: {  	s1 =	srdreg.scid  }
0x8b: {  	s0 =	sand.u32 $0x1, s1  }
0x8c: {  	s17 =	sshll.u32 s0, $0xA;
	s2 =	sadd.s32 s3, s2  }
0x8d: {  	s2 =	sadd.s32 s2, s17  }
0x8e: {  	[smem:$0x3FC4] =	sst s2  }
0x8f: {  	_ = 	snop  }
0x90: {  	s2 =	sld [smem:$0x3FC9]  }
0x91: {  	s18 =	sld [smem:$0x3FC8]  }
0x92: {  	s4 =	sld [smem:$0x3FC7];
	(tm) =	ssettm $0x1  }
0x93: {  	s5 =	sld [smem:$0x3FFB];
	_ =	sdelay $0x3  }
0x94: {  	_ =	strace s5  }
0x95: {  	s5 =	sld [smem:$0x3FFC];
	_ =	sdelay $0x3  }
0x96: {  	_ =	strace s5  }
0x97: {  	s5 =	sld [smem:$0x3FFD];
	_ =	sdelay $0x3  }
0x98: {  	_ =	strace s5  }
0x99: {  	_ =	strace $0x8FFFFFFF  }
0x9a: {  	s19 =	sld [smem:$0x3FDB];
	_ =	sdelay $0x1  }
0x9b: {  	s6 =	simm.s32 $_scs_section_size  }
0x9c: {  	s7 =	simm.s32 $_size__tile_overlayer_lowered;
	s8 =	simm.s32 $_tile_overlayer_lowered  }
0x9d: {  	s22 =	simm.s32 $0x1BFF;
	s21 =	sshll.u32 s8, $0x1;
	s5 =	sadd.s32 s6, s19  }
0x9e: {  	s9 =	simm.s32 $0x0;
	s20 =	sshll.u32 s7, $0x1;
	s7 =	sadd.s32 s21, s5  }
0x9f: {  	[timem:s9], [sflag:s22] =	dma.local [hbm:s7], s20  }
0xa0: {  	_ =	swait.ge [sflag:s22], s20  }
0xa1: {  	s6 =	ssub.s32 $0x0, s20;
	[sflag:s22] =	ssyncset.done $0x0  }
0xa2: {  	[sflag:s22] =	ssyncadd.s32 s6;
	_ =	sdelay $0x1  }
0xa3: {  	s23 =	simm.s32 $0x1B8B  }
0xa4: {  	_ =	swait.ge [sflag:s23], $0x1  }
0xa5: {  	[sflag:s23] =	ssyncset.done $0x0  }
0xa6: {  	s25 =	simm.s32 $0x1B8E;
	s24 =	sld [smem:$0x3FFE];
	[sflag:s23] =	ssyncadd.s32 $0xFFFFFFFF  }
0xa7: {  	s26 =	simm.s32 $execute0_lowered;
	[smem:$0x3FD2] =	sst s25  }
0xa8: {  	s7 =	sshll.u32 s26, $0x1;
	_ =	strace $0x80000046;
	[dreg:$0x1] =	wrdreg $0xFFFFFFFF  }
0xa9: {  	s28 =	simm.s32 $_size_execute0_lowered;
	s5 =	sadd.s32 s5, s7;
	[dreg:$0x0] =	wrdreg $0x0  }
0xaa: {  	s7 =	sshll.u32 s28, $0x1;
	[dreg:$0x2] =	wrdreg s5  }
0xab: {  	[dreg:$0x3] =	wrdreg s7  }
0xac: {  	[dreg:$0x4] =	wrdreg $0xC0  }
0xad: {  	_ =	task [dreg:s9], $0x5FFFF  }
0xae: {  	[dreg:$0x1] =	wrdreg $0xFFFFFFFF  }
0xaf: {  	[dreg:$0x0] =	wrdreg $0x60  }
0xb0: {  	[dreg:$0x2] =	wrdreg s2  }
0xb1: {  	[dreg:$0x3] =	wrdreg s18  }
0xb2: {  	[dreg:$0x4] =	wrdreg s4  }
0xb3: {  	[dreg:$0x5] =	wrdreg s24  }
0xb4: {  	[dreg:$0x6] =	wrdreg $0x9  }
0xb5: {  	_ =	task.clear_ibuf [dreg:s9], $0x7FFFF;
	_ =	strace $0x90000046  }
0xb6: {  	s29 =	simm.s32 $0x9;
	_ =	strace $0x80000048  }
0xb7: {  	_ =	swait.ge [sflag:s29], $0x1  }
0xb8: {  	[sflag:s29] =	ssyncadd.s32 $0xFFFFFFFF  }
0xb9: {  	_ =	strace $0x90000048  }
0xba: {  	_ =	sfence  }
0xbb: {  	s30 =	sld [smem:$0x0];
	_ =	sdelay $0x2  }
0xbc: {  	s31 =	sshll.u32 s1, $0xD;
	s1 =	sshrl.u32 s1, $0x2  }
0xbd: {  	s3 =	sand.u32 $0x4000, s31;
	s1 =	sadd.s32 s1, s30  }
0xbe: {  	s0 =	sor.u32 s3, s0;
	s1 =	sshll.u32 s1, $0x11  }
0xbf: {  	s0 =	sor.u32 s1, s0  }
0xc0: {  	s0 =	sadd.s32 $0x8F2B, s0  }
0xc1: {  	[sflag:s0] =	ssyncadd.remote.s32 $0x1  }
0xc2: {  	_ =	sfence.sel $0xFFFF  }
0xc3: {  	[dreg:$0x0] =	wrdreg $0xFFFFFFFF;
	(pc) =	sbr.abs _section_cstart, $3  }
0xc4: {  	[dreg:$0x1] =	wrdreg $0xFFFFFFFF  }
0xc5: {  	_ =	task.clear_ibuf [dreg:s9], $0x2FFFF;
	_ =	strace $0x9FFFFFFF  }
0xc6: {  	(tm) =	ssettm $0x7FFFFFFF  }
0xc7: {  	_ =	shalt  }
tec
execute0_lowered:
.L_overlay_start_1:
0x0: {  	(tag) =	ssettag $0x1  }
0x1: {  	s0 =	rddreg [dreg:$0x0]  }
0x2: {  	s1 =	rddreg [dreg:$0x1]  }
0x3: {  	s3 =	rddreg [dreg:$0x2];
	s2 =	srdreg.scid  }
0x4: {  	s4 =	stileid.u32;
	s5 =	rddreg [dreg:$0x3]  }
0x5: {  	s19 =	simm.s32 $0x3;
	s9 =	simm.s32 $0x200;
	s10 =	simm.s32 $0x2200  }
0x6: {  	s28 =	simm.s32 $0x4600;
	s29 =	simm.s32 $0x6600;
	s30 =	simm.s32 $0x4A00  }
0x7: {  	s31 =	simm.s32 $0x6A00;
	s8 =	simm.s32 $0x7600;
	s11 =	simm.s32 $0x5A00  }
0x8: {  	s12 =	simm.s32 $0x7A00;
	s13 =	simm.s32 $0x5E00;
	s14 =	simm.s32 $0x7E00  }
0x9: {  	s15 =	simm.s32 $0x1;
	s16 =	simm.s32 $0x100;
	s17 =	simm.s32 $0x2  }
0xa: {  	s20 =	simm.s32 $0x0;
	s2 =	sand.u32 $0x1, s2;
	s6 =	sshll.u32 s4, $0x1  }
0xb: {  	s4 =	simm.s32 $0x0;
	s6 =	sor.u32 s2, s6;
	s2 =	ssub.s32 $0x2, s2  }
0xc: {  	[smem:$0x7FF] =	sst s4;
	s7 =	smul.u32 $0x104, s6;
	s24 =	sshrl.u32 s2, $0x1  }
0xd: {  	_ =	strace $0x80000047;
	s6 =	sshll.u32 s6, $0x4;
	s2 =	ssub.s32 s2, s24  }
.Ltmp0:
0xe: {  	s0 =	sadd.s32 s0, s6;
	s6 =	simm.s32 $0x7200;
	(pc) =	sbr.rel .LBB2_1-.Ltmp0, $4  }
0xf: {  	s5 =	sadd.s32 s7, s5;
	[dreg:$0x5] =	wrdreg s0;
	s26 =	smax.u32 s2, $0x1  }
0x10: {  	v0 =	vlaneseq.u32;
	s2 =	simm.s32 $0x4E00;
	s0 =	simm.s32 $0x6E00;
	s7 =	simm.s32 $0x5600  }
0x11: {  	v1 =	vand.u32 $0x7, v0;
	s25 =	sadd.s32 $0xA00, s5;
	[dreg:$0x7] =	wrdreg s26;
	s26 =	simm.s32 $0x6200  }
0x12: {  	v1 =	vmul.u32 $0x80, v1;
	s5 =	simm.s32 $0x5200;
	[dreg:$0x6] =	wrdreg s25;
	s25 =	simm.s32 $0x4200  }
.LBB2_5:
0x13: {  	s18 =	rddreg [dreg:$0x6];
	s19 =	simm.s32 $0x8200  }
0x14: {  	[hbm4b:s18+s4] =	stream.linear.scatter [tilespmem:s19], [sflag:$0x3], $0x820, $0x38;
	[tilespmem:$0x8A80] =	vst v63  }
0x15: {  	s19 =	simm.s32 $0x3  }
0x16: {  	_ =	swait.ge [sflag:s19], $0x820  }
0x17: {  	s20 =	rddreg [dreg:$0x8]  }
0x18: {  	s24 =	rddreg [dreg:$0x7];
	s20 =	sadd.s32 $0x1, s20  }
0x19: {  	p0 =	sne.s32 s20, s24  }
.Ltmp1:
0x1a: {  	_ = 	snop;
	(pc) =	sbr.rel @!p0 .LBB2_6-.Ltmp1, $3  }
0x1b: {  	_ =	sdelay $0x1  }
0x1c: {  	[sflag:s19] =	ssyncset.done $0x0  }
0x1d: {  	[sflag:s19] =	ssyncadd.s32 $0xFFFFF7E0  }
.LBB2_1:
0x1e: {  	[dreg:$0x8] =	wrdreg s20  }
0x1f: {  	s18 =	rddreg [dreg:$0x5]  }
0x20: {  	[tilespmem:s4], [sflag:$0x3] =	stream.linear.gather [hbm4b:s18+s4], $0x80, $0x38;
	[tilespmem:$0x8A80] =	vst v63  }
0x21: {  	_ =	swait.ge [sflag:s19], $0x80  }
0x22: {  	[sflag:s19] =	ssyncset.done $0x0  }
0x23: {  	[sflag:s19] =	ssyncadd.s32 $0xFFFFFF80  }
0x24: {  	v2 =	vld [tilespmem:$0x0];
	_ =	sdelay $0x4  }
0x25: {  	(v2sf) =	vpush v2, $0x0;
	_ =	sdelay $0x3  }
0x26: {  	(v2sf) =	vpush v2, $0x1;
	_ =	sdelay $0x2  }
0x27: {  	(v2sf) =	vpush v2, $0x2;
	_ =	sdelay $0x7  }
0x28: {  	s20 =	spop (v2sf)  }
0x29: {  	v3 =	vand.u32 $0x7F, v2;
	(v2sf) =	vpush v2, $0x3;
	s18 =	sand.u32 $0xFFFFF80, s20  }
0x2a: {  	[tilespmem:$0x100] =	vst v3;
	s21 =	sadd.s32 s1, s18  }
0x2b: {  	[tilespmem:s9], [sflag:$0x1] =	stream.linear.gather [hbm4b:s21+s4], $0x400, $0x38;
	[tilespmem:$0x8A80] =	vst v63  }
0x2c: {  	s22 =	spop (v2sf);
	s18 =	sadd.s32 s3, s18  }
0x2d: {  	(v2sf) =	vpush v2, $0x4;
	[tilespmem:s10], [sflag:$0x1] =	stream.linear.gather [hbm4b:s18+s4], $0x400, $0x38;
	[tilespmem:$0x8A80] =	vst v63  }
0x2e: {  	s18 =	sand.u32 $0xFFFFF80, s22  }
0x2f: {  	s24 =	simm.s32 $0x600;
	s22 =	spop (v2sf);
	s23 =	sadd.s32 s1, s18  }
0x30: {  	(v2sf) =	vpush v2, $0x5;
	[tilespmem:s24], [sflag:$0x1] =	stream.linear.gather [hbm4b:s23+s4], $0x400, $0x38;
	[tilespmem:$0x8A80] =	vst v63  }
0x31: {  	s21 =	simm.s32 $0x2600;
	s18 =	sadd.s32 s3, s18  }
0x32: {  	[tilespmem:s21], [sflag:$0x1] =	stream.linear.gather [hbm4b:s18+s4], $0x400, $0x38;
	[tilespmem:$0x8A80] =	vst v63  }
0x33: {  	s18 =	sand.u32 $0xFFFFF80, s22  }
0x34: {  	s24 =	simm.s32 $0xA00;
	s23 =	sadd.s32 s1, s18  }
0x35: {  	[tilespmem:s24], [sflag:$0x1] =	stream.linear.gather [hbm4b:s23+s4], $0x400, $0x38;
	[tilespmem:$0x8A80] =	vst v63  }
0x36: {  	s21 =	simm.s32 $0x2A00;
	s18 =	sadd.s32 s3, s18  }
0x37: {  	[tilespmem:s21], [sflag:$0x1] =	stream.linear.gather [hbm4b:s18+s4], $0x400, $0x38;
	[tilespmem:$0x8A80] =	vst v63  }
0x38: {  	s22 =	spop (v2sf);
	(v2sf) =	vpush v2, $0x6  }
0x39: {  	s18 =	sand.u32 $0xFFFFF80, s22  }
0x3a: {  	s24 =	simm.s32 $0xE00;
	s23 =	sadd.s32 s1, s18  }
0x3b: {  	[tilespmem:s24], [sflag:$0x1] =	stream.linear.gather [hbm4b:s23+s4], $0x400, $0x38;
	[tilespmem:$0x8A80] =	vst v63  }
0x3c: {  	s21 =	simm.s32 $0x2E00;
	s22 =	spop (v2sf);
	(v2sf) =	vpush v2, $0x7;
	s18 =	sadd.s32 s3, s18  }
0x3d: {  	[tilespmem:s21], [sflag:$0x1] =	stream.linear.gather [hbm4b:s18+s4], $0x400, $0x38;
	[tilespmem:$0x8A80] =	vst v63  }
0x3e: {  	s18 =	sand.u32 $0xFFFFF80, s22  }
0x3f: {  	s24 =	simm.s32 $0x1200;
	s21 =	spop (v2sf);
	s23 =	sadd.s32 s1, s18  }
0x40: {  	[tilespmem:s24], [sflag:$0x1] =	stream.linear.gather [hbm4b:s23+s4], $0x400, $0x38;
	[tilespmem:$0x8A80] =	vst v63  }
0x41: {  	s22 =	simm.s32 $0x3200;
	s18 =	sadd.s32 s3, s18;
	s23 =	sand.u32 $0xFFFFF80, s21  }
0x42: {  	[tilespmem:s22], [sflag:$0x1] =	stream.linear.gather [hbm4b:s18+s4], $0x400, $0x38;
	[tilespmem:$0x8A80] =	vst v63  }
0x43: {  	s24 =	simm.s32 $0x1600;
	s19 =	sadd.s32 s1, s23  }
0x44: {  	[tilespmem:s24], [sflag:$0x1] =	stream.linear.gather [hbm4b:s19+s4], $0x400, $0x38;
	[tilespmem:$0x8A80] =	vst v63  }
0x45: {  	s18 =	sadd.s32 s3, s23;
	s22 =	simm.s32 $0x3600  }
0x46: {  	[tilespmem:s22], [sflag:$0x1] =	stream.linear.gather [hbm4b:s18+s4], $0x400, $0x38;
	[tilespmem:$0x8A80] =	vst v63  }
0x47: {  	s21 =	spop (v2sf)  }
0x48: {  	s23 =	sand.u32 $0xFFFFF80, s21  }
0x49: {  	s24 =	simm.s32 $0x1A00;
	s19 =	sadd.s32 s1, s23  }
0x4a: {  	[tilespmem:s24], [sflag:$0x1] =	stream.linear.gather [hbm4b:s19+s4], $0x400, $0x38;
	[tilespmem:$0x8A80] =	vst v63  }
0x4b: {  	s20 =	simm.s32 $0x3A00;
	s21 =	spop (v2sf);
	s18 =	sadd.s32 s3, s23  }
0x4c: {  	[tilespmem:s20], [sflag:$0x1] =	stream.linear.gather [hbm4b:s18+s4], $0x400, $0x38;
	[tilespmem:$0x8A80] =	vst v63  }
0x4d: {  	s23 =	simm.s32 $0x1E00;
	s18 =	sand.u32 $0xFFFFF80, s21  }
.Ltmp2:
0x4e: {  	s24 =	simm.s32 $0x3E00;
	s22 =	sadd.s32 s1, s18;
	(pc) =	sbr.rel .LBB2_2-.Ltmp2, $4  }
0x4f: {  	[tilespmem:s23], [sflag:$0x1] =	stream.linear.gather [hbm4b:s22+s4], $0x400, $0x38;
	[tilespmem:$0x8A80] =	vst v63  }
0x50: {  	s19 =	simm.s32 $0x110;
	s20 =	simm.s32 $0x10;
	s18 =	sadd.s32 s3, s18  }
0x51: {  	[tilespmem:s24], [sflag:$0x1] =	stream.linear.gather [hbm4b:s18+s4], $0x400, $0x38;
	[tilespmem:$0x8A80] =	vst v63  }
0x52: {  	s21 =	simm.s32 $0x8600;
	s22 =	simm.s32 $0x0;
	s18 =	simm.s32 $0x40  }
.LBB2_4:
0x53: {  	_ =	swait.ge [sflag:s17], $0x400  }
0x54: {  	[sflag:s17] =	ssyncset.done $0x0  }
0x55: {  	[sflag:s17] =	ssyncadd.s32 $0xFFFFFC00  }
0x56: {  	_ =	swait.ge [sflag:s17], $0x400  }
0x57: {  	[sflag:s17] =	ssyncset.done $0x0  }
0x58: {  	[sflag:s17] =	ssyncadd.s32 $0xFFFFFC00  }
0x59: {  	_ =	swait.ge [sflag:s17], $0x400  }
0x5a: {  	[sflag:s17] =	ssyncset.done $0x0  }
0x5b: {  	[sflag:s17] =	ssyncadd.s32 $0xFFFFFC00  }
0x5c: {  	_ =	swait.ge [sflag:s17], $0x400  }
0x5d: {  	[sflag:s17] =	ssyncset.done $0x0  }
0x5e: {  	[sflag:s17] =	ssyncadd.s32 $0xFFFFFC00  }
0x5f: {  	_ =	swait.ge [sflag:s17], $0x400  }
0x60: {  	[sflag:s17] =	ssyncset.done $0x0  }
0x61: {  	[sflag:s17] =	ssyncadd.s32 $0xFFFFFC00  }
0x62: {  	_ =	swait.ge [sflag:s17], $0x400  }
0x63: {  	[sflag:s17] =	ssyncset.done $0x0  }
0x64: {  	[sflag:s17] =	ssyncadd.s32 $0xFFFFFC00  }
0x65: {  	_ =	swait.ge [sflag:s17], $0x400  }
0x66: {  	[sflag:s17] =	ssyncset.done $0x0  }
0x67: {  	[sflag:s17] =	ssyncadd.s32 $0xFFFFFC00  }
0x68: {  	_ =	swait.ge [sflag:s17], $0x400  }
0x69: {  	[sflag:s17] =	ssyncset.done $0x0  }
0x6a: {  	[sflag:s17] =	ssyncadd.s32 $0xFFFFFC00  }
0x6b: {  	_ =	swait.ge [sflag:s17], $0x400  }
0x6c: {  	[sflag:s17] =	ssyncset.done $0x0  }
0x6d: {  	[sflag:s17] =	ssyncadd.s32 $0xFFFFFC00  }
0x6e: {  	_ =	swait.ge [sflag:s17], $0x400  }
0x6f: {  	[sflag:s17] =	ssyncset.done $0x0  }
0x70: {  	[sflag:s17] =	ssyncadd.s32 $0xFFFFFC00  }
0x71: {  	_ =	swait.ge [sflag:s17], $0x400  }
0x72: {  	[sflag:s17] =	ssyncset.done $0x0  }
0x73: {  	[sflag:s17] =	ssyncadd.s32 $0xFFFFFC00  }
0x74: {  	_ =	swait.ge [sflag:s17], $0x400  }
0x75: {  	[sflag:s17] =	ssyncset.done $0x0  }
0x76: {  	[sflag:s17] =	ssyncadd.s32 $0xFFFFFC00  }
0x77: {  	_ =	swait.ge [sflag:s17], $0x400  }
0x78: {  	[sflag:s17] =	ssyncset.done $0x0  }
0x79: {  	[sflag:s17] =	ssyncadd.s32 $0xFFFFFC00  }
0x7a: {  	_ =	swait.ge [sflag:s17], $0x400  }
0x7b: {  	[sflag:s17] =	ssyncset.done $0x0  }
0x7c: {  	[sflag:s17] =	ssyncadd.s32 $0xFFFFFC00  }
0x7d: {  	v2 =	vor.u32 s18, v0;
	_ =	swait.ge [sflag:s17], $0x400  }
0x7e: {  	v2 =	vshrl.u32 v2, $0x3;
	[sflag:s17] =	ssyncset.done $0x0  }
0x7f: {  	[sflag:s17] =	ssyncadd.s32 $0xFFFFFC00  }
0x80: {  	_ =	swait.ge [sflag:s17], $0x400  }
0x81: {  	[sflag:s17] =	ssyncset.done $0x0  }
0x82: {  	[sflag:s17] =	ssyncadd.s32 $0xFFFFFC00  }
0x83: {  	v3 =	vld.idx.msk [tilespmem:v2+s16+$0x0], $0xffff;
	_ =	sdelay $0x1  }
0x84: {  	s23 =	sadd.s32 $0x8, s22  }
0x85: {  	v4 =	vmov s23  }
0x86: {  	v2 =	vsub.s32 v2, v4  }
0x87: {  	v2 =	vshll.u32 v2, $0xA;
	v5 =	vand.u32 $0xFFFFFF80, v3  }
0x88: {  	v3 =	vand.u32 $0x7F, v3;
	v2 =	vadd.s32 v2, v5  }
0x89: {  	v2 =	vor.u32 v3, v2  }
0x8a: {  	v2 =	vadd.s32 v1, v2;
	_ =	sdelay $0x4  }
0x8b: {  	v3 =	vld.idx.msk [tilespmem:v2+s25+$0x0], $0xffff;
	_ =	sdelay $0x1  }
0x8c: {  	v59 =	vmov s18  }
0x8d: {  	v6 =	vor.u32 $0x10, v59  }
0x8e: {  	v6 =	vbroadcast v6, $0x0  }
0x8f: {  	[tilespmem:s21+$0xFFFFFC40] =	vst v3  }
0x90: {  	v3 =	vor.u32 v0, v6;
	v2 =	vld.idx.msk [tilespmem:v2+s26+$0x0], $0xffff  }
0x91: {  	v3 =	vshrl.u32 v3, $0x3;
	_ =	sdelay $0x3  }
0x92: {  	[tilespmem:s21+$0x40] =	vst v2  }
0x93: {  	v2 =	vld.idx.msk [tilespmem:v3+s16+$0x0], $0xffff;
	_ =	sdelay $0x3  }
0x94: {  	v3 =	vsub.s32 v3, v4  }
0x95: {  	v3 =	vshll.u32 v3, $0xA;
	v60 =	vand.u32 $0xFFFFFF80, v2  }
0x96: {  	v2 =	vand.u32 $0x7F, v2;
	v3 =	vadd.s32 v3, v60  }
0x97: {  	v2 =	vor.u32 v2, v3  }
0x98: {  	v2 =	vadd.s32 v1, v2;
	_ =	sdelay $0x4  }
0x99: {  	v3 =	vld.idx.msk [tilespmem:v2+s25+$0x0], $0xffff;
	_ =	sdelay $0x2  }
0x9a: {  	v61 =	vor.u32 $0x20, v59  }
0x9b: {  	v6 =	vbroadcast v61, $0x0  }
0x9c: {  	[tilespmem:s21+$0xFFFFFC50] =	vst v3  }
0x9d: {  	v3 =	vor.u32 v0, v6;
	v2 =	vld.idx.msk [tilespmem:v2+s26+$0x0], $0xffff  }
0x9e: {  	v3 =	vshrl.u32 v3, $0x3;
	_ =	sdelay $0x3  }
0x9f: {  	[tilespmem:s21+$0x50] =	vst v2  }
0xa0: {  	v2 =	vld.idx.msk [tilespmem:v3+s16+$0x0], $0xffff;
	_ =	sdelay $0x3  }
0xa1: {  	v3 =	vsub.s32 v3, v4  }
0xa2: {  	v3 =	vshll.u32 v3, $0xA;
	v62 =	vand.u32 $0xFFFFFF80, v2  }
0xa3: {  	v2 =	vand.u32 $0x7F, v2;
	v3 =	vadd.s32 v3, v62  }
0xa4: {  	v2 =	vor.u32 v2, v3  }
0xa5: {  	v2 =	vadd.s32 v1, v2;
	_ =	sdelay $0x4  }
0xa6: {  	v3 =	vld.idx.msk [tilespmem:v2+s25+$0x0], $0xffff;
	_ =	sdelay $0x2  }
0xa7: {  	v5 =	vor.u32 $0x30, v59  }
0xa8: {  	v5 =	vbroadcast v5, $0x0  }
0xa9: {  	[tilespmem:s21+$0xFFFFFC60] =	vst v3  }
0xaa: {  	v3 =	vor.u32 v0, v5;
	v2 =	vld.idx.msk [tilespmem:v2+s26+$0x0], $0xffff  }
0xab: {  	v3 =	vshrl.u32 v3, $0x3;
	_ =	sdelay $0x3  }
0xac: {  	[tilespmem:s21+$0x60] =	vst v2  }
0xad: {  	v2 =	vld.idx.msk [tilespmem:v3+s16+$0x0], $0xffff;
	_ =	sdelay $0x3  }
0xae: {  	v3 =	vsub.s32 v3, v4  }
0xaf: {  	v3 =	vshll.u32 v3, $0xA;
	v63 =	vand.u32 $0xFFFFFF80, v2  }
0xb0: {  	v2 =	vand.u32 $0x7F, v2;
	v3 =	vadd.s32 v3, v63  }
0xb1: {  	v2 =	vor.u32 v2, v3  }
0xb2: {  	v2 =	vadd.s32 v1, v2;
	_ =	sdelay $0x4  }
0xb3: {  	v3 =	vld.idx.msk [tilespmem:v2+s25+$0x0], $0xffff;
	_ =	sdelay $0x4  }
0xb4: {  	s22 =	sadd.s32 $0x10, s22;
	[tilespmem:s21+$0xFFFFFC70] =	vst v3  }
0xb5: {  	p0 =	sne.s32 s22, $0x80;
	v2 =	vld.idx.msk [tilespmem:v2+s26+$0x0], $0xffff  }
.Ltmp3:
0xb6: {  	_ = 	snop;
	(pc) =	sbr.rel @!p0 .LBB2_5-.Ltmp3, $3  }
0xb7: {  	_ =	sdelay $0x1  }
0xb8: {  	s18 =	sadd.s32 $0x80, s18  }
0xb9: {  	s19 =	sadd.s32 $0x10, s19;
	s20 =	sadd.s32 $0x10, s20;
	[tilespmem:s21+$0x70] =	vst v2;
	s21 =	sadd.s32 $0x80, s21  }
.LBB2_2:
0xba: {  	v2 =	vld [tilespmem:s20+$0xFFFFFFF8];
	_ =	sdelay $0x4  }
0xbb: {  	(v2sf) =	vpush v2, $0x0;
	_ =	sdelay $0x3  }
0xbc: {  	(v2sf) =	vpush v2, $0x1;
	_ =	sdelay $0x4  }
0xbd: {  	(v2sf) =	vpush v2, $0x2;
	_ =	sdelay $0x5  }
0xbe: {  	s23 =	spop (v2sf)  }
0xbf: {  	v3 =	vand.u32 $0x7F, v2;
	(v2sf) =	vpush v2, $0x3;
	s23 =	sand.u32 $0xFFFFF80, s23  }
0xc0: {  	[tilespmem:s19+$0xFFFFFFF8] =	vst v3;
	s24 =	sadd.s32 s1, s23  }
0xc1: {  	[tilespmem:s25], [sflag:$0x2] =	stream.linear.gather [hbm4b:s24+s4], $0x400, $0x38;
	[tilespmem:$0x8A80] =	vst v63  }
0xc2: {  	s23 =	sadd.s32 s3, s23;
	s24 =	spop (v2sf)  }
0xc3: {  	(v2sf) =	vpush v2, $0x4;
	[tilespmem:s26], [sflag:$0x2] =	stream.linear.gather [hbm4b:s23+s4], $0x400, $0x38;
	[tilespmem:$0x8A80] =	vst v63  }
0xc4: {  	s23 =	sand.u32 $0xFFFFF80, s24  }
0xc5: {  	s24 =	sadd.s32 s1, s23  }
0xc6: {  	[tilespmem:s28], [sflag:$0x2] =	stream.linear.gather [hbm4b:s24+s4], $0x400, $0x38;
	[tilespmem:$0x8A80] =	vst v63  }
0xc7: {  	s23 =	sadd.s32 s3, s23;
	s24 =	spop (v2sf)  }
0xc8: {  	(v2sf) =	vpush v2, $0x5;
	[tilespmem:s29], [sflag:$0x2] =	stream.linear.gather [hbm4b:s23+s4], $0x400, $0x38;
	[tilespmem:$0x8A80] =	vst v63  }
0xc9: {  	s23 =	sand.u32 $0xFFFFF80, s24  }
0xca: {  	s24 =	sadd.s32 s1, s23  }
0xcb: {  	[tilespmem:s30], [sflag:$0x2] =	stream.linear.gather [hbm4b:s24+s4], $0x400, $0x38;
	[tilespmem:$0x8A80] =	vst v63  }
0xcc: {  	s23 =	sadd.s32 s3, s23  }
0xcd: {  	[tilespmem:s31], [sflag:$0x2] =	stream.linear.gather [hbm4b:s23+s4], $0x400, $0x38;
	[tilespmem:$0x8A80] =	vst v63  }
0xce: {  	s24 =	spop (v2sf)  }
0xcf: {  	(v2sf) =	vpush v2, $0x6;
	s23 =	sand.u32 $0xFFFFF80, s24  }
0xd0: {  	s24 =	sadd.s32 s1, s23  }
0xd1: {  	[tilespmem:s2], [sflag:$0x2] =	stream.linear.gather [hbm4b:s24+s4], $0x400, $0x38;
	[tilespmem:$0x8A80] =	vst v63  }
0xd2: {  	s23 =	sadd.s32 s3, s23;
	s24 =	spop (v2sf)  }
0xd3: {  	(v2sf) =	vpush v2, $0x7;
	[tilespmem:s0], [sflag:$0x2] =	stream.linear.gather [hbm4b:s23+s4], $0x400, $0x38;
	[tilespmem:$0x8A80] =	vst v63  }
0xd4: {  	s23 =	sand.u32 $0xFFFFF80, s24  }
0xd5: {  	s24 =	sadd.s32 s1, s23  }
0xd6: {  	[tilespmem:s5], [sflag:$0x2] =	stream.linear.gather [hbm4b:s24+s4], $0x400, $0x38;
	[tilespmem:$0x8A80] =	vst v63  }
0xd7: {  	s23 =	sadd.s32 s3, s23;
	s24 =	spop (v2sf)  }
0xd8: {  	[tilespmem:s6], [sflag:$0x2] =	stream.linear.gather [hbm4b:s23+s4], $0x400, $0x38;
	[tilespmem:$0x8A80] =	vst v63  }
0xd9: {  	s23 =	sand.u32 $0xFFFFF80, s24  }
0xda: {  	s24 =	sadd.s32 s1, s23  }
0xdb: {  	[tilespmem:s7], [sflag:$0x2] =	stream.linear.gather [hbm4b:s24+s4], $0x400, $0x38;
	[tilespmem:$0x8A80] =	vst v63  }
0xdc: {  	s23 =	sadd.s32 s3, s23  }
0xdd: {  	[tilespmem:s8], [sflag:$0x2] =	stream.linear.gather [hbm4b:s23+s4], $0x400, $0x38;
	[tilespmem:$0x8A80] =	vst v63  }
0xde: {  	s24 =	spop (v2sf)  }
0xdf: {  	s23 =	sand.u32 $0xFFFFF80, s24  }
0xe0: {  	s24 =	sadd.s32 s1, s23  }
0xe1: {  	[tilespmem:s11], [sflag:$0x2] =	stream.linear.gather [hbm4b:s24+s4], $0x400, $0x38;
	[tilespmem:$0x8A80] =	vst v63  }
0xe2: {  	s23 =	sadd.s32 s3, s23;
	s24 =	spop (v2sf)  }
0xe3: {  	[tilespmem:s12], [sflag:$0x2] =	stream.linear.gather [hbm4b:s23+s4], $0x400, $0x38;
	[tilespmem:$0x8A80] =	vst v63  }
0xe4: {  	s23 =	sand.u32 $0xFFFFF80, s24  }
0xe5: {  	s24 =	sadd.s32 s1, s23  }
0xe6: {  	[tilespmem:s13], [sflag:$0x2] =	stream.linear.gather [hbm4b:s24+s4], $0x400, $0x38;
	[tilespmem:$0x8A80] =	vst v63  }
0xe7: {  	s23 =	sadd.s32 s3, s23  }
0xe8: {  	[tilespmem:s14], [sflag:$0x2] =	stream.linear.gather [hbm4b:s23+s4], $0x400, $0x38;
	[tilespmem:$0x8A80] =	vst v63  }
0xe9: {  	_ =	swait.ge [sflag:s15], $0x400  }
0xea: {  	[sflag:s15] =	ssyncset.done $0x0  }
0xeb: {  	[sflag:s15] =	ssyncadd.s32 $0xFFFFFC00  }
0xec: {  	_ =	swait.ge [sflag:s15], $0x400  }
0xed: {  	[sflag:s15] =	ssyncset.done $0x0  }
0xee: {  	[sflag:s15] =	ssyncadd.s32 $0xFFFFFC00  }
0xef: {  	_ =	swait.ge [sflag:s15], $0x400  }
0xf0: {  	[sflag:s15] =	ssyncset.done $0x0  }
0xf1: {  	[sflag:s15] =	ssyncadd.s32 $0xFFFFFC00  }
0xf2: {  	_ =	swait.ge [sflag:s15], $0x400  }
0xf3: {  	[sflag:s15] =	ssyncset.done $0x0  }
0xf4: {  	[sflag:s15] =	ssyncadd.s32 $0xFFFFFC00  }
0xf5: {  	_ =	swait.ge [sflag:s15], $0x400  }
0xf6: {  	[sflag:s15] =	ssyncset.done $0x0  }
0xf7: {  	[sflag:s15] =	ssyncadd.s32 $0xFFFFFC00  }
0xf8: {  	_ =	swait.ge [sflag:s15], $0x400  }
0xf9: {  	[sflag:s15] =	ssyncset.done $0x0  }
0xfa: {  	[sflag:s15] =	ssyncadd.s32 $0xFFFFFC00  }
0xfb: {  	_ =	swait.ge [sflag:s15], $0x400  }
0xfc: {  	[sflag:s15] =	ssyncset.done $0x0  }
0xfd: {  	[sflag:s15] =	ssyncadd.s32 $0xFFFFFC00  }
0xfe: {  	_ =	swait.ge [sflag:s15], $0x400  }
0xff: {  	[sflag:s15] =	ssyncset.done $0x0  }
0x100: {  	[sflag:s15] =	ssyncadd.s32 $0xFFFFFC00  }
0x101: {  	_ =	swait.ge [sflag:s15], $0x400  }
0x102: {  	[sflag:s15] =	ssyncset.done $0x0  }
0x103: {  	[sflag:s15] =	ssyncadd.s32 $0xFFFFFC00  }
0x104: {  	_ =	swait.ge [sflag:s15], $0x400  }
0x105: {  	[sflag:s15] =	ssyncset.done $0x0  }
0x106: {  	[sflag:s15] =	ssyncadd.s32 $0xFFFFFC00  }
0x107: {  	_ =	swait.ge [sflag:s15], $0x400  }
0x108: {  	[sflag:s15] =	ssyncset.done $0x0  }
0x109: {  	[sflag:s15] =	ssyncadd.s32 $0xFFFFFC00  }
0x10a: {  	_ =	swait.ge [sflag:s15], $0x400  }
0x10b: {  	[sflag:s15] =	ssyncset.done $0x0  }
0x10c: {  	[sflag:s15] =	ssyncadd.s32 $0xFFFFFC00  }
0x10d: {  	_ =	swait.ge [sflag:s15], $0x400  }
0x10e: {  	[sflag:s15] =	ssyncset.done $0x0  }
0x10f: {  	[sflag:s15] =	ssyncadd.s32 $0xFFFFFC00  }
0x110: {  	_ =	swait.ge [sflag:s15], $0x400  }
0x111: {  	[sflag:s15] =	ssyncset.done $0x0  }
0x112: {  	s24 =	sadd.s32 $0xFFFFFFC0, s18;
	[sflag:s15] =	ssyncadd.s32 $0xFFFFFC00  }
0x113: {  	v2 =	vor.u32 s24, v0;
	_ =	swait.ge [sflag:s15], $0x400  }
0x114: {  	v2 =	vshrl.u32 v2, $0x3;
	[sflag:s15] =	ssyncset.done $0x0  }
0x115: {  	[sflag:s15] =	ssyncadd.s32 $0xFFFFFC00  }
0x116: {  	_ =	swait.ge [sflag:s15], $0x400  }
0x117: {  	[sflag:s15] =	ssyncset.done $0x0  }
0x118: {  	[sflag:s15] =	ssyncadd.s32 $0xFFFFFC00  }
0x119: {  	v3 =	vld.idx.msk [tilespmem:v2+s16+$0x0], $0xffff;
	_ =	sdelay $0x2  }
0x11a: {  	v4 =	vmov s22  }
0x11b: {  	v2 =	vsub.s32 v2, v4  }
0x11c: {  	v2 =	vshll.u32 v2, $0xA;
	v5 =	vand.u32 $0xFFFFFF80, v3  }
0x11d: {  	v3 =	vand.u32 $0x7F, v3;
	v2 =	vadd.s32 v2, v5  }
0x11e: {  	v2 =	vor.u32 v3, v2  }
0x11f: {  	v2 =	vadd.s32 v1, v2;
	_ =	sdelay $0x4  }
0x120: {  	v3 =	vld.idx.msk [tilespmem:v2+s9+$0x0], $0xffff;
	_ =	sdelay $0x1  }
0x121: {  	v59 =	vmov s24  }
0x122: {  	v6 =	vor.u32 $0x10, v59  }
0x123: {  	v6 =	vbroadcast v6, $0x0  }
0x124: {  	[tilespmem:s21+$0xFFFFFC00] =	vst v3  }
0x125: {  	v3 =	vor.u32 v0, v6;
	v2 =	vld.idx.msk [tilespmem:v2+s10+$0x0], $0xffff  }
0x126: {  	v3 =	vshrl.u32 v3, $0x3;
	_ =	sdelay $0x3  }
0x127: {  	[tilespmem:s21+$0x0] =	vst v2  }
0x128: {  	v2 =	vld.idx.msk [tilespmem:v3+s16+$0x0], $0xffff;
	_ =	sdelay $0x3  }
0x129: {  	v3 =	vsub.s32 v3, v4  }
0x12a: {  	v3 =	vshll.u32 v3, $0xA;
	v60 =	vand.u32 $0xFFFFFF80, v2  }
0x12b: {  	v2 =	vand.u32 $0x7F, v2;
	v3 =	vadd.s32 v3, v60  }
0x12c: {  	v2 =	vor.u32 v2, v3  }
0x12d: {  	v2 =	vadd.s32 v1, v2;
	_ =	sdelay $0x4  }
0x12e: {  	v3 =	vld.idx.msk [tilespmem:v2+s9+$0x0], $0xffff;
	_ =	sdelay $0x2  }
0x12f: {  	v61 =	vor.u32 $0x20, v59  }
0x130: {  	v6 =	vbroadcast v61, $0x0  }
0x131: {  	[tilespmem:s21+$0xFFFFFC10] =	vst v3  }
0x132: {  	v3 =	vor.u32 v0, v6;
	v2 =	vld.idx.msk [tilespmem:v2+s10+$0x0], $0xffff  }
0x133: {  	v3 =	vshrl.u32 v3, $0x3;
	_ =	sdelay $0x3  }
0x134: {  	[tilespmem:s21+$0x10] =	vst v2  }
0x135: {  	v2 =	vld.idx.msk [tilespmem:v3+s16+$0x0], $0xffff;
	_ =	sdelay $0x3  }
0x136: {  	v3 =	vsub.s32 v3, v4  }
0x137: {  	v3 =	vshll.u32 v3, $0xA;
	v62 =	vand.u32 $0xFFFFFF80, v2  }
0x138: {  	v2 =	vand.u32 $0x7F, v2;
	v3 =	vadd.s32 v3, v62  }
0x139: {  	v2 =	vor.u32 v2, v3  }
0x13a: {  	v2 =	vadd.s32 v1, v2;
	_ =	sdelay $0x4  }
0x13b: {  	v3 =	vld.idx.msk [tilespmem:v2+s9+$0x0], $0xffff;
	_ =	sdelay $0x2  }
0x13c: {  	v5 =	vor.u32 $0x30, v59  }
0x13d: {  	v5 =	vbroadcast v5, $0x0  }
0x13e: {  	[tilespmem:s21+$0xFFFFFC20] =	vst v3  }
0x13f: {  	v3 =	vor.u32 v0, v5;
	v2 =	vld.idx.msk [tilespmem:v2+s10+$0x0], $0xffff  }
0x140: {  	v3 =	vshrl.u32 v3, $0x3;
	_ =	sdelay $0x3  }
0x141: {  	[tilespmem:s21+$0x20] =	vst v2  }
0x142: {  	v2 =	vld.idx.msk [tilespmem:v3+s16+$0x0], $0xffff;
	_ =	sdelay $0x3  }
0x143: {  	v3 =	vsub.s32 v3, v4  }
0x144: {  	v3 =	vshll.u32 v3, $0xA;
	v63 =	vand.u32 $0xFFFFFF80, v2  }
0x145: {  	v2 =	vand.u32 $0x7F, v2;
	v3 =	vadd.s32 v3, v63  }
0x146: {  	v2 =	vor.u32 v2, v3  }
0x147: {  	v2 =	vadd.s32 v1, v2;
	_ =	sdelay $0x4  }
0x148: {  	v3 =	vld.idx.msk [tilespmem:v2+s9+$0x0], $0xffff;
	_ =	sdelay $0x4  }
0x149: {  	[tilespmem:s21+$0xFFFFFC30] =	vst v3  }
0x14a: {  	p0 =	seq.s32 s22, $0x70;
	v2 =	vld.idx.msk [tilespmem:v2+s10+$0x0], $0xffff  }
.Ltmp4:
0x14b: {  	_ = 	snop;
	(pc) =	sbr.rel @p0 .LBB2_4-.Ltmp4, $2  }
0x14c: {  	_ =	sdelay $0x2  }
0x14d: {  	[tilespmem:s21+$0x30] =	vst v2  }
0x14e: {  	v2 =	vld [tilespmem:s20+$0x0];
	_ =	sdelay $0x4  }
0x14f: {  	(v2sf) =	vpush v2, $0x0;
	_ =	sdelay $0x3  }
0x150: {  	(v2sf) =	vpush v2, $0x1;
	_ =	sdelay $0x6  }
0x151: {  	(v2sf) =	vpush v2, $0x2;
	_ =	sdelay $0x3  }
0x152: {  	s23 =	spop (v2sf)  }
0x153: {  	v3 =	vand.u32 $0x7F, v2;
	s23 =	sand.u32 $0xFFFFF80, s23  }
0x154: {  	[tilespmem:s19+$0x0] =	vst v3;
	(v2sf) =	vpush v2, $0x3;
	s24 =	sadd.s32 s1, s23  }
0x155: {  	[tilespmem:s9], [sflag:$0x1] =	stream.linear.gather [hbm4b:s24+s4], $0x400, $0x38;
	[tilespmem:$0x8A80] =	vst v63  }
0x156: {  	s23 =	sadd.s32 s3, s23;
	s24 =	spop (v2sf)  }
0x157: {  	[tilespmem:s10], [sflag:$0x1] =	stream.linear.gather [hbm4b:s23+s4], $0x400, $0x38;
	[tilespmem:$0x8A80] =	vst v63  }
0x158: {  	s23 =	sand.u32 $0xFFFFF80, s24  }
0x159: {  	s28 =	simm.s32 $0x600;
	s24 =	sadd.s32 s1, s23  }
0x15a: {  	(v2sf) =	vpush v2, $0x4;
	[tilespmem:s28], [sflag:$0x1] =	stream.linear.gather [hbm4b:s24+s4], $0x400, $0x38;
	[tilespmem:$0x8A80] =	vst v63  }
0x15b: {  	s23 =	sadd.s32 s3, s23;
	s24 =	simm.s32 $0x2600  }
0x15c: {  	[tilespmem:s24], [sflag:$0x1] =	stream.linear.gather [hbm4b:s23+s4], $0x400, $0x38;
	[tilespmem:$0x8A80] =	vst v63  }
0x15d: {  	s24 =	spop (v2sf)  }
0x15e: {  	(v2sf) =	vpush v2, $0x5;
	s23 =	sand.u32 $0xFFFFF80, s24  }
0x15f: {  	s28 =	simm.s32 $0xA00;
	s24 =	sadd.s32 s1, s23  }
0x160: {  	[tilespmem:s28], [sflag:$0x1] =	stream.linear.gather [hbm4b:s24+s4], $0x400, $0x38;
	[tilespmem:$0x8A80] =	vst v63  }
0x161: {  	s23 =	sadd.s32 s3, s23;
	s24 =	simm.s32 $0x2A00  }
0x162: {  	[tilespmem:s24], [sflag:$0x1] =	stream.linear.gather [hbm4b:s23+s4], $0x400, $0x38;
	[tilespmem:$0x8A80] =	vst v63  }
0x163: {  	s24 =	spop (v2sf)  }
0x164: {  	s23 =	sand.u32 $0xFFFFF80, s24  }
0x165: {  	s28 =	simm.s32 $0xE00;
	(v2sf) =	vpush v2, $0x6;
	s24 =	sadd.s32 s1, s23  }
0x166: {  	[tilespmem:s28], [sflag:$0x1] =	stream.linear.gather [hbm4b:s24+s4], $0x400, $0x38;
	[tilespmem:$0x8A80] =	vst v63  }
0x167: {  	s23 =	sadd.s32 s3, s23;
	s24 =	simm.s32 $0x2E00  }
0x168: {  	[tilespmem:s24], [sflag:$0x1] =	stream.linear.gather [hbm4b:s23+s4], $0x400, $0x38;
	[tilespmem:$0x8A80] =	vst v63  }
0x169: {  	s24 =	spop (v2sf)  }
0x16a: {  	s23 =	sand.u32 $0xFFFFF80, s24  }
0x16b: {  	s28 =	simm.s32 $0x1200;
	(v2sf) =	vpush v2, $0x7;
	s24 =	sadd.s32 s1, s23  }
0x16c: {  	[tilespmem:s28], [sflag:$0x1] =	stream.linear.gather [hbm4b:s24+s4], $0x400, $0x38;
	[tilespmem:$0x8A80] =	vst v63  }
0x16d: {  	s23 =	sadd.s32 s3, s23;
	s28 =	simm.s32 $0x3200;
	s24 =	spop (v2sf)  }
0x16e: {  	[tilespmem:s28], [sflag:$0x1] =	stream.linear.gather [hbm4b:s23+s4], $0x400, $0x38;
	[tilespmem:$0x8A80] =	vst v63  }
0x16f: {  	s23 =	sand.u32 $0xFFFFF80, s24  }
0x170: {  	s28 =	simm.s32 $0x1600;
	s24 =	sadd.s32 s1, s23  }
0x171: {  	[tilespmem:s28], [sflag:$0x1] =	stream.linear.gather [hbm4b:s24+s4], $0x400, $0x38;
	[tilespmem:$0x8A80] =	vst v63  }
0x172: {  	s23 =	sadd.s32 s3, s23;
	s28 =	simm.s32 $0x3600  }
0x173: {  	[tilespmem:s28], [sflag:$0x1] =	stream.linear.gather [hbm4b:s23+s4], $0x400, $0x38;
	[tilespmem:$0x8A80] =	vst v63  }
0x174: {  	s24 =	spop (v2sf)  }
0x175: {  	s23 =	sand.u32 $0xFFFFF80, s24  }
0x176: {  	s28 =	simm.s32 $0x1A00;
	s24 =	sadd.s32 s1, s23  }
0x177: {  	[tilespmem:s28], [sflag:$0x1] =	stream.linear.gather [hbm4b:s24+s4], $0x400, $0x38;
	[tilespmem:$0x8A80] =	vst v63  }
0x178: {  	s23 =	sadd.s32 s3, s23;
	s24 =	simm.s32 $0x3A00  }
0x179: {  	[tilespmem:s24], [sflag:$0x1] =	stream.linear.gather [hbm4b:s23+s4], $0x400, $0x38;
	[tilespmem:$0x8A80] =	vst v63  }
0x17a: {  	s24 =	spop (v2sf)  }
.Ltmp5:
0x17b: {  	s23 =	sand.u32 $0xFFFFF80, s24;
	(pc) =	sbr.rel .LBB2_4-.Ltmp5, $4  }
0x17c: {  	s28 =	simm.s32 $0x1E00;
	s24 =	sadd.s32 s1, s23  }
0x17d: {  	[tilespmem:s28], [sflag:$0x1] =	stream.linear.gather [hbm4b:s24+s4], $0x400, $0x38;
	[tilespmem:$0x8A80] =	vst v63  }
0x17e: {  	s23 =	sadd.s32 s3, s23;
	s28 =	simm.s32 $0x4600;
	s24 =	simm.s32 $0x3E00  }
0x17f: {  	[tilespmem:s24], [sflag:$0x1] =	stream.linear.gather [hbm4b:s23+s4], $0x400, $0x38;
	[tilespmem:$0x8A80] =	vst v63  }
.LBB2_6:
0x180: {  	_ =	sfence.sel $0x180000  }
0x181: {  	[bflag:$0x0] =	sbarrier.arrive $0xFFFF  }
0x182: {  	_ =	strace $0x90000047  }
0x183: {  	s0 =	stileid.u32;
	[bflag:$0x2] =	sbarrier.arrive $0xFFFF  }
0x184: {  	p0 =	sne.s32 s0, $0x0;
	s0 =	rddreg [dreg:$0x4]  }
0x185: {  	s0 =	sadd.s32 @!p0 $0x100000, s0  }
0x186: {  	[sflag:s0] =	ssyncadd.tile.s32 @!p0 $0x1;
	_ =	shalt  }
.Lfunc_end2:
_tile_overlayer_lowered:
.L_overlay_start_2:
0x187: {  	(tag) =	ssettag $0x2  }
0x188: {  	s0 =	rddreg [dreg:$0x0];
	s2 =	stileid.u32  }
0x189: {  	s1 =	rddreg [dreg:$0x1];
	p0 =	sne.s32 s2, $0x0  }
0x18a: {  	s3 =	rddreg [dreg:$0x2];
	[bflag:$0x3] =	sbarrier.arrive $0xFFFF;
	s2 =	simm.s32 @!p0 $0x1C03  }
0x18b: {  	[timem:s3], [sflag:s2] =	dma.local @!p0 [hbm:s0], s1  }
0x18c: {  	s0 =	simm.s32 @!p0 $0x3  }
0x18d: {  	_ =	swait.ge @!p0 [sflag:s0], s1  }
0x18e: {  	s1 =	ssub.s32 @!p0 $0x0, s1;
	[sflag:s0] =	ssyncset.done @!p0 $0x0  }
0x18f: {  	[sflag:s0] =	ssyncadd.s32 @!p0 s1  }
0x190: {  	[bflag:$0x3] =	sbarrier.arrive $0xFFFF  }
0x191: {  	_ =	shalt  }

// kernel: kernel.7.cloned.1.call-start
scs
__scs_entry_jumppad:
0x0: {  	(pc) =	sbr.rel $0x88, $3  }
0x1: {  	(tag) =	ssettag $0x0;
	lr =	simm.s32 $0x1  }
0x2: {  	[smem:$0x3F9D] =	sst lr;
	_ =	strace $0xD0000000  }
0x3: {  	_ = 	snop  }
0x4: {  	_ = 	snop  }
0x5: {  	_ = 	snop  }
0x6: {  	_ = 	snop  }
0x7: {  	_ = 	snop  }
__scs_overlays_trampoline_lowered:
0x8: {  	[smem:$0x3FAC] =	sst s0  }
0x9: {  	[smem:$0x3FAD] =	sst s1  }
0xa: {  	[smem:$0x3FAE] =	sst s2  }
0xb: {  	[smem:$0x3FAF] =	sst s3  }
0xc: {  	[smem:$0x3FB0] =	sst s4  }
0xd: {  	[smem:$0x3FB1] =	sst s5  }
0xe: {  	[smem:$0x3FB2] =	sst s6  }
0xf: {  	[smem:$0x3FB3] =	sst s7  }
0x10: {  	[smem:$0x3FB4] =	sst s8  }
0x11: {  	[smem:$0x3FB5] =	sst s9;
	s0 =	simm.s32 @!p0 $0x0  }
0x12: {  	s1 =	sld [smem:$0x3F9B];
	s0 =	simm.s32 @p0 $0x1  }
0x13: {  	[smem:$0x3FB6] =	sst s0;
	s0 =	simm.s32 @!p1 $0x0  }
0x14: {  	s2 =	sld [smem:$0x3F9A];
	s0 =	simm.s32 @p1 $0x1  }
0x15: {  	[smem:$0x3FB7] =	sst s0;
	s0 =	simm.s32 @!p2 $0x0  }
0x16: {  	s3 =	sld [smem:$0x3FDB];
	s0 =	simm.s32 @p2 $0x1  }
0x17: {  	s4 =	simm.s32 $0x1BF5;
	[smem:$0x3FB9] =	sst s0  }
0x18: {  	s0 =	sld [smem:$0x3F9C];
	_ =	swait.ge [sflag:s4], $0x0  }
0x19: {  	s7 =	sld [smem:$0x3F9D]  }
0x1a: {  	s8 =	sadd.s32 $0xFFFFE003, lr  }
0x1b: {  	s9 =	sadd.s32 $0xFFFFFEF7, lr;
	s5 =	simm.s32 $0xFFFFFFFF;
	p2 =	slt.u32 s8, $0xFFFFF086  }
0x1c: {  	p1 =	slt.u32 s9, $0xF7A;
	s5 =	simm.s32 @!p2 $0x0  }
0x1d: {  	s5 =	simm.s32 @p1 $0x1;
	p0 =	seq.s32 s7, s2  }
0x1e: {  	s7 =	smul.u32 @!p0 $0xF7A, s2;
	p2 =	seq.s32 @!p0 s5, $0x0  }
0x1f: {  	s9 =	smul.u32 $0xF7A, s1;
	s8 =	simm.s32 @!p0 $0x1BF5;
	p2 =	por !p2, p0  }
0x20: {  	[sflag:s8] =	ssyncset.s32 @!p0 $0xFFFFF086;
	s6 =	sadd.s32 @!p0 s3, s7;
	s7 =	simm.s32 @!p0 $0x108  }
0x21: {  	s3 =	sadd.s32 s3, s9;
	s6 =	sadd.s32 @!p0 $0x88, s6;
	s7 =	simm.s32 @p2 $0x1082  }
0x22: {  	[simem:s7], [sflag:s8] =	dma.local @!p0 [hbm:s6], $0xF7A  }
0x23: {  	s9 =	sor.u32 $0xD0000000, s2;
	s6 =	simm.s32 $0x108;
	_ =	swait.ge @!p0 [sflag:s8], $0x0  }
0x24: {  	s3 =	sadd.s32 $0x88, s3;
	s6 =	simm.s32 @!p1 $0x1082;
	[sflag:s4] =	ssyncset.s32 $0xFFFFF086  }
0x25: {  	[simem:s6], [sflag:s4] =	dma.local [hbm:s3], $0xF7A  }
0x26: {  	[smem:$0x3F9D] =	sst s1;
	(tag) =	ssettag s2;
	_ =	strace s9  }
0x27: {  	s1 =	sld [smem:$0x3FAD]  }
0x28: {  	s2 =	sld [smem:$0x3FAE]  }
0x29: {  	s4 =	sld [smem:$0x3FB0]  }
0x2a: {  	p0 =	seq.s32 s5, $0x0;
	s5 =	sld [smem:$0x3FB1]  }
0x2b: {  	s6 =	sld [smem:$0x3FB2]  }
0x2c: {  	s7 =	sld [smem:$0x3FB3]  }
0x2d: {  	s3 =	simm.s32 $0x108;
	s8 =	sld [smem:$0x3FB4]  }
0x2e: {  	s3 =	simm.s32 @!p0 $0x1082;
	s9 =	sld [smem:$0x3FB5]  }
0x2f: {  	lr =	sadd.s32 s0, s3;
	s0 =	sld [smem:$0x3FAC]  }
0x30: {  	s3 =	sld [smem:$0x3FAF]  }
0x31: {  	[smem:$0x3FB8] =	sst s10  }
0x32: {  	s10 =	sld [smem:$0x3FB6];
	_ =	sdelay $0x3  }
0x33: {  	p0 =	seq.s32 s10, $0x1;
	s10 =	sld [smem:$0x3FB8];
	_ =	sdelay $0x3  }
0x34: {  	[smem:$0x3FB8] =	sst s10  }
0x35: {  	s10 =	sld [smem:$0x3FB7];
	_ =	sdelay $0x3  }
0x36: {  	p1 =	seq.s32 s10, $0x1;
	s10 =	sld [smem:$0x3FB8];
	_ =	sdelay $0x3  }
0x37: {  	[smem:$0x3FB8] =	sst s10  }
0x38: {  	s10 =	sld [smem:$0x3FB9]  }
0x39: {  	_ = 	snop;
	(pc) =	sbr.ind lr, $3  }
0x3a: {  	_ = 	snop  }
0x3b: {  	_ = 	snop  }
0x3c: {  	p2 =	seq.s32 s10, $0x1;
	s10 =	sld [smem:$0x3FB8]  }
0x3d: {  	_ =	shalt  }
0x3e: {  	_ =	shalt  }
0x3f: {  	_ =	shalt  }
0x40: {  	_ =	shalt  }
0x41: {  	_ =	shalt  }
0x42: {  	_ =	shalt  }
0x43: {  	_ =	shalt  }
0x44: {  	_ =	shalt  }
0x45: {  	_ =	shalt  }
0x46: {  	_ =	shalt  }
0x47: {  	_ =	shalt  }
0x48: {  	_ =	shalt  }
0x49: {  	_ =	shalt  }
0x4a: {  	_ =	shalt  }
0x4b: {  	_ =	shalt  }
0x4c: {  	_ =	shalt  }
0x4d: {  	_ =	shalt  }
0x4e: {  	_ =	shalt  }
0x4f: {  	_ =	shalt  }
0x50: {  	_ =	shalt  }
0x51: {  	_ =	shalt  }
0x52: {  	_ =	shalt  }
0x53: {  	_ =	shalt  }
0x54: {  	_ =	shalt  }
0x55: {  	_ =	shalt  }
0x56: {  	_ =	shalt  }
0x57: {  	_ =	shalt  }
0x58: {  	_ =	shalt  }
0x59: {  	_ =	shalt  }
0x5a: {  	_ =	shalt  }
0x5b: {  	_ =	shalt  }
0x5c: {  	_ =	shalt  }
0x5d: {  	_ =	shalt  }
0x5e: {  	_ =	shalt  }
0x5f: {  	_ =	shalt  }
0x60: {  	_ =	shalt  }
0x61: {  	_ =	shalt  }
0x62: {  	_ =	shalt  }
0x63: {  	_ =	shalt  }
0x64: {  	_ =	shalt  }
0x65: {  	_ =	shalt  }
0x66: {  	_ =	shalt  }
0x67: {  	_ =	shalt  }
0x68: {  	_ =	shalt  }
0x69: {  	_ =	shalt  }
0x6a: {  	_ =	shalt  }
0x6b: {  	_ =	shalt  }
0x6c: {  	_ =	shalt  }
0x6d: {  	_ =	shalt  }
0x6e: {  	_ =	shalt  }
0x6f: {  	_ =	shalt  }
0x70: {  	_ =	shalt  }
0x71: {  	_ =	shalt  }
0x72: {  	_ =	shalt  }
0x73: {  	_ =	shalt  }
0x74: {  	_ =	shalt  }
0x75: {  	_ =	shalt  }
0x76: {  	_ =	shalt  }
0x77: {  	_ =	shalt  }
0x78: {  	_ =	shalt  }
0x79: {  	_ =	shalt  }
0x7a: {  	_ =	shalt  }
0x7b: {  	_ =	shalt  }
0x7c: {  	_ =	shalt  }
0x7d: {  	_ =	shalt  }
0x7e: {  	_ =	shalt  }
0x7f: {  	_ =	shalt  }
0x80: {  	_ =	shalt  }
0x81: {  	_ =	shalt  }
0x82: {  	_ =	shalt  }
0x83: {  	_ =	shalt  }
0x84: {  	_ =	shalt  }
0x85: {  	_ =	shalt  }
0x86: {  	_ =	shalt  }
0x87: {  	_ =	shalt  }
.Lfunc_end0:
.L_simem_size_0:
called_computation.1_lowered:
.L_overlay_start_0:
0x88: {  	s2 =	sld [smem:$0x3FD9]  }
0x89: {  	s3 =	sld [smem:$0x3FFE];
	_ =	sdelay $0x1  }
0x8a: {  	s1 =	srdreg.scid  }
0x8b: {  	s0 =	sand.u32 $0x1, s1  }
0x8c: {  	s17 =	sshll.u32 s0, $0xA;
	s2 =	sadd.s32 s3, s2  }
0x8d: {  	s2 =	sadd.s32 s2, s17  }
0x8e: {  	[smem:$0x3FC4] =	sst s2  }
0x8f: {  	_ = 	snop  }
0x90: {  	s2 =	sld [smem:$0x3FD0];
	(tm) =	ssettm $0x1  }
0x91: {  	s18 =	sld [smem:$0x3FFB];
	_ =	sdelay $0x3  }
0x92: {  	_ =	strace s18  }
0x93: {  	s3 =	sld [smem:$0x3FFC];
	_ =	sdelay $0x3  }
0x94: {  	_ =	strace s3  }
0x95: {  	s3 =	sld [smem:$0x3FFD];
	_ =	sdelay $0x3  }
0x96: {  	_ =	strace s3  }
0x97: {  	_ =	strace $0x8FFFFFFF  }
0x98: {  	s19 =	sld [smem:$0x3FDB];
	_ =	sdelay $0x1  }
0x99: {  	s4 =	simm.s32 $_scs_section_size  }
0x9a: {  	s5 =	simm.s32 $_size__tile_overlayer_lowered;
	s6 =	simm.s32 $_tile_overlayer_lowered  }
0x9b: {  	s22 =	simm.s32 $0x1BFF;
	s21 =	sshll.u32 s6, $0x1;
	s3 =	sadd.s32 s4, s19  }
0x9c: {  	s7 =	simm.s32 $0x0;
	s20 =	sshll.u32 s5, $0x1;
	s5 =	sadd.s32 s21, s3  }
0x9d: {  	[timem:s7], [sflag:s22] =	dma.local [hbm:s5], s20  }
0x9e: {  	_ =	swait.ge [sflag:s22], s20  }
0x9f: {  	s4 =	ssub.s32 $0x0, s20;
	[sflag:s22] =	ssyncset.done $0x0  }
0xa0: {  	[sflag:s22] =	ssyncadd.s32 s4;
	_ =	sdelay $0x1  }
0xa1: {  	s23 =	simm.s32 $0x1B8B  }
0xa2: {  	_ =	swait.ge [sflag:s23], $0x1  }
0xa3: {  	[sflag:s23] =	ssyncset.done $0x0  }
0xa4: {  	s25 =	simm.s32 $0x1B8E;
	s24 =	sld [smem:$0x3FFE];
	[sflag:s23] =	ssyncadd.s32 $0xFFFFFFFF  }
0xa5: {  	s26 =	simm.s32 $execute0_lowered;
	[smem:$0x3FD2] =	sst s25  }
0xa6: {  	s5 =	sshll.u32 s26, $0x1;
	_ =	strace $0x80000049;
	[dreg:$0x1] =	wrdreg $0xFFFFFFFF  }
0xa7: {  	s28 =	simm.s32 $_size_execute0_lowered;
	s3 =	sadd.s32 s3, s5;
	[dreg:$0x0] =	wrdreg $0x0  }
0xa8: {  	s5 =	sshll.u32 s28, $0x1;
	[dreg:$0x2] =	wrdreg s3  }
0xa9: {  	[dreg:$0x3] =	wrdreg s5  }
0xaa: {  	[dreg:$0x4] =	wrdreg $0xC0  }
0xab: {  	_ =	task [dreg:s7], $0x5FFFF  }
0xac: {  	[dreg:$0x1] =	wrdreg $0xFFFFFFFF  }
0xad: {  	[dreg:$0x0] =	wrdreg $0x60  }
0xae: {  	[dreg:$0x2] =	wrdreg s24  }
0xaf: {  	[dreg:$0x3] =	wrdreg s2  }
0xb0: {  	[dreg:$0x4] =	wrdreg $0x9  }
0xb1: {  	_ =	task.clear_ibuf [dreg:s7], $0x5FFFF;
	_ =	strace $0x90000049  }
0xb2: {  	s29 =	simm.s32 $0x9;
	_ =	strace $0x8000004B  }
0xb3: {  	_ =	swait.ge [sflag:s29], $0x1  }
0xb4: {  	[sflag:s29] =	ssyncadd.s32 $0xFFFFFFFF  }
0xb5: {  	_ =	strace $0x9000004B  }
0xb6: {  	_ =	sfence  }
0xb7: {  	s30 =	sld [smem:$0x0];
	_ =	sdelay $0x2  }
0xb8: {  	s31 =	sshll.u32 s1, $0xD;
	s1 =	sshrl.u32 s1, $0x2  }
0xb9: {  	s3 =	sand.u32 $0x4000, s31;
	s1 =	sadd.s32 s1, s30  }
0xba: {  	s0 =	sor.u32 s3, s0;
	s1 =	sshll.u32 s1, $0x11  }
0xbb: {  	s0 =	sor.u32 s1, s0  }
0xbc: {  	s0 =	sadd.s32 $0x8F2B, s0  }
0xbd: {  	[sflag:s0] =	ssyncadd.remote.s32 $0x1  }
0xbe: {  	_ =	sfence.sel $0xFFFF  }
0xbf: {  	[dreg:$0x0] =	wrdreg $0xFFFFFFFF;
	(pc) =	sbr.abs _section_cstart, $3  }
0xc0: {  	[dreg:$0x1] =	wrdreg $0xFFFFFFFF  }
0xc1: {  	_ =	task.clear_ibuf [dreg:s7], $0x2FFFF;
	_ =	strace $0x9FFFFFFF  }
0xc2: {  	(tm) =	ssettm $0x7FFFFFFF  }
0xc3: {  	_ =	shalt  }
tec
execute0_lowered:
.L_overlay_start_1:
0x0: {  	(tag) =	ssettag $0x1  }
0x1: {  	s0 =	srdreg.scid;
	s2 =	stileid.u32  }
0x2: {  	s1 =	rddreg [dreg:$0x0];
	s0 =	sand.u32 $0x1, s0;
	s2 =	sshll.u32 s2, $0x1  }
0x3: {  	s5 =	rddreg [dreg:$0x1];
	s4 =	sor.u32 s0, s2;
	s0 =	ssub.s32 $0x2, s0  }
0x4: {  	s2 =	simm.s32 $0x0;
	s3 =	smul.u32 $0x104, s4;
	s7 =	sshrl.u32 s0, $0x1  }
0x5: {  	[smem:$0x7FF] =	sst s2;
	s30 =	sshll.u32 s4, $0xB;
	s0 =	ssub.s32 s0, s7  }
0x6: {  	s6 =	sadd.s32 s3, s1;
	s3 =	sadd.s32 $0x2C00, s1;
	s1 =	sadd.s32 s5, s30  }
0x7: {  	_ =	strace $0x8000004A;
	s0 =	smax.u32 s0, $0x1;
	[dreg:$0x4] =	wrdreg s1  }
0x8: {  	v0 =	vimm.f32 $0.0e+00;
	vm0 =	vcmask $0x1F00;
	s31 =	sadd.s32 $0xA00, s6;
	[dreg:$0x5] =	wrdreg s0  }
0x9: {  	v0 =	vsel vm0, $0x3F800000, v0;
	s4 =	simm.s32 $0x0;
	s1 =	simm.s32 $0x3;
	[dreg:$0x3] =	wrdreg s31  }
.LBB2_1:
0xa: {  	[dreg:$0x6] =	wrdreg s4  }
0xb: {  	s0 =	rddreg [dreg:$0x3]  }
0xc: {  	[tilespmem:s2], [sflag:$0x3] =	stream.linear.gather [hbm4b:s0+s2], $0x820, $0x38;
	[tilespmem:$0xC900] =	vst v63  }
0xd: {  	_ =	swait.ge [sflag:s1], $0x820  }
0xe: {  	[sflag:s1] =	ssyncset.done $0x0  }
0xf: {  	s31 =	simm.s32 $0xC880;
	[sflag:s1] =	ssyncadd.s32 $0xFFFFF7E0  }
0x10: {  	[tilespmem:s31], [sflag:$0x3] =	stream.linear.gather [hbm4b:s3+s2], $0x80, $0x38;
	[tilespmem:$0xC900] =	vst v63  }
0x11: {  	_ =	swait.ge [sflag:s1], $0x80  }
0x12: {  	[sflag:s1] =	ssyncset.done $0x0  }
0x13: {  	[sflag:s1] =	ssyncadd.s32 $0xFFFFFF80  }
0x14: {  	v1 =	vld [tilespmem:s2+$0x0];
	_ =	sdelay $0x4  }
0x15: {  	v5 =	vshll.u32 v1, $0x4  }
0x16: {  	(v2sf) =	vpush v5, $0x0  }
0x17: {  	(v2sf) =	vpush v5, $0x1  }
0x18: {  	(v2sf) =	vpush v5, $0x2;
	_ =	sdelay $0x1  }
0x19: {  	(v2sf) =	vpush v5, $0x4  }
0x1a: {  	v2 =	vld [tilespmem:$0xC890]  }
0x1b: {  	v3 =	vld [tilespmem:$0xC8A0];
	(v2sf) =	vpush v5, $0x3  }
0x1c: {  	v4 =	vld [tilespmem:$0xC8B0];
	(v2sf) =	vpush v5, $0x5  }
0x1d: {  	s15 =	simm.s32 $0x2000;
	s14 =	simm.s32 $0x0;
	s16 =	simm.s32 $0x0;
	v1 =	vld [tilespmem:$0xC880];
	(v2sf) =	vpush v5, $0x6  }
.LBB2_2:
0x1e: {  	p0 =	sne.s32 s15, $0xE000  }
0x1f: {  	s8 =	sadd.s32 $0x900, s14;
	s20 =	sadd.s32 $0xE00, s14;
	s17 =	smov.u32 s15  }
0x20: {  	s15 =	sadd.s32 $0x2000, s15;
	s23 =	sadd.s32 $0xC00, s14;
	s18 =	sadd.s32 $0xE80, s14;
	(v2sf) =	vpush v5, $0x7  }
0x21: {  	s0 =	sadd.s32 $0xB00, s14;
	s21 =	sadd.s32 $0xC80, s14;
	s19 =	sadd.s32 $0xF00, s14  }
0x22: {  	s24 =	sadd.s32 $0x880, s14;
	s25 =	sadd.s32 $0xA80, s14;
	(v2sf) =	vpush v5, $0x8  }
0x23: {  	s13 =	simm.s32 $0x0;
	s26 =	sadd.s32 $0xB80, s14;
	s16 =	sadd.s32 $0x10, s16  }
0x24: {  	s28 =	sadd.s32 $0x980, s14;
	s22 =	sadd.s32 $0xD80, s14;
	s1 =	spop (v2sf);
	(v2sf) =	vpush v5, $0x9  }
0x25: {  	s29 =	sand.u32 $0x1FFFFFF0, s1;
	s1 =	sadd.s32 $0xD00, s14;
	s30 =	spop (v2sf)  }
0x26: {  	s29 =	sadd.s32 s3, s29;
	s30 =	sand.u32 $0x1FFFFFF0, s30;
	s31 =	spop (v2sf);
	(v2sf) =	vpush v5, $0xA  }
0x27: {  	[tilespmem:s24], [sflag:$0x1] =	stream.linear.gather [hbm4b:s29+s13], $0x80, $0x38;
	[tilespmem:$0xC900] =	vst v63  }
0x28: {  	s24 =	sadd.s32 s3, s30;
	s29 =	sadd.s32 $0xA00, s14;
	s30 =	spop (v2sf);
	(v2sf) =	vpush v5, $0xB  }
0x29: {  	[tilespmem:s8], [sflag:$0x1] =	stream.linear.gather [hbm4b:s24+s13], $0x80, $0x38;
	[tilespmem:$0xC900] =	vst v63  }
0x2a: {  	s8 =	sand.u32 $0x1FFFFFF0, s31;
	s24 =	sand.u32 $0x1FFFFFF0, s30;
	s30 =	spop (v2sf);
	(v2sf) =	vpush v5, $0xC  }
0x2b: {  	s8 =	sadd.s32 s3, s8;
	s30 =	sand.u32 $0x1FFFFFF0, s30;
	s31 =	spop (v2sf)  }
0x2c: {  	[tilespmem:s28], [sflag:$0x1] =	stream.linear.gather [hbm4b:s8+s13], $0x80, $0x38;
	(v2sf) =	vpush v5, $0xD;
	[tilespmem:$0xC900] =	vst v63  }
0x2d: {  	s8 =	sadd.s32 s3, s30;
	s28 =	sand.u32 $0x1FFFFFF0, s31;
	s30 =	spop (v2sf)  }
0x2e: {  	[tilespmem:s29], [sflag:$0x1] =	stream.linear.gather [hbm4b:s8+s13], $0x80, $0x38;
	(v2sf) =	vpush v5, $0xE;
	[tilespmem:$0xC900] =	vst v63  }
0x2f: {  	s8 =	sadd.s32 s3, s24;
	s24 =	sand.u32 $0x1FFFFFF0, s30;
	s29 =	spop (v2sf)  }
0x30: {  	[tilespmem:s25], [sflag:$0x1] =	stream.linear.gather [hbm4b:s8+s13], $0x80, $0x38;
	(v2sf) =	vpush v5, $0xF;
	[tilespmem:$0xC900] =	vst v63  }
0x31: {  	s8 =	sadd.s32 s3, s28;
	s25 =	sand.u32 $0x1FFFFFF0, s29;
	s28 =	spop (v2sf)  }
0x32: {  	[tilespmem:s0], [sflag:$0x1] =	stream.linear.gather [hbm4b:s8+s13], $0x80, $0x38;
	[tilespmem:$0xC900] =	vst v63  }
0x33: {  	s0 =	sadd.s32 s3, s24;
	s8 =	sand.u32 $0x1FFFFFF0, s28;
	s24 =	spop (v2sf)  }
0x34: {  	[tilespmem:s26], [sflag:$0x1] =	stream.linear.gather [hbm4b:s0+s13], $0x80, $0x38;
	[tilespmem:$0xC900] =	vst v63  }
0x35: {  	s0 =	sadd.s32 s3, s25;
	s24 =	sand.u32 $0x1FFFFFF0, s24;
	s25 =	spop (v2sf)  }
0x36: {  	[tilespmem:s23], [sflag:$0x1] =	stream.linear.gather [hbm4b:s0+s13], $0x80, $0x38;
	[tilespmem:$0xC900] =	vst v63  }
0x37: {  	s0 =	sadd.s32 s3, s8;
	s8 =	sand.u32 $0x1FFFFFF0, s25;
	s23 =	spop (v2sf)  }
0x38: {  	[tilespmem:s21], [sflag:$0x1] =	stream.linear.gather [hbm4b:s0+s13], $0x80, $0x38;
	[tilespmem:$0xC900] =	vst v63  }
0x39: {  	s0 =	sadd.s32 s3, s24;
	s21 =	sand.u32 $0x1FFFFFF0, s23;
	s23 =	spop (v2sf)  }
0x3a: {  	[tilespmem:s1], [sflag:$0x1] =	stream.linear.gather [hbm4b:s0+s13], $0x80, $0x38;
	[tilespmem:$0xC900] =	vst v63  }
0x3b: {  	s0 =	sadd.s32 s3, s8;
	s1 =	sand.u32 $0x1FFFFFF0, s23;
	s8 =	spop (v2sf)  }
0x3c: {  	[tilespmem:s22], [sflag:$0x1] =	stream.linear.gather [hbm4b:s0+s13], $0x80, $0x38;
	[tilespmem:$0xC900] =	vst v63  }
0x3d: {  	s0 =	sadd.s32 s3, s21;
	s8 =	sand.u32 $0x1FFFFFF0, s8;
	s21 =	spop (v2sf)  }
0x3e: {  	[tilespmem:s20], [sflag:$0x1] =	stream.linear.gather [hbm4b:s0+s13], $0x80, $0x38;
	[tilespmem:$0xC900] =	vst v63  }
0x3f: {  	s0 =	sadd.s32 s3, s1;
	s1 =	sand.u32 $0x1FFFFFF0, s21;
	s20 =	spop (v2sf)  }
0x40: {  	[tilespmem:s18], [sflag:$0x1] =	stream.linear.gather [hbm4b:s0+s13], $0x80, $0x38;
	[tilespmem:$0xC900] =	vst v63  }
0x41: {  	s0 =	sadd.s32 s3, s8;
	s8 =	sand.u32 $0x1FFFFFF0, s20  }
0x42: {  	[tilespmem:s19], [sflag:$0x1] =	stream.linear.gather [hbm4b:s0+s13], $0x80, $0x38;
	[tilespmem:$0xC900] =	vst v63  }
0x43: {  	s1 =	sadd.s32 s3, s1;
	s0 =	sadd.s32 $0xF80, s14  }
0x44: {  	[tilespmem:s0], [sflag:$0x1] =	stream.linear.gather [hbm4b:s1+s13], $0x80, $0x38;
	[tilespmem:$0xC900] =	vst v63  }
0x45: {  	s0 =	sadd.s32 $0x1000, s14;
	s1 =	sadd.s32 s3, s8  }
0x46: {  	[tilespmem:s0], [sflag:$0x1] =	stream.linear.gather [hbm4b:s1+s13], $0x80, $0x38;
	[tilespmem:$0xC900] =	vst v63  }
0x47: {  	v5 =	vld [tilespmem:s16+$0x0];
	_ =	sdelay $0x4  }
0x48: {  	v5 =	vshll.u32 v5, $0x4  }
0x49: {  	(v2sf) =	vpush v5, $0x0  }
0x4a: {  	(v2sf) =	vpush v5, $0x1  }
0x4b: {  	(v2sf) =	vpush v5, $0x2;
	_ =	sdelay $0x1  }
0x4c: {  	(v2sf) =	vpush v5, $0x4  }
.Ltmp0:
0x4d: {  	(pc) =	sbr.rel @p0 .LBB2_2-.Ltmp0, $3  }
0x4e: {  	(v2sf) =	vpush v5, $0x3  }
0x4f: {  	(v2sf) =	vpush v5, $0x5;
	_ =	sdelay $0x1  }
0x50: {  	s14 =	sshra.s32 s17, $0x2;
	(v2sf) =	vpush v5, $0x6  }
0x51: {  	_ =	sdelay $0x1  }
0x52: {  	s0 =	sadd.s32 $0x900, s14  }
0x53: {  	s16 =	sadd.s32 $0xE00, s14;
	s8 =	sadd.s32 $0xC00, s14;
	s1 =	sadd.s32 $0xE80, s14  }
0x54: {  	(v2sf) =	vpush v5, $0x7;
	s17 =	sadd.s32 $0xB00, s14;
	s18 =	sadd.s32 $0xC80, s14;
	s15 =	sadd.s32 $0xF00, s14  }
0x55: {  	s19 =	sadd.s32 $0x880, s14;
	s20 =	sadd.s32 $0xA80, s14;
	s22 =	spop (v2sf)  }
0x56: {  	s21 =	sadd.s32 $0xB80, s14;
	s23 =	sadd.s32 $0x980, s14;
	(v2sf) =	vpush v5, $0x8;
	s22 =	sand.u32 $0x1FFFFFF0, s22  }
0x57: {  	s26 =	sadd.s32 $0xA00, s14;
	s24 =	spop (v2sf);
	s22 =	sadd.s32 s3, s22  }
0x58: {  	(v2sf) =	vpush v5, $0x9;
	[tilespmem:s19], [sflag:$0x1] =	stream.linear.gather [hbm4b:s22+s13], $0x80, $0x38;
	[tilespmem:$0xC900] =	vst v63  }
0x59: {  	s24 =	sand.u32 $0x1FFFFFF0, s24;
	s25 =	spop (v2sf);
	s19 =	sadd.s32 $0xD80, s14  }
0x5a: {  	(v2sf) =	vpush v5, $0xA;
	s9 =	sadd.s32 s3, s24;
	s11 =	sand.u32 $0x1FFFFFF0, s25;
	s10 =	spop (v2sf)  }
0x5b: {  	[tilespmem:s0], [sflag:$0x1] =	stream.linear.gather [hbm4b:s9+s13], $0x80, $0x38;
	[tilespmem:$0xC900] =	vst v63  }
0x5c: {  	(v2sf) =	vpush v5, $0xB;
	s22 =	sadd.s32 s3, s11;
	s0 =	sadd.s32 $0xD00, s14;
	s12 =	spop (v2sf)  }
0x5d: {  	[tilespmem:s23], [sflag:$0x1] =	stream.linear.gather [hbm4b:s22+s13], $0x80, $0x38;
	[tilespmem:$0xC900] =	vst v63  }
0x5e: {  	s28 =	sand.u32 $0x1FFFFFF0, s10;
	(v2sf) =	vpush v5, $0xC;
	s25 =	sand.u32 $0x1FFFFFF0, s12;
	s29 =	spop (v2sf)  }
0x5f: {  	(v2sf) =	vpush v5, $0xD;
	s22 =	sadd.s32 s3, s28;
	s30 =	sadd.s32 s3, s25;
	s23 =	sand.u32 $0x1FFFFFF0, s29  }
0x60: {  	[tilespmem:s26], [sflag:$0x1] =	stream.linear.gather [hbm4b:s30+s13], $0x80, $0x38;
	[tilespmem:$0xC900] =	vst v63  }
0x61: {  	s31 =	spop (v2sf);
	s23 =	sadd.s32 s3, s23;
	s30 =	sadd.s32 $0xF80, s14  }
0x62: {  	[tilespmem:s20], [sflag:$0x1] =	stream.linear.gather [hbm4b:s22+s13], $0x80, $0x38;
	[tilespmem:$0xC900] =	vst v63  }
0x63: {  	(v2sf) =	vpush v5, $0xE;
	s4 =	sand.u32 $0x1FFFFFF0, s31;
	s5 =	spop (v2sf);
	s31 =	sadd.s32 $0x1000, s14  }
0x64: {  	[tilespmem:s17], [sflag:$0x1] =	stream.linear.gather [hbm4b:s23+s13], $0x80, $0x38;
	[tilespmem:$0xC900] =	vst v63  }
0x65: {  	(v2sf) =	vpush v5, $0xF;
	s6 =	sand.u32 $0x1FFFFFF0, s5;
	s7 =	spop (v2sf);
	s20 =	sadd.s32 s3, s4  }
0x66: {  	[tilespmem:s21], [sflag:$0x1] =	stream.linear.gather [hbm4b:s20+s13], $0x80, $0x38;
	[tilespmem:$0xC900] =	vst v63  }
0x67: {  	s9 =	sand.u32 $0x1FFFFFF0, s7;
	s17 =	sadd.s32 s3, s6;
	s10 =	spop (v2sf)  }
0x68: {  	[tilespmem:s8], [sflag:$0x1] =	stream.linear.gather [hbm4b:s17+s13], $0x80, $0x38;
	[tilespmem:$0xC900] =	vst v63  }
0x69: {  	s20 =	sadd.s32 s3, s9;
	s11 =	sand.u32 $0x1FFFFFF0, s10;
	s12 =	spop (v2sf)  }
0x6a: {  	[tilespmem:s18], [sflag:$0x1] =	stream.linear.gather [hbm4b:s20+s13], $0x80, $0x38;
	[tilespmem:$0xC900] =	vst v63  }
0x6b: {  	s17 =	sand.u32 $0x1FFFFFF0, s12;
	s8 =	sadd.s32 s3, s11;
	s20 =	spop (v2sf)  }
0x6c: {  	[tilespmem:s0], [sflag:$0x1] =	stream.linear.gather [hbm4b:s8+s13], $0x80, $0x38;
	[tilespmem:$0xC900] =	vst v63  }
0x6d: {  	s14 =	simm.s32 $0x80;
	s17 =	sadd.s32 s3, s17;
	s22 =	spop (v2sf)  }
0x6e: {  	s18 =	simm.s32 $0x0;
	s21 =	sand.u32 $0x1FFFFFF0, s20;
	s23 =	spop (v2sf)  }
0x6f: {  	[tilespmem:s19], [sflag:$0x1] =	stream.linear.gather [hbm4b:s17+s13], $0x80, $0x38;
	[tilespmem:$0xC900] =	vst v63  }
0x70: {  	s0 =	sadd.s32 s3, s21;
	s8 =	sand.u32 $0x1FFFFFF0, s22;
	s24 =	sand.u32 $0x1FFFFFF0, s23  }
0x71: {  	[tilespmem:s16], [sflag:$0x1] =	stream.linear.gather [hbm4b:s0+s13], $0x80, $0x38;
	[tilespmem:$0xC900] =	vst v63  }
0x72: {  	s8 =	sadd.s32 s3, s8;
	s17 =	simm.s32 $0x0;
	s25 =	spop (v2sf)  }
0x73: {  	[tilespmem:s1], [sflag:$0x1] =	stream.linear.gather [hbm4b:s8+s13], $0x80, $0x38;
	[tilespmem:$0xC900] =	vst v63  }
0x74: {  	s26 =	sand.u32 $0x1FFFFFF0, s25;
	s28 =	spop (v2sf);
	s0 =	sadd.s32 s3, s24  }
0x75: {  	[tilespmem:s15], [sflag:$0x1] =	stream.linear.gather [hbm4b:s0+s13], $0x80, $0x38;
	[tilespmem:$0xC900] =	vst v63  }
0x76: {  	s19 =	simm.s32 $0x0;
	s29 =	sand.u32 $0x1FFFFFF0, s28;
	s1 =	sadd.s32 s3, s26  }
0x77: {  	[tilespmem:s30], [sflag:$0x1] =	stream.linear.gather [hbm4b:s1+s13], $0x80, $0x38;
	[tilespmem:$0xC900] =	vst v63  }
0x78: {  	s16 =	simm.s32 $0x0;
	s0 =	sadd.s32 s3, s29;
	s15 =	simm.s32 $0x100  }
0x79: {  	[tilespmem:s31], [sflag:$0x1] =	stream.linear.gather [hbm4b:s0+s13], $0x80, $0x38;
	[tilespmem:$0xC900] =	vst v63  }
.LBB2_4:
0x7a: {  	v5 =	vld [tilespmem:s14+$0x0];
	_ =	sdelay $0x4  }
0x7b: {  	v5 =	vshll.u32 v5, $0x4  }
0x7c: {  	(v2sf) =	vpush v5, $0x0  }
0x7d: {  	(v2sf) =	vpush v5, $0x1  }
0x7e: {  	(v2sf) =	vpush v5, $0x2;
	_ =	sdelay $0x1  }
0x7f: {  	s0 =	sand.u32 $0x7, s13;
	s1 =	sshll.u32 s16, $0x2;
	s8 =	sand.u32 $0x3, s17;
	(v2sf) =	vpush v5, $0x4  }
0x80: {  	s0 =	sshll.u32 s0, $0xD;
	s1 =	sand.u32 $0xFFFFFF00, s1;
	s8 =	sshll.u32 s8, $0xE  }
0x81: {  	s23 =	simm.s32 $0x2000;
	s0 =	sadd.s32 s1, s0;
	s1 =	sadd.s32 s1, s8;
	(v2sf) =	vpush v5, $0x3  }
0x82: {  	s22 =	simm.s32 $0x0;
	s0 =	sshra.s32 s0, $0x2;
	s31 =	sshra.s32 s1, $0x2;
	(v2sf) =	vpush v5, $0x5  }
0x83: {  	s24 =	smov.u32 s14;
	s20 =	sadd.s32 $0x90B0, s0;
	s21 =	sadd.s32 $0x88A0, s31;
	(v2sf) =	vpush v5, $0x6  }
.LBB2_5:
0x84: {  	p0 =	sne.s32 s23, $0xE000  }
0x85: {  	s11 =	sadd.s32 $0x4900, s22;
	s29 =	sadd.s32 $0x4E00, s22;
	s25 =	smov.u32 s23  }
0x86: {  	s23 =	sadd.s32 $0x2000, s23;
	s1 =	sadd.s32 $0x4C00, s22;
	s26 =	sadd.s32 $0x4E80, s22;
	(v2sf) =	vpush v5, $0x7  }
0x87: {  	s8 =	sadd.s32 $0x4B00, s22;
	s31 =	sadd.s32 $0x4C80, s22;
	s28 =	sadd.s32 $0x4F00, s22  }
0x88: {  	s4 =	sadd.s32 $0x4880, s22;
	s5 =	sadd.s32 $0x4A80, s22;
	(v2sf) =	vpush v5, $0x8  }
0x89: {  	s6 =	sadd.s32 $0x4B80, s22;
	s24 =	sadd.s32 $0x10, s24  }
0x8a: {  	s7 =	sadd.s32 $0x4980, s22;
	s30 =	sadd.s32 $0x4D80, s22;
	s0 =	spop (v2sf);
	(v2sf) =	vpush v5, $0x9  }
0x8b: {  	s12 =	sand.u32 $0x1FFFFFF0, s0;
	s0 =	sadd.s32 $0x4D00, s22;
	s9 =	spop (v2sf)  }
0x8c: {  	s12 =	sadd.s32 s3, s12;
	s9 =	sand.u32 $0x1FFFFFF0, s9;
	s10 =	spop (v2sf);
	(v2sf) =	vpush v5, $0xA  }
0x8d: {  	[tilespmem:s4], [sflag:$0x2] =	stream.linear.gather [hbm4b:s12+s2], $0x80, $0x38;
	[tilespmem:$0xC900] =	vst v63  }
0x8e: {  	s4 =	sadd.s32 s3, s9;
	s9 =	sadd.s32 $0x4A00, s22;
	s12 =	spop (v2sf);
	(v2sf) =	vpush v5, $0xB  }
0x8f: {  	[tilespmem:s11], [sflag:$0x2] =	stream.linear.gather [hbm4b:s4+s2], $0x80, $0x38;
	[tilespmem:$0xC900] =	vst v63  }
0x90: {  	s4 =	sand.u32 $0x1FFFFFF0, s10;
	s10 =	sand.u32 $0x1FFFFFF0, s12;
	s11 =	spop (v2sf);
	(v2sf) =	vpush v5, $0xC  }
0x91: {  	s4 =	sadd.s32 s3, s4;
	s11 =	sand.u32 $0x1FFFFFF0, s11;
	s12 =	spop (v2sf)  }
0x92: {  	[tilespmem:s7], [sflag:$0x2] =	stream.linear.gather [hbm4b:s4+s2], $0x80, $0x38;
	(v2sf) =	vpush v5, $0xD;
	[tilespmem:$0xC900] =	vst v63  }
0x93: {  	s4 =	sadd.s32 s3, s11;
	s7 =	sand.u32 $0x1FFFFFF0, s12;
	s11 =	spop (v2sf)  }
0x94: {  	[tilespmem:s9], [sflag:$0x2] =	stream.linear.gather [hbm4b:s4+s2], $0x80, $0x38;
	(v2sf) =	vpush v5, $0xE;
	[tilespmem:$0xC900] =	vst v63  }
0x95: {  	s4 =	sadd.s32 s3, s10;
	s9 =	sand.u32 $0x1FFFFFF0, s11;
	s10 =	spop (v2sf)  }
0x96: {  	[tilespmem:s5], [sflag:$0x2] =	stream.linear.gather [hbm4b:s4+s2], $0x80, $0x38;
	(v2sf) =	vpush v5, $0xF;
	[tilespmem:$0xC900] =	vst v63  }
0x97: {  	s4 =	sadd.s32 s3, s7;
	s5 =	sand.u32 $0x1FFFFFF0, s10;
	s7 =	spop (v2sf)  }
0x98: {  	[tilespmem:s8], [sflag:$0x2] =	stream.linear.gather [hbm4b:s4+s2], $0x80, $0x38;
	[tilespmem:$0xC900] =	vst v63  }
0x99: {  	s4 =	sadd.s32 s3, s9;
	s7 =	sand.u32 $0x1FFFFFF0, s7;
	s8 =	spop (v2sf)  }
0x9a: {  	[tilespmem:s6], [sflag:$0x2] =	stream.linear.gather [hbm4b:s4+s2], $0x80, $0x38;
	[tilespmem:$0xC900] =	vst v63  }
0x9b: {  	s4 =	sadd.s32 s3, s5;
	s5 =	sand.u32 $0x1FFFFFF0, s8;
	s6 =	spop (v2sf)  }
0x9c: {  	[tilespmem:s1], [sflag:$0x2] =	stream.linear.gather [hbm4b:s4+s2], $0x80, $0x38;
	[tilespmem:$0xC900] =	vst v63  }
0x9d: {  	s1 =	sadd.s32 s3, s7;
	s4 =	sand.u32 $0x1FFFFFF0, s6;
	s6 =	spop (v2sf)  }
0x9e: {  	[tilespmem:s31], [sflag:$0x2] =	stream.linear.gather [hbm4b:s1+s2], $0x80, $0x38;
	[tilespmem:$0xC900] =	vst v63  }
0x9f: {  	s1 =	sadd.s32 s3, s5;
	s5 =	sand.u32 $0x1FFFFFF0, s6;
	s6 =	spop (v2sf)  }
0xa0: {  	[tilespmem:s0], [sflag:$0x2] =	stream.linear.gather [hbm4b:s1+s2], $0x80, $0x38;
	[tilespmem:$0xC900] =	vst v63  }
0xa1: {  	s0 =	sadd.s32 s3, s4;
	s1 =	sand.u32 $0x1FFFFFF0, s6;
	s4 =	spop (v2sf)  }
0xa2: {  	[tilespmem:s30], [sflag:$0x2] =	stream.linear.gather [hbm4b:s0+s2], $0x80, $0x38;
	[tilespmem:$0xC900] =	vst v63  }
0xa3: {  	s0 =	sadd.s32 s3, s5;
	s4 =	sand.u32 $0x1FFFFFF0, s4;
	s5 =	spop (v2sf)  }
0xa4: {  	[tilespmem:s29], [sflag:$0x2] =	stream.linear.gather [hbm4b:s0+s2], $0x80, $0x38;
	[tilespmem:$0xC900] =	vst v63  }
0xa5: {  	s0 =	sadd.s32 s3, s1;
	s1 =	sand.u32 $0x1FFFFFF0, s5;
	s5 =	spop (v2sf)  }
0xa6: {  	[tilespmem:s26], [sflag:$0x2] =	stream.linear.gather [hbm4b:s0+s2], $0x80, $0x38;
	[tilespmem:$0xC900] =	vst v63  }
0xa7: {  	s0 =	sadd.s32 s3, s4;
	s4 =	sand.u32 $0x1FFFFFF0, s5  }
0xa8: {  	[tilespmem:s28], [sflag:$0x2] =	stream.linear.gather [hbm4b:s0+s2], $0x80, $0x38;
	[tilespmem:$0xC900] =	vst v63  }
0xa9: {  	s1 =	sadd.s32 s3, s1;
	s0 =	sadd.s32 $0x4F80, s22  }
0xaa: {  	[tilespmem:s0], [sflag:$0x2] =	stream.linear.gather [hbm4b:s1+s2], $0x80, $0x38;
	[tilespmem:$0xC900] =	vst v63  }
0xab: {  	s0 =	sadd.s32 $0x5000, s22;
	s1 =	sadd.s32 s3, s4  }
0xac: {  	[tilespmem:s0], [sflag:$0x2] =	stream.linear.gather [hbm4b:s1+s2], $0x80, $0x38;
	[tilespmem:$0xC900] =	vst v63  }
0xad: {  	v5 =	vld [tilespmem:s24+$0x0];
	_ =	sdelay $0x4  }
0xae: {  	v5 =	vshll.u32 v5, $0x4  }
0xaf: {  	(v2sf) =	vpush v5, $0x0  }
0xb0: {  	(v2sf) =	vpush v5, $0x1  }
0xb1: {  	(v2sf) =	vpush v5, $0x2;
	_ =	sdelay $0x1  }
0xb2: {  	(v2sf) =	vpush v5, $0x4  }
.Ltmp1:
0xb3: {  	(pc) =	sbr.rel @p0 .LBB2_5-.Ltmp1, $3  }
0xb4: {  	(v2sf) =	vpush v5, $0x3  }
0xb5: {  	(v2sf) =	vpush v5, $0x5;
	_ =	sdelay $0x1  }
0xb6: {  	s22 =	sshra.s32 s25, $0x2;
	(v2sf) =	vpush v5, $0x6  }
0xb7: {  	_ =	sdelay $0x1  }
0xb8: {  	s0 =	sadd.s32 $0x4900, s22;
	s24 =	sadd.s32 $0x4E00, s22  }
0xb9: {  	s4 =	sadd.s32 $0x4C00, s22;
	s1 =	sadd.s32 $0x4E80, s22;
	(v2sf) =	vpush v5, $0x7;
	s5 =	sadd.s32 $0x4B00, s22  }
0xba: {  	s6 =	sadd.s32 $0x4C80, s22;
	s23 =	sadd.s32 $0x4F00, s22;
	s7 =	sadd.s32 $0x4880, s22  }
0xbb: {  	s8 =	sadd.s32 $0x4A80, s22;
	s9 =	sadd.s32 $0x4B80, s22;
	(v2sf) =	vpush v5, $0x8;
	s10 =	spop (v2sf)  }
0xbc: {  	s11 =	sadd.s32 $0x4980, s22;
	s10 =	sand.u32 $0x1FFFFFF0, s10;
	s12 =	spop (v2sf)  }
0xbd: {  	(v2sf) =	vpush v5, $0x9;
	s10 =	sadd.s32 s3, s10;
	s12 =	sand.u32 $0x1FFFFFF0, s12;
	s25 =	spop (v2sf)  }
0xbe: {  	[tilespmem:s7], [sflag:$0x2] =	stream.linear.gather [hbm4b:s10+s2], $0x80, $0x38;
	[tilespmem:$0xC900] =	vst v63  }
0xbf: {  	s26 =	sadd.s32 $0x4A00, s22;
	(v2sf) =	vpush v5, $0xA;
	s30 =	sadd.s32 s3, s12;
	s31 =	spop (v2sf)  }
0xc0: {  	[tilespmem:s0], [sflag:$0x2] =	stream.linear.gather [hbm4b:s30+s2], $0x80, $0x38;
	[tilespmem:$0xC900] =	vst v63  }
0xc1: {  	s7 =	sadd.s32 $0x4D80, s22;
	s28 =	sand.u32 $0x1FFFFFF0, s25;
	(v2sf) =	vpush v5, $0xB;
	s29 =	spop (v2sf)  }
0xc2: {  	s10 =	sadd.s32 s3, s28;
	s0 =	sadd.s32 $0x4D00, s22;
	s25 =	sand.u32 $0x1FFFFFF0, s29  }
0xc3: {  	(v2sf) =	vpush v5, $0xC;
	[tilespmem:s11], [sflag:$0x2] =	stream.linear.gather [hbm4b:s10+s2], $0x80, $0x38;
	[tilespmem:$0xC900] =	vst v63  }
0xc4: {  	s30 =	sand.u32 $0x1FFFFFF0, s31;
	s31 =	spop (v2sf);
	s28 =	sadd.s32 s3, s25  }
0xc5: {  	(v2sf) =	vpush v5, $0xD;
	[tilespmem:s26], [sflag:$0x2] =	stream.linear.gather [hbm4b:s28+s2], $0x80, $0x38;
	[tilespmem:$0xC900] =	vst v63  }
0xc6: {  	s10 =	sadd.s32 s3, s30;
	s11 =	sand.u32 $0x1FFFFFF0, s31;
	s29 =	spop (v2sf)  }
0xc7: {  	(v2sf) =	vpush v5, $0xE;
	[tilespmem:s8], [sflag:$0x2] =	stream.linear.gather [hbm4b:s10+s2], $0x80, $0x38;
	[tilespmem:$0xC900] =	vst v63  }
0xc8: {  	s11 =	sadd.s32 s3, s11;
	s30 =	sand.u32 $0x1FFFFFF0, s29;
	s31 =	spop (v2sf)  }
0xc9: {  	(v2sf) =	vpush v5, $0xF;
	[tilespmem:s5], [sflag:$0x2] =	stream.linear.gather [hbm4b:s11+s2], $0x80, $0x38;
	[tilespmem:$0xC900] =	vst v63  }
0xca: {  	s12 =	sand.u32 $0x1FFFFFF0, s31;
	s25 =	spop (v2sf);
	s8 =	sadd.s32 s3, s30  }
0xcb: {  	[tilespmem:s9], [sflag:$0x2] =	stream.linear.gather [hbm4b:s8+s2], $0x80, $0x38;
	[tilespmem:$0xC900] =	vst v63  }
0xcc: {  	s26 =	sand.u32 $0x1FFFFFF0, s25;
	s5 =	sadd.s32 s3, s12;
	s28 =	spop (v2sf)  }
0xcd: {  	[tilespmem:s4], [sflag:$0x2] =	stream.linear.gather [hbm4b:s5+s2], $0x80, $0x38;
	[tilespmem:$0xC900] =	vst v63  }
0xce: {  	s8 =	sadd.s32 s3, s26;
	s29 =	sand.u32 $0x1FFFFFF0, s28;
	s30 =	spop (v2sf)  }
0xcf: {  	[tilespmem:s6], [sflag:$0x2] =	stream.linear.gather [hbm4b:s8+s2], $0x80, $0x38;
	[tilespmem:$0xC900] =	vst v63  }
0xd0: {  	s5 =	sand.u32 $0x1FFFFFF0, s30;
	s4 =	sadd.s32 s3, s29;
	s31 =	spop (v2sf)  }
0xd1: {  	[tilespmem:s0], [sflag:$0x2] =	stream.linear.gather [hbm4b:s4+s2], $0x80, $0x38;
	[tilespmem:$0xC900] =	vst v63  }
0xd2: {  	s5 =	sadd.s32 s3, s5;
	s8 =	sand.u32 $0x1FFFFFF0, s31;
	s9 =	spop (v2sf)  }
0xd3: {  	[tilespmem:s7], [sflag:$0x2] =	stream.linear.gather [hbm4b:s5+s2], $0x80, $0x38;
	[tilespmem:$0xC900] =	vst v63  }
0xd4: {  	s0 =	sadd.s32 s3, s8;
	s4 =	sand.u32 $0x1FFFFFF0, s9;
	s10 =	spop (v2sf)  }
0xd5: {  	[tilespmem:s24], [sflag:$0x2] =	stream.linear.gather [hbm4b:s0+s2], $0x80, $0x38;
	[tilespmem:$0xC900] =	vst v63  }
0xd6: {  	s11 =	sand.u32 $0x1FFFFFF0, s10;
	s4 =	sadd.s32 s3, s4;
	s12 =	spop (v2sf)  }
0xd7: {  	[tilespmem:s1], [sflag:$0x2] =	stream.linear.gather [hbm4b:s4+s2], $0x80, $0x38;
	[tilespmem:$0xC900] =	vst v63  }
0xd8: {  	s24 =	sand.u32 $0x1FFFFFF0, s12;
	s25 =	spop (v2sf);
	s0 =	sadd.s32 s3, s11  }
0xd9: {  	[tilespmem:s23], [sflag:$0x2] =	stream.linear.gather [hbm4b:s0+s2], $0x80, $0x38;
	[tilespmem:$0xC900] =	vst v63  }
0xda: {  	s28 =	sadd.s32 $0x4F80, s22;
	s26 =	sand.u32 $0x1FFFFFF0, s25;
	s1 =	sadd.s32 s3, s24  }
0xdb: {  	[tilespmem:s28], [sflag:$0x2] =	stream.linear.gather [hbm4b:s1+s2], $0x80, $0x38;
	[tilespmem:$0xC900] =	vst v63  }
0xdc: {  	s29 =	sadd.s32 $0x5000, s22;
	s30 =	simm.s32 $0x1;
	s0 =	sadd.s32 s3, s26  }
0xdd: {  	[tilespmem:s29], [sflag:$0x2] =	stream.linear.gather [hbm4b:s0+s2], $0x80, $0x38;
	[tilespmem:$0xC900] =	vst v63  }
0xde: {  	_ =	swait.ge [sflag:s30], $0x4000  }
0xdf: {  	[sflag:s30] =	ssyncset.done $0x0  }
0xe0: {  	s22 =	simm.s32 $0xA80;
	[sflag:s30] =	ssyncadd.s32 $0xFFFFC000  }
0xe1: {  	v6 =	vld [tilespmem:s22+$0xFFFFFE20]  }
0xe2: {  	v7 =	vld [tilespmem:s22+$0xFFFFFEA0]  }
0xe3: {  	v8 =	vld [tilespmem:s22+$0x110]  }
0xe4: {  	v9 =	vld [tilespmem:s22+$0xFFFFFF20]  }
0xe5: {  	v10 =	vld [tilespmem:s22+$0x1A0]  }
0xe6: {  	v11 =	vld [tilespmem:s22+$0xFFFFFFA0]  }
0xe7: {  	v12 =	vld [tilespmem:s22+$0x120]  }
0xe8: {  	v13 =	vld [tilespmem:s22+$0x20]  }
0xe9: {  	v14 =	vld [tilespmem:s22+$0x100]  }
0xea: {  	v15 =	vld [tilespmem:s22+$0xA0]  }
0xeb: {  	v5 =	vmov s18;
	v16 =	vld [tilespmem:s22+$0x80]  }
0xec: {  	v17 =	vld [tilespmem:s22+$0x0]  }
0xed: {  	v18 =	vld [tilespmem:s22+$0xFFFFFF80]  }
0xee: {  	v19 =	vld [tilespmem:s22+$0xFFFFFE90]  }
0xef: {  	s31 =	simm.s32 $0x0;
	v20 =	vld [tilespmem:s22+$0xFFFFFF00]  }
0xf0: {  	v21 =	vld.idx.msk [tilespmem:v5+s31+$0x0 ss:$0x1], $0xffff  }
0xf1: {  	v22 =	vld [tilespmem:s22+$0xFFFFFE00]  }
0xf2: {  	v23 =	vld [tilespmem:s22+$0xFFFFFEB0]  }
0xf3: {  	v24 =	vld [tilespmem:s22+$0xFFFFFE80]  }
0xf4: {  	v25 =	vld [tilespmem:s22+$0xFFFFFE30]  }
0xf5: {  	v26 =	vld [tilespmem:s22+$0xFFFFFE10]  }
0xf6: {  	v27 =	vld [tilespmem:s22+$0xFFFFFF30];
	vm0 =	veq.s32 v21, $0x0  }
0xf7: {  	v6 =	vadd.f32 v7, v6;
	v7 =	vld [tilespmem:s22+$0xFFFFFF10];
	v21 =	vnsel vm0, $0x0, v0  }
0xf8: {  	v52 =	vld [tilespmem:s22+$0xFFFFFFB0];
	v22 =	vadd.f32 v24, v22;
	(xrf2) =	vadd.scan.msk.f32 $0xffff, v21  }
0xf9: {  	v53 =	vld [tilespmem:s22+$0xFFFFFF90];
	v6 =	vadd.f32 v9, v6;
	v9 =	vadd.f32 v23, v25  }
0xfa: {  	v54 =	vld [tilespmem:s22+$0x30];
	v19 =	vadd.f32 v19, v26;
	v20 =	vadd.f32 v20, v22  }
0xfb: {  	v6 =	vadd.f32 v11, v6;
	v9 =	vadd.f32 v27, v9;
	v11 =	vld [tilespmem:s22+$0x10]  }
0xfc: {  	v55 =	vld [tilespmem:s22+$0xB0];
	v18 =	vadd.f32 v18, v20;
	v7 =	vadd.f32 v7, v19  }
0xfd: {  	v56 =	vld [tilespmem:s22+$0x90];
	v6 =	vadd.f32 v13, v6;
	v9 =	vadd.f32 v52, v9  }
0xfe: {  	v57 =	vld [tilespmem:s22+$0x130];
	v17 =	vadd.f32 v17, v18;
	v7 =	vadd.f32 v53, v7  }
0xff: {  	v58 =	vld [tilespmem:s22+$0x180];
	v6 =	vadd.f32 v15, v6;
	v9 =	vadd.f32 v54, v9  }
0x100: {  	v59 =	vld [tilespmem:s22+$0x1B0];
	v7 =	vadd.f32 v11, v7;
	v11 =	vadd.f32 v16, v17  }
0x101: {  	v60 =	vld [tilespmem:s22+$0x190];
	v6 =	vadd.f32 v12, v6;
	v9 =	vadd.f32 v55, v9  }
0x102: {  	v7 =	vadd.f32 v56, v7;
	v11 =	vadd.f32 v14, v11;
	v61, _, _ =	vpop (xrf2)  }
0x103: {  	v9 =	vadd.f32 v57, v9;
	v10 =	vadd.f32 v10, v6;
	v6 =	vbroadcast v61, $0xF  }
0x104: {  	v7 =	vadd.f32 v8, v7;
	v8 =	vadd.f32 v58, v11  }
0x105: {  	v9 =	vadd.f32 v59, v9;
	v11 =	vmul.f32 v6, v1;
	v13 =	vmul.f32 v6, v4  }
0x106: {  	v7 =	vadd.f32 v60, v7;
	v62 =	vmul.f32 v6, v2;
	v63 =	vmul.f32 v6, v3  }
0x107: {  	v6 =	vsub.f32 v8, v11;
	v9 =	vsub.f32 v9, v13  }
0x108: {  	s24 =	smov.u32 s21;
	s23 =	simm.s32 $0x20;
	v8 =	vsub.f32 v7, v62;
	v7 =	vsub.f32 v10, v63  }
.LBB2_7:
0x109: {  	p0 =	sne.s32 s23, $0x1E0;
	[tilespmem:s21+$0x10] =	vst v9;
	s24 =	sadd.s32 $0x80, s24;
	s22 =	sadd.s32 $0x400, s22  }
0x10a: {  	s0 =	smov.u32 s23;
	s23 =	sadd.s32 $0x20, s23;
	[tilespmem:s21+$0xFFFFFFF0] =	vst v8  }
0x10b: {  	[tilespmem:s21+$0x0] =	vst v7  }
0x10c: {  	[tilespmem:s21+$0xFFFFFFE0] =	vst v6;
	s21 =	smov.u32 s24  }
0x10d: {  	v6 =	vld [tilespmem:s22+$0xFFFFFE20]  }
0x10e: {  	v7 =	vld [tilespmem:s22+$0xFFFFFEA0]  }
0x10f: {  	v8 =	vld [tilespmem:s22+$0x110]  }
0x110: {  	v9 =	vld [tilespmem:s22+$0xFFFFFF20]  }
0x111: {  	v10 =	vld [tilespmem:s22+$0x1A0]  }
0x112: {  	v11 =	vld [tilespmem:s22+$0xFFFFFFA0]  }
0x113: {  	v6 =	vadd.f32 v7, v6;
	v7 =	vld [tilespmem:s22+$0x120]  }
0x114: {  	v12 =	vld [tilespmem:s22+$0x20]  }
0x115: {  	v6 =	vadd.f32 v9, v6;
	v9 =	vld [tilespmem:s22+$0x100]  }
0x116: {  	v13 =	vld [tilespmem:s22+$0xA0]  }
0x117: {  	v6 =	vadd.f32 v11, v6;
	v11 =	vld [tilespmem:s22+$0x80]  }
0x118: {  	v14 =	vld [tilespmem:s22+$0x0]  }
0x119: {  	v15 =	vld [tilespmem:s22+$0xFFFFFF80];
	v6 =	vadd.f32 v12, v6  }
0x11a: {  	v12 =	vld [tilespmem:s22+$0xFFFFFE90]  }
0x11b: {  	s0 =	sshra.s32 s0, $0x2;
	v16 =	vld [tilespmem:s22+$0xFFFFFF00];
	v6 =	vadd.f32 v13, v6  }
0x11c: {  	v13 =	vld.idx.msk [tilespmem:v5+s0+$0x0 ss:$0x1], $0xffff  }
0x11d: {  	v17 =	vld [tilespmem:s22+$0xFFFFFE00];
	v6 =	vadd.f32 v7, v6  }
0x11e: {  	v7 =	vld [tilespmem:s22+$0xFFFFFEB0]  }
0x11f: {  	v18 =	vld [tilespmem:s22+$0xFFFFFE80]  }
0x120: {  	v19 =	vld [tilespmem:s22+$0xFFFFFE30]  }
0x121: {  	v20 =	vld [tilespmem:s22+$0xFFFFFE10]  }
0x122: {  	vm0 =	veq.s32 v13, $0x0;
	v21 =	vld [tilespmem:s22+$0xFFFFFF30]  }
0x123: {  	v22 =	vnsel vm0, $0x0, v0;
	v13 =	vld [tilespmem:s22+$0xFFFFFF10]  }
0x124: {  	v17 =	vadd.f32 v18, v17;
	v18 =	vld [tilespmem:s22+$0xFFFFFFB0];
	(xrf2) =	vadd.scan.msk.f32 $0xffff, v22  }
0x125: {  	v7 =	vadd.f32 v7, v19;
	v19 =	vld [tilespmem:s22+$0xFFFFFF90]  }
0x126: {  	v12 =	vadd.f32 v12, v20;
	v16 =	vadd.f32 v16, v17;
	v17 =	vld [tilespmem:s22+$0x30]  }
0x127: {  	v7 =	vadd.f32 v21, v7;
	v20 =	vld [tilespmem:s22+$0x10]  }
0x128: {  	v12 =	vadd.f32 v13, v12;
	v13 =	vadd.f32 v15, v16;
	v15 =	vld [tilespmem:s22+$0xB0]  }
0x129: {  	v7 =	vadd.f32 v18, v7;
	v16 =	vld [tilespmem:s22+$0x90]  }
0x12a: {  	v12 =	vadd.f32 v19, v12;
	v13 =	vadd.f32 v14, v13;
	v14 =	vld [tilespmem:s22+$0x130]  }
0x12b: {  	v7 =	vadd.f32 v17, v7;
	v17 =	vld [tilespmem:s22+$0x180]  }
0x12c: {  	v12 =	vadd.f32 v20, v12;
	v18 =	vadd.f32 v11, v13;
	v13 =	vld [tilespmem:s22+$0x1B0]  }
0x12d: {  	v7 =	vadd.f32 v15, v7;
	v15 =	vld [tilespmem:s22+$0x190]  }
0x12e: {  	v12 =	vadd.f32 v16, v12;
	v9 =	vadd.f32 v9, v18;
	v11, _, _ =	vpop (xrf2)  }
0x12f: {  	v10 =	vadd.f32 v10, v6;
	v7 =	vadd.f32 v14, v7;
	v6 =	vbroadcast v11, $0xF  }
.Ltmp2:
0x130: {  	v8 =	vadd.f32 v8, v12;
	v9 =	vadd.f32 v17, v9;
	(pc) =	sbr.rel @p0 .LBB2_7-.Ltmp2, $4  }
0x131: {  	v7 =	vadd.f32 v13, v7;
	v11 =	vmul.f32 v6, v1;
	v12 =	vmul.f32 v6, v4  }
0x132: {  	v13 =	vmul.f32 v6, v2;
	v14 =	vmul.f32 v6, v3;
	v8 =	vadd.f32 v15, v8  }
0x133: {  	v6 =	vsub.f32 v9, v11;
	v9 =	vsub.f32 v7, v12  }
0x134: {  	v7 =	vsub.f32 v10, v14;
	v8 =	vsub.f32 v8, v13  }
0x135: {  	p0 =	seq.s32 s19, $0x7  }
.Ltmp3:
0x136: {  	_ = 	snop;
	(pc) =	sbr.rel @p0 .LBB2_12-.Ltmp3, $4  }
0x137: {  	[tilespmem:s21+$0x10] =	vst v9  }
0x138: {  	[tilespmem:s21+$0xFFFFFFE0] =	vst v6  }
0x139: {  	[tilespmem:s21+$0xFFFFFFF0] =	vst v8  }
0x13a: {  	[tilespmem:s21+$0x0] =	vst v7  }
0x13b: {  	v5 =	vld [tilespmem:s15+$0x0];
	_ =	sdelay $0x4  }
0x13c: {  	v5 =	vshll.u32 v5, $0x4  }
0x13d: {  	(v2sf) =	vpush v5, $0x0  }
0x13e: {  	(v2sf) =	vpush v5, $0x1  }
0x13f: {  	(v2sf) =	vpush v5, $0x2;
	_ =	sdelay $0x1  }
0x140: {  	(v2sf) =	vpush v5, $0x4;
	_ =	sdelay $0x1  }
0x141: {  	(v2sf) =	vpush v5, $0x3  }
0x142: {  	(v2sf) =	vpush v5, $0x5  }
0x143: {  	s22 =	simm.s32 $0x2000;
	s21 =	simm.s32 $0x0;
	s23 =	smov.u32 s15;
	(v2sf) =	vpush v5, $0x6  }
.LBB2_10:
0x144: {  	p0 =	sne.s32 s22, $0xE000  }
0x145: {  	s4 =	sadd.s32 $0x900, s21;
	s28 =	sadd.s32 $0xE00, s21;
	s24 =	smov.u32 s22  }
0x146: {  	s22 =	sadd.s32 $0x2000, s22;
	s1 =	sadd.s32 $0xC00, s21;
	s25 =	sadd.s32 $0xE80, s21;
	(v2sf) =	vpush v5, $0x7  }
0x147: {  	s8 =	sadd.s32 $0xB00, s21;
	s30 =	sadd.s32 $0xC80, s21;
	s26 =	sadd.s32 $0xF00, s21  }
0x148: {  	s5 =	sadd.s32 $0x880, s21;
	s6 =	sadd.s32 $0xA80, s21;
	(v2sf) =	vpush v5, $0x8  }
0x149: {  	s7 =	sadd.s32 $0xB80, s21;
	s23 =	sadd.s32 $0x10, s23  }
0x14a: {  	s9 =	sadd.s32 $0x980, s21;
	s29 =	sadd.s32 $0xD80, s21;
	s0 =	spop (v2sf);
	(v2sf) =	vpush v5, $0x9  }
0x14b: {  	s10 =	sand.u32 $0x1FFFFFF0, s0;
	s0 =	sadd.s32 $0xD00, s21;
	s11 =	spop (v2sf)  }
0x14c: {  	s10 =	sadd.s32 s3, s10;
	s11 =	sand.u32 $0x1FFFFFF0, s11;
	s12 =	spop (v2sf);
	(v2sf) =	vpush v5, $0xA  }
0x14d: {  	[tilespmem:s5], [sflag:$0x1] =	stream.linear.gather [hbm4b:s10+s2], $0x80, $0x38;
	[tilespmem:$0xC900] =	vst v63  }
0x14e: {  	s5 =	sadd.s32 s3, s11;
	s10 =	sadd.s32 $0xA00, s21;
	s11 =	spop (v2sf);
	(v2sf) =	vpush v5, $0xB  }
0x14f: {  	[tilespmem:s4], [sflag:$0x1] =	stream.linear.gather [hbm4b:s5+s2], $0x80, $0x38;
	[tilespmem:$0xC900] =	vst v63  }
0x150: {  	s4 =	sand.u32 $0x1FFFFFF0, s12;
	s5 =	sand.u32 $0x1FFFFFF0, s11;
	s11 =	spop (v2sf);
	(v2sf) =	vpush v5, $0xC  }
0x151: {  	s4 =	sadd.s32 s3, s4;
	s11 =	sand.u32 $0x1FFFFFF0, s11;
	s12 =	spop (v2sf)  }
0x152: {  	[tilespmem:s9], [sflag:$0x1] =	stream.linear.gather [hbm4b:s4+s2], $0x80, $0x38;
	(v2sf) =	vpush v5, $0xD;
	[tilespmem:$0xC900] =	vst v63  }
0x153: {  	s4 =	sadd.s32 s3, s11;
	s9 =	sand.u32 $0x1FFFFFF0, s12;
	s11 =	spop (v2sf)  }
0x154: {  	[tilespmem:s10], [sflag:$0x1] =	stream.linear.gather [hbm4b:s4+s2], $0x80, $0x38;
	(v2sf) =	vpush v5, $0xE;
	[tilespmem:$0xC900] =	vst v63  }
0x155: {  	s4 =	sadd.s32 s3, s5;
	s5 =	sand.u32 $0x1FFFFFF0, s11;
	s10 =	spop (v2sf)  }
0x156: {  	[tilespmem:s6], [sflag:$0x1] =	stream.linear.gather [hbm4b:s4+s2], $0x80, $0x38;
	(v2sf) =	vpush v5, $0xF;
	[tilespmem:$0xC900] =	vst v63  }
0x157: {  	s4 =	sadd.s32 s3, s9;
	s6 =	sand.u32 $0x1FFFFFF0, s10;
	s9 =	spop (v2sf)  }
0x158: {  	[tilespmem:s8], [sflag:$0x1] =	stream.linear.gather [hbm4b:s4+s2], $0x80, $0x38;
	[tilespmem:$0xC900] =	vst v63  }
0x159: {  	s4 =	sadd.s32 s3, s5;
	s5 =	sand.u32 $0x1FFFFFF0, s9;
	s8 =	spop (v2sf)  }
0x15a: {  	[tilespmem:s7], [sflag:$0x1] =	stream.linear.gather [hbm4b:s4+s2], $0x80, $0x38;
	[tilespmem:$0xC900] =	vst v63  }
0x15b: {  	s4 =	sadd.s32 s3, s6;
	s6 =	sand.u32 $0x1FFFFFF0, s8;
	s7 =	spop (v2sf)  }
0x15c: {  	[tilespmem:s1], [sflag:$0x1] =	stream.linear.gather [hbm4b:s4+s2], $0x80, $0x38;
	[tilespmem:$0xC900] =	vst v63  }
0x15d: {  	s1 =	sadd.s32 s3, s5;
	s4 =	sand.u32 $0x1FFFFFF0, s7;
	s5 =	spop (v2sf)  }
0x15e: {  	[tilespmem:s30], [sflag:$0x1] =	stream.linear.gather [hbm4b:s1+s2], $0x80, $0x38;
	[tilespmem:$0xC900] =	vst v63  }
0x15f: {  	s1 =	sadd.s32 s3, s6;
	s5 =	sand.u32 $0x1FFFFFF0, s5;
	s6 =	spop (v2sf)  }
0x160: {  	[tilespmem:s0], [sflag:$0x1] =	stream.linear.gather [hbm4b:s1+s2], $0x80, $0x38;
	[tilespmem:$0xC900] =	vst v63  }
0x161: {  	s0 =	sadd.s32 s3, s4;
	s1 =	sand.u32 $0x1FFFFFF0, s6;
	s4 =	spop (v2sf)  }
0x162: {  	[tilespmem:s29], [sflag:$0x1] =	stream.linear.gather [hbm4b:s0+s2], $0x80, $0x38;
	[tilespmem:$0xC900] =	vst v63  }
0x163: {  	s0 =	sadd.s32 s3, s5;
	s4 =	sand.u32 $0x1FFFFFF0, s4;
	s5 =	spop (v2sf)  }
0x164: {  	[tilespmem:s28], [sflag:$0x1] =	stream.linear.gather [hbm4b:s0+s2], $0x80, $0x38;
	[tilespmem:$0xC900] =	vst v63  }
0x165: {  	s0 =	sadd.s32 s3, s1;
	s1 =	sand.u32 $0x1FFFFFF0, s5;
	s5 =	spop (v2sf)  }
0x166: {  	[tilespmem:s25], [sflag:$0x1] =	stream.linear.gather [hbm4b:s0+s2], $0x80, $0x38;
	[tilespmem:$0xC900] =	vst v63  }
0x167: {  	s0 =	sadd.s32 s3, s4;
	s4 =	sand.u32 $0x1FFFFFF0, s5  }
0x168: {  	[tilespmem:s26], [sflag:$0x1] =	stream.linear.gather [hbm4b:s0+s2], $0x80, $0x38;
	[tilespmem:$0xC900] =	vst v63  }
0x169: {  	s1 =	sadd.s32 s3, s1;
	s0 =	sadd.s32 $0xF80, s21  }
0x16a: {  	[tilespmem:s0], [sflag:$0x1] =	stream.linear.gather [hbm4b:s1+s2], $0x80, $0x38;
	[tilespmem:$0xC900] =	vst v63  }
0x16b: {  	s0 =	sadd.s32 $0x1000, s21;
	s1 =	sadd.s32 s3, s4  }
0x16c: {  	[tilespmem:s0], [sflag:$0x1] =	stream.linear.gather [hbm4b:s1+s2], $0x80, $0x38;
	[tilespmem:$0xC900] =	vst v63  }
0x16d: {  	v5 =	vld [tilespmem:s23+$0x0];
	_ =	sdelay $0x4  }
0x16e: {  	v5 =	vshll.u32 v5, $0x4  }
0x16f: {  	(v2sf) =	vpush v5, $0x0  }
0x170: {  	(v2sf) =	vpush v5, $0x1  }
0x171: {  	(v2sf) =	vpush v5, $0x2;
	_ =	sdelay $0x1  }
0x172: {  	(v2sf) =	vpush v5, $0x4  }
.Ltmp4:
0x173: {  	(pc) =	sbr.rel @p0 .LBB2_10-.Ltmp4, $3  }
0x174: {  	(v2sf) =	vpush v5, $0x3  }
0x175: {  	(v2sf) =	vpush v5, $0x5;
	_ =	sdelay $0x1  }
0x176: {  	s21 =	sshra.s32 s24, $0x2;
	(v2sf) =	vpush v5, $0x6  }
0x177: {  	_ =	sdelay $0x1  }
0x178: {  	s0 =	sadd.s32 $0x900, s21;
	s23 =	sadd.s32 $0xE00, s21  }
0x179: {  	s4 =	sadd.s32 $0xC00, s21;
	s1 =	sadd.s32 $0xE80, s21;
	(v2sf) =	vpush v5, $0x7;
	s5 =	sadd.s32 $0xB00, s21  }
0x17a: {  	s6 =	sadd.s32 $0xC80, s21;
	s22 =	sadd.s32 $0xF00, s21;
	s7 =	sadd.s32 $0x880, s21  }
0x17b: {  	s8 =	sadd.s32 $0xA80, s21;
	s9 =	sadd.s32 $0xB80, s21;
	(v2sf) =	vpush v5, $0x8;
	s10 =	spop (v2sf)  }
0x17c: {  	s11 =	sadd.s32 $0x980, s21;
	s10 =	sand.u32 $0x1FFFFFF0, s10;
	s12 =	spop (v2sf)  }
0x17d: {  	(v2sf) =	vpush v5, $0x9;
	s10 =	sadd.s32 s3, s10;
	s12 =	sand.u32 $0x1FFFFFF0, s12;
	s24 =	spop (v2sf)  }
0x17e: {  	[tilespmem:s7], [sflag:$0x1] =	stream.linear.gather [hbm4b:s10+s2], $0x80, $0x38;
	[tilespmem:$0xC900] =	vst v63  }
0x17f: {  	s25 =	sadd.s32 $0xA00, s21;
	(v2sf) =	vpush v5, $0xA;
	s30 =	sadd.s32 s3, s12;
	s31 =	spop (v2sf)  }
0x180: {  	[tilespmem:s0], [sflag:$0x1] =	stream.linear.gather [hbm4b:s30+s2], $0x80, $0x38;
	[tilespmem:$0xC900] =	vst v63  }
0x181: {  	s7 =	sadd.s32 $0xD80, s21;
	s24 =	sand.u32 $0x1FFFFFF0, s24;
	(v2sf) =	vpush v5, $0xB;
	s26 =	spop (v2sf)  }
0x182: {  	s10 =	sadd.s32 s3, s24;
	s0 =	sadd.s32 $0xD00, s21;
	s24 =	sand.u32 $0x1FFFFFF0, s26  }
0x183: {  	(v2sf) =	vpush v5, $0xC;
	[tilespmem:s11], [sflag:$0x1] =	stream.linear.gather [hbm4b:s10+s2], $0x80, $0x38;
	[tilespmem:$0xC900] =	vst v63  }
0x184: {  	s28 =	sand.u32 $0x1FFFFFF0, s31;
	s29 =	spop (v2sf);
	s30 =	sadd.s32 s3, s24  }
0x185: {  	(v2sf) =	vpush v5, $0xD;
	[tilespmem:s25], [sflag:$0x1] =	stream.linear.gather [hbm4b:s30+s2], $0x80, $0x38;
	[tilespmem:$0xC900] =	vst v63  }
0x186: {  	s10 =	sadd.s32 s3, s28;
	s11 =	sand.u32 $0x1FFFFFF0, s29;
	s31 =	spop (v2sf)  }
0x187: {  	(v2sf) =	vpush v5, $0xE;
	[tilespmem:s8], [sflag:$0x1] =	stream.linear.gather [hbm4b:s10+s2], $0x80, $0x38;
	[tilespmem:$0xC900] =	vst v63  }
0x188: {  	s11 =	sadd.s32 s3, s11;
	s12 =	sand.u32 $0x1FFFFFF0, s31;
	s24 =	spop (v2sf)  }
0x189: {  	(v2sf) =	vpush v5, $0xF;
	[tilespmem:s5], [sflag:$0x1] =	stream.linear.gather [hbm4b:s11+s2], $0x80, $0x38;
	[tilespmem:$0xC900] =	vst v63  }
0x18a: {  	s25 =	sand.u32 $0x1FFFFFF0, s24;
	s26 =	spop (v2sf);
	s8 =	sadd.s32 s3, s12  }
0x18b: {  	[tilespmem:s9], [sflag:$0x1] =	stream.linear.gather [hbm4b:s8+s2], $0x80, $0x38;
	[tilespmem:$0xC900] =	vst v63  }
0x18c: {  	s28 =	sand.u32 $0x1FFFFFF0, s26;
	s5 =	sadd.s32 s3, s25;
	s29 =	spop (v2sf)  }
0x18d: {  	[tilespmem:s4], [sflag:$0x1] =	stream.linear.gather [hbm4b:s5+s2], $0x80, $0x38;
	[tilespmem:$0xC900] =	vst v63  }
0x18e: {  	s8 =	sadd.s32 s3, s28;
	s30 =	sand.u32 $0x1FFFFFF0, s29;
	s31 =	spop (v2sf)  }
0x18f: {  	[tilespmem:s6], [sflag:$0x1] =	stream.linear.gather [hbm4b:s8+s2], $0x80, $0x38;
	[tilespmem:$0xC900] =	vst v63  }
0x190: {  	s5 =	sand.u32 $0x1FFFFFF0, s31;
	s4 =	sadd.s32 s3, s30;
	s9 =	spop (v2sf)  }
0x191: {  	[tilespmem:s0], [sflag:$0x1] =	stream.linear.gather [hbm4b:s4+s2], $0x80, $0x38;
	[tilespmem:$0xC900] =	vst v63  }
0x192: {  	s5 =	sadd.s32 s3, s5;
	s10 =	sand.u32 $0x1FFFFFF0, s9;
	s11 =	spop (v2sf)  }
0x193: {  	[tilespmem:s7], [sflag:$0x1] =	stream.linear.gather [hbm4b:s5+s2], $0x80, $0x38;
	[tilespmem:$0xC900] =	vst v63  }
0x194: {  	s0 =	sadd.s32 s3, s10;
	s4 =	sand.u32 $0x1FFFFFF0, s11;
	s12 =	spop (v2sf)  }
0x195: {  	[tilespmem:s23], [sflag:$0x1] =	stream.linear.gather [hbm4b:s0+s2], $0x80, $0x38;
	[tilespmem:$0xC900] =	vst v63  }
0x196: {  	s24 =	sand.u32 $0x1FFFFFF0, s12;
	s4 =	sadd.s32 s3, s4;
	s25 =	spop (v2sf)  }
0x197: {  	[tilespmem:s1], [sflag:$0x1] =	stream.linear.gather [hbm4b:s4+s2], $0x80, $0x38;
	[tilespmem:$0xC900] =	vst v63  }
0x198: {  	s26 =	sand.u32 $0x1FFFFFF0, s25;
	s28 =	spop (v2sf);
	s0 =	sadd.s32 s3, s24  }
0x199: {  	[tilespmem:s22], [sflag:$0x1] =	stream.linear.gather [hbm4b:s0+s2], $0x80, $0x38;
	[tilespmem:$0xC900] =	vst v63  }
0x19a: {  	s30 =	sadd.s32 $0xF80, s21;
	s29 =	sand.u32 $0x1FFFFFF0, s28;
	s1 =	sadd.s32 s3, s26  }
0x19b: {  	[tilespmem:s30], [sflag:$0x1] =	stream.linear.gather [hbm4b:s1+s2], $0x80, $0x38;
	[tilespmem:$0xC900] =	vst v63  }
0x19c: {  	s31 =	sadd.s32 $0x1000, s21;
	s0 =	sadd.s32 s3, s29  }
0x19d: {  	[tilespmem:s31], [sflag:$0x1] =	stream.linear.gather [hbm4b:s0+s2], $0x80, $0x38;
	[tilespmem:$0xC900] =	vst v63  }
.LBB2_12:
0x19e: {  	s0 =	simm.s32 $0x2  }
0x19f: {  	_ =	swait.ge [sflag:s0], $0x4000  }
0x1a0: {  	[sflag:s0] =	ssyncset.done $0x0  }
0x1a1: {  	s21 =	simm.s32 $0x4A80;
	[sflag:s0] =	ssyncadd.s32 $0xFFFFC000  }
0x1a2: {  	v6 =	vld [tilespmem:s21+$0xFFFFFE20]  }
0x1a3: {  	v7 =	vld [tilespmem:s21+$0xFFFFFEA0]  }
0x1a4: {  	v8 =	vld [tilespmem:s21+$0x110]  }
0x1a5: {  	v9 =	vld [tilespmem:s21+$0xFFFFFF20]  }
0x1a6: {  	v10 =	vld [tilespmem:s21+$0x1A0]  }
0x1a7: {  	v11 =	vld [tilespmem:s21+$0xFFFFFFA0]  }
0x1a8: {  	v12 =	vld [tilespmem:s21+$0x120]  }
0x1a9: {  	v13 =	vld [tilespmem:s21+$0x20]  }
0x1aa: {  	v14 =	vld [tilespmem:s21+$0x100]  }
0x1ab: {  	v15 =	vld [tilespmem:s21+$0xA0]  }
0x1ac: {  	v16 =	vld [tilespmem:s21+$0x80]  }
0x1ad: {  	v5 =	vmov s14;
	v17 =	vld [tilespmem:s21+$0x0]  }
0x1ae: {  	v18 =	vld [tilespmem:s21+$0xFFFFFF80]  }
0x1af: {  	v19 =	vld [tilespmem:s21+$0xFFFFFE90]  }
0x1b0: {  	v20 =	vld [tilespmem:s21+$0xFFFFFF00]  }
0x1b1: {  	s31 =	simm.s32 $0x0;
	v22 =	vld [tilespmem:s21+$0xFFFFFE00]  }
0x1b2: {  	v21 =	vld.idx.msk [tilespmem:v5+s31+$0x0 ss:$0x1], $0xffff  }
0x1b3: {  	v23 =	vld [tilespmem:s21+$0xFFFFFEB0]  }
0x1b4: {  	v24 =	vld [tilespmem:s21+$0xFFFFFE80]  }
0x1b5: {  	v25 =	vld [tilespmem:s21+$0xFFFFFE30]  }
0x1b6: {  	v26 =	vld [tilespmem:s21+$0xFFFFFE10]  }
0x1b7: {  	v27 =	vld [tilespmem:s21+$0xFFFFFF30];
	vm0 =	veq.s32 v21, $0x0  }
0x1b8: {  	v6 =	vadd.f32 v7, v6;
	v7 =	vld [tilespmem:s21+$0xFFFFFF10];
	v21 =	vnsel vm0, $0x0, v0  }
0x1b9: {  	v52 =	vld [tilespmem:s21+$0xFFFFFFB0];
	v22 =	vadd.f32 v24, v22;
	(xrf2) =	vadd.scan.msk.f32 $0xffff, v21  }
0x1ba: {  	v53 =	vld [tilespmem:s21+$0xFFFFFF90];
	v6 =	vadd.f32 v9, v6;
	v9 =	vadd.f32 v23, v25  }
0x1bb: {  	v54 =	vld [tilespmem:s21+$0x30];
	v19 =	vadd.f32 v19, v26;
	v20 =	vadd.f32 v20, v22  }
0x1bc: {  	v6 =	vadd.f32 v11, v6;
	v9 =	vadd.f32 v27, v9;
	v11 =	vld [tilespmem:s21+$0x10]  }
0x1bd: {  	v55 =	vld [tilespmem:s21+$0xB0];
	v18 =	vadd.f32 v18, v20;
	v7 =	vadd.f32 v7, v19  }
0x1be: {  	v56 =	vld [tilespmem:s21+$0x90];
	v6 =	vadd.f32 v13, v6;
	v9 =	vadd.f32 v52, v9  }
0x1bf: {  	v57 =	vld [tilespmem:s21+$0x130];
	v17 =	vadd.f32 v17, v18;
	v7 =	vadd.f32 v53, v7  }
0x1c0: {  	v58 =	vld [tilespmem:s21+$0x180];
	v6 =	vadd.f32 v15, v6;
	v9 =	vadd.f32 v54, v9  }
0x1c1: {  	v59 =	vld [tilespmem:s21+$0x1B0];
	v7 =	vadd.f32 v11, v7;
	v11 =	vadd.f32 v16, v17  }
0x1c2: {  	v60 =	vld [tilespmem:s21+$0x190];
	v6 =	vadd.f32 v12, v6;
	v9 =	vadd.f32 v55, v9  }
0x1c3: {  	v7 =	vadd.f32 v56, v7;
	v11 =	vadd.f32 v14, v11;
	v61, _, _ =	vpop (xrf2)  }
0x1c4: {  	v9 =	vadd.f32 v57, v9;
	v10 =	vadd.f32 v10, v6;
	v6 =	vbroadcast v61, $0xF  }
0x1c5: {  	v7 =	vadd.f32 v8, v7;
	v8 =	vadd.f32 v58, v11  }
0x1c6: {  	v9 =	vadd.f32 v59, v9;
	v11 =	vmul.f32 v6, v1;
	v13 =	vmul.f32 v6, v4  }
0x1c7: {  	v7 =	vadd.f32 v60, v7;
	v62 =	vmul.f32 v6, v2;
	v63 =	vmul.f32 v6, v3  }
0x1c8: {  	v6 =	vsub.f32 v8, v11;
	v9 =	vsub.f32 v9, v13  }
0x1c9: {  	s22 =	simm.s32 $0x20;
	s23 =	smov.u32 s20;
	v8 =	vsub.f32 v7, v62;
	v7 =	vsub.f32 v10, v63  }
.LBB2_13:
0x1ca: {  	p0 =	sne.s32 s22, $0x1E0;
	[tilespmem:s20+$0x0] =	vst v9;
	s23 =	sadd.s32 $0x80, s23;
	s21 =	sadd.s32 $0x400, s21  }
0x1cb: {  	s0 =	smov.u32 s22;
	s22 =	sadd.s32 $0x20, s22;
	[tilespmem:s20+$0xFFFFFFE0] =	vst v8  }
0x1cc: {  	[tilespmem:s20+$0xFFFFFFF0] =	vst v7  }
0x1cd: {  	[tilespmem:s20+$0xFFFFFFD0] =	vst v6;
	s20 =	smov.u32 s23  }
0x1ce: {  	v6 =	vld [tilespmem:s21+$0xFFFFFE20]  }
0x1cf: {  	v7 =	vld [tilespmem:s21+$0xFFFFFEA0]  }
0x1d0: {  	v8 =	vld [tilespmem:s21+$0x110]  }
0x1d1: {  	v9 =	vld [tilespmem:s21+$0xFFFFFF20]  }
0x1d2: {  	v10 =	vld [tilespmem:s21+$0x1A0]  }
0x1d3: {  	v11 =	vld [tilespmem:s21+$0xFFFFFFA0]  }
0x1d4: {  	v6 =	vadd.f32 v7, v6;
	v7 =	vld [tilespmem:s21+$0x120]  }
0x1d5: {  	v12 =	vld [tilespmem:s21+$0x20]  }
0x1d6: {  	v6 =	vadd.f32 v9, v6;
	v9 =	vld [tilespmem:s21+$0x100]  }
0x1d7: {  	v13 =	vld [tilespmem:s21+$0xA0]  }
0x1d8: {  	v6 =	vadd.f32 v11, v6;
	v11 =	vld [tilespmem:s21+$0x80]  }
0x1d9: {  	v14 =	vld [tilespmem:s21+$0x0]  }
0x1da: {  	v15 =	vld [tilespmem:s21+$0xFFFFFF80];
	v6 =	vadd.f32 v12, v6  }
0x1db: {  	v12 =	vld [tilespmem:s21+$0xFFFFFE90]  }
0x1dc: {  	s0 =	sshra.s32 s0, $0x2;
	v16 =	vld [tilespmem:s21+$0xFFFFFF00];
	v6 =	vadd.f32 v13, v6  }
0x1dd: {  	v13 =	vld.idx.msk [tilespmem:v5+s0+$0x0 ss:$0x1], $0xffff  }
0x1de: {  	v17 =	vld [tilespmem:s21+$0xFFFFFE00];
	v6 =	vadd.f32 v7, v6  }
0x1df: {  	v7 =	vld [tilespmem:s21+$0xFFFFFEB0]  }
0x1e0: {  	v18 =	vld [tilespmem:s21+$0xFFFFFE80]  }
0x1e1: {  	v19 =	vld [tilespmem:s21+$0xFFFFFE30]  }
0x1e2: {  	v20 =	vld [tilespmem:s21+$0xFFFFFE10]  }
0x1e3: {  	vm0 =	veq.s32 v13, $0x0;
	v21 =	vld [tilespmem:s21+$0xFFFFFF30]  }
0x1e4: {  	v22 =	vnsel vm0, $0x0, v0;
	v13 =	vld [tilespmem:s21+$0xFFFFFF10]  }
0x1e5: {  	v17 =	vadd.f32 v18, v17;
	v18 =	vld [tilespmem:s21+$0xFFFFFFB0];
	(xrf2) =	vadd.scan.msk.f32 $0xffff, v22  }
0x1e6: {  	v7 =	vadd.f32 v7, v19;
	v19 =	vld [tilespmem:s21+$0xFFFFFF90]  }
0x1e7: {  	v12 =	vadd.f32 v12, v20;
	v16 =	vadd.f32 v16, v17;
	v17 =	vld [tilespmem:s21+$0x30]  }
0x1e8: {  	v7 =	vadd.f32 v21, v7;
	v20 =	vld [tilespmem:s21+$0x10]  }
0x1e9: {  	v12 =	vadd.f32 v13, v12;
	v13 =	vadd.f32 v15, v16;
	v15 =	vld [tilespmem:s21+$0xB0]  }
0x1ea: {  	v7 =	vadd.f32 v18, v7;
	v16 =	vld [tilespmem:s21+$0x90]  }
0x1eb: {  	v12 =	vadd.f32 v19, v12;
	v13 =	vadd.f32 v14, v13;
	v14 =	vld [tilespmem:s21+$0x130]  }
0x1ec: {  	v7 =	vadd.f32 v17, v7;
	v17 =	vld [tilespmem:s21+$0x180]  }
0x1ed: {  	v12 =	vadd.f32 v20, v12;
	v18 =	vadd.f32 v11, v13;
	v13 =	vld [tilespmem:s21+$0x1B0]  }
0x1ee: {  	v7 =	vadd.f32 v15, v7;
	v15 =	vld [tilespmem:s21+$0x190]  }
0x1ef: {  	v12 =	vadd.f32 v16, v12;
	v9 =	vadd.f32 v9, v18;
	v11, _, _ =	vpop (xrf2)  }
0x1f0: {  	v10 =	vadd.f32 v10, v6;
	v7 =	vadd.f32 v14, v7;
	v6 =	vbroadcast v11, $0xF  }
.Ltmp5:
0x1f1: {  	v8 =	vadd.f32 v8, v12;
	v9 =	vadd.f32 v17, v9;
	(pc) =	sbr.rel @p0 .LBB2_13-.Ltmp5, $4  }
0x1f2: {  	v7 =	vadd.f32 v13, v7;
	v11 =	vmul.f32 v6, v1;
	v12 =	vmul.f32 v6, v4  }
0x1f3: {  	v13 =	vmul.f32 v6, v2;
	v14 =	vmul.f32 v6, v3;
	v8 =	vadd.f32 v15, v8  }
0x1f4: {  	v6 =	vsub.f32 v9, v11;
	v9 =	vsub.f32 v7, v12  }
0x1f5: {  	v7 =	vsub.f32 v10, v14;
	v8 =	vsub.f32 v8, v13  }
0x1f6: {  	s19 =	sadd.s32 $0x1, s19  }
0x1f7: {  	p0 =	sne.s32 s19, $0x8  }
.Ltmp6:
0x1f8: {  	_ = 	snop;
	(pc) =	sbr.rel @p0 .LBB2_4-.Ltmp6, $4  }
0x1f9: {  	[tilespmem:s20+$0x0] =	vst v9  }
0x1fa: {  	[tilespmem:s20+$0xFFFFFFD0] =	vst v6  }
0x1fb: {  	s14 =	sadd.s32 $0x100, s14;
	s18 =	sadd.s32 $0x100, s18;
	s17 =	sadd.s32 $0x1, s17;
	[tilespmem:s20+$0xFFFFFFE0] =	vst v8  }
0x1fc: {  	s16 =	sadd.s32 $0x10, s16;
	s15 =	sadd.s32 $0x100, s15;
	s13 =	sadd.s32 $0x2, s13;
	[tilespmem:s20+$0xFFFFFFF0] =	vst v7  }
0x1fd: {  	s0 =	rddreg [dreg:$0x4];
	s1 =	simm.s32 $0x8880  }
0x1fe: {  	[hbm4b:s0+s2] =	stream.linear.scatter [tilespmem:s1], [sflag:$0x3], $0x4000, $0x38;
	[tilespmem:$0xC900] =	vst v63  }
0x1ff: {  	s1 =	simm.s32 $0x3  }
0x200: {  	_ =	swait.ge [sflag:s1], $0x4000  }
0x201: {  	s4 =	rddreg [dreg:$0x6]  }
0x202: {  	s31 =	rddreg [dreg:$0x5];
	s4 =	sadd.s32 $0x1, s4  }
0x203: {  	p0 =	sne.s32 s4, s31  }
.Ltmp7:
0x204: {  	_ = 	snop;
	(pc) =	sbr.rel @p0 .LBB2_1-.Ltmp7, $3  }
0x205: {  	_ =	sdelay $0x1  }
0x206: {  	[sflag:s1] =	ssyncset.done $0x0  }
0x207: {  	[sflag:s1] =	ssyncadd.s32 $0xFFFFC000  }
0x208: {  	_ =	sfence.sel $0x180000  }
0x209: {  	[bflag:$0x0] =	sbarrier.arrive $0xFFFF  }
0x20a: {  	_ =	strace $0x9000004A  }
0x20b: {  	s0 =	stileid.u32;
	[bflag:$0x2] =	sbarrier.arrive $0xFFFF  }
0x20c: {  	p0 =	sne.s32 s0, $0x0;
	s0 =	rddreg [dreg:$0x2]  }
0x20d: {  	s0 =	sadd.s32 @!p0 $0x100000, s0  }
0x20e: {  	[sflag:s0] =	ssyncadd.tile.s32 @!p0 $0x1;
	_ =	shalt  }
.Lfunc_end2:
_tile_overlayer_lowered:
.L_overlay_start_2:
0x20f: {  	(tag) =	ssettag $0x2  }
0x210: {  	s0 =	rddreg [dreg:$0x0];
	s2 =	stileid.u32  }
0x211: {  	s1 =	rddreg [dreg:$0x1];
	p0 =	sne.s32 s2, $0x0  }
0x212: {  	s3 =	rddreg [dreg:$0x2];
	[bflag:$0x3] =	sbarrier.arrive $0xFFFF;
	s2 =	simm.s32 @!p0 $0x1C03  }
0x213: {  	[timem:s3], [sflag:s2] =	dma.local @!p0 [hbm:s0], s1  }
0x214: {  	s0 =	simm.s32 @!p0 $0x3  }
0x215: {  	_ =	swait.ge @!p0 [sflag:s0], s1  }
0x216: {  	s1 =	ssub.s32 @!p0 $0x0, s1;
	[sflag:s0] =	ssyncset.done @!p0 $0x0  }
0x217: {  	[sflag:s0] =	ssyncadd.s32 @!p0 s1  }
0x218: {  	[bflag:$0x3] =	sbarrier.arrive $0xFFFF  }
0x219: {  	_ =	shalt  }

</sc_bundles>
